<compile_context>
chip_gen: v7x
topology: tpu7x:2x2x1
jax: 0.10.2.dev20260603
libtpu: 0.0.44.dev20260713+nightly
codegen_flags: <defaults>
</compile_context>

<pallas_src>
import functools

import numpy as np

import jax
import jax.numpy as jnp
from jax import lax
from jax.experimental import pallas as pl
from jax.experimental.pallas import tpu as pltpu
from jax.experimental.pallas import tpu_sc as plsc

_CHUNK = 128
_G = 2
_NBUF = 4

_LANES_TC = 1024
_ROWS_TC = 8

_ONE_THIRD = np.float32(1.0 / 3.0)
_SQUEEZE = np.float32(0.0331)
_SQRT2 = np.float32(np.sqrt(2.0))
_NLO = np.float32(np.nextafter(np.float32(-1.0), np.float32(0.0)))


def _threefry2x32(k1, k2, x0, x1):
    ks = (k1, k2, k1 ^ k2 ^ np.uint32(0x1BD11BDA))
    rots = ((13, 15, 26, 6), (17, 29, 16, 24))
    x0 = x0 + k1
    x1 = x1 + k2
    for p in range(5):
        for r in rots[p % 2]:
            x0 = x0 + x1
            x1 = (x1 << r) | (x1 >> (32 - r))
            x1 = x0 ^ x1
        x0 = x0 + ks[(p + 1) % 3]
        x1 = x1 + ks[(p + 2) % 3] + np.uint32(p + 1)
    return x0, x1


def _bits_to_unit(bits):
    fb = (bits >> np.uint32(9)) | np.uint32(0x3F800000)
    return lax.bitcast_convert_type(fb, jnp.float32) - np.float32(1.0)


def _beta_prefix_body(kref, aref, oref):
    j = pl.program_id(0)
    shp = (2, _ROWS_TC, _LANES_TC)
    zero_u = jnp.zeros(shp, jnp.uint32)
    one_u = jnp.full(shp, 1, jnp.uint32)
    two_u = jnp.full(shp, 2, jnp.uint32)

    h = lax.broadcasted_iota(jnp.int32, shp, 0)
    bk1 = jnp.where(h == 0, kref[0, 0], kref[1, 0]).astype(jnp.uint32)
    bk2 = jnp.where(h == 0, kref[0, 1], kref[1, 1]).astype(jnp.uint32)

    r = lax.broadcasted_iota(jnp.int32, shp, 1)
    c = lax.broadcasted_iota(jnp.int32, shp, 2)
    i = ((j * _ROWS_TC + r) * _LANES_TC + c).astype(jnp.uint32)
    ek1, ek2 = _threefry2x32(bk1, bk2, zero_u, i)

    a_orig = aref[...]
    mask_ge1 = a_orig >= np.float32(1.0)
    alpha = jnp.where(mask_ge1, a_orig, a_orig + np.float32(1.0))
    d = alpha - _ONE_THIRD
    cc = _ONE_THIRD / lax.sqrt(d)

    key1, key2 = _threefry2x32(ek1, ek2, zero_u, zero_u)
    sk1, sk2 = _threefry2x32(ek1, ek2, zero_u, one_u)

    def lane_uniform(k1, k2):
        b1, b2 = _threefry2x32(k1, k2, zero_u, zero_u)
        return _bits_to_unit(b1 ^ b2)

    def outer_cond(carry):
        return jnp.any(carry[3] != 0)

    def outer_body(carry):
        k1, k2, V, act_i = carry
        act = act_i != 0
        nk1, nk2 = _threefry2x32(k1, k2, zero_u, zero_u)
        xk1, xk2 = _threefry2x32(k1, k2, zero_u, one_u)
        uk1, uk2 = _threefry2x32(k1, k2, zero_u, two_u)

        def inner_cond(s):
            return jnp.any(s[3] <= np.float32(0.0))

        def inner_body(s):
            a1, a2, x, v = s
            upd = v <= np.float32(0.0)
            na1, na2 = _threefry2x32(a1, a2, zero_u, zero_u)
            nb1, nb2 = _threefry2x32(a1, a2, zero_u, one_u)
            f = lane_uniform(nb1, nb2)
            u = jnp.maximum(_NLO, f * (np.float32(1.0) - _NLO) + _NLO)
            xn = _SQRT2 * lax.erf_inv(u)
            vn = np.float32(1.0) + xn * cc
            return (
                jnp.where(upd, na1, a1),
                jnp.where(upd, na2, a2),
                jnp.where(upd, xn, x),
                jnp.where(upd, vn, v),
            )

        _, _, x, v = lax.while_loop(
            inner_cond,
            inner_body,
            (xk1, xk2, jnp.zeros_like(V), jnp.full_like(V, -1.0)),
        )
        Xn = x * x
        Vn = (v * v) * v
        Un = jnp.maximum(np.float32(0.0), lane_uniform(uk1, uk2))
        rej = (Un >= np.float32(1.0) - _SQUEEZE * (Xn * Xn)) & (
            jnp.log(Un)
            >= Xn * np.float32(0.5) + d * ((np.float32(1.0) - Vn) + jnp.log(Vn))
        )
        return (
            jnp.where(act, nk1, k1),
            jnp.where(act, nk2, k2),
            jnp.where(act, Vn, V),
            jnp.where(act & rej, 1, 0).astype(jnp.int32),
        )

    init = (
        key1,
        key2,
        jnp.ones(shp, jnp.float32),
        jnp.ones(shp, jnp.int32),
    )
    _, _, V, _ = lax.while_loop(outer_cond, outer_body, init)

    us = jnp.maximum(np.float32(0.0), lane_uniform(sk1, sk2))
    boost = jnp.where(
        mask_ge1,
        np.float32(1.0),
        lax.pow(np.float32(1.0) - us, np.float32(1.0) / a_orig),
    )
    g = (d * V) * boost
    oref[...] = g[0] / (g[0] + g[1])


def _beta_prefix(keydata, params, *, n_el):
    n_rows = n_el // _LANES_TC
    grid = n_rows // _ROWS_TC
    return pl.pallas_call(
        _beta_prefix_body,
        grid=(grid,),
        in_specs=[
            pl.BlockSpec(memory_space=pltpu.MemorySpace.SMEM),
            pl.BlockSpec((2, _ROWS_TC, _LANES_TC), lambda j: (0, j, 0)),
        ],
        out_specs=pl.BlockSpec((_ROWS_TC, _LANES_TC), lambda j: (j, 0)),
        out_shape=jax.ShapeDtypeStruct((n_rows, _LANES_TC), jnp.float32),
    )(keydata, params)


def _sc_embed(table, idxp, pref, *, batch, n_tokens, seq_tail, dim):
    info = plsc.get_sparse_core_info()
    nw = info.num_cores * info.num_subcores
    nb = batch // nw
    n_stage = nb // _G
    n_pref = n_tokens * dim
    out_rows = n_tokens + seq_tail
    tail_a = _CHUNK
    tail_b = -(-(seq_tail - _CHUNK) // 8) * 8
    spill = tail_b - (seq_tail - _CHUNK)
    assert spill <= n_tokens, "spill rows must stay within the next prefix"
    per_row = dim // 16
    mesh = plsc.VectorSubcoreMesh(core_axis_name="c", subcore_axis_name="s")

    @functools.partial(
        pl.kernel,
        mesh=mesh,
        compiler_params=pltpu.CompilerParams(use_tc_tiling_on_sc=False),
        out_type=jax.ShapeDtypeStruct((batch * out_rows, dim), jnp.float32),
        scratch_types=[
            pltpu.VMEM((_NBUF, _G * out_rows + spill, dim), jnp.float32),
            pltpu.VMEM((nb, 2, _CHUNK), jnp.int32),
            pltpu.VMEM((nb, n_pref), jnp.float32),
            pltpu.SemaphoreType.DMA((_NBUF,)),
            pltpu.SemaphoreType.DMA((_NBUF,)),
        ],
    )
    def k(table_hbm, idx_hbm, pref_hbm, out_hbm, bufs, idxv, prefv, gsem, osem):
        wid = lax.axis_index("s") * info.num_cores + lax.axis_index("c")
        b0 = wid * nb

        pltpu.sync_copy(idx_hbm.at[pl.ds(b0, nb)], idxv)
        pltpu.sync_copy(pref_hbm.at[pl.ds(b0, nb)], prefv)

        def issue_stage(s):
            kb = s % _NBUF
            for g in range(_G):
                row = g * out_rows
                pltpu.async_copy(
                    table_hbm.at[idxv.at[_G * s + g, 0]],
                    bufs.at[kb, pl.ds(row + n_tokens, tail_a)],
                    gsem.at[kb],
                )
                pltpu.async_copy(
                    table_hbm.at[idxv.at[_G * s + g, 1, pl.ds(0, tail_b)]],
                    bufs.at[kb, pl.ds(row + n_tokens + tail_a, tail_b)],
                    gsem.at[kb],
                )

        def wait_gathers(kb):
            for g in range(_G):
                row = g * out_rows
                pltpu.make_async_copy(
                    table_hbm.at[pl.ds(0, tail_a)],
                    bufs.at[kb, pl.ds(row + n_tokens, tail_a)],
                    gsem.at[kb],
                ).wait()
                pltpu.make_async_copy(
                    table_hbm.at[pl.ds(0, tail_b)],
                    bufs.at[kb, pl.ds(row + n_tokens + tail_a, tail_b)],
                    gsem.at[kb],
                ).wait()

        def wait_out(kb):
            pltpu.make_async_copy(
                bufs.at[kb, pl.ds(0, _G * out_rows)],
                out_hbm.at[pl.ds(0, _G * out_rows)],
                osem.at[kb],
            ).wait()

        issue_stage(0)
        issue_stage(1)

        def body(s, carry):
            kb = s % _NBUF

            @pl.when(s + 2 < n_stage)
            def _():
                @pl.when(s >= _NBUF - 2)
                def _():
                    wait_out((s + 2) % _NBUF)

                issue_stage(s + 2)

            wait_gathers(kb)
            for g in range(_G):
                for j in range(n_pref // 16):
                    bufs[kb, g * out_rows + j // per_row, pl.ds((j % per_row) * 16, 16)] = (
                        prefv[_G * s + g, pl.ds(j * 16, 16)]
                    )
            pltpu.async_copy(
                bufs.at[kb, pl.ds(0, _G * out_rows)],
                out_hbm.at[pl.ds((b0 + _G * s) * out_rows, _G * out_rows)],
                osem.at[kb],
            )
            return carry

        lax.fori_loop(0, n_stage, body, 0)
        for t in range(_NBUF):
            wait_out((n_stage - 1 - t) % _NBUF)

    return k(table, idxp, pref)


def kernel(tokens, table, alpha, beta):
    n_tokens = alpha.shape[0]
    batch, seq = tokens.shape
    dim = table.shape[1]
    seq_tail = seq - n_tokens
    n_el = batch * n_tokens * dim

    key = jax.random.key(42)
    ka, kb = jax.random.split(key)
    keydata = jnp.stack(
        [jax.random.key_data(ka), jax.random.key_data(kb)]
    ).astype(jnp.uint32)
    ab = jnp.stack(
        [alpha.astype(jnp.float32), beta.astype(jnp.float32)]
    ).reshape(2, 1, n_tokens * dim)
    params = jnp.broadcast_to(ab, (2, batch, n_tokens * dim)).reshape(
        2, n_el // _LANES_TC, _LANES_TC
    )
    pref = _beta_prefix(keydata, params, n_el=n_el).reshape(batch, n_tokens * dim)

    tail = tokens[:, n_tokens:]
    pad = (-seq_tail) % _CHUNK
    idxp = jnp.pad(tail, ((0, 0), (0, pad))).reshape(batch, -1, _CHUNK)
    flat = _sc_embed(
        table,
        idxp,
        pref,
        batch=batch,
        n_tokens=n_tokens,
        seq_tail=seq_tail,
        dim=dim,
    )
    return flat.reshape(batch, n_tokens + seq_tail, dim)

# --- scband reference (transcript-rebuilt; emitter-appended) ---
"""Pipeline reference for scband-soft-single-embedding-beta-16003048145480 (READ-ONLY COPY).

The authoritative reference and input builder live on the scoring server;
editing this copy changes nothing except your own understanding.
"""

import jax, jax.numpy as jnp
import numpy as np

N_TOKENS = 5
VOCAB = 1000000
DIM = 64
BATCH = 1024
SEQ = 200


def setup_inputs(seed: int = 0) -> dict:
    key = jax.random.key(seed)
    k_tok, k_tab = jax.random.split(key)
    tokens = jax.random.randint(k_tok, (BATCH, SEQ), 0, VOCAB, dtype=jnp.int32)
    table = jax.random.normal(k_tab, (VOCAB, DIM), dtype=jnp.float32) * 0.02
    alpha = jnp.full((N_TOKENS, DIM), 5.0, dtype=jnp.float32)
    beta = jnp.full((N_TOKENS, DIM), 6.0, dtype=jnp.float32)
    return {"tokens": tokens, "table": table, "alpha": alpha, "beta": beta}


def reference(tokens, table, alpha, beta):
    # input_embedding = self.wte(tokens[:, n_tokens:])  -> embedding gather
    input_embedding = jnp.take(table, tokens[:, N_TOKENS:], axis=0)
    B = tokens.shape[0]
    # Beta(alpha, beta).rsample((B,)) via reparameterized gammas: X~Gamma(a), Y~Gamma(b), X/(X+Y)~Beta(a,b)
    key = jax.random.key(42)
    ka, kb = jax.random.split(key)
    g1 = jax.random.gamma(ka, alpha, shape=(B,) + alpha.shape)
    g2 = jax.random.gamma(kb, beta, shape=(B,) + beta.shape)
    prefix = g1 / (g1 + g2)  # [B, n_tokens, dim]
    return jnp.concatenate([prefix, input_embedding], axis=1)

if __name__ == "__main__":
    import jax
    _d = setup_inputs()
    print(jax.jit(kernel)(*tuple(_d.values())))

</pallas_src>

<mosaic_0001>
#map = affine_map<(d0, d1) -> (0, 0)>
#map1 = affine_map<(d0, d1) -> (0, 0, 0)>
module attributes {stable_mosaic.version = 14 : i64} {
  func.func @k(%arg0: i32, %arg1: i32, %arg2: memref<1000000x64xf32, #tpu.memory_space<hbm>>, %arg3: memref<1024x2x128xi32, #tpu.memory_space<hbm>>, %arg4: memref<1024x320xf32, #tpu.memory_space<hbm>>, %arg5: memref<204800x64xf32, #tpu.memory_space<hbm>>, %arg6: memref<4x405x64xf32, #tpu.memory_space<vmem>>, %arg7: memref<32x2x128xi32, #tpu.memory_space<vmem>>, %arg8: memref<32x320xf32, #tpu.memory_space<vmem>>, %arg9: memref<4x!tpu.dma_semaphore, #tpu.memory_space<semaphore_mem>>, %arg10: memref<4x!tpu.dma_semaphore, #tpu.memory_space<semaphore_mem>>) attributes {dimension_semantics = [#tpu.dimension_semantics<core_parallel>, #tpu.dimension_semantics<subcore_parallel>], iteration_bounds = array<i64: 2, 16>, scalar_prefetch = 0 : i64, scratch_operands = 5 : i64, tpu.core_type = #tpu.core_type<sc_vector_subcore>, window_params = [{transform_indices = #map}, {transform_indices = #map1}, {transform_indices = #map}, {transform_indices = #map}]} {
    %mul3A = arith.constant 2 : i32
    %mul3A_0 = arith.muli %arg1, %mul3A : i32
    %add3A = arith.addi %mul3A_0, %arg0 : i32
    %mul3A_1 = arith.constant 32 : i32
    %mul3A_2 = arith.muli %add3A, %mul3A_1 : i32
    "tpu.region"() ({
      %run_scoped3A = tpu.sem_alloc : memref<!tpu.dma_semaphore, #tpu.memory_space<semaphore_mem>>
      %dma_start3A_206 = arith.constant 0 : i32
      %dma_start3A_207 = arith.constant 0 : i32
      %dma_start3A_208 = tpu.memref_slice %arg3[%mul3A_2, %dma_start3A_206, %dma_start3A_207] : memref<1024x2x128xi32, #tpu.memory_space<hbm>> -> memref<32x2x128xi32, #tpu.memory_space<hbm>>
      %dma_start3A_209 = arith.constant 0 : i32
      %dma_start3A_210 = arith.constant 0 : i32
      %dma_start3A_211 = tpu.memref_slice %arg3[%mul3A_2, %dma_start3A_209, %dma_start3A_210] : memref<1024x2x128xi32, #tpu.memory_space<hbm>> -> memref<32x2x128xi32, #tpu.memory_space<hbm>>
      tpu.enqueue_dma source(%dma_start3A_211 : memref<32x2x128xi32, #tpu.memory_space<hbm>>) target(%arg7 : memref<32x2x128xi32, #tpu.memory_space<vmem>>) target_semaphore(%run_scoped3A : memref<!tpu.dma_semaphore, #tpu.memory_space<semaphore_mem>>)
      %dma_wait3A_212 = arith.constant 0 : i32
      %dma_wait3A_213 = arith.constant 0 : i32
      %dma_wait3A_214 = tpu.memref_slice %arg3[%mul3A_2, %dma_wait3A_212, %dma_wait3A_213] : memref<1024x2x128xi32, #tpu.memory_space<hbm>> -> memref<32x2x128xi32, #tpu.memory_space<hbm>>
      %dma_wait3A_215 = arith.constant 0 : i32
      %dma_wait3A_216 = arith.constant 0 : i32
      %dma_wait3A_217 = tpu.memref_slice %arg3[%mul3A_2, %dma_wait3A_215, %dma_wait3A_216] : memref<1024x2x128xi32, #tpu.memory_space<hbm>> -> memref<32x2x128xi32, #tpu.memory_space<hbm>>
      tpu.wait_dma2 semaphore(%run_scoped3A : memref<!tpu.dma_semaphore, #tpu.memory_space<semaphore_mem>>) src(%dma_wait3A_217 : memref<32x2x128xi32, #tpu.memory_space<hbm>>) dst(%arg7 : memref<32x2x128xi32, #tpu.memory_space<vmem>>)
      tpu.yield
    }) : () -> ()
    "tpu.region"() ({
      %run_scoped3A = tpu.sem_alloc : memref<!tpu.dma_semaphore, #tpu.memory_space<semaphore_mem>>
      %dma_start3A_206 = arith.constant 0 : i32
      %dma_start3A_207 = tpu.memref_slice %arg4[%mul3A_2, %dma_start3A_206] : memref<1024x320xf32, #tpu.memory_space<hbm>> -> memref<32x320xf32, #tpu.memory_space<hbm>>
      %dma_start3A_208 = arith.constant 0 : i32
      %dma_start3A_209 = tpu.memref_slice %arg4[%mul3A_2, %dma_start3A_208] : memref<1024x320xf32, #tpu.memory_space<hbm>> -> memref<32x320xf32, #tpu.memory_space<hbm>>
      tpu.enqueue_dma source(%dma_start3A_209 : memref<32x320xf32, #tpu.memory_space<hbm>>) target(%arg8 : memref<32x320xf32, #tpu.memory_space<vmem>>) target_semaphore(%run_scoped3A : memref<!tpu.dma_semaphore, #tpu.memory_space<semaphore_mem>>)
      %dma_wait3A_210 = arith.constant 0 : i32
      %dma_wait3A_211 = tpu.memref_slice %arg4[%mul3A_2, %dma_wait3A_210] : memref<1024x320xf32, #tpu.memory_space<hbm>> -> memref<32x320xf32, #tpu.memory_space<hbm>>
      %dma_wait3A_212 = arith.constant 0 : i32
      %dma_wait3A_213 = tpu.memref_slice %arg4[%mul3A_2, %dma_wait3A_212] : memref<1024x320xf32, #tpu.memory_space<hbm>> -> memref<32x320xf32, #tpu.memory_space<hbm>>
      tpu.wait_dma2 semaphore(%run_scoped3A : memref<!tpu.dma_semaphore, #tpu.memory_space<semaphore_mem>>) src(%dma_wait3A_213 : memref<32x320xf32, #tpu.memory_space<hbm>>) dst(%arg8 : memref<32x320xf32, #tpu.memory_space<vmem>>)
      tpu.yield
    }) : () -> ()
    %dma_start3A = arith.constant 0 : i32
    %dma_start3A_3 = arith.constant 0 : i32
    %dma_start3A_4 = arith.constant 0 : i32
    %dma_start3A_5 = arith.constant 0 : i32
    %dma_start3A_6 = arith.constant 5 : i32
    %dma_start3A_7 = arith.constant 0 : i32
    %dma_start3A_8 = tpu.memref_slice %arg6[%dma_start3A_4, %dma_start3A_6, %dma_start3A_7] : memref<4x405x64xf32, #tpu.memory_space<vmem>> -> memref<1x128x64xf32, #tpu.memory_space<vmem>>
    %dma_start3A_9 = tpu.memref_squeeze %dma_start3A_8 : memref<1x128x64xf32, #tpu.memory_space<vmem>> -> memref<128x64xf32, #tpu.memory_space<vmem>>
    %dma_start3A_10 = arith.constant 0 : i32
    %dma_start3A_11 = tpu.memref_slice %arg7[%dma_start3A, %dma_start3A_3, %dma_start3A_10] : memref<32x2x128xi32, #tpu.memory_space<vmem>> -> memref<1x1x128xi32, #tpu.memory_space<vmem>>
    %dma_start3A_12 = tpu.memref_squeeze %dma_start3A_11 : memref<1x1x128xi32, #tpu.memory_space<vmem>> -> memref<128xi32, #tpu.memory_space<vmem>>
    %dma_start3A_13 = arith.constant 0 : i32
    %dma_start3A_14 = arith.constant 0 : i32
    %dma_start3A_15 = tpu.memref_slice %arg2[%dma_start3A_13, %dma_start3A_14] : memref<1000000x64xf32, #tpu.memory_space<hbm>> -> memref<1000000x64xf32, #tpu.memory_space<hbm>>
    %dma_start3A_16 = tpu.memref_slice %arg9[%dma_start3A_5] : memref<4x!tpu.dma_semaphore, #tpu.memory_space<semaphore_mem>> -> memref<1x!tpu.dma_semaphore, #tpu.memory_space<semaphore_mem>>
    %dma_start3A_17 = tpu.memref_squeeze %dma_start3A_16 : memref<1x!tpu.dma_semaphore, #tpu.memory_space<semaphore_mem>> -> memref<!tpu.dma_semaphore, #tpu.memory_space<semaphore_mem>>
    tpu.enqueue_indirect_dma source(%dma_start3A_15 : memref<1000000x64xf32, #tpu.memory_space<hbm>>) target(%dma_start3A_9 : memref<128x64xf32, #tpu.memory_space<vmem>>) offsets(%dma_start3A_12 : memref<128xi32, #tpu.memory_space<vmem>>) semaphore(%dma_start3A_17 : memref<!tpu.dma_semaphore, #tpu.memory_space<semaphore_mem>>)
    %dma_start3A_18 = arith.constant 0 : i32
    %dma_start3A_19 = arith.constant 1 : i32
    %dma_start3A_20 = arith.constant 0 : i32
    %dma_start3A_21 = arith.constant 0 : i32
    %dma_start3A_22 = arith.constant 133 : i32
    %dma_start3A_23 = arith.constant 0 : i32
    %dma_start3A_24 = tpu.memref_slice %arg6[%dma_start3A_20, %dma_start3A_22, %dma_start3A_23] : memref<4x405x64xf32, #tpu.memory_space<vmem>> -> memref<1x72x64xf32, #tpu.memory_space<vmem>>
    %dma_start3A_25 = tpu.memref_squeeze %dma_start3A_24 : memref<1x72x64xf32, #tpu.memory_space<vmem>> -> memref<72x64xf32, #tpu.memory_space<vmem>>
    %dma_start3A_26 = arith.constant 0 : i32
    %dma_start3A_27 = tpu.memref_slice %arg7[%dma_start3A_18, %dma_start3A_19, %dma_start3A_26] : memref<32x2x128xi32, #tpu.memory_space<vmem>> -> memref<1x1x72xi32, #tpu.memory_space<vmem>>
    %dma_start3A_28 = tpu.memref_squeeze %dma_start3A_27 : memref<1x1x72xi32, #tpu.memory_space<vmem>> -> memref<72xi32, #tpu.memory_space<vmem>>
    %dma_start3A_29 = arith.constant 0 : i32
    %dma_start3A_30 = arith.constant 0 : i32
    %dma_start3A_31 = tpu.memref_slice %arg2[%dma_start3A_29, %dma_start3A_30] : memref<1000000x64xf32, #tpu.memory_space<hbm>> -> memref<1000000x64xf32, #tpu.memory_space<hbm>>
    %dma_start3A_32 = tpu.memref_slice %arg9[%dma_start3A_21] : memref<4x!tpu.dma_semaphore, #tpu.memory_space<semaphore_mem>> -> memref<1x!tpu.dma_semaphore, #tpu.memory_space<semaphore_mem>>
    %dma_start3A_33 = tpu.memref_squeeze %dma_start3A_32 : memref<1x!tpu.dma_semaphore, #tpu.memory_space<semaphore_mem>> -> memref<!tpu.dma_semaphore, #tpu.memory_space<semaphore_mem>>
    tpu.enqueue_indirect_dma source(%dma_start3A_31 : memref<1000000x64xf32, #tpu.memory_space<hbm>>) target(%dma_start3A_25 : memref<72x64xf32, #tpu.memory_space<vmem>>) offsets(%dma_start3A_28 : memref<72xi32, #tpu.memory_space<vmem>>) semaphore(%dma_start3A_33 : memref<!tpu.dma_semaphore, #tpu.memory_space<semaphore_mem>>)
    %dma_start3A_34 = arith.constant 1 : i32
    %dma_start3A_35 = arith.constant 0 : i32
    %dma_start3A_36 = arith.constant 0 : i32
    %dma_start3A_37 = arith.constant 0 : i32
    %dma_start3A_38 = arith.constant 205 : i32
    %dma_start3A_39 = arith.constant 0 : i32
    %dma_start3A_40 = tpu.memref_slice %arg6[%dma_start3A_36, %dma_start3A_38, %dma_start3A_39] : memref<4x405x64xf32, #tpu.memory_space<vmem>> -> memref<1x128x64xf32, #tpu.memory_space<vmem>>
    %dma_start3A_41 = tpu.memref_squeeze %dma_start3A_40 : memref<1x128x64xf32, #tpu.memory_space<vmem>> -> memref<128x64xf32, #tpu.memory_space<vmem>>
    %dma_start3A_42 = arith.constant 0 : i32
    %dma_start3A_43 = tpu.memref_slice %arg7[%dma_start3A_34, %dma_start3A_35, %dma_start3A_42] : memref<32x2x128xi32, #tpu.memory_space<vmem>> -> memref<1x1x128xi32, #tpu.memory_space<vmem>>
    %dma_start3A_44 = tpu.memref_squeeze %dma_start3A_43 : memref<1x1x128xi32, #tpu.memory_space<vmem>> -> memref<128xi32, #tpu.memory_space<vmem>>
    %dma_start3A_45 = arith.constant 0 : i32
    %dma_start3A_46 = arith.constant 0 : i32
    %dma_start3A_47 = tpu.memref_slice %arg2[%dma_start3A_45, %dma_start3A_46] : memref<1000000x64xf32, #tpu.memory_space<hbm>> -> memref<1000000x64xf32, #tpu.memory_space<hbm>>
    %dma_start3A_48 = tpu.memref_slice %arg9[%dma_start3A_37] : memref<4x!tpu.dma_semaphore, #tpu.memory_space<semaphore_mem>> -> memref<1x!tpu.dma_semaphore, #tpu.memory_space<semaphore_mem>>
    %dma_start3A_49 = tpu.memref_squeeze %dma_start3A_48 : memref<1x!tpu.dma_semaphore, #tpu.memory_space<semaphore_mem>> -> memref<!tpu.dma_semaphore, #tpu.memory_space<semaphore_mem>>
    tpu.enqueue_indirect_dma source(%dma_start3A_47 : memref<1000000x64xf32, #tpu.memory_space<hbm>>) target(%dma_start3A_41 : memref<128x64xf32, #tpu.memory_space<vmem>>) offsets(%dma_start3A_44 : memref<128xi32, #tpu.memory_space<vmem>>) semaphore(%dma_start3A_49 : memref<!tpu.dma_semaphore, #tpu.memory_space<semaphore_mem>>)
    %dma_start3A_50 = arith.constant 1 : i32
    %dma_start3A_51 = arith.constant 1 : i32
    %dma_start3A_52 = arith.constant 0 : i32
    %dma_start3A_53 = arith.constant 0 : i32
    %dma_start3A_54 = arith.constant 333 : i32
    %dma_start3A_55 = arith.constant 0 : i32
    %dma_start3A_56 = tpu.memref_slice %arg6[%dma_start3A_52, %dma_start3A_54, %dma_start3A_55] : memref<4x405x64xf32, #tpu.memory_space<vmem>> -> memref<1x72x64xf32, #tpu.memory_space<vmem>>
    %dma_start3A_57 = tpu.memref_squeeze %dma_start3A_56 : memref<1x72x64xf32, #tpu.memory_space<vmem>> -> memref<72x64xf32, #tpu.memory_space<vmem>>
    %dma_start3A_58 = arith.constant 0 : i32
    %dma_start3A_59 = tpu.memref_slice %arg7[%dma_start3A_50, %dma_start3A_51, %dma_start3A_58] : memref<32x2x128xi32, #tpu.memory_space<vmem>> -> memref<1x1x72xi32, #tpu.memory_space<vmem>>
    %dma_start3A_60 = tpu.memref_squeeze %dma_start3A_59 : memref<1x1x72xi32, #tpu.memory_space<vmem>> -> memref<72xi32, #tpu.memory_space<vmem>>
    %dma_start3A_61 = arith.constant 0 : i32
    %dma_start3A_62 = arith.constant 0 : i32
    %dma_start3A_63 = tpu.memref_slice %arg2[%dma_start3A_61, %dma_start3A_62] : memref<1000000x64xf32, #tpu.memory_space<hbm>> -> memref<1000000x64xf32, #tpu.memory_space<hbm>>
    %dma_start3A_64 = tpu.memref_slice %arg9[%dma_start3A_53] : memref<4x!tpu.dma_semaphore, #tpu.memory_space<semaphore_mem>> -> memref<1x!tpu.dma_semaphore, #tpu.memory_space<semaphore_mem>>
    %dma_start3A_65 = tpu.memref_squeeze %dma_start3A_64 : memref<1x!tpu.dma_semaphore, #tpu.memory_space<semaphore_mem>> -> memref<!tpu.dma_semaphore, #tpu.memory_space<semaphore_mem>>
    tpu.enqueue_indirect_dma source(%dma_start3A_63 : memref<1000000x64xf32, #tpu.memory_space<hbm>>) target(%dma_start3A_57 : memref<72x64xf32, #tpu.memory_space<vmem>>) offsets(%dma_start3A_60 : memref<72xi32, #tpu.memory_space<vmem>>) semaphore(%dma_start3A_65 : memref<!tpu.dma_semaphore, #tpu.memory_space<semaphore_mem>>)
    %dma_start3A_66 = arith.constant 2 : i32
    %dma_start3A_67 = arith.constant 0 : i32
    %dma_start3A_68 = arith.constant 1 : i32
    %dma_start3A_69 = arith.constant 1 : i32
    %dma_start3A_70 = arith.constant 5 : i32
    %dma_start3A_71 = arith.constant 0 : i32
    %dma_start3A_72 = tpu.memref_slice %arg6[%dma_start3A_68, %dma_start3A_70, %dma_start3A_71] : memref<4x405x64xf32, #tpu.memory_space<vmem>> -> memref<1x128x64xf32, #tpu.memory_space<vmem>>
    %dma_start3A_73 = tpu.memref_squeeze %dma_start3A_72 : memref<1x128x64xf32, #tpu.memory_space<vmem>> -> memref<128x64xf32, #tpu.memory_space<vmem>>
    %dma_start3A_74 = arith.constant 0 : i32
    %dma_start3A_75 = tpu.memref_slice %arg7[%dma_start3A_66, %dma_start3A_67, %dma_start3A_74] : memref<32x2x128xi32, #tpu.memory_space<vmem>> -> memref<1x1x128xi32, #tpu.memory_space<vmem>>
    %dma_start3A_76 = tpu.memref_squeeze %dma_start3A_75 : memref<1x1x128xi32, #tpu.memory_space<vmem>> -> memref<128xi32, #tpu.memory_space<vmem>>
    %dma_start3A_77 = arith.constant 0 : i32
    %dma_start3A_78 = arith.constant 0 : i32
    %dma_start3A_79 = tpu.memref_slice %arg2[%dma_start3A_77, %dma_start3A_78] : memref<1000000x64xf32, #tpu.memory_space<hbm>> -> memref<1000000x64xf32, #tpu.memory_space<hbm>>
    %dma_start3A_80 = tpu.memref_slice %arg9[%dma_start3A_69] : memref<4x!tpu.dma_semaphore, #tpu.memory_space<semaphore_mem>> -> memref<1x!tpu.dma_semaphore, #tpu.memory_space<semaphore_mem>>
    %dma_start3A_81 = tpu.memref_squeeze %dma_start3A_80 : memref<1x!tpu.dma_semaphore, #tpu.memory_space<semaphore_mem>> -> memref<!tpu.dma_semaphore, #tpu.memory_space<semaphore_mem>>
    tpu.enqueue_indirect_dma source(%dma_start3A_79 : memref<1000000x64xf32, #tpu.memory_space<hbm>>) target(%dma_start3A_73 : memref<128x64xf32, #tpu.memory_space<vmem>>) offsets(%dma_start3A_76 : memref<128xi32, #tpu.memory_space<vmem>>) semaphore(%dma_start3A_81 : memref<!tpu.dma_semaphore, #tpu.memory_space<semaphore_mem>>)
    %dma_start3A_82 = arith.constant 2 : i32
    %dma_start3A_83 = arith.constant 1 : i32
    %dma_start3A_84 = arith.constant 1 : i32
    %dma_start3A_85 = arith.constant 1 : i32
    %dma_start3A_86 = arith.constant 133 : i32
    %dma_start3A_87 = arith.constant 0 : i32
    %dma_start3A_88 = tpu.memref_slice %arg6[%dma_start3A_84, %dma_start3A_86, %dma_start3A_87] : memref<4x405x64xf32, #tpu.memory_space<vmem>> -> memref<1x72x64xf32, #tpu.memory_space<vmem>>
    %dma_start3A_89 = tpu.memref_squeeze %dma_start3A_88 : memref<1x72x64xf32, #tpu.memory_space<vmem>> -> memref<72x64xf32, #tpu.memory_space<vmem>>
    %dma_start3A_90 = arith.constant 0 : i32
    %dma_start3A_91 = tpu.memref_slice %arg7[%dma_start3A_82, %dma_start3A_83, %dma_start3A_90] : memref<32x2x128xi32, #tpu.memory_space<vmem>> -> memref<1x1x72xi32, #tpu.memory_space<vmem>>
    %dma_start3A_92 = tpu.memref_squeeze %dma_start3A_91 : memref<1x1x72xi32, #tpu.memory_space<vmem>> -> memref<72xi32, #tpu.memory_space<vmem>>
    %dma_start3A_93 = arith.constant 0 : i32
    %dma_start3A_94 = arith.constant 0 : i32
    %dma_start3A_95 = tpu.memref_slice %arg2[%dma_start3A_93, %dma_start3A_94] : memref<1000000x64xf32, #tpu.memory_space<hbm>> -> memref<1000000x64xf32, #tpu.memory_space<hbm>>
    %dma_start3A_96 = tpu.memref_slice %arg9[%dma_start3A_85] : memref<4x!tpu.dma_semaphore, #tpu.memory_space<semaphore_mem>> -> memref<1x!tpu.dma_semaphore, #tpu.memory_space<semaphore_mem>>
    %dma_start3A_97 = tpu.memref_squeeze %dma_start3A_96 : memref<1x!tpu.dma_semaphore, #tpu.memory_space<semaphore_mem>> -> memref<!tpu.dma_semaphore, #tpu.memory_space<semaphore_mem>>
    tpu.enqueue_indirect_dma source(%dma_start3A_95 : memref<1000000x64xf32, #tpu.memory_space<hbm>>) target(%dma_start3A_89 : memref<72x64xf32, #tpu.memory_space<vmem>>) offsets(%dma_start3A_92 : memref<72xi32, #tpu.memory_space<vmem>>) semaphore(%dma_start3A_97 : memref<!tpu.dma_semaphore, #tpu.memory_space<semaphore_mem>>)
    %dma_start3A_98 = arith.constant 3 : i32
    %dma_start3A_99 = arith.constant 0 : i32
    %dma_start3A_100 = arith.constant 1 : i32
    %dma_start3A_101 = arith.constant 1 : i32
    %dma_start3A_102 = arith.constant 205 : i32
    %dma_start3A_103 = arith.constant 0 : i32
    %dma_start3A_104 = tpu.memref_slice %arg6[%dma_start3A_100, %dma_start3A_102, %dma_start3A_103] : memref<4x405x64xf32, #tpu.memory_space<vmem>> -> memref<1x128x64xf32, #tpu.memory_space<vmem>>
    %dma_start3A_105 = tpu.memref_squeeze %dma_start3A_104 : memref<1x128x64xf32, #tpu.memory_space<vmem>> -> memref<128x64xf32, #tpu.memory_space<vmem>>
    %dma_start3A_106 = arith.constant 0 : i32
    %dma_start3A_107 = tpu.memref_slice %arg7[%dma_start3A_98, %dma_start3A_99, %dma_start3A_106] : memref<32x2x128xi32, #tpu.memory_space<vmem>> -> memref<1x1x128xi32, #tpu.memory_space<vmem>>
    %dma_start3A_108 = tpu.memref_squeeze %dma_start3A_107 : memref<1x1x128xi32, #tpu.memory_space<vmem>> -> memref<128xi32, #tpu.memory_space<vmem>>
    %dma_start3A_109 = arith.constant 0 : i32
    %dma_start3A_110 = arith.constant 0 : i32
    %dma_start3A_111 = tpu.memref_slice %arg2[%dma_start3A_109, %dma_start3A_110] : memref<1000000x64xf32, #tpu.memory_space<hbm>> -> memref<1000000x64xf32, #tpu.memory_space<hbm>>
    %dma_start3A_112 = tpu.memref_slice %arg9[%dma_start3A_101] : memref<4x!tpu.dma_semaphore, #tpu.memory_space<semaphore_mem>> -> memref<1x!tpu.dma_semaphore, #tpu.memory_space<semaphore_mem>>
    %dma_start3A_113 = tpu.memref_squeeze %dma_start3A_112 : memref<1x!tpu.dma_semaphore, #tpu.memory_space<semaphore_mem>> -> memref<!tpu.dma_semaphore, #tpu.memory_space<semaphore_mem>>
    tpu.enqueue_indirect_dma source(%dma_start3A_111 : memref<1000000x64xf32, #tpu.memory_space<hbm>>) target(%dma_start3A_105 : memref<128x64xf32, #tpu.memory_space<vmem>>) offsets(%dma_start3A_108 : memref<128xi32, #tpu.memory_space<vmem>>) semaphore(%dma_start3A_113 : memref<!tpu.dma_semaphore, #tpu.memory_space<semaphore_mem>>)
    %dma_start3A_114 = arith.constant 3 : i32
    %dma_start3A_115 = arith.constant 1 : i32
    %dma_start3A_116 = arith.constant 1 : i32
    %dma_start3A_117 = arith.constant 1 : i32
    %dma_start3A_118 = arith.constant 333 : i32
    %dma_start3A_119 = arith.constant 0 : i32
    %dma_start3A_120 = tpu.memref_slice %arg6[%dma_start3A_116, %dma_start3A_118, %dma_start3A_119] : memref<4x405x64xf32, #tpu.memory_space<vmem>> -> memref<1x72x64xf32, #tpu.memory_space<vmem>>
    %dma_start3A_121 = tpu.memref_squeeze %dma_start3A_120 : memref<1x72x64xf32, #tpu.memory_space<vmem>> -> memref<72x64xf32, #tpu.memory_space<vmem>>
    %dma_start3A_122 = arith.constant 0 : i32
    %dma_start3A_123 = tpu.memref_slice %arg7[%dma_start3A_114, %dma_start3A_115, %dma_start3A_122] : memref<32x2x128xi32, #tpu.memory_space<vmem>> -> memref<1x1x72xi32, #tpu.memory_space<vmem>>
    %dma_start3A_124 = tpu.memref_squeeze %dma_start3A_123 : memref<1x1x72xi32, #tpu.memory_space<vmem>> -> memref<72xi32, #tpu.memory_space<vmem>>
    %dma_start3A_125 = arith.constant 0 : i32
    %dma_start3A_126 = arith.constant 0 : i32
    %dma_start3A_127 = tpu.memref_slice %arg2[%dma_start3A_125, %dma_start3A_126] : memref<1000000x64xf32, #tpu.memory_space<hbm>> -> memref<1000000x64xf32, #tpu.memory_space<hbm>>
    %dma_start3A_128 = tpu.memref_slice %arg9[%dma_start3A_117] : memref<4x!tpu.dma_semaphore, #tpu.memory_space<semaphore_mem>> -> memref<1x!tpu.dma_semaphore, #tpu.memory_space<semaphore_mem>>
    %dma_start3A_129 = tpu.memref_squeeze %dma_start3A_128 : memref<1x!tpu.dma_semaphore, #tpu.memory_space<semaphore_mem>> -> memref<!tpu.dma_semaphore, #tpu.memory_space<semaphore_mem>>
    tpu.enqueue_indirect_dma source(%dma_start3A_127 : memref<1000000x64xf32, #tpu.memory_space<hbm>>) target(%dma_start3A_121 : memref<72x64xf32, #tpu.memory_space<vmem>>) offsets(%dma_start3A_124 : memref<72xi32, #tpu.memory_space<vmem>>) semaphore(%dma_start3A_129 : memref<!tpu.dma_semaphore, #tpu.memory_space<semaphore_mem>>)
    %scan3A = arith.constant 0 : i32
    %scan3A_130 = arith.constant 0 : i32
    %scan3A_131 = arith.constant 16 : i32
    %scan3A_132 = arith.addi %scan3A_130, %scan3A_131 : i32
    %scan3A_133 = arith.constant 1 : i32
    scf.for %scan3A_206 = %scan3A_130 to %scan3A_132 step %scan3A_133  : i32 {
      %jit3A = arith.constant 4 : i32
      %eq3A = arith.constant 0 : i32
      %eq3A_207 = arith.cmpi eq, %jit3A, %eq3A : i32
      %jit3A_208 = arith.constant 1 : i32
      %select_n3A = arith.select %eq3A_207, %jit3A_208, %jit3A : i32
      %rem3A = arith.remsi %scan3A_206, %select_n3A : i32
      %ne3A = arith.constant 0 : i32
      %ne3A_209 = arith.cmpi ne, %rem3A, %ne3A : i32
      %lt3A = arith.constant 0 : i32
      %lt3A_210 = arith.cmpi slt, %rem3A, %lt3A : i32
      %lt3A_211 = arith.constant 0 : i32
      %lt3A_212 = arith.cmpi slt, %select_n3A, %lt3A_211 : i32
      %ne3A_213 = arith.xori %lt3A_210, %lt3A_212 : i1
      %and3A = arith.andi %ne3A_213, %ne3A_209 : i1
      %add3A_214 = arith.addi %rem3A, %select_n3A : i32
      %select_n3A_215 = arith.select %and3A, %add3A_214, %rem3A : i32
      %add3A_216 = arith.constant 2 : i32
      %add3A_217 = arith.addi %scan3A_206, %add3A_216 : i32
      %lt3A_218 = arith.constant 16 : i32
      %lt3A_219 = arith.cmpi slt, %add3A_217, %lt3A_218 : i32
      %convert_element_type3A = arith.extui %lt3A_219 : i1 to i32
      %cond3A = arith.constant 0 : i32
      %cond3A_220 = arith.cmpi ne, %convert_element_type3A, %cond3A : i32
      scf.if %cond3A_220 {
        %ge3A = arith.constant 2 : i32
        %ge3A_902 = arith.cmpi sge, %scan3A_206, %ge3A : i32
        %convert_element_type3A_903 = arith.extui %ge3A_902 : i1 to i32
        %cond3A_904 = arith.constant 0 : i32
        %cond3A_905 = arith.cmpi ne, %convert_element_type3A_903, %cond3A_904 : i32
        scf.if %cond3A_905 {
          %add3A_992 = arith.constant 2 : i32
          %add3A_993 = arith.addi %scan3A_206, %add3A_992 : i32
          %jit3A_994 = arith.constant 4 : i32
          %eq3A_995 = arith.constant 0 : i32
          %eq3A_996 = arith.cmpi eq, %jit3A_994, %eq3A_995 : i32
          %jit3A_997 = arith.constant 1 : i32
          %select_n3A_998 = arith.select %eq3A_996, %jit3A_997, %jit3A_994 : i32
          %rem3A_999 = arith.remsi %add3A_993, %select_n3A_998 : i32
          %ne3A_1000 = arith.constant 0 : i32
          %ne3A_1001 = arith.cmpi ne, %rem3A_999, %ne3A_1000 : i32
          %lt3A_1002 = arith.constant 0 : i32
          %lt3A_1003 = arith.cmpi slt, %rem3A_999, %lt3A_1002 : i32
          %lt3A_1004 = arith.constant 0 : i32
          %lt3A_1005 = arith.cmpi slt, %select_n3A_998, %lt3A_1004 : i32
          %ne3A_1006 = arith.xori %lt3A_1003, %lt3A_1005 : i1
          %and3A_1007 = arith.andi %ne3A_1006, %ne3A_1001 : i1
          %add3A_1008 = arith.addi %rem3A_999, %select_n3A_998 : i32
          %select_n3A_1009 = arith.select %and3A_1007, %add3A_1008, %rem3A_999 : i32
          %dma_wait3A_1010 = arith.constant 0 : i32
          %dma_wait3A_1011 = arith.constant 0 : i32
          %dma_wait3A_1012 = tpu.memref_slice %arg6[%select_n3A_1009, %dma_wait3A_1010, %dma_wait3A_1011] : memref<4x405x64xf32, #tpu.memory_space<vmem>> -> memref<1x400x64xf32, #tpu.memory_space<vmem>>
          %dma_wait3A_1013 = tpu.memref_squeeze %dma_wait3A_1012 : memref<1x400x64xf32, #tpu.memory_space<vmem>> -> memref<400x64xf32, #tpu.memory_space<vmem>>
          %dma_wait3A_1014 = arith.constant 0 : i32
          %dma_wait3A_1015 = arith.constant 0 : i32
          %dma_wait3A_1016 = tpu.memref_slice %arg5[%dma_wait3A_1014, %dma_wait3A_1015] : memref<204800x64xf32, #tpu.memory_space<hbm>> -> memref<400x64xf32, #tpu.memory_space<hbm>>
          %dma_wait3A_1017 = tpu.memref_slice %arg10[%select_n3A_1009] : memref<4x!tpu.dma_semaphore, #tpu.memory_space<semaphore_mem>> -> memref<1x!tpu.dma_semaphore, #tpu.memory_space<semaphore_mem>>
          %dma_wait3A_1018 = tpu.memref_squeeze %dma_wait3A_1017 : memref<1x!tpu.dma_semaphore, #tpu.memory_space<semaphore_mem>> -> memref<!tpu.dma_semaphore, #tpu.memory_space<semaphore_mem>>
          %dma_wait3A_1019 = arith.constant 0 : i32
          %dma_wait3A_1020 = arith.constant 0 : i32
          %dma_wait3A_1021 = tpu.memref_slice %arg5[%dma_wait3A_1019, %dma_wait3A_1020] : memref<204800x64xf32, #tpu.memory_space<hbm>> -> memref<400x64xf32, #tpu.memory_space<hbm>>
          %dma_wait3A_1022 = arith.constant 0 : i32
          %dma_wait3A_1023 = arith.constant 0 : i32
          %dma_wait3A_1024 = tpu.memref_slice %arg6[%select_n3A_1009, %dma_wait3A_1022, %dma_wait3A_1023] : memref<4x405x64xf32, #tpu.memory_space<vmem>> -> memref<1x400x64xf32, #tpu.memory_space<vmem>>
          %dma_wait3A_1025 = tpu.memref_squeeze %dma_wait3A_1024 : memref<1x400x64xf32, #tpu.memory_space<vmem>> -> memref<400x64xf32, #tpu.memory_space<vmem>>
          tpu.wait_dma2 semaphore(%dma_wait3A_1018 : memref<!tpu.dma_semaphore, #tpu.memory_space<semaphore_mem>>) src(%dma_wait3A_1025 : memref<400x64xf32, #tpu.memory_space<vmem>>) dst(%dma_wait3A_1021 : memref<400x64xf32, #tpu.memory_space<hbm>>)
        } else {
        }
        %add3A_906 = arith.constant 2 : i32
        %add3A_907 = arith.addi %scan3A_206, %add3A_906 : i32
        %jit3A_908 = arith.constant 4 : i32
        %eq3A_909 = arith.constant 0 : i32
        %eq3A_910 = arith.cmpi eq, %jit3A_908, %eq3A_909 : i32
        %jit3A_911 = arith.constant 1 : i32
        %select_n3A_912 = arith.select %eq3A_910, %jit3A_911, %jit3A_908 : i32
        %rem3A_913 = arith.remsi %add3A_907, %select_n3A_912 : i32
        %ne3A_914 = arith.constant 0 : i32
        %ne3A_915 = arith.cmpi ne, %rem3A_913, %ne3A_914 : i32
        %lt3A_916 = arith.constant 0 : i32
        %lt3A_917 = arith.cmpi slt, %rem3A_913, %lt3A_916 : i32
        %lt3A_918 = arith.constant 0 : i32
        %lt3A_919 = arith.cmpi slt, %select_n3A_912, %lt3A_918 : i32
        %ne3A_920 = arith.xori %lt3A_917, %lt3A_919 : i1
        %and3A_921 = arith.andi %ne3A_920, %ne3A_915 : i1
        %add3A_922 = arith.addi %rem3A_913, %select_n3A_912 : i32
        %select_n3A_923 = arith.select %and3A_921, %add3A_922, %rem3A_913 : i32
        %mul3A_924 = arith.constant 2 : i32
        %mul3A_925 = arith.muli %mul3A_924, %add3A_907 : i32
        %add3A_926 = arith.constant 0 : i32
        %add3A_927 = arith.addi %mul3A_925, %add3A_926 : i32
        %dma_start3A_928 = arith.constant 0 : i32
        %dma_start3A_929 = arith.constant 5 : i32
        %dma_start3A_930 = arith.constant 0 : i32
        %dma_start3A_931 = tpu.memref_slice %arg6[%select_n3A_923, %dma_start3A_929, %dma_start3A_930] : memref<4x405x64xf32, #tpu.memory_space<vmem>> -> memref<1x128x64xf32, #tpu.memory_space<vmem>>
        %dma_start3A_932 = tpu.memref_squeeze %dma_start3A_931 : memref<1x128x64xf32, #tpu.memory_space<vmem>> -> memref<128x64xf32, #tpu.memory_space<vmem>>
        %dma_start3A_933 = arith.constant 0 : i32
        %dma_start3A_934 = tpu.memref_slice %arg7[%add3A_927, %dma_start3A_928, %dma_start3A_933] : memref<32x2x128xi32, #tpu.memory_space<vmem>> -> memref<1x1x128xi32, #tpu.memory_space<vmem>>
        %dma_start3A_935 = tpu.memref_squeeze %dma_start3A_934 : memref<1x1x128xi32, #tpu.memory_space<vmem>> -> memref<128xi32, #tpu.memory_space<vmem>>
        %dma_start3A_936 = arith.constant 0 : i32
        %dma_start3A_937 = arith.constant 0 : i32
        %dma_start3A_938 = tpu.memref_slice %arg2[%dma_start3A_936, %dma_start3A_937] : memref<1000000x64xf32, #tpu.memory_space<hbm>> -> memref<1000000x64xf32, #tpu.memory_space<hbm>>
        %dma_start3A_939 = tpu.memref_slice %arg9[%select_n3A_923] : memref<4x!tpu.dma_semaphore, #tpu.memory_space<semaphore_mem>> -> memref<1x!tpu.dma_semaphore, #tpu.memory_space<semaphore_mem>>
        %dma_start3A_940 = tpu.memref_squeeze %dma_start3A_939 : memref<1x!tpu.dma_semaphore, #tpu.memory_space<semaphore_mem>> -> memref<!tpu.dma_semaphore, #tpu.memory_space<semaphore_mem>>
        tpu.enqueue_indirect_dma source(%dma_start3A_938 : memref<1000000x64xf32, #tpu.memory_space<hbm>>) target(%dma_start3A_932 : memref<128x64xf32, #tpu.memory_space<vmem>>) offsets(%dma_start3A_935 : memref<128xi32, #tpu.memory_space<vmem>>) semaphore(%dma_start3A_940 : memref<!tpu.dma_semaphore, #tpu.memory_space<semaphore_mem>>)
        %mul3A_941 = arith.constant 2 : i32
        %mul3A_942 = arith.muli %mul3A_941, %add3A_907 : i32
        %add3A_943 = arith.constant 0 : i32
        %add3A_944 = arith.addi %mul3A_942, %add3A_943 : i32
        %dma_start3A_945 = arith.constant 1 : i32
        %dma_start3A_946 = arith.constant 133 : i32
        %dma_start3A_947 = arith.constant 0 : i32
        %dma_start3A_948 = tpu.memref_slice %arg6[%select_n3A_923, %dma_start3A_946, %dma_start3A_947] : memref<4x405x64xf32, #tpu.memory_space<vmem>> -> memref<1x72x64xf32, #tpu.memory_space<vmem>>
        %dma_start3A_949 = tpu.memref_squeeze %dma_start3A_948 : memref<1x72x64xf32, #tpu.memory_space<vmem>> -> memref<72x64xf32, #tpu.memory_space<vmem>>
        %dma_start3A_950 = arith.constant 0 : i32
        %dma_start3A_951 = tpu.memref_slice %arg7[%add3A_944, %dma_start3A_945, %dma_start3A_950] : memref<32x2x128xi32, #tpu.memory_space<vmem>> -> memref<1x1x72xi32, #tpu.memory_space<vmem>>
        %dma_start3A_952 = tpu.memref_squeeze %dma_start3A_951 : memref<1x1x72xi32, #tpu.memory_space<vmem>> -> memref<72xi32, #tpu.memory_space<vmem>>
        %dma_start3A_953 = arith.constant 0 : i32
        %dma_start3A_954 = arith.constant 0 : i32
        %dma_start3A_955 = tpu.memref_slice %arg2[%dma_start3A_953, %dma_start3A_954] : memref<1000000x64xf32, #tpu.memory_space<hbm>> -> memref<1000000x64xf32, #tpu.memory_space<hbm>>
        %dma_start3A_956 = tpu.memref_slice %arg9[%select_n3A_923] : memref<4x!tpu.dma_semaphore, #tpu.memory_space<semaphore_mem>> -> memref<1x!tpu.dma_semaphore, #tpu.memory_space<semaphore_mem>>
        %dma_start3A_957 = tpu.memref_squeeze %dma_start3A_956 : memref<1x!tpu.dma_semaphore, #tpu.memory_space<semaphore_mem>> -> memref<!tpu.dma_semaphore, #tpu.memory_space<semaphore_mem>>
        tpu.enqueue_indirect_dma source(%dma_start3A_955 : memref<1000000x64xf32, #tpu.memory_space<hbm>>) target(%dma_start3A_949 : memref<72x64xf32, #tpu.memory_space<vmem>>) offsets(%dma_start3A_952 : memref<72xi32, #tpu.memory_space<vmem>>) semaphore(%dma_start3A_957 : memref<!tpu.dma_semaphore, #tpu.memory_space<semaphore_mem>>)
        %mul3A_958 = arith.constant 2 : i32
        %mul3A_959 = arith.muli %mul3A_958, %add3A_907 : i32
        %add3A_960 = arith.constant 1 : i32
        %add3A_961 = arith.addi %mul3A_959, %add3A_960 : i32
        %dma_start3A_962 = arith.constant 0 : i32
        %dma_start3A_963 = arith.constant 205 : i32
        %dma_start3A_964 = arith.constant 0 : i32
        %dma_start3A_965 = tpu.memref_slice %arg6[%select_n3A_923, %dma_start3A_963, %dma_start3A_964] : memref<4x405x64xf32, #tpu.memory_space<vmem>> -> memref<1x128x64xf32, #tpu.memory_space<vmem>>
        %dma_start3A_966 = tpu.memref_squeeze %dma_start3A_965 : memref<1x128x64xf32, #tpu.memory_space<vmem>> -> memref<128x64xf32, #tpu.memory_space<vmem>>
        %dma_start3A_967 = arith.constant 0 : i32
        %dma_start3A_968 = tpu.memref_slice %arg7[%add3A_961, %dma_start3A_962, %dma_start3A_967] : memref<32x2x128xi32, #tpu.memory_space<vmem>> -> memref<1x1x128xi32, #tpu.memory_space<vmem>>
        %dma_start3A_969 = tpu.memref_squeeze %dma_start3A_968 : memref<1x1x128xi32, #tpu.memory_space<vmem>> -> memref<128xi32, #tpu.memory_space<vmem>>
        %dma_start3A_970 = arith.constant 0 : i32
        %dma_start3A_971 = arith.constant 0 : i32
        %dma_start3A_972 = tpu.memref_slice %arg2[%dma_start3A_970, %dma_start3A_971] : memref<1000000x64xf32, #tpu.memory_space<hbm>> -> memref<1000000x64xf32, #tpu.memory_space<hbm>>
        %dma_start3A_973 = tpu.memref_slice %arg9[%select_n3A_923] : memref<4x!tpu.dma_semaphore, #tpu.memory_space<semaphore_mem>> -> memref<1x!tpu.dma_semaphore, #tpu.memory_space<semaphore_mem>>
        %dma_start3A_974 = tpu.memref_squeeze %dma_start3A_973 : memref<1x!tpu.dma_semaphore, #tpu.memory_space<semaphore_mem>> -> memref<!tpu.dma_semaphore, #tpu.memory_space<semaphore_mem>>
        tpu.enqueue_indirect_dma source(%dma_start3A_972 : memref<1000000x64xf32, #tpu.memory_space<hbm>>) target(%dma_start3A_966 : memref<128x64xf32, #tpu.memory_space<vmem>>) offsets(%dma_start3A_969 : memref<128xi32, #tpu.memory_space<vmem>>) semaphore(%dma_start3A_974 : memref<!tpu.dma_semaphore, #tpu.memory_space<semaphore_mem>>)
        %mul3A_975 = arith.constant 2 : i32
        %mul3A_976 = arith.muli %mul3A_975, %add3A_907 : i32
        %add3A_977 = arith.constant 1 : i32
        %add3A_978 = arith.addi %mul3A_976, %add3A_977 : i32
        %dma_start3A_979 = arith.constant 1 : i32
        %dma_start3A_980 = arith.constant 333 : i32
        %dma_start3A_981 = arith.constant 0 : i32
        %dma_start3A_982 = tpu.memref_slice %arg6[%select_n3A_923, %dma_start3A_980, %dma_start3A_981] : memref<4x405x64xf32, #tpu.memory_space<vmem>> -> memref<1x72x64xf32, #tpu.memory_space<vmem>>
        %dma_start3A_983 = tpu.memref_squeeze %dma_start3A_982 : memref<1x72x64xf32, #tpu.memory_space<vmem>> -> memref<72x64xf32, #tpu.memory_space<vmem>>
        %dma_start3A_984 = arith.constant 0 : i32
        %dma_start3A_985 = tpu.memref_slice %arg7[%add3A_978, %dma_start3A_979, %dma_start3A_984] : memref<32x2x128xi32, #tpu.memory_space<vmem>> -> memref<1x1x72xi32, #tpu.memory_space<vmem>>
        %dma_start3A_986 = tpu.memref_squeeze %dma_start3A_985 : memref<1x1x72xi32, #tpu.memory_space<vmem>> -> memref<72xi32, #tpu.memory_space<vmem>>
        %dma_start3A_987 = arith.constant 0 : i32
        %dma_start3A_988 = arith.constant 0 : i32
        %dma_start3A_989 = tpu.memref_slice %arg2[%dma_start3A_987, %dma_start3A_988] : memref<1000000x64xf32, #tpu.memory_space<hbm>> -> memref<1000000x64xf32, #tpu.memory_space<hbm>>
        %dma_start3A_990 = tpu.memref_slice %arg9[%select_n3A_923] : memref<4x!tpu.dma_semaphore, #tpu.memory_space<semaphore_mem>> -> memref<1x!tpu.dma_semaphore, #tpu.memory_space<semaphore_mem>>
        %dma_start3A_991 = tpu.memref_squeeze %dma_start3A_990 : memref<1x!tpu.dma_semaphore, #tpu.memory_space<semaphore_mem>> -> memref<!tpu.dma_semaphore, #tpu.memory_space<semaphore_mem>>
        tpu.enqueue_indirect_dma source(%dma_start3A_989 : memref<1000000x64xf32, #tpu.memory_space<hbm>>) target(%dma_start3A_983 : memref<72x64xf32, #tpu.memory_space<vmem>>) offsets(%dma_start3A_986 : memref<72xi32, #tpu.memory_space<vmem>>) semaphore(%dma_start3A_991 : memref<!tpu.dma_semaphore, #tpu.memory_space<semaphore_mem>>)
      } else {
      }
      %dma_wait3A_221 = arith.constant 5 : i32
      %dma_wait3A_222 = arith.constant 0 : i32
      %dma_wait3A_223 = tpu.memref_slice %arg6[%select_n3A_215, %dma_wait3A_221, %dma_wait3A_222] : memref<4x405x64xf32, #tpu.memory_space<vmem>> -> memref<1x128x64xf32, #tpu.memory_space<vmem>>
      %dma_wait3A_224 = tpu.memref_squeeze %dma_wait3A_223 : memref<1x128x64xf32, #tpu.memory_space<vmem>> -> memref<128x64xf32, #tpu.memory_space<vmem>>
      %dma_wait3A_225 = arith.constant 0 : i32
      %dma_wait3A_226 = arith.constant 0 : i32
      %dma_wait3A_227 = tpu.memref_slice %arg2[%dma_wait3A_225, %dma_wait3A_226] : memref<1000000x64xf32, #tpu.memory_space<hbm>> -> memref<128x64xf32, #tpu.memory_space<hbm>>
      %dma_wait3A_228 = tpu.memref_slice %arg9[%select_n3A_215] : memref<4x!tpu.dma_semaphore, #tpu.memory_space<semaphore_mem>> -> memref<1x!tpu.dma_semaphore, #tpu.memory_space<semaphore_mem>>
      %dma_wait3A_229 = tpu.memref_squeeze %dma_wait3A_228 : memref<1x!tpu.dma_semaphore, #tpu.memory_space<semaphore_mem>> -> memref<!tpu.dma_semaphore, #tpu.memory_space<semaphore_mem>>
      %dma_wait3A_230 = arith.constant 5 : i32
      %dma_wait3A_231 = arith.constant 0 : i32
      %dma_wait3A_232 = tpu.memref_slice %arg6[%select_n3A_215, %dma_wait3A_230, %dma_wait3A_231] : memref<4x405x64xf32, #tpu.memory_space<vmem>> -> memref<1x128x64xf32, #tpu.memory_space<vmem>>
      %dma_wait3A_233 = tpu.memref_squeeze %dma_wait3A_232 : memref<1x128x64xf32, #tpu.memory_space<vmem>> -> memref<128x64xf32, #tpu.memory_space<vmem>>
      %dma_wait3A_234 = arith.constant 0 : i32
      %dma_wait3A_235 = arith.constant 0 : i32
      %dma_wait3A_236 = tpu.memref_slice %arg2[%dma_wait3A_234, %dma_wait3A_235] : memref<1000000x64xf32, #tpu.memory_space<hbm>> -> memref<128x64xf32, #tpu.memory_space<hbm>>
      tpu.wait_dma2 semaphore(%dma_wait3A_229 : memref<!tpu.dma_semaphore, #tpu.memory_space<semaphore_mem>>) src(%dma_wait3A_236 : memref<128x64xf32, #tpu.memory_space<hbm>>) dst(%dma_wait3A_233 : memref<128x64xf32, #tpu.memory_space<vmem>>)
      %dma_wait3A_237 = arith.constant 133 : i32
      %dma_wait3A_238 = arith.constant 0 : i32
      %dma_wait3A_239 = tpu.memref_slice %arg6[%select_n3A_215, %dma_wait3A_237, %dma_wait3A_238] : memref<4x405x64xf32, #tpu.memory_space<vmem>> -> memref<1x72x64xf32, #tpu.memory_space<vmem>>
      %dma_wait3A_240 = tpu.memref_squeeze %dma_wait3A_239 : memref<1x72x64xf32, #tpu.memory_space<vmem>> -> memref<72x64xf32, #tpu.memory_space<vmem>>
      %dma_wait3A_241 = arith.constant 0 : i32
      %dma_wait3A_242 = arith.constant 0 : i32
      %dma_wait3A_243 = tpu.memref_slice %arg2[%dma_wait3A_241, %dma_wait3A_242] : memref<1000000x64xf32, #tpu.memory_space<hbm>> -> memref<72x64xf32, #tpu.memory_space<hbm>>
      %dma_wait3A_244 = tpu.memref_slice %arg9[%select_n3A_215] : memref<4x!tpu.dma_semaphore, #tpu.memory_space<semaphore_mem>> -> memref<1x!tpu.dma_semaphore, #tpu.memory_space<semaphore_mem>>
      %dma_wait3A_245 = tpu.memref_squeeze %dma_wait3A_244 : memref<1x!tpu.dma_semaphore, #tpu.memory_space<semaphore_mem>> -> memref<!tpu.dma_semaphore, #tpu.memory_space<semaphore_mem>>
      %dma_wait3A_246 = arith.constant 133 : i32
      %dma_wait3A_247 = arith.constant 0 : i32
      %dma_wait3A_248 = tpu.memref_slice %arg6[%select_n3A_215, %dma_wait3A_246, %dma_wait3A_247] : memref<4x405x64xf32, #tpu.memory_space<vmem>> -> memref<1x72x64xf32, #tpu.memory_space<vmem>>
      %dma_wait3A_249 = tpu.memref_squeeze %dma_wait3A_248 : memref<1x72x64xf32, #tpu.memory_space<vmem>> -> memref<72x64xf32, #tpu.memory_space<vmem>>
      %dma_wait3A_250 = arith.constant 0 : i32
      %dma_wait3A_251 = arith.constant 0 : i32
      %dma_wait3A_252 = tpu.memref_slice %arg2[%dma_wait3A_250, %dma_wait3A_251] : memref<1000000x64xf32, #tpu.memory_space<hbm>> -> memref<72x64xf32, #tpu.memory_space<hbm>>
      tpu.wait_dma2 semaphore(%dma_wait3A_245 : memref<!tpu.dma_semaphore, #tpu.memory_space<semaphore_mem>>) src(%dma_wait3A_252 : memref<72x64xf32, #tpu.memory_space<hbm>>) dst(%dma_wait3A_249 : memref<72x64xf32, #tpu.memory_space<vmem>>)
      %dma_wait3A_253 = arith.constant 205 : i32
      %dma_wait3A_254 = arith.constant 0 : i32
      %dma_wait3A_255 = tpu.memref_slice %arg6[%select_n3A_215, %dma_wait3A_253, %dma_wait3A_254] : memref<4x405x64xf32, #tpu.memory_space<vmem>> -> memref<1x128x64xf32, #tpu.memory_space<vmem>>
      %dma_wait3A_256 = tpu.memref_squeeze %dma_wait3A_255 : memref<1x128x64xf32, #tpu.memory_space<vmem>> -> memref<128x64xf32, #tpu.memory_space<vmem>>
      %dma_wait3A_257 = arith.constant 0 : i32
      %dma_wait3A_258 = arith.constant 0 : i32
      %dma_wait3A_259 = tpu.memref_slice %arg2[%dma_wait3A_257, %dma_wait3A_258] : memref<1000000x64xf32, #tpu.memory_space<hbm>> -> memref<128x64xf32, #tpu.memory_space<hbm>>
      %dma_wait3A_260 = tpu.memref_slice %arg9[%select_n3A_215] : memref<4x!tpu.dma_semaphore, #tpu.memory_space<semaphore_mem>> -> memref<1x!tpu.dma_semaphore, #tpu.memory_space<semaphore_mem>>
      %dma_wait3A_261 = tpu.memref_squeeze %dma_wait3A_260 : memref<1x!tpu.dma_semaphore, #tpu.memory_space<semaphore_mem>> -> memref<!tpu.dma_semaphore, #tpu.memory_space<semaphore_mem>>
      %dma_wait3A_262 = arith.constant 205 : i32
      %dma_wait3A_263 = arith.constant 0 : i32
      %dma_wait3A_264 = tpu.memref_slice %arg6[%select_n3A_215, %dma_wait3A_262, %dma_wait3A_263] : memref<4x405x64xf32, #tpu.memory_space<vmem>> -> memref<1x128x64xf32, #tpu.memory_space<vmem>>
      %dma_wait3A_265 = tpu.memref_squeeze %dma_wait3A_264 : memref<1x128x64xf32, #tpu.memory_space<vmem>> -> memref<128x64xf32, #tpu.memory_space<vmem>>
      %dma_wait3A_266 = arith.constant 0 : i32
      %dma_wait3A_267 = arith.constant 0 : i32
      %dma_wait3A_268 = tpu.memref_slice %arg2[%dma_wait3A_266, %dma_wait3A_267] : memref<1000000x64xf32, #tpu.memory_space<hbm>> -> memref<128x64xf32, #tpu.memory_space<hbm>>
      tpu.wait_dma2 semaphore(%dma_wait3A_261 : memref<!tpu.dma_semaphore, #tpu.memory_space<semaphore_mem>>) src(%dma_wait3A_268 : memref<128x64xf32, #tpu.memory_space<hbm>>) dst(%dma_wait3A_265 : memref<128x64xf32, #tpu.memory_space<vmem>>)
      %dma_wait3A_269 = arith.constant 333 : i32
      %dma_wait3A_270 = arith.constant 0 : i32
      %dma_wait3A_271 = tpu.memref_slice %arg6[%select_n3A_215, %dma_wait3A_269, %dma_wait3A_270] : memref<4x405x64xf32, #tpu.memory_space<vmem>> -> memref<1x72x64xf32, #tpu.memory_space<vmem>>
      %dma_wait3A_272 = tpu.memref_squeeze %dma_wait3A_271 : memref<1x72x64xf32, #tpu.memory_space<vmem>> -> memref<72x64xf32, #tpu.memory_space<vmem>>
      %dma_wait3A_273 = arith.constant 0 : i32
      %dma_wait3A_274 = arith.constant 0 : i32
      %dma_wait3A_275 = tpu.memref_slice %arg2[%dma_wait3A_273, %dma_wait3A_274] : memref<1000000x64xf32, #tpu.memory_space<hbm>> -> memref<72x64xf32, #tpu.memory_space<hbm>>
      %dma_wait3A_276 = tpu.memref_slice %arg9[%select_n3A_215] : memref<4x!tpu.dma_semaphore, #tpu.memory_space<semaphore_mem>> -> memref<1x!tpu.dma_semaphore, #tpu.memory_space<semaphore_mem>>
      %dma_wait3A_277 = tpu.memref_squeeze %dma_wait3A_276 : memref<1x!tpu.dma_semaphore, #tpu.memory_space<semaphore_mem>> -> memref<!tpu.dma_semaphore, #tpu.memory_space<semaphore_mem>>
      %dma_wait3A_278 = arith.constant 333 : i32
      %dma_wait3A_279 = arith.constant 0 : i32
      %dma_wait3A_280 = tpu.memref_slice %arg6[%select_n3A_215, %dma_wait3A_278, %dma_wait3A_279] : memref<4x405x64xf32, #tpu.memory_space<vmem>> -> memref<1x72x64xf32, #tpu.memory_space<vmem>>
      %dma_wait3A_281 = tpu.memref_squeeze %dma_wait3A_280 : memref<1x72x64xf32, #tpu.memory_space<vmem>> -> memref<72x64xf32, #tpu.memory_space<vmem>>
      %dma_wait3A_282 = arith.constant 0 : i32
      %dma_wait3A_283 = arith.constant 0 : i32
      %dma_wait3A_284 = tpu.memref_slice %arg2[%dma_wait3A_282, %dma_wait3A_283] : memref<1000000x64xf32, #tpu.memory_space<hbm>> -> memref<72x64xf32, #tpu.memory_space<hbm>>
      tpu.wait_dma2 semaphore(%dma_wait3A_277 : memref<!tpu.dma_semaphore, #tpu.memory_space<semaphore_mem>>) src(%dma_wait3A_284 : memref<72x64xf32, #tpu.memory_space<hbm>>) dst(%dma_wait3A_281 : memref<72x64xf32, #tpu.memory_space<vmem>>)
      %mul3A_285 = arith.constant 2 : i32
      %mul3A_286 = arith.muli %mul3A_285, %scan3A_206 : i32
      %add3A_287 = arith.constant 0 : i32
      %add3A_288 = arith.addi %mul3A_286, %add3A_287 : i32
      %get3A = arith.index_cast %add3A_288 : i32 to index
      %get3A_289 = arith.constant 0 : index
      %get3A_290 = tpu.vector_load %arg8[%get3A, %get3A_289] {strides = array<i32>} : memref<32x320xf32, #tpu.memory_space<vmem>>, vector<1x16xf32>,
      %get3A_291 = vector.shape_cast %get3A_290 : vector<1x16xf32> to vector<16xf32>
      %swap3A = arith.constant 0 : i32
      %swap3A_292 = arith.index_cast %select_n3A_215 : i32 to index
      %swap3A_293 = arith.index_cast %swap3A : i32 to index
      %swap3A_294 = arith.constant 0 : index
      %swap3A_295 = tpu.vector_load %arg6[%swap3A_292, %swap3A_293, %swap3A_294] {strides = array<i32>} : memref<4x405x64xf32, #tpu.memory_space<vmem>>, vector<1x1x16xf32>,
      %swap3A_296 = vector.shape_cast %swap3A_295 : vector<1x1x16xf32> to vector<16xf32>
      %swap3A_297 = vector.shape_cast %get3A_291 : vector<16xf32> to vector<1x1x16xf32>
      tpu.vector_store %arg6[%swap3A_292, %swap3A_293, %swap3A_294], %swap3A_297 {strides = array<i32>} : memref<4x405x64xf32, #tpu.memory_space<vmem>>, vector<1x1x16xf32>,
      %mul3A_298 = arith.constant 2 : i32
      %mul3A_299 = arith.muli %mul3A_298, %scan3A_206 : i32
      %add3A_300 = arith.constant 0 : i32
      %add3A_301 = arith.addi %mul3A_299, %add3A_300 : i32
      %get3A_302 = arith.index_cast %add3A_301 : i32 to index
      %get3A_303 = arith.constant 16 : index
      %get3A_304 = tpu.vector_load %arg8[%get3A_302, %get3A_303] {strides = array<i32>} : memref<32x320xf32, #tpu.memory_space<vmem>>, vector<1x16xf32>,
      %get3A_305 = vector.shape_cast %get3A_304 : vector<1x16xf32> to vector<16xf32>
      %swap3A_306 = arith.constant 0 : i32
      %swap3A_307 = arith.index_cast %select_n3A_215 : i32 to index
      %swap3A_308 = arith.index_cast %swap3A_306 : i32 to index
      %swap3A_309 = arith.constant 16 : index
      %swap3A_310 = tpu.vector_load %arg6[%swap3A_307, %swap3A_308, %swap3A_309] {strides = array<i32>} : memref<4x405x64xf32, #tpu.memory_space<vmem>>, vector<1x1x16xf32>,
      %swap3A_311 = vector.shape_cast %swap3A_310 : vector<1x1x16xf32> to vector<16xf32>
      %swap3A_312 = vector.shape_cast %get3A_305 : vector<16xf32> to vector<1x1x16xf32>
      tpu.vector_store %arg6[%swap3A_307, %swap3A_308, %swap3A_309], %swap3A_312 {strides = array<i32>} : memref<4x405x64xf32, #tpu.memory_space<vmem>>, vector<1x1x16xf32>,
      %mul3A_313 = arith.constant 2 : i32
      %mul3A_314 = arith.muli %mul3A_313, %scan3A_206 : i32
      %add3A_315 = arith.constant 0 : i32
      %add3A_316 = arith.addi %mul3A_314, %add3A_315 : i32
      %get3A_317 = arith.index_cast %add3A_316 : i32 to index
      %get3A_318 = arith.constant 32 : index
      %get3A_319 = tpu.vector_load %arg8[%get3A_317, %get3A_318] {strides = array<i32>} : memref<32x320xf32, #tpu.memory_space<vmem>>, vector<1x16xf32>,
      %get3A_320 = vector.shape_cast %get3A_319 : vector<1x16xf32> to vector<16xf32>
      %swap3A_321 = arith.constant 0 : i32
      %swap3A_322 = arith.index_cast %select_n3A_215 : i32 to index
      %swap3A_323 = arith.index_cast %swap3A_321 : i32 to index
      %swap3A_324 = arith.constant 32 : index
      %swap3A_325 = tpu.vector_load %arg6[%swap3A_322, %swap3A_323, %swap3A_324] {strides = array<i32>} : memref<4x405x64xf32, #tpu.memory_space<vmem>>, vector<1x1x16xf32>,
      %swap3A_326 = vector.shape_cast %swap3A_325 : vector<1x1x16xf32> to vector<16xf32>
      %swap3A_327 = vector.shape_cast %get3A_320 : vector<16xf32> to vector<1x1x16xf32>
      tpu.vector_store %arg6[%swap3A_322, %swap3A_323, %swap3A_324], %swap3A_327 {strides = array<i32>} : memref<4x405x64xf32, #tpu.memory_space<vmem>>, vector<1x1x16xf32>,
      %mul3A_328 = arith.constant 2 : i32
      %mul3A_329 = arith.muli %mul3A_328, %scan3A_206 : i32
      %add3A_330 = arith.constant 0 : i32
      %add3A_331 = arith.addi %mul3A_329, %add3A_330 : i32
      %get3A_332 = arith.index_cast %add3A_331 : i32 to index
      %get3A_333 = arith.constant 48 : index
      %get3A_334 = tpu.vector_load %arg8[%get3A_332, %get3A_333] {strides = array<i32>} : memref<32x320xf32, #tpu.memory_space<vmem>>, vector<1x16xf32>,
      %get3A_335 = vector.shape_cast %get3A_334 : vector<1x16xf32> to vector<16xf32>
      %swap3A_336 = arith.constant 0 : i32
      %swap3A_337 = arith.index_cast %select_n3A_215 : i32 to index
      %swap3A_338 = arith.index_cast %swap3A_336 : i32 to index
      %swap3A_339 = arith.constant 48 : index
      %swap3A_340 = tpu.vector_load %arg6[%swap3A_337, %swap3A_338, %swap3A_339] {strides = array<i32>} : memref<4x405x64xf32, #tpu.memory_space<vmem>>, vector<1x1x16xf32>,
      %swap3A_341 = vector.shape_cast %swap3A_340 : vector<1x1x16xf32> to vector<16xf32>
      %swap3A_342 = vector.shape_cast %get3A_335 : vector<16xf32> to vector<1x1x16xf32>
      tpu.vector_store %arg6[%swap3A_337, %swap3A_338, %swap3A_339], %swap3A_342 {strides = array<i32>} : memref<4x405x64xf32, #tpu.memory_space<vmem>>, vector<1x1x16xf32>,
      %mul3A_343 = arith.constant 2 : i32
      %mul3A_344 = arith.muli %mul3A_343, %scan3A_206 : i32
      %add3A_345 = arith.constant 0 : i32
      %add3A_346 = arith.addi %mul3A_344, %add3A_345 : i32
      %get3A_347 = arith.index_cast %add3A_346 : i32 to index
      %get3A_348 = arith.constant 64 : index
      %get3A_349 = tpu.vector_load %arg8[%get3A_347, %get3A_348] {strides = array<i32>} : memref<32x320xf32, #tpu.memory_space<vmem>>, vector<1x16xf32>,
      %get3A_350 = vector.shape_cast %get3A_349 : vector<1x16xf32> to vector<16xf32>
      %swap3A_351 = arith.constant 1 : i32
      %swap3A_352 = arith.index_cast %select_n3A_215 : i32 to index
      %swap3A_353 = arith.index_cast %swap3A_351 : i32 to index
      %swap3A_354 = arith.constant 0 : index
      %swap3A_355 = tpu.vector_load %arg6[%swap3A_352, %swap3A_353, %swap3A_354] {strides = array<i32>} : memref<4x405x64xf32, #tpu.memory_space<vmem>>, vector<1x1x16xf32>,
      %swap3A_356 = vector.shape_cast %swap3A_355 : vector<1x1x16xf32> to vector<16xf32>
      %swap3A_357 = vector.shape_cast %get3A_350 : vector<16xf32> to vector<1x1x16xf32>
      tpu.vector_store %arg6[%swap3A_352, %swap3A_353, %swap3A_354], %swap3A_357 {strides = array<i32>} : memref<4x405x64xf32, #tpu.memory_space<vmem>>, vector<1x1x16xf32>,
      %mul3A_358 = arith.constant 2 : i32
      %mul3A_359 = arith.muli %mul3A_358, %scan3A_206 : i32
      %add3A_360 = arith.constant 0 : i32
      %add3A_361 = arith.addi %mul3A_359, %add3A_360 : i32
      %get3A_362 = arith.index_cast %add3A_361 : i32 to index
      %get3A_363 = arith.constant 80 : index
      %get3A_364 = tpu.vector_load %arg8[%get3A_362, %get3A_363] {strides = array<i32>} : memref<32x320xf32, #tpu.memory_space<vmem>>, vector<1x16xf32>,
      %get3A_365 = vector.shape_cast %get3A_364 : vector<1x16xf32> to vector<16xf32>
      %swap3A_366 = arith.constant 1 : i32
      %swap3A_367 = arith.index_cast %select_n3A_215 : i32 to index
      %swap3A_368 = arith.index_cast %swap3A_366 : i32 to index
      %swap3A_369 = arith.constant 16 : index
      %swap3A_370 = tpu.vector_load %arg6[%swap3A_367, %swap3A_368, %swap3A_369] {strides = array<i32>} : memref<4x405x64xf32, #tpu.memory_space<vmem>>, vector<1x1x16xf32>,
      %swap3A_371 = vector.shape_cast %swap3A_370 : vector<1x1x16xf32> to vector<16xf32>
      %swap3A_372 = vector.shape_cast %get3A_365 : vector<16xf32> to vector<1x1x16xf32>
      tpu.vector_store %arg6[%swap3A_367, %swap3A_368, %swap3A_369], %swap3A_372 {strides = array<i32>} : memref<4x405x64xf32, #tpu.memory_space<vmem>>, vector<1x1x16xf32>,
      %mul3A_373 = arith.constant 2 : i32
      %mul3A_374 = arith.muli %mul3A_373, %scan3A_206 : i32
      %add3A_375 = arith.constant 0 : i32
      %add3A_376 = arith.addi %mul3A_374, %add3A_375 : i32
      %get3A_377 = arith.index_cast %add3A_376 : i32 to index
      %get3A_378 = arith.constant 96 : index
      %get3A_379 = tpu.vector_load %arg8[%get3A_377, %get3A_378] {strides = array<i32>} : memref<32x320xf32, #tpu.memory_space<vmem>>, vector<1x16xf32>,
      %get3A_380 = vector.shape_cast %get3A_379 : vector<1x16xf32> to vector<16xf32>
      %swap3A_381 = arith.constant 1 : i32
      %swap3A_382 = arith.index_cast %select_n3A_215 : i32 to index
      %swap3A_383 = arith.index_cast %swap3A_381 : i32 to index
      %swap3A_384 = arith.constant 32 : index
      %swap3A_385 = tpu.vector_load %arg6[%swap3A_382, %swap3A_383, %swap3A_384] {strides = array<i32>} : memref<4x405x64xf32, #tpu.memory_space<vmem>>, vector<1x1x16xf32>,
      %swap3A_386 = vector.shape_cast %swap3A_385 : vector<1x1x16xf32> to vector<16xf32>
      %swap3A_387 = vector.shape_cast %get3A_380 : vector<16xf32> to vector<1x1x16xf32>
      tpu.vector_store %arg6[%swap3A_382, %swap3A_383, %swap3A_384], %swap3A_387 {strides = array<i32>} : memref<4x405x64xf32, #tpu.memory_space<vmem>>, vector<1x1x16xf32>,
      %mul3A_388 = arith.constant 2 : i32
      %mul3A_389 = arith.muli %mul3A_388, %scan3A_206 : i32
      %add3A_390 = arith.constant 0 : i32
      %add3A_391 = arith.addi %mul3A_389, %add3A_390 : i32
      %get3A_392 = arith.index_cast %add3A_391 : i32 to index
      %get3A_393 = arith.constant 112 : index
      %get3A_394 = tpu.vector_load %arg8[%get3A_392, %get3A_393] {strides = array<i32>} : memref<32x320xf32, #tpu.memory_space<vmem>>, vector<1x16xf32>,
      %get3A_395 = vector.shape_cast %get3A_394 : vector<1x16xf32> to vector<16xf32>
      %swap3A_396 = arith.constant 1 : i32
      %swap3A_397 = arith.index_cast %select_n3A_215 : i32 to index
      %swap3A_398 = arith.index_cast %swap3A_396 : i32 to index
      %swap3A_399 = arith.constant 48 : index
      %swap3A_400 = tpu.vector_load %arg6[%swap3A_397, %swap3A_398, %swap3A_399] {strides = array<i32>} : memref<4x405x64xf32, #tpu.memory_space<vmem>>, vector<1x1x16xf32>,
      %swap3A_401 = vector.shape_cast %swap3A_400 : vector<1x1x16xf32> to vector<16xf32>
      %swap3A_402 = vector.shape_cast %get3A_395 : vector<16xf32> to vector<1x1x16xf32>
      tpu.vector_store %arg6[%swap3A_397, %swap3A_398, %swap3A_399], %swap3A_402 {strides = array<i32>} : memref<4x405x64xf32, #tpu.memory_space<vmem>>, vector<1x1x16xf32>,
      %mul3A_403 = arith.constant 2 : i32
      %mul3A_404 = arith.muli %mul3A_403, %scan3A_206 : i32
      %add3A_405 = arith.constant 0 : i32
      %add3A_406 = arith.addi %mul3A_404, %add3A_405 : i32
      %get3A_407 = arith.index_cast %add3A_406 : i32 to index
      %get3A_408 = arith.constant 128 : index
      %get3A_409 = tpu.vector_load %arg8[%get3A_407, %get3A_408] {strides = array<i32>} : memref<32x320xf32, #tpu.memory_space<vmem>>, vector<1x16xf32>,
      %get3A_410 = vector.shape_cast %get3A_409 : vector<1x16xf32> to vector<16xf32>
      %swap3A_411 = arith.constant 2 : i32
      %swap3A_412 = arith.index_cast %select_n3A_215 : i32 to index
      %swap3A_413 = arith.index_cast %swap3A_411 : i32 to index
      %swap3A_414 = arith.constant 0 : index
      %swap3A_415 = tpu.vector_load %arg6[%swap3A_412, %swap3A_413, %swap3A_414] {strides = array<i32>} : memref<4x405x64xf32, #tpu.memory_space<vmem>>, vector<1x1x16xf32>,
      %swap3A_416 = vector.shape_cast %swap3A_415 : vector<1x1x16xf32> to vector<16xf32>
      %swap3A_417 = vector.shape_cast %get3A_410 : vector<16xf32> to vector<1x1x16xf32>
      tpu.vector_store %arg6[%swap3A_412, %swap3A_413, %swap3A_414], %swap3A_417 {strides = array<i32>} : memref<4x405x64xf32, #tpu.memory_space<vmem>>, vector<1x1x16xf32>,
      %mul3A_418 = arith.constant 2 : i32
      %mul3A_419 = arith.muli %mul3A_418, %scan3A_206 : i32
      %add3A_420 = arith.constant 0 : i32
      %add3A_421 = arith.addi %mul3A_419, %add3A_420 : i32
      %get3A_422 = arith.index_cast %add3A_421 : i32 to index
      %get3A_423 = arith.constant 144 : index
      %get3A_424 = tpu.vector_load %arg8[%get3A_422, %get3A_423] {strides = array<i32>} : memref<32x320xf32, #tpu.memory_space<vmem>>, vector<1x16xf32>,
      %get3A_425 = vector.shape_cast %get3A_424 : vector<1x16xf32> to vector<16xf32>
      %swap3A_426 = arith.constant 2 : i32
      %swap3A_427 = arith.index_cast %select_n3A_215 : i32 to index
      %swap3A_428 = arith.index_cast %swap3A_426 : i32 to index
      %swap3A_429 = arith.constant 16 : index
      %swap3A_430 = tpu.vector_load %arg6[%swap3A_427, %swap3A_428, %swap3A_429] {strides = array<i32>} : memref<4x405x64xf32, #tpu.memory_space<vmem>>, vector<1x1x16xf32>,
      %swap3A_431 = vector.shape_cast %swap3A_430 : vector<1x1x16xf32> to vector<16xf32>
      %swap3A_432 = vector.shape_cast %get3A_425 : vector<16xf32> to vector<1x1x16xf32>
      tpu.vector_store %arg6[%swap3A_427, %swap3A_428, %swap3A_429], %swap3A_432 {strides = array<i32>} : memref<4x405x64xf32, #tpu.memory_space<vmem>>, vector<1x1x16xf32>,
      %mul3A_433 = arith.constant 2 : i32
      %mul3A_434 = arith.muli %mul3A_433, %scan3A_206 : i32
      %add3A_435 = arith.constant 0 : i32
      %add3A_436 = arith.addi %mul3A_434, %add3A_435 : i32
      %get3A_437 = arith.index_cast %add3A_436 : i32 to index
      %get3A_438 = arith.constant 160 : index
      %get3A_439 = tpu.vector_load %arg8[%get3A_437, %get3A_438] {strides = array<i32>} : memref<32x320xf32, #tpu.memory_space<vmem>>, vector<1x16xf32>,
      %get3A_440 = vector.shape_cast %get3A_439 : vector<1x16xf32> to vector<16xf32>
      %swap3A_441 = arith.constant 2 : i32
      %swap3A_442 = arith.index_cast %select_n3A_215 : i32 to index
      %swap3A_443 = arith.index_cast %swap3A_441 : i32 to index
      %swap3A_444 = arith.constant 32 : index
      %swap3A_445 = tpu.vector_load %arg6[%swap3A_442, %swap3A_443, %swap3A_444] {strides = array<i32>} : memref<4x405x64xf32, #tpu.memory_space<vmem>>, vector<1x1x16xf32>,
      %swap3A_446 = vector.shape_cast %swap3A_445 : vector<1x1x16xf32> to vector<16xf32>
      %swap3A_447 = vector.shape_cast %get3A_440 : vector<16xf32> to vector<1x1x16xf32>
      tpu.vector_store %arg6[%swap3A_442, %swap3A_443, %swap3A_444], %swap3A_447 {strides = array<i32>} : memref<4x405x64xf32, #tpu.memory_space<vmem>>, vector<1x1x16xf32>,
      %mul3A_448 = arith.constant 2 : i32
      %mul3A_449 = arith.muli %mul3A_448, %scan3A_206 : i32
      %add3A_450 = arith.constant 0 : i32
      %add3A_451 = arith.addi %mul3A_449, %add3A_450 : i32
      %get3A_452 = arith.index_cast %add3A_451 : i32 to index
      %get3A_453 = arith.constant 176 : index
      %get3A_454 = tpu.vector_load %arg8[%get3A_452, %get3A_453] {strides = array<i32>} : memref<32x320xf32, #tpu.memory_space<vmem>>, vector<1x16xf32>,
      %get3A_455 = vector.shape_cast %get3A_454 : vector<1x16xf32> to vector<16xf32>
      %swap3A_456 = arith.constant 2 : i32
      %swap3A_457 = arith.index_cast %select_n3A_215 : i32 to index
      %swap3A_458 = arith.index_cast %swap3A_456 : i32 to index
      %swap3A_459 = arith.constant 48 : index
      %swap3A_460 = tpu.vector_load %arg6[%swap3A_457, %swap3A_458, %swap3A_459] {strides = array<i32>} : memref<4x405x64xf32, #tpu.memory_space<vmem>>, vector<1x1x16xf32>,
      %swap3A_461 = vector.shape_cast %swap3A_460 : vector<1x1x16xf32> to vector<16xf32>
      %swap3A_462 = vector.shape_cast %get3A_455 : vector<16xf32> to vector<1x1x16xf32>
      tpu.vector_store %arg6[%swap3A_457, %swap3A_458, %swap3A_459], %swap3A_462 {strides = array<i32>} : memref<4x405x64xf32, #tpu.memory_space<vmem>>, vector<1x1x16xf32>,
      %mul3A_463 = arith.constant 2 : i32
      %mul3A_464 = arith.muli %mul3A_463, %scan3A_206 : i32
      %add3A_465 = arith.constant 0 : i32
      %add3A_466 = arith.addi %mul3A_464, %add3A_465 : i32
      %get3A_467 = arith.index_cast %add3A_466 : i32 to index
      %get3A_468 = arith.constant 192 : index
      %get3A_469 = tpu.vector_load %arg8[%get3A_467, %get3A_468] {strides = array<i32>} : memref<32x320xf32, #tpu.memory_space<vmem>>, vector<1x16xf32>,
      %get3A_470 = vector.shape_cast %get3A_469 : vector<1x16xf32> to vector<16xf32>
      %swap3A_471 = arith.constant 3 : i32
      %swap3A_472 = arith.index_cast %select_n3A_215 : i32 to index
      %swap3A_473 = arith.index_cast %swap3A_471 : i32 to index
      %swap3A_474 = arith.constant 0 : index
      %swap3A_475 = tpu.vector_load %arg6[%swap3A_472, %swap3A_473, %swap3A_474] {strides = array<i32>} : memref<4x405x64xf32, #tpu.memory_space<vmem>>, vector<1x1x16xf32>,
      %swap3A_476 = vector.shape_cast %swap3A_475 : vector<1x1x16xf32> to vector<16xf32>
      %swap3A_477 = vector.shape_cast %get3A_470 : vector<16xf32> to vector<1x1x16xf32>
      tpu.vector_store %arg6[%swap3A_472, %swap3A_473, %swap3A_474], %swap3A_477 {strides = array<i32>} : memref<4x405x64xf32, #tpu.memory_space<vmem>>, vector<1x1x16xf32>,
      %mul3A_478 = arith.constant 2 : i32
      %mul3A_479 = arith.muli %mul3A_478, %scan3A_206 : i32
      %add3A_480 = arith.constant 0 : i32
      %add3A_481 = arith.addi %mul3A_479, %add3A_480 : i32
      %get3A_482 = arith.index_cast %add3A_481 : i32 to index
      %get3A_483 = arith.constant 208 : index
      %get3A_484 = tpu.vector_load %arg8[%get3A_482, %get3A_483] {strides = array<i32>} : memref<32x320xf32, #tpu.memory_space<vmem>>, vector<1x16xf32>,
      %get3A_485 = vector.shape_cast %get3A_484 : vector<1x16xf32> to vector<16xf32>
      %swap3A_486 = arith.constant 3 : i32
      %swap3A_487 = arith.index_cast %select_n3A_215 : i32 to index
      %swap3A_488 = arith.index_cast %swap3A_486 : i32 to index
      %swap3A_489 = arith.constant 16 : index
      %swap3A_490 = tpu.vector_load %arg6[%swap3A_487, %swap3A_488, %swap3A_489] {strides = array<i32>} : memref<4x405x64xf32, #tpu.memory_space<vmem>>, vector<1x1x16xf32>,
      %swap3A_491 = vector.shape_cast %swap3A_490 : vector<1x1x16xf32> to vector<16xf32>
      %swap3A_492 = vector.shape_cast %get3A_485 : vector<16xf32> to vector<1x1x16xf32>
      tpu.vector_store %arg6[%swap3A_487, %swap3A_488, %swap3A_489], %swap3A_492 {strides = array<i32>} : memref<4x405x64xf32, #tpu.memory_space<vmem>>, vector<1x1x16xf32>,
      %mul3A_493 = arith.constant 2 : i32
      %mul3A_494 = arith.muli %mul3A_493, %scan3A_206 : i32
      %add3A_495 = arith.constant 0 : i32
      %add3A_496 = arith.addi %mul3A_494, %add3A_495 : i32
      %get3A_497 = arith.index_cast %add3A_496 : i32 to index
      %get3A_498 = arith.constant 224 : index
      %get3A_499 = tpu.vector_load %arg8[%get3A_497, %get3A_498] {strides = array<i32>} : memref<32x320xf32, #tpu.memory_space<vmem>>, vector<1x16xf32>,
      %get3A_500 = vector.shape_cast %get3A_499 : vector<1x16xf32> to vector<16xf32>
      %swap3A_501 = arith.constant 3 : i32
      %swap3A_502 = arith.index_cast %select_n3A_215 : i32 to index
      %swap3A_503 = arith.index_cast %swap3A_501 : i32 to index
      %swap3A_504 = arith.constant 32 : index
      %swap3A_505 = tpu.vector_load %arg6[%swap3A_502, %swap3A_503, %swap3A_504] {strides = array<i32>} : memref<4x405x64xf32, #tpu.memory_space<vmem>>, vector<1x1x16xf32>,
      %swap3A_506 = vector.shape_cast %swap3A_505 : vector<1x1x16xf32> to vector<16xf32>
      %swap3A_507 = vector.shape_cast %get3A_500 : vector<16xf32> to vector<1x1x16xf32>
      tpu.vector_store %arg6[%swap3A_502, %swap3A_503, %swap3A_504], %swap3A_507 {strides = array<i32>} : memref<4x405x64xf32, #tpu.memory_space<vmem>>, vector<1x1x16xf32>,
      %mul3A_508 = arith.constant 2 : i32
      %mul3A_509 = arith.muli %mul3A_508, %scan3A_206 : i32
      %add3A_510 = arith.constant 0 : i32
      %add3A_511 = arith.addi %mul3A_509, %add3A_510 : i32
      %get3A_512 = arith.index_cast %add3A_511 : i32 to index
      %get3A_513 = arith.constant 240 : index
      %get3A_514 = tpu.vector_load %arg8[%get3A_512, %get3A_513] {strides = array<i32>} : memref<32x320xf32, #tpu.memory_space<vmem>>, vector<1x16xf32>,
      %get3A_515 = vector.shape_cast %get3A_514 : vector<1x16xf32> to vector<16xf32>
      %swap3A_516 = arith.constant 3 : i32
      %swap3A_517 = arith.index_cast %select_n3A_215 : i32 to index
      %swap3A_518 = arith.index_cast %swap3A_516 : i32 to index
      %swap3A_519 = arith.constant 48 : index
      %swap3A_520 = tpu.vector_load %arg6[%swap3A_517, %swap3A_518, %swap3A_519] {strides = array<i32>} : memref<4x405x64xf32, #tpu.memory_space<vmem>>, vector<1x1x16xf32>,
      %swap3A_521 = vector.shape_cast %swap3A_520 : vector<1x1x16xf32> to vector<16xf32>
      %swap3A_522 = vector.shape_cast %get3A_515 : vector<16xf32> to vector<1x1x16xf32>
      tpu.vector_store %arg6[%swap3A_517, %swap3A_518, %swap3A_519], %swap3A_522 {strides = array<i32>} : memref<4x405x64xf32, #tpu.memory_space<vmem>>, vector<1x1x16xf32>,
      %mul3A_523 = arith.constant 2 : i32
      %mul3A_524 = arith.muli %mul3A_523, %scan3A_206 : i32
      %add3A_525 = arith.constant 0 : i32
      %add3A_526 = arith.addi %mul3A_524, %add3A_525 : i32
      %get3A_527 = arith.index_cast %add3A_526 : i32 to index
      %get3A_528 = arith.constant 256 : index
      %get3A_529 = tpu.vector_load %arg8[%get3A_527, %get3A_528] {strides = array<i32>} : memref<32x320xf32, #tpu.memory_space<vmem>>, vector<1x16xf32>,
      %get3A_530 = vector.shape_cast %get3A_529 : vector<1x16xf32> to vector<16xf32>
      %swap3A_531 = arith.constant 4 : i32
      %swap3A_532 = arith.index_cast %select_n3A_215 : i32 to index
      %swap3A_533 = arith.index_cast %swap3A_531 : i32 to index
      %swap3A_534 = arith.constant 0 : index
      %swap3A_535 = tpu.vector_load %arg6[%swap3A_532, %swap3A_533, %swap3A_534] {strides = array<i32>} : memref<4x405x64xf32, #tpu.memory_space<vmem>>, vector<1x1x16xf32>,
      %swap3A_536 = vector.shape_cast %swap3A_535 : vector<1x1x16xf32> to vector<16xf32>
      %swap3A_537 = vector.shape_cast %get3A_530 : vector<16xf32> to vector<1x1x16xf32>
      tpu.vector_store %arg6[%swap3A_532, %swap3A_533, %swap3A_534], %swap3A_537 {strides = array<i32>} : memref<4x405x64xf32, #tpu.memory_space<vmem>>, vector<1x1x16xf32>,
      %mul3A_538 = arith.constant 2 : i32
      %mul3A_539 = arith.muli %mul3A_538, %scan3A_206 : i32
      %add3A_540 = arith.constant 0 : i32
      %add3A_541 = arith.addi %mul3A_539, %add3A_540 : i32
      %get3A_542 = arith.index_cast %add3A_541 : i32 to index
      %get3A_543 = arith.constant 272 : index
      %get3A_544 = tpu.vector_load %arg8[%get3A_542, %get3A_543] {strides = array<i32>} : memref<32x320xf32, #tpu.memory_space<vmem>>, vector<1x16xf32>,
      %get3A_545 = vector.shape_cast %get3A_544 : vector<1x16xf32> to vector<16xf32>
      %swap3A_546 = arith.constant 4 : i32
      %swap3A_547 = arith.index_cast %select_n3A_215 : i32 to index
      %swap3A_548 = arith.index_cast %swap3A_546 : i32 to index
      %swap3A_549 = arith.constant 16 : index
      %swap3A_550 = tpu.vector_load %arg6[%swap3A_547, %swap3A_548, %swap3A_549] {strides = array<i32>} : memref<4x405x64xf32, #tpu.memory_space<vmem>>, vector<1x1x16xf32>,
      %swap3A_551 = vector.shape_cast %swap3A_550 : vector<1x1x16xf32> to vector<16xf32>
      %swap3A_552 = vector.shape_cast %get3A_545 : vector<16xf32> to vector<1x1x16xf32>
      tpu.vector_store %arg6[%swap3A_547, %swap3A_548, %swap3A_549], %swap3A_552 {strides = array<i32>} : memref<4x405x64xf32, #tpu.memory_space<vmem>>, vector<1x1x16xf32>,
      %mul3A_553 = arith.constant 2 : i32
      %mul3A_554 = arith.muli %mul3A_553, %scan3A_206 : i32
      %add3A_555 = arith.constant 0 : i32
      %add3A_556 = arith.addi %mul3A_554, %add3A_555 : i32
      %get3A_557 = arith.index_cast %add3A_556 : i32 to index
      %get3A_558 = arith.constant 288 : index
      %get3A_559 = tpu.vector_load %arg8[%get3A_557, %get3A_558] {strides = array<i32>} : memref<32x320xf32, #tpu.memory_space<vmem>>, vector<1x16xf32>,
      %get3A_560 = vector.shape_cast %get3A_559 : vector<1x16xf32> to vector<16xf32>
      %swap3A_561 = arith.constant 4 : i32
      %swap3A_562 = arith.index_cast %select_n3A_215 : i32 to index
      %swap3A_563 = arith.index_cast %swap3A_561 : i32 to index
      %swap3A_564 = arith.constant 32 : index
      %swap3A_565 = tpu.vector_load %arg6[%swap3A_562, %swap3A_563, %swap3A_564] {strides = array<i32>} : memref<4x405x64xf32, #tpu.memory_space<vmem>>, vector<1x1x16xf32>,
      %swap3A_566 = vector.shape_cast %swap3A_565 : vector<1x1x16xf32> to vector<16xf32>
      %swap3A_567 = vector.shape_cast %get3A_560 : vector<16xf32> to vector<1x1x16xf32>
      tpu.vector_store %arg6[%swap3A_562, %swap3A_563, %swap3A_564], %swap3A_567 {strides = array<i32>} : memref<4x405x64xf32, #tpu.memory_space<vmem>>, vector<1x1x16xf32>,
      %mul3A_568 = arith.constant 2 : i32
      %mul3A_569 = arith.muli %mul3A_568, %scan3A_206 : i32
      %add3A_570 = arith.constant 0 : i32
      %add3A_571 = arith.addi %mul3A_569, %add3A_570 : i32
      %get3A_572 = arith.index_cast %add3A_571 : i32 to index
      %get3A_573 = arith.constant 304 : index
      %get3A_574 = tpu.vector_load %arg8[%get3A_572, %get3A_573] {strides = array<i32>} : memref<32x320xf32, #tpu.memory_space<vmem>>, vector<1x16xf32>,
      %get3A_575 = vector.shape_cast %get3A_574 : vector<1x16xf32> to vector<16xf32>
      %swap3A_576 = arith.constant 4 : i32
      %swap3A_577 = arith.index_cast %select_n3A_215 : i32 to index
      %swap3A_578 = arith.index_cast %swap3A_576 : i32 to index
      %swap3A_579 = arith.constant 48 : index
      %swap3A_580 = tpu.vector_load %arg6[%swap3A_577, %swap3A_578, %swap3A_579] {strides = array<i32>} : memref<4x405x64xf32, #tpu.memory_space<vmem>>, vector<1x1x16xf32>,
      %swap3A_581 = vector.shape_cast %swap3A_580 : vector<1x1x16xf32> to vector<16xf32>
      %swap3A_582 = vector.shape_cast %get3A_575 : vector<16xf32> to vector<1x1x16xf32>
      tpu.vector_store %arg6[%swap3A_577, %swap3A_578, %swap3A_579], %swap3A_582 {strides = array<i32>} : memref<4x405x64xf32, #tpu.memory_space<vmem>>, vector<1x1x16xf32>,
      %mul3A_583 = arith.constant 2 : i32
      %mul3A_584 = arith.muli %mul3A_583, %scan3A_206 : i32
      %add3A_585 = arith.constant 1 : i32
      %add3A_586 = arith.addi %mul3A_584, %add3A_585 : i32
      %get3A_587 = arith.index_cast %add3A_586 : i32 to index
      %get3A_588 = arith.constant 0 : index
      %get3A_589 = tpu.vector_load %arg8[%get3A_587, %get3A_588] {strides = array<i32>} : memref<32x320xf32, #tpu.memory_space<vmem>>, vector<1x16xf32>,
      %get3A_590 = vector.shape_cast %get3A_589 : vector<1x16xf32> to vector<16xf32>
      %swap3A_591 = arith.constant 200 : i32
      %swap3A_592 = arith.index_cast %select_n3A_215 : i32 to index
      %swap3A_593 = arith.index_cast %swap3A_591 : i32 to index
      %swap3A_594 = arith.constant 0 : index
      %swap3A_595 = tpu.vector_load %arg6[%swap3A_592, %swap3A_593, %swap3A_594] {strides = array<i32>} : memref<4x405x64xf32, #tpu.memory_space<vmem>>, vector<1x1x16xf32>,
      %swap3A_596 = vector.shape_cast %swap3A_595 : vector<1x1x16xf32> to vector<16xf32>
      %swap3A_597 = vector.shape_cast %get3A_590 : vector<16xf32> to vector<1x1x16xf32>
      tpu.vector_store %arg6[%swap3A_592, %swap3A_593, %swap3A_594], %swap3A_597 {strides = array<i32>} : memref<4x405x64xf32, #tpu.memory_space<vmem>>, vector<1x1x16xf32>,
      %mul3A_598 = arith.constant 2 : i32
      %mul3A_599 = arith.muli %mul3A_598, %scan3A_206 : i32
      %add3A_600 = arith.constant 1 : i32
      %add3A_601 = arith.addi %mul3A_599, %add3A_600 : i32
      %get3A_602 = arith.index_cast %add3A_601 : i32 to index
      %get3A_603 = arith.constant 16 : index
      %get3A_604 = tpu.vector_load %arg8[%get3A_602, %get3A_603] {strides = array<i32>} : memref<32x320xf32, #tpu.memory_space<vmem>>, vector<1x16xf32>,
      %get3A_605 = vector.shape_cast %get3A_604 : vector<1x16xf32> to vector<16xf32>
      %swap3A_606 = arith.constant 200 : i32
      %swap3A_607 = arith.index_cast %select_n3A_215 : i32 to index
      %swap3A_608 = arith.index_cast %swap3A_606 : i32 to index
      %swap3A_609 = arith.constant 16 : index
      %swap3A_610 = tpu.vector_load %arg6[%swap3A_607, %swap3A_608, %swap3A_609] {strides = array<i32>} : memref<4x405x64xf32, #tpu.memory_space<vmem>>, vector<1x1x16xf32>,
      %swap3A_611 = vector.shape_cast %swap3A_610 : vector<1x1x16xf32> to vector<16xf32>
      %swap3A_612 = vector.shape_cast %get3A_605 : vector<16xf32> to vector<1x1x16xf32>
      tpu.vector_store %arg6[%swap3A_607, %swap3A_608, %swap3A_609], %swap3A_612 {strides = array<i32>} : memref<4x405x64xf32, #tpu.memory_space<vmem>>, vector<1x1x16xf32>,
      %mul3A_613 = arith.constant 2 : i32
      %mul3A_614 = arith.muli %mul3A_613, %scan3A_206 : i32
      %add3A_615 = arith.constant 1 : i32
      %add3A_616 = arith.addi %mul3A_614, %add3A_615 : i32
      %get3A_617 = arith.index_cast %add3A_616 : i32 to index
      %get3A_618 = arith.constant 32 : index
      %get3A_619 = tpu.vector_load %arg8[%get3A_617, %get3A_618] {strides = array<i32>} : memref<32x320xf32, #tpu.memory_space<vmem>>, vector<1x16xf32>,
      %get3A_620 = vector.shape_cast %get3A_619 : vector<1x16xf32> to vector<16xf32>
      %swap3A_621 = arith.constant 200 : i32
      %swap3A_622 = arith.index_cast %select_n3A_215 : i32 to index
      %swap3A_623 = arith.index_cast %swap3A_621 : i32 to index
      %swap3A_624 = arith.constant 32 : index
      %swap3A_625 = tpu.vector_load %arg6[%swap3A_622, %swap3A_623, %swap3A_624] {strides = array<i32>} : memref<4x405x64xf32, #tpu.memory_space<vmem>>, vector<1x1x16xf32>,
      %swap3A_626 = vector.shape_cast %swap3A_625 : vector<1x1x16xf32> to vector<16xf32>
      %swap3A_627 = vector.shape_cast %get3A_620 : vector<16xf32> to vector<1x1x16xf32>
      tpu.vector_store %arg6[%swap3A_622, %swap3A_623, %swap3A_624], %swap3A_627 {strides = array<i32>} : memref<4x405x64xf32, #tpu.memory_space<vmem>>, vector<1x1x16xf32>,
      %mul3A_628 = arith.constant 2 : i32
      %mul3A_629 = arith.muli %mul3A_628, %scan3A_206 : i32
      %add3A_630 = arith.constant 1 : i32
      %add3A_631 = arith.addi %mul3A_629, %add3A_630 : i32
      %get3A_632 = arith.index_cast %add3A_631 : i32 to index
      %get3A_633 = arith.constant 48 : index
      %get3A_634 = tpu.vector_load %arg8[%get3A_632, %get3A_633] {strides = array<i32>} : memref<32x320xf32, #tpu.memory_space<vmem>>, vector<1x16xf32>,
      %get3A_635 = vector.shape_cast %get3A_634 : vector<1x16xf32> to vector<16xf32>
      %swap3A_636 = arith.constant 200 : i32
      %swap3A_637 = arith.index_cast %select_n3A_215 : i32 to index
      %swap3A_638 = arith.index_cast %swap3A_636 : i32 to index
      %swap3A_639 = arith.constant 48 : index
      %swap3A_640 = tpu.vector_load %arg6[%swap3A_637, %swap3A_638, %swap3A_639] {strides = array<i32>} : memref<4x405x64xf32, #tpu.memory_space<vmem>>, vector<1x1x16xf32>,
      %swap3A_641 = vector.shape_cast %swap3A_640 : vector<1x1x16xf32> to vector<16xf32>
      %swap3A_642 = vector.shape_cast %get3A_635 : vector<16xf32> to vector<1x1x16xf32>
      tpu.vector_store %arg6[%swap3A_637, %swap3A_638, %swap3A_639], %swap3A_642 {strides = array<i32>} : memref<4x405x64xf32, #tpu.memory_space<vmem>>, vector<1x1x16xf32>,
      %mul3A_643 = arith.constant 2 : i32
      %mul3A_644 = arith.muli %mul3A_643, %scan3A_206 : i32
      %add3A_645 = arith.constant 1 : i32
      %add3A_646 = arith.addi %mul3A_644, %add3A_645 : i32
      %get3A_647 = arith.index_cast %add3A_646 : i32 to index
      %get3A_648 = arith.constant 64 : index
      %get3A_649 = tpu.vector_load %arg8[%get3A_647, %get3A_648] {strides = array<i32>} : memref<32x320xf32, #tpu.memory_space<vmem>>, vector<1x16xf32>,
      %get3A_650 = vector.shape_cast %get3A_649 : vector<1x16xf32> to vector<16xf32>
      %swap3A_651 = arith.constant 201 : i32
      %swap3A_652 = arith.index_cast %select_n3A_215 : i32 to index
      %swap3A_653 = arith.index_cast %swap3A_651 : i32 to index
      %swap3A_654 = arith.constant 0 : index
      %swap3A_655 = tpu.vector_load %arg6[%swap3A_652, %swap3A_653, %swap3A_654] {strides = array<i32>} : memref<4x405x64xf32, #tpu.memory_space<vmem>>, vector<1x1x16xf32>,
      %swap3A_656 = vector.shape_cast %swap3A_655 : vector<1x1x16xf32> to vector<16xf32>
      %swap3A_657 = vector.shape_cast %get3A_650 : vector<16xf32> to vector<1x1x16xf32>
      tpu.vector_store %arg6[%swap3A_652, %swap3A_653, %swap3A_654], %swap3A_657 {strides = array<i32>} : memref<4x405x64xf32, #tpu.memory_space<vmem>>, vector<1x1x16xf32>,
      %mul3A_658 = arith.constant 2 : i32
      %mul3A_659 = arith.muli %mul3A_658, %scan3A_206 : i32
      %add3A_660 = arith.constant 1 : i32
      %add3A_661 = arith.addi %mul3A_659, %add3A_660 : i32
      %get3A_662 = arith.index_cast %add3A_661 : i32 to index
      %get3A_663 = arith.constant 80 : index
      %get3A_664 = tpu.vector_load %arg8[%get3A_662, %get3A_663] {strides = array<i32>} : memref<32x320xf32, #tpu.memory_space<vmem>>, vector<1x16xf32>,
      %get3A_665 = vector.shape_cast %get3A_664 : vector<1x16xf32> to vector<16xf32>
      %swap3A_666 = arith.constant 201 : i32
      %swap3A_667 = arith.index_cast %select_n3A_215 : i32 to index
      %swap3A_668 = arith.index_cast %swap3A_666 : i32 to index
      %swap3A_669 = arith.constant 16 : index
      %swap3A_670 = tpu.vector_load %arg6[%swap3A_667, %swap3A_668, %swap3A_669] {strides = array<i32>} : memref<4x405x64xf32, #tpu.memory_space<vmem>>, vector<1x1x16xf32>,
      %swap3A_671 = vector.shape_cast %swap3A_670 : vector<1x1x16xf32> to vector<16xf32>
      %swap3A_672 = vector.shape_cast %get3A_665 : vector<16xf32> to vector<1x1x16xf32>
      tpu.vector_store %arg6[%swap3A_667, %swap3A_668, %swap3A_669], %swap3A_672 {strides = array<i32>} : memref<4x405x64xf32, #tpu.memory_space<vmem>>, vector<1x1x16xf32>,
      %mul3A_673 = arith.constant 2 : i32
      %mul3A_674 = arith.muli %mul3A_673, %scan3A_206 : i32
      %add3A_675 = arith.constant 1 : i32
      %add3A_676 = arith.addi %mul3A_674, %add3A_675 : i32
      %get3A_677 = arith.index_cast %add3A_676 : i32 to index
      %get3A_678 = arith.constant 96 : index
      %get3A_679 = tpu.vector_load %arg8[%get3A_677, %get3A_678] {strides = array<i32>} : memref<32x320xf32, #tpu.memory_space<vmem>>, vector<1x16xf32>,
      %get3A_680 = vector.shape_cast %get3A_679 : vector<1x16xf32> to vector<16xf32>
      %swap3A_681 = arith.constant 201 : i32
      %swap3A_682 = arith.index_cast %select_n3A_215 : i32 to index
      %swap3A_683 = arith.index_cast %swap3A_681 : i32 to index
      %swap3A_684 = arith.constant 32 : index
      %swap3A_685 = tpu.vector_load %arg6[%swap3A_682, %swap3A_683, %swap3A_684] {strides = array<i32>} : memref<4x405x64xf32, #tpu.memory_space<vmem>>, vector<1x1x16xf32>,
      %swap3A_686 = vector.shape_cast %swap3A_685 : vector<1x1x16xf32> to vector<16xf32>
      %swap3A_687 = vector.shape_cast %get3A_680 : vector<16xf32> to vector<1x1x16xf32>
      tpu.vector_store %arg6[%swap3A_682, %swap3A_683, %swap3A_684], %swap3A_687 {strides = array<i32>} : memref<4x405x64xf32, #tpu.memory_space<vmem>>, vector<1x1x16xf32>,
      %mul3A_688 = arith.constant 2 : i32
      %mul3A_689 = arith.muli %mul3A_688, %scan3A_206 : i32
      %add3A_690 = arith.constant 1 : i32
      %add3A_691 = arith.addi %mul3A_689, %add3A_690 : i32
      %get3A_692 = arith.index_cast %add3A_691 : i32 to index
      %get3A_693 = arith.constant 112 : index
      %get3A_694 = tpu.vector_load %arg8[%get3A_692, %get3A_693] {strides = array<i32>} : memref<32x320xf32, #tpu.memory_space<vmem>>, vector<1x16xf32>,
      %get3A_695 = vector.shape_cast %get3A_694 : vector<1x16xf32> to vector<16xf32>
      %swap3A_696 = arith.constant 201 : i32
      %swap3A_697 = arith.index_cast %select_n3A_215 : i32 to index
      %swap3A_698 = arith.index_cast %swap3A_696 : i32 to index
      %swap3A_699 = arith.constant 48 : index
      %swap3A_700 = tpu.vector_load %arg6[%swap3A_697, %swap3A_698, %swap3A_699] {strides = array<i32>} : memref<4x405x64xf32, #tpu.memory_space<vmem>>, vector<1x1x16xf32>,
      %swap3A_701 = vector.shape_cast %swap3A_700 : vector<1x1x16xf32> to vector<16xf32>
      %swap3A_702 = vector.shape_cast %get3A_695 : vector<16xf32> to vector<1x1x16xf32>
      tpu.vector_store %arg6[%swap3A_697, %swap3A_698, %swap3A_699], %swap3A_702 {strides = array<i32>} : memref<4x405x64xf32, #tpu.memory_space<vmem>>, vector<1x1x16xf32>,
      %mul3A_703 = arith.constant 2 : i32
      %mul3A_704 = arith.muli %mul3A_703, %scan3A_206 : i32
      %add3A_705 = arith.constant 1 : i32
      %add3A_706 = arith.addi %mul3A_704, %add3A_705 : i32
      %get3A_707 = arith.index_cast %add3A_706 : i32 to index
      %get3A_708 = arith.constant 128 : index
      %get3A_709 = tpu.vector_load %arg8[%get3A_707, %get3A_708] {strides = array<i32>} : memref<32x320xf32, #tpu.memory_space<vmem>>, vector<1x16xf32>,
      %get3A_710 = vector.shape_cast %get3A_709 : vector<1x16xf32> to vector<16xf32>
      %swap3A_711 = arith.constant 202 : i32
      %swap3A_712 = arith.index_cast %select_n3A_215 : i32 to index
      %swap3A_713 = arith.index_cast %swap3A_711 : i32 to index
      %swap3A_714 = arith.constant 0 : index
      %swap3A_715 = tpu.vector_load %arg6[%swap3A_712, %swap3A_713, %swap3A_714] {strides = array<i32>} : memref<4x405x64xf32, #tpu.memory_space<vmem>>, vector<1x1x16xf32>,
      %swap3A_716 = vector.shape_cast %swap3A_715 : vector<1x1x16xf32> to vector<16xf32>
      %swap3A_717 = vector.shape_cast %get3A_710 : vector<16xf32> to vector<1x1x16xf32>
      tpu.vector_store %arg6[%swap3A_712, %swap3A_713, %swap3A_714], %swap3A_717 {strides = array<i32>} : memref<4x405x64xf32, #tpu.memory_space<vmem>>, vector<1x1x16xf32>,
      %mul3A_718 = arith.constant 2 : i32
      %mul3A_719 = arith.muli %mul3A_718, %scan3A_206 : i32
      %add3A_720 = arith.constant 1 : i32
      %add3A_721 = arith.addi %mul3A_719, %add3A_720 : i32
      %get3A_722 = arith.index_cast %add3A_721 : i32 to index
      %get3A_723 = arith.constant 144 : index
      %get3A_724 = tpu.vector_load %arg8[%get3A_722, %get3A_723] {strides = array<i32>} : memref<32x320xf32, #tpu.memory_space<vmem>>, vector<1x16xf32>,
      %get3A_725 = vector.shape_cast %get3A_724 : vector<1x16xf32> to vector<16xf32>
      %swap3A_726 = arith.constant 202 : i32
      %swap3A_727 = arith.index_cast %select_n3A_215 : i32 to index
      %swap3A_728 = arith.index_cast %swap3A_726 : i32 to index
      %swap3A_729 = arith.constant 16 : index
      %swap3A_730 = tpu.vector_load %arg6[%swap3A_727, %swap3A_728, %swap3A_729] {strides = array<i32>} : memref<4x405x64xf32, #tpu.memory_space<vmem>>, vector<1x1x16xf32>,
      %swap3A_731 = vector.shape_cast %swap3A_730 : vector<1x1x16xf32> to vector<16xf32>
      %swap3A_732 = vector.shape_cast %get3A_725 : vector<16xf32> to vector<1x1x16xf32>
      tpu.vector_store %arg6[%swap3A_727, %swap3A_728, %swap3A_729], %swap3A_732 {strides = array<i32>} : memref<4x405x64xf32, #tpu.memory_space<vmem>>, vector<1x1x16xf32>,
      %mul3A_733 = arith.constant 2 : i32
      %mul3A_734 = arith.muli %mul3A_733, %scan3A_206 : i32
      %add3A_735 = arith.constant 1 : i32
      %add3A_736 = arith.addi %mul3A_734, %add3A_735 : i32
      %get3A_737 = arith.index_cast %add3A_736 : i32 to index
      %get3A_738 = arith.constant 160 : index
      %get3A_739 = tpu.vector_load %arg8[%get3A_737, %get3A_738] {strides = array<i32>} : memref<32x320xf32, #tpu.memory_space<vmem>>, vector<1x16xf32>,
      %get3A_740 = vector.shape_cast %get3A_739 : vector<1x16xf32> to vector<16xf32>
      %swap3A_741 = arith.constant 202 : i32
      %swap3A_742 = arith.index_cast %select_n3A_215 : i32 to index
      %swap3A_743 = arith.index_cast %swap3A_741 : i32 to index
      %swap3A_744 = arith.constant 32 : index
      %swap3A_745 = tpu.vector_load %arg6[%swap3A_742, %swap3A_743, %swap3A_744] {strides = array<i32>} : memref<4x405x64xf32, #tpu.memory_space<vmem>>, vector<1x1x16xf32>,
      %swap3A_746 = vector.shape_cast %swap3A_745 : vector<1x1x16xf32> to vector<16xf32>
      %swap3A_747 = vector.shape_cast %get3A_740 : vector<16xf32> to vector<1x1x16xf32>
      tpu.vector_store %arg6[%swap3A_742, %swap3A_743, %swap3A_744], %swap3A_747 {strides = array<i32>} : memref<4x405x64xf32, #tpu.memory_space<vmem>>, vector<1x1x16xf32>,
      %mul3A_748 = arith.constant 2 : i32
      %mul3A_749 = arith.muli %mul3A_748, %scan3A_206 : i32
      %add3A_750 = arith.constant 1 : i32
      %add3A_751 = arith.addi %mul3A_749, %add3A_750 : i32
      %get3A_752 = arith.index_cast %add3A_751 : i32 to index
      %get3A_753 = arith.constant 176 : index
      %get3A_754 = tpu.vector_load %arg8[%get3A_752, %get3A_753] {strides = array<i32>} : memref<32x320xf32, #tpu.memory_space<vmem>>, vector<1x16xf32>,
      %get3A_755 = vector.shape_cast %get3A_754 : vector<1x16xf32> to vector<16xf32>
      %swap3A_756 = arith.constant 202 : i32
      %swap3A_757 = arith.index_cast %select_n3A_215 : i32 to index
      %swap3A_758 = arith.index_cast %swap3A_756 : i32 to index
      %swap3A_759 = arith.constant 48 : index
      %swap3A_760 = tpu.vector_load %arg6[%swap3A_757, %swap3A_758, %swap3A_759] {strides = array<i32>} : memref<4x405x64xf32, #tpu.memory_space<vmem>>, vector<1x1x16xf32>,
      %swap3A_761 = vector.shape_cast %swap3A_760 : vector<1x1x16xf32> to vector<16xf32>
      %swap3A_762 = vector.shape_cast %get3A_755 : vector<16xf32> to vector<1x1x16xf32>
      tpu.vector_store %arg6[%swap3A_757, %swap3A_758, %swap3A_759], %swap3A_762 {strides = array<i32>} : memref<4x405x64xf32, #tpu.memory_space<vmem>>, vector<1x1x16xf32>,
      %mul3A_763 = arith.constant 2 : i32
      %mul3A_764 = arith.muli %mul3A_763, %scan3A_206 : i32
      %add3A_765 = arith.constant 1 : i32
      %add3A_766 = arith.addi %mul3A_764, %add3A_765 : i32
      %get3A_767 = arith.index_cast %add3A_766 : i32 to index
      %get3A_768 = arith.constant 192 : index
      %get3A_769 = tpu.vector_load %arg8[%get3A_767, %get3A_768] {strides = array<i32>} : memref<32x320xf32, #tpu.memory_space<vmem>>, vector<1x16xf32>,
      %get3A_770 = vector.shape_cast %get3A_769 : vector<1x16xf32> to vector<16xf32>
      %swap3A_771 = arith.constant 203 : i32
      %swap3A_772 = arith.index_cast %select_n3A_215 : i32 to index
      %swap3A_773 = arith.index_cast %swap3A_771 : i32 to index
      %swap3A_774 = arith.constant 0 : index
      %swap3A_775 = tpu.vector_load %arg6[%swap3A_772, %swap3A_773, %swap3A_774] {strides = array<i32>} : memref<4x405x64xf32, #tpu.memory_space<vmem>>, vector<1x1x16xf32>,
      %swap3A_776 = vector.shape_cast %swap3A_775 : vector<1x1x16xf32> to vector<16xf32>
      %swap3A_777 = vector.shape_cast %get3A_770 : vector<16xf32> to vector<1x1x16xf32>
      tpu.vector_store %arg6[%swap3A_772, %swap3A_773, %swap3A_774], %swap3A_777 {strides = array<i32>} : memref<4x405x64xf32, #tpu.memory_space<vmem>>, vector<1x1x16xf32>,
      %mul3A_778 = arith.constant 2 : i32
      %mul3A_779 = arith.muli %mul3A_778, %scan3A_206 : i32
      %add3A_780 = arith.constant 1 : i32
      %add3A_781 = arith.addi %mul3A_779, %add3A_780 : i32
      %get3A_782 = arith.index_cast %add3A_781 : i32 to index
      %get3A_783 = arith.constant 208 : index
      %get3A_784 = tpu.vector_load %arg8[%get3A_782, %get3A_783] {strides = array<i32>} : memref<32x320xf32, #tpu.memory_space<vmem>>, vector<1x16xf32>,
      %get3A_785 = vector.shape_cast %get3A_784 : vector<1x16xf32> to vector<16xf32>
      %swap3A_786 = arith.constant 203 : i32
      %swap3A_787 = arith.index_cast %select_n3A_215 : i32 to index
      %swap3A_788 = arith.index_cast %swap3A_786 : i32 to index
      %swap3A_789 = arith.constant 16 : index
      %swap3A_790 = tpu.vector_load %arg6[%swap3A_787, %swap3A_788, %swap3A_789] {strides = array<i32>} : memref<4x405x64xf32, #tpu.memory_space<vmem>>, vector<1x1x16xf32>,
      %swap3A_791 = vector.shape_cast %swap3A_790 : vector<1x1x16xf32> to vector<16xf32>
      %swap3A_792 = vector.shape_cast %get3A_785 : vector<16xf32> to vector<1x1x16xf32>
      tpu.vector_store %arg6[%swap3A_787, %swap3A_788, %swap3A_789], %swap3A_792 {strides = array<i32>} : memref<4x405x64xf32, #tpu.memory_space<vmem>>, vector<1x1x16xf32>,
      %mul3A_793 = arith.constant 2 : i32
      %mul3A_794 = arith.muli %mul3A_793, %scan3A_206 : i32
      %add3A_795 = arith.constant 1 : i32
      %add3A_796 = arith.addi %mul3A_794, %add3A_795 : i32
      %get3A_797 = arith.index_cast %add3A_796 : i32 to index
      %get3A_798 = arith.constant 224 : index
      %get3A_799 = tpu.vector_load %arg8[%get3A_797, %get3A_798] {strides = array<i32>} : memref<32x320xf32, #tpu.memory_space<vmem>>, vector<1x16xf32>,
      %get3A_800 = vector.shape_cast %get3A_799 : vector<1x16xf32> to vector<16xf32>
      %swap3A_801 = arith.constant 203 : i32
      %swap3A_802 = arith.index_cast %select_n3A_215 : i32 to index
      %swap3A_803 = arith.index_cast %swap3A_801 : i32 to index
      %swap3A_804 = arith.constant 32 : index
      %swap3A_805 = tpu.vector_load %arg6[%swap3A_802, %swap3A_803, %swap3A_804] {strides = array<i32>} : memref<4x405x64xf32, #tpu.memory_space<vmem>>, vector<1x1x16xf32>,
      %swap3A_806 = vector.shape_cast %swap3A_805 : vector<1x1x16xf32> to vector<16xf32>
      %swap3A_807 = vector.shape_cast %get3A_800 : vector<16xf32> to vector<1x1x16xf32>
      tpu.vector_store %arg6[%swap3A_802, %swap3A_803, %swap3A_804], %swap3A_807 {strides = array<i32>} : memref<4x405x64xf32, #tpu.memory_space<vmem>>, vector<1x1x16xf32>,
      %mul3A_808 = arith.constant 2 : i32
      %mul3A_809 = arith.muli %mul3A_808, %scan3A_206 : i32
      %add3A_810 = arith.constant 1 : i32
      %add3A_811 = arith.addi %mul3A_809, %add3A_810 : i32
      %get3A_812 = arith.index_cast %add3A_811 : i32 to index
      %get3A_813 = arith.constant 240 : index
      %get3A_814 = tpu.vector_load %arg8[%get3A_812, %get3A_813] {strides = array<i32>} : memref<32x320xf32, #tpu.memory_space<vmem>>, vector<1x16xf32>,
      %get3A_815 = vector.shape_cast %get3A_814 : vector<1x16xf32> to vector<16xf32>
      %swap3A_816 = arith.constant 203 : i32
      %swap3A_817 = arith.index_cast %select_n3A_215 : i32 to index
      %swap3A_818 = arith.index_cast %swap3A_816 : i32 to index
      %swap3A_819 = arith.constant 48 : index
      %swap3A_820 = tpu.vector_load %arg6[%swap3A_817, %swap3A_818, %swap3A_819] {strides = array<i32>} : memref<4x405x64xf32, #tpu.memory_space<vmem>>, vector<1x1x16xf32>,
      %swap3A_821 = vector.shape_cast %swap3A_820 : vector<1x1x16xf32> to vector<16xf32>
      %swap3A_822 = vector.shape_cast %get3A_815 : vector<16xf32> to vector<1x1x16xf32>
      tpu.vector_store %arg6[%swap3A_817, %swap3A_818, %swap3A_819], %swap3A_822 {strides = array<i32>} : memref<4x405x64xf32, #tpu.memory_space<vmem>>, vector<1x1x16xf32>,
      %mul3A_823 = arith.constant 2 : i32
      %mul3A_824 = arith.muli %mul3A_823, %scan3A_206 : i32
      %add3A_825 = arith.constant 1 : i32
      %add3A_826 = arith.addi %mul3A_824, %add3A_825 : i32
      %get3A_827 = arith.index_cast %add3A_826 : i32 to index
      %get3A_828 = arith.constant 256 : index
      %get3A_829 = tpu.vector_load %arg8[%get3A_827, %get3A_828] {strides = array<i32>} : memref<32x320xf32, #tpu.memory_space<vmem>>, vector<1x16xf32>,
      %get3A_830 = vector.shape_cast %get3A_829 : vector<1x16xf32> to vector<16xf32>
      %swap3A_831 = arith.constant 204 : i32
      %swap3A_832 = arith.index_cast %select_n3A_215 : i32 to index
      %swap3A_833 = arith.index_cast %swap3A_831 : i32 to index
      %swap3A_834 = arith.constant 0 : index
      %swap3A_835 = tpu.vector_load %arg6[%swap3A_832, %swap3A_833, %swap3A_834] {strides = array<i32>} : memref<4x405x64xf32, #tpu.memory_space<vmem>>, vector<1x1x16xf32>,
      %swap3A_836 = vector.shape_cast %swap3A_835 : vector<1x1x16xf32> to vector<16xf32>
      %swap3A_837 = vector.shape_cast %get3A_830 : vector<16xf32> to vector<1x1x16xf32>
      tpu.vector_store %arg6[%swap3A_832, %swap3A_833, %swap3A_834], %swap3A_837 {strides = array<i32>} : memref<4x405x64xf32, #tpu.memory_space<vmem>>, vector<1x1x16xf32>,
      %mul3A_838 = arith.constant 2 : i32
      %mul3A_839 = arith.muli %mul3A_838, %scan3A_206 : i32
      %add3A_840 = arith.constant 1 : i32
      %add3A_841 = arith.addi %mul3A_839, %add3A_840 : i32
      %get3A_842 = arith.index_cast %add3A_841 : i32 to index
      %get3A_843 = arith.constant 272 : index
      %get3A_844 = tpu.vector_load %arg8[%get3A_842, %get3A_843] {strides = array<i32>} : memref<32x320xf32, #tpu.memory_space<vmem>>, vector<1x16xf32>,
      %get3A_845 = vector.shape_cast %get3A_844 : vector<1x16xf32> to vector<16xf32>
      %swap3A_846 = arith.constant 204 : i32
      %swap3A_847 = arith.index_cast %select_n3A_215 : i32 to index
      %swap3A_848 = arith.index_cast %swap3A_846 : i32 to index
      %swap3A_849 = arith.constant 16 : index
      %swap3A_850 = tpu.vector_load %arg6[%swap3A_847, %swap3A_848, %swap3A_849] {strides = array<i32>} : memref<4x405x64xf32, #tpu.memory_space<vmem>>, vector<1x1x16xf32>,
      %swap3A_851 = vector.shape_cast %swap3A_850 : vector<1x1x16xf32> to vector<16xf32>
      %swap3A_852 = vector.shape_cast %get3A_845 : vector<16xf32> to vector<1x1x16xf32>
      tpu.vector_store %arg6[%swap3A_847, %swap3A_848, %swap3A_849], %swap3A_852 {strides = array<i32>} : memref<4x405x64xf32, #tpu.memory_space<vmem>>, vector<1x1x16xf32>,
      %mul3A_853 = arith.constant 2 : i32
      %mul3A_854 = arith.muli %mul3A_853, %scan3A_206 : i32
      %add3A_855 = arith.constant 1 : i32
      %add3A_856 = arith.addi %mul3A_854, %add3A_855 : i32
      %get3A_857 = arith.index_cast %add3A_856 : i32 to index
      %get3A_858 = arith.constant 288 : index
      %get3A_859 = tpu.vector_load %arg8[%get3A_857, %get3A_858] {strides = array<i32>} : memref<32x320xf32, #tpu.memory_space<vmem>>, vector<1x16xf32>,
      %get3A_860 = vector.shape_cast %get3A_859 : vector<1x16xf32> to vector<16xf32>
      %swap3A_861 = arith.constant 204 : i32
      %swap3A_862 = arith.index_cast %select_n3A_215 : i32 to index
      %swap3A_863 = arith.index_cast %swap3A_861 : i32 to index
      %swap3A_864 = arith.constant 32 : index
      %swap3A_865 = tpu.vector_load %arg6[%swap3A_862, %swap3A_863, %swap3A_864] {strides = array<i32>} : memref<4x405x64xf32, #tpu.memory_space<vmem>>, vector<1x1x16xf32>,
      %swap3A_866 = vector.shape_cast %swap3A_865 : vector<1x1x16xf32> to vector<16xf32>
      %swap3A_867 = vector.shape_cast %get3A_860 : vector<16xf32> to vector<1x1x16xf32>
      tpu.vector_store %arg6[%swap3A_862, %swap3A_863, %swap3A_864], %swap3A_867 {strides = array<i32>} : memref<4x405x64xf32, #tpu.memory_space<vmem>>, vector<1x1x16xf32>,
      %mul3A_868 = arith.constant 2 : i32
      %mul3A_869 = arith.muli %mul3A_868, %scan3A_206 : i32
      %add3A_870 = arith.constant 1 : i32
      %add3A_871 = arith.addi %mul3A_869, %add3A_870 : i32
      %get3A_872 = arith.index_cast %add3A_871 : i32 to index
      %get3A_873 = arith.constant 304 : index
      %get3A_874 = tpu.vector_load %arg8[%get3A_872, %get3A_873] {strides = array<i32>} : memref<32x320xf32, #tpu.memory_space<vmem>>, vector<1x16xf32>,
      %get3A_875 = vector.shape_cast %get3A_874 : vector<1x16xf32> to vector<16xf32>
      %swap3A_876 = arith.constant 204 : i32
      %swap3A_877 = arith.index_cast %select_n3A_215 : i32 to index
      %swap3A_878 = arith.index_cast %swap3A_876 : i32 to index
      %swap3A_879 = arith.constant 48 : index
      %swap3A_880 = tpu.vector_load %arg6[%swap3A_877, %swap3A_878, %swap3A_879] {strides = array<i32>} : memref<4x405x64xf32, #tpu.memory_space<vmem>>, vector<1x1x16xf32>,
      %swap3A_881 = vector.shape_cast %swap3A_880 : vector<1x1x16xf32> to vector<16xf32>
      %swap3A_882 = vector.shape_cast %get3A_875 : vector<16xf32> to vector<1x1x16xf32>
      tpu.vector_store %arg6[%swap3A_877, %swap3A_878, %swap3A_879], %swap3A_882 {strides = array<i32>} : memref<4x405x64xf32, #tpu.memory_space<vmem>>, vector<1x1x16xf32>,
      %mul3A_883 = arith.constant 2 : i32
      %mul3A_884 = arith.muli %mul3A_883, %scan3A_206 : i32
      %add3A_885 = arith.addi %mul3A_2, %mul3A_884 : i32
      %mul3A_886 = arith.constant 200 : i32
      %mul3A_887 = arith.muli %add3A_885, %mul3A_886 : i32
      %dma_start3A_888 = arith.constant 0 : i32
      %dma_start3A_889 = arith.constant 0 : i32
      %dma_start3A_890 = tpu.memref_slice %arg6[%select_n3A_215, %dma_start3A_888, %dma_start3A_889] : memref<4x405x64xf32, #tpu.memory_space<vmem>> -> memref<1x400x64xf32, #tpu.memory_space<vmem>>
      %dma_start3A_891 = tpu.memref_squeeze %dma_start3A_890 : memref<1x400x64xf32, #tpu.memory_space<vmem>> -> memref<400x64xf32, #tpu.memory_space<vmem>>
      %dma_start3A_892 = arith.constant 0 : i32
      %dma_start3A_893 = tpu.memref_slice %arg5[%mul3A_887, %dma_start3A_892] : memref<204800x64xf32, #tpu.memory_space<hbm>> -> memref<400x64xf32, #tpu.memory_space<hbm>>
      %dma_start3A_894 = tpu.memref_slice %arg10[%select_n3A_215] : memref<4x!tpu.dma_semaphore, #tpu.memory_space<semaphore_mem>> -> memref<1x!tpu.dma_semaphore, #tpu.memory_space<semaphore_mem>>
      %dma_start3A_895 = tpu.memref_squeeze %dma_start3A_894 : memref<1x!tpu.dma_semaphore, #tpu.memory_space<semaphore_mem>> -> memref<!tpu.dma_semaphore, #tpu.memory_space<semaphore_mem>>
      %dma_start3A_896 = arith.constant 0 : i32
      %dma_start3A_897 = tpu.memref_slice %arg5[%mul3A_887, %dma_start3A_896] : memref<204800x64xf32, #tpu.memory_space<hbm>> -> memref<400x64xf32, #tpu.memory_space<hbm>>
      %dma_start3A_898 = arith.constant 0 : i32
      %dma_start3A_899 = arith.constant 0 : i32
      %dma_start3A_900 = tpu.memref_slice %arg6[%select_n3A_215, %dma_start3A_898, %dma_start3A_899] : memref<4x405x64xf32, #tpu.memory_space<vmem>> -> memref<1x400x64xf32, #tpu.memory_space<vmem>>
      %dma_start3A_901 = tpu.memref_squeeze %dma_start3A_900 : memref<1x400x64xf32, #tpu.memory_space<vmem>> -> memref<400x64xf32, #tpu.memory_space<vmem>>
      tpu.enqueue_dma source(%dma_start3A_901 : memref<400x64xf32, #tpu.memory_space<vmem>>) target(%dma_start3A_897 : memref<400x64xf32, #tpu.memory_space<hbm>>) target_semaphore(%dma_start3A_895 : memref<!tpu.dma_semaphore, #tpu.memory_space<semaphore_mem>>)
    }
    %scan3A_134 = arith.constant 16 : i32
    %dma_wait3A = arith.constant 3 : i32
    %dma_wait3A_135 = arith.constant 3 : i32
    %dma_wait3A_136 = arith.constant 0 : i32
    %dma_wait3A_137 = arith.constant 0 : i32
    %dma_wait3A_138 = tpu.memref_slice %arg6[%dma_wait3A, %dma_wait3A_136, %dma_wait3A_137] : memref<4x405x64xf32, #tpu.memory_space<vmem>> -> memref<1x400x64xf32, #tpu.memory_space<vmem>>
    %dma_wait3A_139 = tpu.memref_squeeze %dma_wait3A_138 : memref<1x400x64xf32, #tpu.memory_space<vmem>> -> memref<400x64xf32, #tpu.memory_space<vmem>>
    %dma_wait3A_140 = arith.constant 0 : i32
    %dma_wait3A_141 = arith.constant 0 : i32
    %dma_wait3A_142 = tpu.memref_slice %arg5[%dma_wait3A_140, %dma_wait3A_141] : memref<204800x64xf32, #tpu.memory_space<hbm>> -> memref<400x64xf32, #tpu.memory_space<hbm>>
    %dma_wait3A_143 = tpu.memref_slice %arg10[%dma_wait3A_135] : memref<4x!tpu.dma_semaphore, #tpu.memory_space<semaphore_mem>> -> memref<1x!tpu.dma_semaphore, #tpu.memory_space<semaphore_mem>>
    %dma_wait3A_144 = tpu.memref_squeeze %dma_wait3A_143 : memref<1x!tpu.dma_semaphore, #tpu.memory_space<semaphore_mem>> -> memref<!tpu.dma_semaphore, #tpu.memory_space<semaphore_mem>>
    %dma_wait3A_145 = arith.constant 0 : i32
    %dma_wait3A_146 = arith.constant 0 : i32
    %dma_wait3A_147 = tpu.memref_slice %arg5[%dma_wait3A_145, %dma_wait3A_146] : memref<204800x64xf32, #tpu.memory_space<hbm>> -> memref<400x64xf32, #tpu.memory_space<hbm>>
    %dma_wait3A_148 = arith.constant 0 : i32
    %dma_wait3A_149 = arith.constant 0 : i32
    %dma_wait3A_150 = tpu.memref_slice %arg6[%dma_wait3A, %dma_wait3A_148, %dma_wait3A_149] : memref<4x405x64xf32, #tpu.memory_space<vmem>> -> memref<1x400x64xf32, #tpu.memory_space<vmem>>
    %dma_wait3A_151 = tpu.memref_squeeze %dma_wait3A_150 : memref<1x400x64xf32, #tpu.memory_space<vmem>> -> memref<400x64xf32, #tpu.memory_space<vmem>>
    tpu.wait_dma2 semaphore(%dma_wait3A_144 : memref<!tpu.dma_semaphore, #tpu.memory_space<semaphore_mem>>) src(%dma_wait3A_151 : memref<400x64xf32, #tpu.memory_space<vmem>>) dst(%dma_wait3A_147 : memref<400x64xf32, #tpu.memory_space<hbm>>)
    %dma_wait3A_152 = arith.constant 2 : i32
    %dma_wait3A_153 = arith.constant 2 : i32
    %dma_wait3A_154 = arith.constant 0 : i32
    %dma_wait3A_155 = arith.constant 0 : i32
    %dma_wait3A_156 = tpu.memref_slice %arg6[%dma_wait3A_152, %dma_wait3A_154, %dma_wait3A_155] : memref<4x405x64xf32, #tpu.memory_space<vmem>> -> memref<1x400x64xf32, #tpu.memory_space<vmem>>
    %dma_wait3A_157 = tpu.memref_squeeze %dma_wait3A_156 : memref<1x400x64xf32, #tpu.memory_space<vmem>> -> memref<400x64xf32, #tpu.memory_space<vmem>>
    %dma_wait3A_158 = arith.constant 0 : i32
    %dma_wait3A_159 = arith.constant 0 : i32
    %dma_wait3A_160 = tpu.memref_slice %arg5[%dma_wait3A_158, %dma_wait3A_159] : memref<204800x64xf32, #tpu.memory_space<hbm>> -> memref<400x64xf32, #tpu.memory_space<hbm>>
    %dma_wait3A_161 = tpu.memref_slice %arg10[%dma_wait3A_153] : memref<4x!tpu.dma_semaphore, #tpu.memory_space<semaphore_mem>> -> memref<1x!tpu.dma_semaphore, #tpu.memory_space<semaphore_mem>>
    %dma_wait3A_162 = tpu.memref_squeeze %dma_wait3A_161 : memref<1x!tpu.dma_semaphore, #tpu.memory_space<semaphore_mem>> -> memref<!tpu.dma_semaphore, #tpu.memory_space<semaphore_mem>>
    %dma_wait3A_163 = arith.constant 0 : i32
    %dma_wait3A_164 = arith.constant 0 : i32
    %dma_wait3A_165 = tpu.memref_slice %arg5[%dma_wait3A_163, %dma_wait3A_164] : memref<204800x64xf32, #tpu.memory_space<hbm>> -> memref<400x64xf32, #tpu.memory_space<hbm>>
    %dma_wait3A_166 = arith.constant 0 : i32
    %dma_wait3A_167 = arith.constant 0 : i32
    %dma_wait3A_168 = tpu.memref_slice %arg6[%dma_wait3A_152, %dma_wait3A_166, %dma_wait3A_167] : memref<4x405x64xf32, #tpu.memory_space<vmem>> -> memref<1x400x64xf32, #tpu.memory_space<vmem>>
    %dma_wait3A_169 = tpu.memref_squeeze %dma_wait3A_168 : memref<1x400x64xf32, #tpu.memory_space<vmem>> -> memref<400x64xf32, #tpu.memory_space<vmem>>
    tpu.wait_dma2 semaphore(%dma_wait3A_162 : memref<!tpu.dma_semaphore, #tpu.memory_space<semaphore_mem>>) src(%dma_wait3A_169 : memref<400x64xf32, #tpu.memory_space<vmem>>) dst(%dma_wait3A_165 : memref<400x64xf32, #tpu.memory_space<hbm>>)
    %dma_wait3A_170 = arith.constant 1 : i32
    %dma_wait3A_171 = arith.constant 1 : i32
    %dma_wait3A_172 = arith.constant 0 : i32
    %dma_wait3A_173 = arith.constant 0 : i32
    %dma_wait3A_174 = tpu.memref_slice %arg6[%dma_wait3A_170, %dma_wait3A_172, %dma_wait3A_173] : memref<4x405x64xf32, #tpu.memory_space<vmem>> -> memref<1x400x64xf32, #tpu.memory_space<vmem>>
    %dma_wait3A_175 = tpu.memref_squeeze %dma_wait3A_174 : memref<1x400x64xf32, #tpu.memory_space<vmem>> -> memref<400x64xf32, #tpu.memory_space<vmem>>
    %dma_wait3A_176 = arith.constant 0 : i32
    %dma_wait3A_177 = arith.constant 0 : i32
    %dma_wait3A_178 = tpu.memref_slice %arg5[%dma_wait3A_176, %dma_wait3A_177] : memref<204800x64xf32, #tpu.memory_space<hbm>> -> memref<400x64xf32, #tpu.memory_space<hbm>>
    %dma_wait3A_179 = tpu.memref_slice %arg10[%dma_wait3A_171] : memref<4x!tpu.dma_semaphore, #tpu.memory_space<semaphore_mem>> -> memref<1x!tpu.dma_semaphore, #tpu.memory_space<semaphore_mem>>
    %dma_wait3A_180 = tpu.memref_squeeze %dma_wait3A_179 : memref<1x!tpu.dma_semaphore, #tpu.memory_space<semaphore_mem>> -> memref<!tpu.dma_semaphore, #tpu.memory_space<semaphore_mem>>
    %dma_wait3A_181 = arith.constant 0 : i32
    %dma_wait3A_182 = arith.constant 0 : i32
    %dma_wait3A_183 = tpu.memref_slice %arg5[%dma_wait3A_181, %dma_wait3A_182] : memref<204800x64xf32, #tpu.memory_space<hbm>> -> memref<400x64xf32, #tpu.memory_space<hbm>>
    %dma_wait3A_184 = arith.constant 0 : i32
    %dma_wait3A_185 = arith.constant 0 : i32
    %dma_wait3A_186 = tpu.memref_slice %arg6[%dma_wait3A_170, %dma_wait3A_184, %dma_wait3A_185] : memref<4x405x64xf32, #tpu.memory_space<vmem>> -> memref<1x400x64xf32, #tpu.memory_space<vmem>>
    %dma_wait3A_187 = tpu.memref_squeeze %dma_wait3A_186 : memref<1x400x64xf32, #tpu.memory_space<vmem>> -> memref<400x64xf32, #tpu.memory_space<vmem>>
    tpu.wait_dma2 semaphore(%dma_wait3A_180 : memref<!tpu.dma_semaphore, #tpu.memory_space<semaphore_mem>>) src(%dma_wait3A_187 : memref<400x64xf32, #tpu.memory_space<vmem>>) dst(%dma_wait3A_183 : memref<400x64xf32, #tpu.memory_space<hbm>>)
    %dma_wait3A_188 = arith.constant 0 : i32
    %dma_wait3A_189 = arith.constant 0 : i32
    %dma_wait3A_190 = arith.constant 0 : i32
    %dma_wait3A_191 = arith.constant 0 : i32
    %dma_wait3A_192 = tpu.memref_slice %arg6[%dma_wait3A_188, %dma_wait3A_190, %dma_wait3A_191] : memref<4x405x64xf32, #tpu.memory_space<vmem>> -> memref<1x400x64xf32, #tpu.memory_space<vmem>>
    %dma_wait3A_193 = tpu.memref_squeeze %dma_wait3A_192 : memref<1x400x64xf32, #tpu.memory_space<vmem>> -> memref<400x64xf32, #tpu.memory_space<vmem>>
    %dma_wait3A_194 = arith.constant 0 : i32
    %dma_wait3A_195 = arith.constant 0 : i32
    %dma_wait3A_196 = tpu.memref_slice %arg5[%dma_wait3A_194, %dma_wait3A_195] : memref<204800x64xf32, #tpu.memory_space<hbm>> -> memref<400x64xf32, #tpu.memory_space<hbm>>
    %dma_wait3A_197 = tpu.memref_slice %arg10[%dma_wait3A_189] : memref<4x!tpu.dma_semaphore, #tpu.memory_space<semaphore_mem>> -> memref<1x!tpu.dma_semaphore, #tpu.memory_space<semaphore_mem>>
    %dma_wait3A_198 = tpu.memref_squeeze %dma_wait3A_197 : memref<1x!tpu.dma_semaphore, #tpu.memory_space<semaphore_mem>> -> memref<!tpu.dma_semaphore, #tpu.memory_space<semaphore_mem>>
    %dma_wait3A_199 = arith.constant 0 : i32
    %dma_wait3A_200 = arith.constant 0 : i32
    %dma_wait3A_201 = tpu.memref_slice %arg5[%dma_wait3A_199, %dma_wait3A_200] : memref<204800x64xf32, #tpu.memory_space<hbm>> -> memref<400x64xf32, #tpu.memory_space<hbm>>
    %dma_wait3A_202 = arith.constant 0 : i32
    %dma_wait3A_203 = arith.constant 0 : i32
    %dma_wait3A_204 = tpu.memref_slice %arg6[%dma_wait3A_188, %dma_wait3A_202, %dma_wait3A_203] : memref<4x405x64xf32, #tpu.memory_space<vmem>> -> memref<1x400x64xf32, #tpu.memory_space<vmem>>
    %dma_wait3A_205 = tpu.memref_squeeze %dma_wait3A_204 : memref<1x400x64xf32, #tpu.memory_space<vmem>> -> memref<400x64xf32, #tpu.memory_space<vmem>>
    tpu.wait_dma2 semaphore(%dma_wait3A_198 : memref<!tpu.dma_semaphore, #tpu.memory_space<semaphore_mem>>) src(%dma_wait3A_205 : memref<400x64xf32, #tpu.memory_space<vmem>>) dst(%dma_wait3A_201 : memref<400x64xf32, #tpu.memory_space<hbm>>)
    return
  }
}

module attributes {stable_mosaic.version = 14 : i64} {
  func.func @_beta_prefix_body(%arg0: i32, %arg1: memref<2x2xi32, #tpu.memory_space<smem>>, %arg2: memref<2x8x1024xf32, #tpu.memory_space<vmem>>, %arg3: memref<8x1024xf32, #tpu.memory_space<vmem>>) attributes {dimension_semantics = [#tpu.dimension_semantics<arbitrary>], iteration_bounds = array<i64: 40>, scalar_prefetch = 0 : i64, scratch_operands = 0 : i64, tpu.core_type = #tpu.core_type<tc>, window_params = [{transform_indices = @transform_0, window_bounds = array<i64: 2, 2>}, {transform_indices = @transform_1, window_bounds = array<i64: 2, 8, 1024>}, {transform_indices = @transform_2, window_bounds = array<i64: 8, 1024>}]} {
    %broadcast_in_dim3A = arith.constant 0 : i32
    %broadcast_in_dim3A_0 = vector.broadcast %broadcast_in_dim3A : i32 to vector<2x8x1024xi32>
    %broadcast_in_dim3A_1 = arith.constant 1 : i32
    %broadcast_in_dim3A_2 = vector.broadcast %broadcast_in_dim3A_1 : i32 to vector<2x8x1024xi32>
    %broadcast_in_dim3A_3 = arith.constant 2 : i32
    %broadcast_in_dim3A_4 = vector.broadcast %broadcast_in_dim3A_3 : i32 to vector<2x8x1024xi32>
    %iota3A = tpu.iota {dimensions = array<i32: 0>} : vector<2x8x1024xi32>
    %eq3A = arith.constant 0 : i32
    %eq3A_5 = vector.broadcast %eq3A : i32 to vector<2x8x1024xi32>
    %eq3A_6 = arith.cmpi eq, %iota3A, %eq3A_5 : vector<2x8x1024xi32>
    %get3A = arith.constant 0 : index
    %get3A_7 = arith.constant 0 : index
    %get3A_8 = memref.load %arg1[%get3A, %get3A_7] : memref<2x2xi32, #tpu.memory_space<smem>>
    %get3A_9 = arith.constant 1 : index
    %get3A_10 = arith.constant 0 : index
    %get3A_11 = memref.load %arg1[%get3A_9, %get3A_10] : memref<2x2xi32, #tpu.memory_space<smem>>
    %broadcast_in_dim3A_12 = vector.broadcast %get3A_8 : i32 to vector<2x8x1024xi32>
    %broadcast_in_dim3A_13 = vector.broadcast %get3A_11 : i32 to vector<2x8x1024xi32>
    %select_n3A = arith.select %eq3A_6, %broadcast_in_dim3A_12, %broadcast_in_dim3A_13 : vector<2x8x1024xi1>, vector<2x8x1024xi32>
    %eq3A_14 = arith.constant 0 : i32
    %eq3A_15 = vector.broadcast %eq3A_14 : i32 to vector<2x8x1024xi32>
    %eq3A_16 = arith.cmpi eq, %iota3A, %eq3A_15 : vector<2x8x1024xi32>
    %get3A_17 = arith.constant 0 : index
    %get3A_18 = arith.constant 1 : index
    %get3A_19 = memref.load %arg1[%get3A_17, %get3A_18] : memref<2x2xi32, #tpu.memory_space<smem>>
    %get3A_20 = arith.constant 1 : index
    %get3A_21 = arith.constant 1 : index
    %get3A_22 = memref.load %arg1[%get3A_20, %get3A_21] : memref<2x2xi32, #tpu.memory_space<smem>>
    %broadcast_in_dim3A_23 = vector.broadcast %get3A_19 : i32 to vector<2x8x1024xi32>
    %broadcast_in_dim3A_24 = vector.broadcast %get3A_22 : i32 to vector<2x8x1024xi32>
    %select_n3A_25 = arith.select %eq3A_16, %broadcast_in_dim3A_23, %broadcast_in_dim3A_24 : vector<2x8x1024xi1>, vector<2x8x1024xi32>
    %iota3A_26 = tpu.iota {dimensions = array<i32: 1>} : vector<2x8x1024xi32>
    %iota3A_27 = tpu.iota {dimensions = array<i32: 2>} : vector<2x8x1024xi32>
    %mul3A = arith.constant 8 : i32
    %mul3A_28 = arith.muli %arg0, %mul3A : i32
    %add3A = vector.broadcast %mul3A_28 : i32 to vector<2x8x1024xi32>
    %add3A_29 = arith.addi %add3A, %iota3A_26 : vector<2x8x1024xi32>
    %mul3A_30 = arith.constant 1024 : i32
    %mul3A_31 = vector.broadcast %mul3A_30 : i32 to vector<2x8x1024xi32>
    %mul3A_32 = arith.muli %add3A_29, %mul3A_31 : vector<2x8x1024xi32>
    %add3A_33 = arith.addi %mul3A_32, %iota3A_27 : vector<2x8x1024xi32>
    %xor3A = arith.xori %select_n3A, %select_n3A_25 : vector<2x8x1024xi32>
    %xor3A_34 = arith.constant 466688986 : i32
    %xor3A_35 = vector.broadcast %xor3A_34 : i32 to vector<2x8x1024xi32>
    %xor3A_36 = arith.xori %xor3A, %xor3A_35 : vector<2x8x1024xi32>
    %add3A_37 = arith.addi %broadcast_in_dim3A_0, %select_n3A : vector<2x8x1024xi32>
    %add3A_38 = arith.addi %add3A_33, %select_n3A_25 : vector<2x8x1024xi32>
    %add3A_39 = arith.addi %add3A_37, %add3A_38 : vector<2x8x1024xi32>
    %shift_left3A = arith.constant 13 : i32
    %shift_left3A_40 = vector.broadcast %shift_left3A : i32 to vector<2x8x1024xi32>
    %shift_left3A_41 = arith.shli %add3A_38, %shift_left3A_40 : vector<2x8x1024xi32>
    %shift_right_logical3A = arith.constant 19 : i32
    %shift_right_logical3A_42 = vector.broadcast %shift_right_logical3A : i32 to vector<2x8x1024xi32>
    %shift_right_logical3A_43 = arith.shrui %add3A_38, %shift_right_logical3A_42 : vector<2x8x1024xi32>
    %or3A = arith.ori %shift_left3A_41, %shift_right_logical3A_43 : vector<2x8x1024xi32>
    %xor3A_44 = arith.xori %add3A_39, %or3A : vector<2x8x1024xi32>
    %add3A_45 = arith.addi %add3A_39, %xor3A_44 : vector<2x8x1024xi32>
    %shift_left3A_46 = arith.constant 15 : i32
    %shift_left3A_47 = vector.broadcast %shift_left3A_46 : i32 to vector<2x8x1024xi32>
    %shift_left3A_48 = arith.shli %xor3A_44, %shift_left3A_47 : vector<2x8x1024xi32>
    %shift_right_logical3A_49 = arith.constant 17 : i32
    %shift_right_logical3A_50 = vector.broadcast %shift_right_logical3A_49 : i32 to vector<2x8x1024xi32>
    %shift_right_logical3A_51 = arith.shrui %xor3A_44, %shift_right_logical3A_50 : vector<2x8x1024xi32>
    %or3A_52 = arith.ori %shift_left3A_48, %shift_right_logical3A_51 : vector<2x8x1024xi32>
    %xor3A_53 = arith.xori %add3A_45, %or3A_52 : vector<2x8x1024xi32>
    %add3A_54 = arith.addi %add3A_45, %xor3A_53 : vector<2x8x1024xi32>
    %shift_left3A_55 = arith.constant 26 : i32
    %shift_left3A_56 = vector.broadcast %shift_left3A_55 : i32 to vector<2x8x1024xi32>
    %shift_left3A_57 = arith.shli %xor3A_53, %shift_left3A_56 : vector<2x8x1024xi32>
    %shift_right_logical3A_58 = arith.constant 6 : i32
    %shift_right_logical3A_59 = vector.broadcast %shift_right_logical3A_58 : i32 to vector<2x8x1024xi32>
    %shift_right_logical3A_60 = arith.shrui %xor3A_53, %shift_right_logical3A_59 : vector<2x8x1024xi32>
    %or3A_61 = arith.ori %shift_left3A_57, %shift_right_logical3A_60 : vector<2x8x1024xi32>
    %xor3A_62 = arith.xori %add3A_54, %or3A_61 : vector<2x8x1024xi32>
    %add3A_63 = arith.addi %add3A_54, %xor3A_62 : vector<2x8x1024xi32>
    %shift_left3A_64 = arith.constant 6 : i32
    %shift_left3A_65 = vector.broadcast %shift_left3A_64 : i32 to vector<2x8x1024xi32>
    %shift_left3A_66 = arith.shli %xor3A_62, %shift_left3A_65 : vector<2x8x1024xi32>
    %shift_right_logical3A_67 = arith.constant 26 : i32
    %shift_right_logical3A_68 = vector.broadcast %shift_right_logical3A_67 : i32 to vector<2x8x1024xi32>
    %shift_right_logical3A_69 = arith.shrui %xor3A_62, %shift_right_logical3A_68 : vector<2x8x1024xi32>
    %or3A_70 = arith.ori %shift_left3A_66, %shift_right_logical3A_69 : vector<2x8x1024xi32>
    %xor3A_71 = arith.xori %add3A_63, %or3A_70 : vector<2x8x1024xi32>
    %add3A_72 = arith.addi %add3A_63, %select_n3A_25 : vector<2x8x1024xi32>
    %add3A_73 = arith.addi %xor3A_71, %xor3A_36 : vector<2x8x1024xi32>
    %add3A_74 = arith.constant 1 : i32
    %add3A_75 = vector.broadcast %add3A_74 : i32 to vector<2x8x1024xi32>
    %add3A_76 = arith.addi %add3A_73, %add3A_75 : vector<2x8x1024xi32>
    %add3A_77 = arith.addi %add3A_72, %add3A_76 : vector<2x8x1024xi32>
    %shift_left3A_78 = arith.constant 17 : i32
    %shift_left3A_79 = vector.broadcast %shift_left3A_78 : i32 to vector<2x8x1024xi32>
    %shift_left3A_80 = arith.shli %add3A_76, %shift_left3A_79 : vector<2x8x1024xi32>
    %shift_right_logical3A_81 = arith.constant 15 : i32
    %shift_right_logical3A_82 = vector.broadcast %shift_right_logical3A_81 : i32 to vector<2x8x1024xi32>
    %shift_right_logical3A_83 = arith.shrui %add3A_76, %shift_right_logical3A_82 : vector<2x8x1024xi32>
    %or3A_84 = arith.ori %shift_left3A_80, %shift_right_logical3A_83 : vector<2x8x1024xi32>
    %xor3A_85 = arith.xori %add3A_77, %or3A_84 : vector<2x8x1024xi32>
    %add3A_86 = arith.addi %add3A_77, %xor3A_85 : vector<2x8x1024xi32>
    %shift_left3A_87 = arith.constant 29 : i32
    %shift_left3A_88 = vector.broadcast %shift_left3A_87 : i32 to vector<2x8x1024xi32>
    %shift_left3A_89 = arith.shli %xor3A_85, %shift_left3A_88 : vector<2x8x1024xi32>
    %shift_right_logical3A_90 = arith.constant 3 : i32
    %shift_right_logical3A_91 = vector.broadcast %shift_right_logical3A_90 : i32 to vector<2x8x1024xi32>
    %shift_right_logical3A_92 = arith.shrui %xor3A_85, %shift_right_logical3A_91 : vector<2x8x1024xi32>
    %or3A_93 = arith.ori %shift_left3A_89, %shift_right_logical3A_92 : vector<2x8x1024xi32>
    %xor3A_94 = arith.xori %add3A_86, %or3A_93 : vector<2x8x1024xi32>
    %add3A_95 = arith.addi %add3A_86, %xor3A_94 : vector<2x8x1024xi32>
    %shift_left3A_96 = arith.constant 16 : i32
    %shift_left3A_97 = vector.broadcast %shift_left3A_96 : i32 to vector<2x8x1024xi32>
    %shift_left3A_98 = arith.shli %xor3A_94, %shift_left3A_97 : vector<2x8x1024xi32>
    %shift_right_logical3A_99 = arith.constant 16 : i32
    %shift_right_logical3A_100 = vector.broadcast %shift_right_logical3A_99 : i32 to vector<2x8x1024xi32>
    %shift_right_logical3A_101 = arith.shrui %xor3A_94, %shift_right_logical3A_100 : vector<2x8x1024xi32>
    %or3A_102 = arith.ori %shift_left3A_98, %shift_right_logical3A_101 : vector<2x8x1024xi32>
    %xor3A_103 = arith.xori %add3A_95, %or3A_102 : vector<2x8x1024xi32>
    %add3A_104 = arith.addi %add3A_95, %xor3A_103 : vector<2x8x1024xi32>
    %shift_left3A_105 = arith.constant 24 : i32
    %shift_left3A_106 = vector.broadcast %shift_left3A_105 : i32 to vector<2x8x1024xi32>
    %shift_left3A_107 = arith.shli %xor3A_103, %shift_left3A_106 : vector<2x8x1024xi32>
    %shift_right_logical3A_108 = arith.constant 8 : i32
    %shift_right_logical3A_109 = vector.broadcast %shift_right_logical3A_108 : i32 to vector<2x8x1024xi32>
    %shift_right_logical3A_110 = arith.shrui %xor3A_103, %shift_right_logical3A_109 : vector<2x8x1024xi32>
    %or3A_111 = arith.ori %shift_left3A_107, %shift_right_logical3A_110 : vector<2x8x1024xi32>
    %xor3A_112 = arith.xori %add3A_104, %or3A_111 : vector<2x8x1024xi32>
    %add3A_113 = arith.addi %add3A_104, %xor3A_36 : vector<2x8x1024xi32>
    %add3A_114 = arith.addi %xor3A_112, %select_n3A : vector<2x8x1024xi32>
    %add3A_115 = arith.constant 2 : i32
    %add3A_116 = vector.broadcast %add3A_115 : i32 to vector<2x8x1024xi32>
    %add3A_117 = arith.addi %add3A_114, %add3A_116 : vector<2x8x1024xi32>
    %add3A_118 = arith.addi %add3A_113, %add3A_117 : vector<2x8x1024xi32>
    %shift_left3A_119 = arith.constant 13 : i32
    %shift_left3A_120 = vector.broadcast %shift_left3A_119 : i32 to vector<2x8x1024xi32>
    %shift_left3A_121 = arith.shli %add3A_117, %shift_left3A_120 : vector<2x8x1024xi32>
    %shift_right_logical3A_122 = arith.constant 19 : i32
    %shift_right_logical3A_123 = vector.broadcast %shift_right_logical3A_122 : i32 to vector<2x8x1024xi32>
    %shift_right_logical3A_124 = arith.shrui %add3A_117, %shift_right_logical3A_123 : vector<2x8x1024xi32>
    %or3A_125 = arith.ori %shift_left3A_121, %shift_right_logical3A_124 : vector<2x8x1024xi32>
    %xor3A_126 = arith.xori %add3A_118, %or3A_125 : vector<2x8x1024xi32>
    %add3A_127 = arith.addi %add3A_118, %xor3A_126 : vector<2x8x1024xi32>
    %shift_left3A_128 = arith.constant 15 : i32
    %shift_left3A_129 = vector.broadcast %shift_left3A_128 : i32 to vector<2x8x1024xi32>
    %shift_left3A_130 = arith.shli %xor3A_126, %shift_left3A_129 : vector<2x8x1024xi32>
    %shift_right_logical3A_131 = arith.constant 17 : i32
    %shift_right_logical3A_132 = vector.broadcast %shift_right_logical3A_131 : i32 to vector<2x8x1024xi32>
    %shift_right_logical3A_133 = arith.shrui %xor3A_126, %shift_right_logical3A_132 : vector<2x8x1024xi32>
    %or3A_134 = arith.ori %shift_left3A_130, %shift_right_logical3A_133 : vector<2x8x1024xi32>
    %xor3A_135 = arith.xori %add3A_127, %or3A_134 : vector<2x8x1024xi32>
    %add3A_136 = arith.addi %add3A_127, %xor3A_135 : vector<2x8x1024xi32>
    %shift_left3A_137 = arith.constant 26 : i32
    %shift_left3A_138 = vector.broadcast %shift_left3A_137 : i32 to vector<2x8x1024xi32>
    %shift_left3A_139 = arith.shli %xor3A_135, %shift_left3A_138 : vector<2x8x1024xi32>
    %shift_right_logical3A_140 = arith.constant 6 : i32
    %shift_right_logical3A_141 = vector.broadcast %shift_right_logical3A_140 : i32 to vector<2x8x1024xi32>
    %shift_right_logical3A_142 = arith.shrui %xor3A_135, %shift_right_logical3A_141 : vector<2x8x1024xi32>
    %or3A_143 = arith.ori %shift_left3A_139, %shift_right_logical3A_142 : vector<2x8x1024xi32>
    %xor3A_144 = arith.xori %add3A_136, %or3A_143 : vector<2x8x1024xi32>
    %add3A_145 = arith.addi %add3A_136, %xor3A_144 : vector<2x8x1024xi32>
    %shift_left3A_146 = arith.constant 6 : i32
    %shift_left3A_147 = vector.broadcast %shift_left3A_146 : i32 to vector<2x8x1024xi32>
    %shift_left3A_148 = arith.shli %xor3A_144, %shift_left3A_147 : vector<2x8x1024xi32>
    %shift_right_logical3A_149 = arith.constant 26 : i32
    %shift_right_logical3A_150 = vector.broadcast %shift_right_logical3A_149 : i32 to vector<2x8x1024xi32>
    %shift_right_logical3A_151 = arith.shrui %xor3A_144, %shift_right_logical3A_150 : vector<2x8x1024xi32>
    %or3A_152 = arith.ori %shift_left3A_148, %shift_right_logical3A_151 : vector<2x8x1024xi32>
    %xor3A_153 = arith.xori %add3A_145, %or3A_152 : vector<2x8x1024xi32>
    %add3A_154 = arith.addi %add3A_145, %select_n3A : vector<2x8x1024xi32>
    %add3A_155 = arith.addi %xor3A_153, %select_n3A_25 : vector<2x8x1024xi32>
    %add3A_156 = arith.constant 3 : i32
    %add3A_157 = vector.broadcast %add3A_156 : i32 to vector<2x8x1024xi32>
    %add3A_158 = arith.addi %add3A_155, %add3A_157 : vector<2x8x1024xi32>
    %add3A_159 = arith.addi %add3A_154, %add3A_158 : vector<2x8x1024xi32>
    %shift_left3A_160 = arith.constant 17 : i32
    %shift_left3A_161 = vector.broadcast %shift_left3A_160 : i32 to vector<2x8x1024xi32>
    %shift_left3A_162 = arith.shli %add3A_158, %shift_left3A_161 : vector<2x8x1024xi32>
    %shift_right_logical3A_163 = arith.constant 15 : i32
    %shift_right_logical3A_164 = vector.broadcast %shift_right_logical3A_163 : i32 to vector<2x8x1024xi32>
    %shift_right_logical3A_165 = arith.shrui %add3A_158, %shift_right_logical3A_164 : vector<2x8x1024xi32>
    %or3A_166 = arith.ori %shift_left3A_162, %shift_right_logical3A_165 : vector<2x8x1024xi32>
    %xor3A_167 = arith.xori %add3A_159, %or3A_166 : vector<2x8x1024xi32>
    %add3A_168 = arith.addi %add3A_159, %xor3A_167 : vector<2x8x1024xi32>
    %shift_left3A_169 = arith.constant 29 : i32
    %shift_left3A_170 = vector.broadcast %shift_left3A_169 : i32 to vector<2x8x1024xi32>
    %shift_left3A_171 = arith.shli %xor3A_167, %shift_left3A_170 : vector<2x8x1024xi32>
    %shift_right_logical3A_172 = arith.constant 3 : i32
    %shift_right_logical3A_173 = vector.broadcast %shift_right_logical3A_172 : i32 to vector<2x8x1024xi32>
    %shift_right_logical3A_174 = arith.shrui %xor3A_167, %shift_right_logical3A_173 : vector<2x8x1024xi32>
    %or3A_175 = arith.ori %shift_left3A_171, %shift_right_logical3A_174 : vector<2x8x1024xi32>
    %xor3A_176 = arith.xori %add3A_168, %or3A_175 : vector<2x8x1024xi32>
    %add3A_177 = arith.addi %add3A_168, %xor3A_176 : vector<2x8x1024xi32>
    %shift_left3A_178 = arith.constant 16 : i32
    %shift_left3A_179 = vector.broadcast %shift_left3A_178 : i32 to vector<2x8x1024xi32>
    %shift_left3A_180 = arith.shli %xor3A_176, %shift_left3A_179 : vector<2x8x1024xi32>
    %shift_right_logical3A_181 = arith.constant 16 : i32
    %shift_right_logical3A_182 = vector.broadcast %shift_right_logical3A_181 : i32 to vector<2x8x1024xi32>
    %shift_right_logical3A_183 = arith.shrui %xor3A_176, %shift_right_logical3A_182 : vector<2x8x1024xi32>
    %or3A_184 = arith.ori %shift_left3A_180, %shift_right_logical3A_183 : vector<2x8x1024xi32>
    %xor3A_185 = arith.xori %add3A_177, %or3A_184 : vector<2x8x1024xi32>
    %add3A_186 = arith.addi %add3A_177, %xor3A_185 : vector<2x8x1024xi32>
    %shift_left3A_187 = arith.constant 24 : i32
    %shift_left3A_188 = vector.broadcast %shift_left3A_187 : i32 to vector<2x8x1024xi32>
    %shift_left3A_189 = arith.shli %xor3A_185, %shift_left3A_188 : vector<2x8x1024xi32>
    %shift_right_logical3A_190 = arith.constant 8 : i32
    %shift_right_logical3A_191 = vector.broadcast %shift_right_logical3A_190 : i32 to vector<2x8x1024xi32>
    %shift_right_logical3A_192 = arith.shrui %xor3A_185, %shift_right_logical3A_191 : vector<2x8x1024xi32>
    %or3A_193 = arith.ori %shift_left3A_189, %shift_right_logical3A_192 : vector<2x8x1024xi32>
    %xor3A_194 = arith.xori %add3A_186, %or3A_193 : vector<2x8x1024xi32>
    %add3A_195 = arith.addi %add3A_186, %select_n3A_25 : vector<2x8x1024xi32>
    %add3A_196 = arith.addi %xor3A_194, %xor3A_36 : vector<2x8x1024xi32>
    %add3A_197 = arith.constant 4 : i32
    %add3A_198 = vector.broadcast %add3A_197 : i32 to vector<2x8x1024xi32>
    %add3A_199 = arith.addi %add3A_196, %add3A_198 : vector<2x8x1024xi32>
    %add3A_200 = arith.addi %add3A_195, %add3A_199 : vector<2x8x1024xi32>
    %shift_left3A_201 = arith.constant 13 : i32
    %shift_left3A_202 = vector.broadcast %shift_left3A_201 : i32 to vector<2x8x1024xi32>
    %shift_left3A_203 = arith.shli %add3A_199, %shift_left3A_202 : vector<2x8x1024xi32>
    %shift_right_logical3A_204 = arith.constant 19 : i32
    %shift_right_logical3A_205 = vector.broadcast %shift_right_logical3A_204 : i32 to vector<2x8x1024xi32>
    %shift_right_logical3A_206 = arith.shrui %add3A_199, %shift_right_logical3A_205 : vector<2x8x1024xi32>
    %or3A_207 = arith.ori %shift_left3A_203, %shift_right_logical3A_206 : vector<2x8x1024xi32>
    %xor3A_208 = arith.xori %add3A_200, %or3A_207 : vector<2x8x1024xi32>
    %add3A_209 = arith.addi %add3A_200, %xor3A_208 : vector<2x8x1024xi32>
    %shift_left3A_210 = arith.constant 15 : i32
    %shift_left3A_211 = vector.broadcast %shift_left3A_210 : i32 to vector<2x8x1024xi32>
    %shift_left3A_212 = arith.shli %xor3A_208, %shift_left3A_211 : vector<2x8x1024xi32>
    %shift_right_logical3A_213 = arith.constant 17 : i32
    %shift_right_logical3A_214 = vector.broadcast %shift_right_logical3A_213 : i32 to vector<2x8x1024xi32>
    %shift_right_logical3A_215 = arith.shrui %xor3A_208, %shift_right_logical3A_214 : vector<2x8x1024xi32>
    %or3A_216 = arith.ori %shift_left3A_212, %shift_right_logical3A_215 : vector<2x8x1024xi32>
    %xor3A_217 = arith.xori %add3A_209, %or3A_216 : vector<2x8x1024xi32>
    %add3A_218 = arith.addi %add3A_209, %xor3A_217 : vector<2x8x1024xi32>
    %shift_left3A_219 = arith.constant 26 : i32
    %shift_left3A_220 = vector.broadcast %shift_left3A_219 : i32 to vector<2x8x1024xi32>
    %shift_left3A_221 = arith.shli %xor3A_217, %shift_left3A_220 : vector<2x8x1024xi32>
    %shift_right_logical3A_222 = arith.constant 6 : i32
    %shift_right_logical3A_223 = vector.broadcast %shift_right_logical3A_222 : i32 to vector<2x8x1024xi32>
    %shift_right_logical3A_224 = arith.shrui %xor3A_217, %shift_right_logical3A_223 : vector<2x8x1024xi32>
    %or3A_225 = arith.ori %shift_left3A_221, %shift_right_logical3A_224 : vector<2x8x1024xi32>
    %xor3A_226 = arith.xori %add3A_218, %or3A_225 : vector<2x8x1024xi32>
    %add3A_227 = arith.addi %add3A_218, %xor3A_226 : vector<2x8x1024xi32>
    %shift_left3A_228 = arith.constant 6 : i32
    %shift_left3A_229 = vector.broadcast %shift_left3A_228 : i32 to vector<2x8x1024xi32>
    %shift_left3A_230 = arith.shli %xor3A_226, %shift_left3A_229 : vector<2x8x1024xi32>
    %shift_right_logical3A_231 = arith.constant 26 : i32
    %shift_right_logical3A_232 = vector.broadcast %shift_right_logical3A_231 : i32 to vector<2x8x1024xi32>
    %shift_right_logical3A_233 = arith.shrui %xor3A_226, %shift_right_logical3A_232 : vector<2x8x1024xi32>
    %or3A_234 = arith.ori %shift_left3A_230, %shift_right_logical3A_233 : vector<2x8x1024xi32>
    %xor3A_235 = arith.xori %add3A_227, %or3A_234 : vector<2x8x1024xi32>
    %add3A_236 = arith.addi %add3A_227, %xor3A_36 : vector<2x8x1024xi32>
    %add3A_237 = arith.addi %xor3A_235, %select_n3A : vector<2x8x1024xi32>
    %add3A_238 = arith.constant 5 : i32
    %add3A_239 = vector.broadcast %add3A_238 : i32 to vector<2x8x1024xi32>
    %add3A_240 = arith.addi %add3A_237, %add3A_239 : vector<2x8x1024xi32>
    %get3A_241 = arith.constant 0 : index
    %get3A_242 = arith.constant 0 : index
    %get3A_243 = arith.constant 0 : index
    %get3A_244 = vector.load %arg2[%get3A_241, %get3A_242, %get3A_243] : memref<2x8x1024xf32, #tpu.memory_space<vmem>>, vector<2x8x1024xf32>
    %ge3A = arith.constant 1.000000e+00 : f32
    %ge3A_245 = vector.broadcast %ge3A : f32 to vector<2x8x1024xf32>
    %ge3A_246 = arith.cmpf oge, %get3A_244, %ge3A_245 : vector<2x8x1024xf32>
    %add3A_247 = arith.constant 1.000000e+00 : f32
    %add3A_248 = vector.broadcast %add3A_247 : f32 to vector<2x8x1024xf32>
    %add3A_249 = arith.addf %get3A_244, %add3A_248 : vector<2x8x1024xf32>
    %select_n3A_250 = arith.select %ge3A_246, %get3A_244, %add3A_249 : vector<2x8x1024xi1>, vector<2x8x1024xf32>
    %sub3A = arith.constant 0.333333343 : f32
    %sub3A_251 = vector.broadcast %sub3A : f32 to vector<2x8x1024xf32>
    %sub3A_252 = arith.subf %select_n3A_250, %sub3A_251 : vector<2x8x1024xf32>
    %sqrt3A = math.sqrt %sub3A_252 : vector<2x8x1024xf32>
    %div3A = arith.constant 0.333333343 : f32
    %div3A_253 = vector.broadcast %div3A : f32 to vector<2x8x1024xf32>
    %div3A_254 = arith.divf %div3A_253, %sqrt3A : vector<2x8x1024xf32>
    %xor3A_255 = arith.xori %add3A_236, %add3A_240 : vector<2x8x1024xi32>
    %xor3A_256 = arith.constant 466688986 : i32
    %xor3A_257 = vector.broadcast %xor3A_256 : i32 to vector<2x8x1024xi32>
    %xor3A_258 = arith.xori %xor3A_255, %xor3A_257 : vector<2x8x1024xi32>
    %add3A_259 = arith.addi %broadcast_in_dim3A_0, %add3A_236 : vector<2x8x1024xi32>
    %add3A_260 = arith.addi %broadcast_in_dim3A_0, %add3A_240 : vector<2x8x1024xi32>
    %add3A_261 = arith.addi %add3A_259, %add3A_260 : vector<2x8x1024xi32>
    %shift_left3A_262 = arith.constant 13 : i32
    %shift_left3A_263 = vector.broadcast %shift_left3A_262 : i32 to vector<2x8x1024xi32>
    %shift_left3A_264 = arith.shli %add3A_260, %shift_left3A_263 : vector<2x8x1024xi32>
    %shift_right_logical3A_265 = arith.constant 19 : i32
    %shift_right_logical3A_266 = vector.broadcast %shift_right_logical3A_265 : i32 to vector<2x8x1024xi32>
    %shift_right_logical3A_267 = arith.shrui %add3A_260, %shift_right_logical3A_266 : vector<2x8x1024xi32>
    %or3A_268 = arith.ori %shift_left3A_264, %shift_right_logical3A_267 : vector<2x8x1024xi32>
    %xor3A_269 = arith.xori %add3A_261, %or3A_268 : vector<2x8x1024xi32>
    %add3A_270 = arith.addi %add3A_261, %xor3A_269 : vector<2x8x1024xi32>
    %shift_left3A_271 = arith.constant 15 : i32
    %shift_left3A_272 = vector.broadcast %shift_left3A_271 : i32 to vector<2x8x1024xi32>
    %shift_left3A_273 = arith.shli %xor3A_269, %shift_left3A_272 : vector<2x8x1024xi32>
    %shift_right_logical3A_274 = arith.constant 17 : i32
    %shift_right_logical3A_275 = vector.broadcast %shift_right_logical3A_274 : i32 to vector<2x8x1024xi32>
    %shift_right_logical3A_276 = arith.shrui %xor3A_269, %shift_right_logical3A_275 : vector<2x8x1024xi32>
    %or3A_277 = arith.ori %shift_left3A_273, %shift_right_logical3A_276 : vector<2x8x1024xi32>
    %xor3A_278 = arith.xori %add3A_270, %or3A_277 : vector<2x8x1024xi32>
    %add3A_279 = arith.addi %add3A_270, %xor3A_278 : vector<2x8x1024xi32>
    %shift_left3A_280 = arith.constant 26 : i32
    %shift_left3A_281 = vector.broadcast %shift_left3A_280 : i32 to vector<2x8x1024xi32>
    %shift_left3A_282 = arith.shli %xor3A_278, %shift_left3A_281 : vector<2x8x1024xi32>
    %shift_right_logical3A_283 = arith.constant 6 : i32
    %shift_right_logical3A_284 = vector.broadcast %shift_right_logical3A_283 : i32 to vector<2x8x1024xi32>
    %shift_right_logical3A_285 = arith.shrui %xor3A_278, %shift_right_logical3A_284 : vector<2x8x1024xi32>
    %or3A_286 = arith.ori %shift_left3A_282, %shift_right_logical3A_285 : vector<2x8x1024xi32>
    %xor3A_287 = arith.xori %add3A_279, %or3A_286 : vector<2x8x1024xi32>
    %add3A_288 = arith.addi %add3A_279, %xor3A_287 : vector<2x8x1024xi32>
    %shift_left3A_289 = arith.constant 6 : i32
    %shift_left3A_290 = vector.broadcast %shift_left3A_289 : i32 to vector<2x8x1024xi32>
    %shift_left3A_291 = arith.shli %xor3A_287, %shift_left3A_290 : vector<2x8x1024xi32>
    %shift_right_logical3A_292 = arith.constant 26 : i32
    %shift_right_logical3A_293 = vector.broadcast %shift_right_logical3A_292 : i32 to vector<2x8x1024xi32>
    %shift_right_logical3A_294 = arith.shrui %xor3A_287, %shift_right_logical3A_293 : vector<2x8x1024xi32>
    %or3A_295 = arith.ori %shift_left3A_291, %shift_right_logical3A_294 : vector<2x8x1024xi32>
    %xor3A_296 = arith.xori %add3A_288, %or3A_295 : vector<2x8x1024xi32>
    %add3A_297 = arith.addi %add3A_288, %add3A_240 : vector<2x8x1024xi32>
    %add3A_298 = arith.addi %xor3A_296, %xor3A_258 : vector<2x8x1024xi32>
    %add3A_299 = arith.constant 1 : i32
    %add3A_300 = vector.broadcast %add3A_299 : i32 to vector<2x8x1024xi32>
    %add3A_301 = arith.addi %add3A_298, %add3A_300 : vector<2x8x1024xi32>
    %add3A_302 = arith.addi %add3A_297, %add3A_301 : vector<2x8x1024xi32>
    %shift_left3A_303 = arith.constant 17 : i32
    %shift_left3A_304 = vector.broadcast %shift_left3A_303 : i32 to vector<2x8x1024xi32>
    %shift_left3A_305 = arith.shli %add3A_301, %shift_left3A_304 : vector<2x8x1024xi32>
    %shift_right_logical3A_306 = arith.constant 15 : i32
    %shift_right_logical3A_307 = vector.broadcast %shift_right_logical3A_306 : i32 to vector<2x8x1024xi32>
    %shift_right_logical3A_308 = arith.shrui %add3A_301, %shift_right_logical3A_307 : vector<2x8x1024xi32>
    %or3A_309 = arith.ori %shift_left3A_305, %shift_right_logical3A_308 : vector<2x8x1024xi32>
    %xor3A_310 = arith.xori %add3A_302, %or3A_309 : vector<2x8x1024xi32>
    %add3A_311 = arith.addi %add3A_302, %xor3A_310 : vector<2x8x1024xi32>
    %shift_left3A_312 = arith.constant 29 : i32
    %shift_left3A_313 = vector.broadcast %shift_left3A_312 : i32 to vector<2x8x1024xi32>
    %shift_left3A_314 = arith.shli %xor3A_310, %shift_left3A_313 : vector<2x8x1024xi32>
    %shift_right_logical3A_315 = arith.constant 3 : i32
    %shift_right_logical3A_316 = vector.broadcast %shift_right_logical3A_315 : i32 to vector<2x8x1024xi32>
    %shift_right_logical3A_317 = arith.shrui %xor3A_310, %shift_right_logical3A_316 : vector<2x8x1024xi32>
    %or3A_318 = arith.ori %shift_left3A_314, %shift_right_logical3A_317 : vector<2x8x1024xi32>
    %xor3A_319 = arith.xori %add3A_311, %or3A_318 : vector<2x8x1024xi32>
    %add3A_320 = arith.addi %add3A_311, %xor3A_319 : vector<2x8x1024xi32>
    %shift_left3A_321 = arith.constant 16 : i32
    %shift_left3A_322 = vector.broadcast %shift_left3A_321 : i32 to vector<2x8x1024xi32>
    %shift_left3A_323 = arith.shli %xor3A_319, %shift_left3A_322 : vector<2x8x1024xi32>
    %shift_right_logical3A_324 = arith.constant 16 : i32
    %shift_right_logical3A_325 = vector.broadcast %shift_right_logical3A_324 : i32 to vector<2x8x1024xi32>
    %shift_right_logical3A_326 = arith.shrui %xor3A_319, %shift_right_logical3A_325 : vector<2x8x1024xi32>
    %or3A_327 = arith.ori %shift_left3A_323, %shift_right_logical3A_326 : vector<2x8x1024xi32>
    %xor3A_328 = arith.xori %add3A_320, %or3A_327 : vector<2x8x1024xi32>
    %add3A_329 = arith.addi %add3A_320, %xor3A_328 : vector<2x8x1024xi32>
    %shift_left3A_330 = arith.constant 24 : i32
    %shift_left3A_331 = vector.broadcast %shift_left3A_330 : i32 to vector<2x8x1024xi32>
    %shift_left3A_332 = arith.shli %xor3A_328, %shift_left3A_331 : vector<2x8x1024xi32>
    %shift_right_logical3A_333 = arith.constant 8 : i32
    %shift_right_logical3A_334 = vector.broadcast %shift_right_logical3A_333 : i32 to vector<2x8x1024xi32>
    %shift_right_logical3A_335 = arith.shrui %xor3A_328, %shift_right_logical3A_334 : vector<2x8x1024xi32>
    %or3A_336 = arith.ori %shift_left3A_332, %shift_right_logical3A_335 : vector<2x8x1024xi32>
    %xor3A_337 = arith.xori %add3A_329, %or3A_336 : vector<2x8x1024xi32>
    %add3A_338 = arith.addi %add3A_329, %xor3A_258 : vector<2x8x1024xi32>
    %add3A_339 = arith.addi %xor3A_337, %add3A_236 : vector<2x8x1024xi32>
    %add3A_340 = arith.constant 2 : i32
    %add3A_341 = vector.broadcast %add3A_340 : i32 to vector<2x8x1024xi32>
    %add3A_342 = arith.addi %add3A_339, %add3A_341 : vector<2x8x1024xi32>
    %add3A_343 = arith.addi %add3A_338, %add3A_342 : vector<2x8x1024xi32>
    %shift_left3A_344 = arith.constant 13 : i32
    %shift_left3A_345 = vector.broadcast %shift_left3A_344 : i32 to vector<2x8x1024xi32>
    %shift_left3A_346 = arith.shli %add3A_342, %shift_left3A_345 : vector<2x8x1024xi32>
    %shift_right_logical3A_347 = arith.constant 19 : i32
    %shift_right_logical3A_348 = vector.broadcast %shift_right_logical3A_347 : i32 to vector<2x8x1024xi32>
    %shift_right_logical3A_349 = arith.shrui %add3A_342, %shift_right_logical3A_348 : vector<2x8x1024xi32>
    %or3A_350 = arith.ori %shift_left3A_346, %shift_right_logical3A_349 : vector<2x8x1024xi32>
    %xor3A_351 = arith.xori %add3A_343, %or3A_350 : vector<2x8x1024xi32>
    %add3A_352 = arith.addi %add3A_343, %xor3A_351 : vector<2x8x1024xi32>
    %shift_left3A_353 = arith.constant 15 : i32
    %shift_left3A_354 = vector.broadcast %shift_left3A_353 : i32 to vector<2x8x1024xi32>
    %shift_left3A_355 = arith.shli %xor3A_351, %shift_left3A_354 : vector<2x8x1024xi32>
    %shift_right_logical3A_356 = arith.constant 17 : i32
    %shift_right_logical3A_357 = vector.broadcast %shift_right_logical3A_356 : i32 to vector<2x8x1024xi32>
    %shift_right_logical3A_358 = arith.shrui %xor3A_351, %shift_right_logical3A_357 : vector<2x8x1024xi32>
    %or3A_359 = arith.ori %shift_left3A_355, %shift_right_logical3A_358 : vector<2x8x1024xi32>
    %xor3A_360 = arith.xori %add3A_352, %or3A_359 : vector<2x8x1024xi32>
    %add3A_361 = arith.addi %add3A_352, %xor3A_360 : vector<2x8x1024xi32>
    %shift_left3A_362 = arith.constant 26 : i32
    %shift_left3A_363 = vector.broadcast %shift_left3A_362 : i32 to vector<2x8x1024xi32>
    %shift_left3A_364 = arith.shli %xor3A_360, %shift_left3A_363 : vector<2x8x1024xi32>
    %shift_right_logical3A_365 = arith.constant 6 : i32
    %shift_right_logical3A_366 = vector.broadcast %shift_right_logical3A_365 : i32 to vector<2x8x1024xi32>
    %shift_right_logical3A_367 = arith.shrui %xor3A_360, %shift_right_logical3A_366 : vector<2x8x1024xi32>
    %or3A_368 = arith.ori %shift_left3A_364, %shift_right_logical3A_367 : vector<2x8x1024xi32>
    %xor3A_369 = arith.xori %add3A_361, %or3A_368 : vector<2x8x1024xi32>
    %add3A_370 = arith.addi %add3A_361, %xor3A_369 : vector<2x8x1024xi32>
    %shift_left3A_371 = arith.constant 6 : i32
    %shift_left3A_372 = vector.broadcast %shift_left3A_371 : i32 to vector<2x8x1024xi32>
    %shift_left3A_373 = arith.shli %xor3A_369, %shift_left3A_372 : vector<2x8x1024xi32>
    %shift_right_logical3A_374 = arith.constant 26 : i32
    %shift_right_logical3A_375 = vector.broadcast %shift_right_logical3A_374 : i32 to vector<2x8x1024xi32>
    %shift_right_logical3A_376 = arith.shrui %xor3A_369, %shift_right_logical3A_375 : vector<2x8x1024xi32>
    %or3A_377 = arith.ori %shift_left3A_373, %shift_right_logical3A_376 : vector<2x8x1024xi32>
    %xor3A_378 = arith.xori %add3A_370, %or3A_377 : vector<2x8x1024xi32>
    %add3A_379 = arith.addi %add3A_370, %add3A_236 : vector<2x8x1024xi32>
    %add3A_380 = arith.addi %xor3A_378, %add3A_240 : vector<2x8x1024xi32>
    %add3A_381 = arith.constant 3 : i32
    %add3A_382 = vector.broadcast %add3A_381 : i32 to vector<2x8x1024xi32>
    %add3A_383 = arith.addi %add3A_380, %add3A_382 : vector<2x8x1024xi32>
    %add3A_384 = arith.addi %add3A_379, %add3A_383 : vector<2x8x1024xi32>
    %shift_left3A_385 = arith.constant 17 : i32
    %shift_left3A_386 = vector.broadcast %shift_left3A_385 : i32 to vector<2x8x1024xi32>
    %shift_left3A_387 = arith.shli %add3A_383, %shift_left3A_386 : vector<2x8x1024xi32>
    %shift_right_logical3A_388 = arith.constant 15 : i32
    %shift_right_logical3A_389 = vector.broadcast %shift_right_logical3A_388 : i32 to vector<2x8x1024xi32>
    %shift_right_logical3A_390 = arith.shrui %add3A_383, %shift_right_logical3A_389 : vector<2x8x1024xi32>
    %or3A_391 = arith.ori %shift_left3A_387, %shift_right_logical3A_390 : vector<2x8x1024xi32>
    %xor3A_392 = arith.xori %add3A_384, %or3A_391 : vector<2x8x1024xi32>
    %add3A_393 = arith.addi %add3A_384, %xor3A_392 : vector<2x8x1024xi32>
    %shift_left3A_394 = arith.constant 29 : i32
    %shift_left3A_395 = vector.broadcast %shift_left3A_394 : i32 to vector<2x8x1024xi32>
    %shift_left3A_396 = arith.shli %xor3A_392, %shift_left3A_395 : vector<2x8x1024xi32>
    %shift_right_logical3A_397 = arith.constant 3 : i32
    %shift_right_logical3A_398 = vector.broadcast %shift_right_logical3A_397 : i32 to vector<2x8x1024xi32>
    %shift_right_logical3A_399 = arith.shrui %xor3A_392, %shift_right_logical3A_398 : vector<2x8x1024xi32>
    %or3A_400 = arith.ori %shift_left3A_396, %shift_right_logical3A_399 : vector<2x8x1024xi32>
    %xor3A_401 = arith.xori %add3A_393, %or3A_400 : vector<2x8x1024xi32>
    %add3A_402 = arith.addi %add3A_393, %xor3A_401 : vector<2x8x1024xi32>
    %shift_left3A_403 = arith.constant 16 : i32
    %shift_left3A_404 = vector.broadcast %shift_left3A_403 : i32 to vector<2x8x1024xi32>
    %shift_left3A_405 = arith.shli %xor3A_401, %shift_left3A_404 : vector<2x8x1024xi32>
    %shift_right_logical3A_406 = arith.constant 16 : i32
    %shift_right_logical3A_407 = vector.broadcast %shift_right_logical3A_406 : i32 to vector<2x8x1024xi32>
    %shift_right_logical3A_408 = arith.shrui %xor3A_401, %shift_right_logical3A_407 : vector<2x8x1024xi32>
    %or3A_409 = arith.ori %shift_left3A_405, %shift_right_logical3A_408 : vector<2x8x1024xi32>
    %xor3A_410 = arith.xori %add3A_402, %or3A_409 : vector<2x8x1024xi32>
    %add3A_411 = arith.addi %add3A_402, %xor3A_410 : vector<2x8x1024xi32>
    %shift_left3A_412 = arith.constant 24 : i32
    %shift_left3A_413 = vector.broadcast %shift_left3A_412 : i32 to vector<2x8x1024xi32>
    %shift_left3A_414 = arith.shli %xor3A_410, %shift_left3A_413 : vector<2x8x1024xi32>
    %shift_right_logical3A_415 = arith.constant 8 : i32
    %shift_right_logical3A_416 = vector.broadcast %shift_right_logical3A_415 : i32 to vector<2x8x1024xi32>
    %shift_right_logical3A_417 = arith.shrui %xor3A_410, %shift_right_logical3A_416 : vector<2x8x1024xi32>
    %or3A_418 = arith.ori %shift_left3A_414, %shift_right_logical3A_417 : vector<2x8x1024xi32>
    %xor3A_419 = arith.xori %add3A_411, %or3A_418 : vector<2x8x1024xi32>
    %add3A_420 = arith.addi %add3A_411, %add3A_240 : vector<2x8x1024xi32>
    %add3A_421 = arith.addi %xor3A_419, %xor3A_258 : vector<2x8x1024xi32>
    %add3A_422 = arith.constant 4 : i32
    %add3A_423 = vector.broadcast %add3A_422 : i32 to vector<2x8x1024xi32>
    %add3A_424 = arith.addi %add3A_421, %add3A_423 : vector<2x8x1024xi32>
    %add3A_425 = arith.addi %add3A_420, %add3A_424 : vector<2x8x1024xi32>
    %shift_left3A_426 = arith.constant 13 : i32
    %shift_left3A_427 = vector.broadcast %shift_left3A_426 : i32 to vector<2x8x1024xi32>
    %shift_left3A_428 = arith.shli %add3A_424, %shift_left3A_427 : vector<2x8x1024xi32>
    %shift_right_logical3A_429 = arith.constant 19 : i32
    %shift_right_logical3A_430 = vector.broadcast %shift_right_logical3A_429 : i32 to vector<2x8x1024xi32>
    %shift_right_logical3A_431 = arith.shrui %add3A_424, %shift_right_logical3A_430 : vector<2x8x1024xi32>
    %or3A_432 = arith.ori %shift_left3A_428, %shift_right_logical3A_431 : vector<2x8x1024xi32>
    %xor3A_433 = arith.xori %add3A_425, %or3A_432 : vector<2x8x1024xi32>
    %add3A_434 = arith.addi %add3A_425, %xor3A_433 : vector<2x8x1024xi32>
    %shift_left3A_435 = arith.constant 15 : i32
    %shift_left3A_436 = vector.broadcast %shift_left3A_435 : i32 to vector<2x8x1024xi32>
    %shift_left3A_437 = arith.shli %xor3A_433, %shift_left3A_436 : vector<2x8x1024xi32>
    %shift_right_logical3A_438 = arith.constant 17 : i32
    %shift_right_logical3A_439 = vector.broadcast %shift_right_logical3A_438 : i32 to vector<2x8x1024xi32>
    %shift_right_logical3A_440 = arith.shrui %xor3A_433, %shift_right_logical3A_439 : vector<2x8x1024xi32>
    %or3A_441 = arith.ori %shift_left3A_437, %shift_right_logical3A_440 : vector<2x8x1024xi32>
    %xor3A_442 = arith.xori %add3A_434, %or3A_441 : vector<2x8x1024xi32>
    %add3A_443 = arith.addi %add3A_434, %xor3A_442 : vector<2x8x1024xi32>
    %shift_left3A_444 = arith.constant 26 : i32
    %shift_left3A_445 = vector.broadcast %shift_left3A_444 : i32 to vector<2x8x1024xi32>
    %shift_left3A_446 = arith.shli %xor3A_442, %shift_left3A_445 : vector<2x8x1024xi32>
    %shift_right_logical3A_447 = arith.constant 6 : i32
    %shift_right_logical3A_448 = vector.broadcast %shift_right_logical3A_447 : i32 to vector<2x8x1024xi32>
    %shift_right_logical3A_449 = arith.shrui %xor3A_442, %shift_right_logical3A_448 : vector<2x8x1024xi32>
    %or3A_450 = arith.ori %shift_left3A_446, %shift_right_logical3A_449 : vector<2x8x1024xi32>
    %xor3A_451 = arith.xori %add3A_443, %or3A_450 : vector<2x8x1024xi32>
    %add3A_452 = arith.addi %add3A_443, %xor3A_451 : vector<2x8x1024xi32>
    %shift_left3A_453 = arith.constant 6 : i32
    %shift_left3A_454 = vector.broadcast %shift_left3A_453 : i32 to vector<2x8x1024xi32>
    %shift_left3A_455 = arith.shli %xor3A_451, %shift_left3A_454 : vector<2x8x1024xi32>
    %shift_right_logical3A_456 = arith.constant 26 : i32
    %shift_right_logical3A_457 = vector.broadcast %shift_right_logical3A_456 : i32 to vector<2x8x1024xi32>
    %shift_right_logical3A_458 = arith.shrui %xor3A_451, %shift_right_logical3A_457 : vector<2x8x1024xi32>
    %or3A_459 = arith.ori %shift_left3A_455, %shift_right_logical3A_458 : vector<2x8x1024xi32>
    %xor3A_460 = arith.xori %add3A_452, %or3A_459 : vector<2x8x1024xi32>
    %add3A_461 = arith.addi %add3A_452, %xor3A_258 : vector<2x8x1024xi32>
    %add3A_462 = arith.addi %xor3A_460, %add3A_236 : vector<2x8x1024xi32>
    %add3A_463 = arith.constant 5 : i32
    %add3A_464 = vector.broadcast %add3A_463 : i32 to vector<2x8x1024xi32>
    %add3A_465 = arith.addi %add3A_462, %add3A_464 : vector<2x8x1024xi32>
    %xor3A_466 = arith.xori %add3A_236, %add3A_240 : vector<2x8x1024xi32>
    %xor3A_467 = arith.constant 466688986 : i32
    %xor3A_468 = vector.broadcast %xor3A_467 : i32 to vector<2x8x1024xi32>
    %xor3A_469 = arith.xori %xor3A_466, %xor3A_468 : vector<2x8x1024xi32>
    %add3A_470 = arith.addi %broadcast_in_dim3A_0, %add3A_236 : vector<2x8x1024xi32>
    %add3A_471 = arith.addi %broadcast_in_dim3A_2, %add3A_240 : vector<2x8x1024xi32>
    %add3A_472 = arith.addi %add3A_470, %add3A_471 : vector<2x8x1024xi32>
    %shift_left3A_473 = arith.constant 13 : i32
    %shift_left3A_474 = vector.broadcast %shift_left3A_473 : i32 to vector<2x8x1024xi32>
    %shift_left3A_475 = arith.shli %add3A_471, %shift_left3A_474 : vector<2x8x1024xi32>
    %shift_right_logical3A_476 = arith.constant 19 : i32
    %shift_right_logical3A_477 = vector.broadcast %shift_right_logical3A_476 : i32 to vector<2x8x1024xi32>
    %shift_right_logical3A_478 = arith.shrui %add3A_471, %shift_right_logical3A_477 : vector<2x8x1024xi32>
    %or3A_479 = arith.ori %shift_left3A_475, %shift_right_logical3A_478 : vector<2x8x1024xi32>
    %xor3A_480 = arith.xori %add3A_472, %or3A_479 : vector<2x8x1024xi32>
    %add3A_481 = arith.addi %add3A_472, %xor3A_480 : vector<2x8x1024xi32>
    %shift_left3A_482 = arith.constant 15 : i32
    %shift_left3A_483 = vector.broadcast %shift_left3A_482 : i32 to vector<2x8x1024xi32>
    %shift_left3A_484 = arith.shli %xor3A_480, %shift_left3A_483 : vector<2x8x1024xi32>
    %shift_right_logical3A_485 = arith.constant 17 : i32
    %shift_right_logical3A_486 = vector.broadcast %shift_right_logical3A_485 : i32 to vector<2x8x1024xi32>
    %shift_right_logical3A_487 = arith.shrui %xor3A_480, %shift_right_logical3A_486 : vector<2x8x1024xi32>
    %or3A_488 = arith.ori %shift_left3A_484, %shift_right_logical3A_487 : vector<2x8x1024xi32>
    %xor3A_489 = arith.xori %add3A_481, %or3A_488 : vector<2x8x1024xi32>
    %add3A_490 = arith.addi %add3A_481, %xor3A_489 : vector<2x8x1024xi32>
    %shift_left3A_491 = arith.constant 26 : i32
    %shift_left3A_492 = vector.broadcast %shift_left3A_491 : i32 to vector<2x8x1024xi32>
    %shift_left3A_493 = arith.shli %xor3A_489, %shift_left3A_492 : vector<2x8x1024xi32>
    %shift_right_logical3A_494 = arith.constant 6 : i32
    %shift_right_logical3A_495 = vector.broadcast %shift_right_logical3A_494 : i32 to vector<2x8x1024xi32>
    %shift_right_logical3A_496 = arith.shrui %xor3A_489, %shift_right_logical3A_495 : vector<2x8x1024xi32>
    %or3A_497 = arith.ori %shift_left3A_493, %shift_right_logical3A_496 : vector<2x8x1024xi32>
    %xor3A_498 = arith.xori %add3A_490, %or3A_497 : vector<2x8x1024xi32>
    %add3A_499 = arith.addi %add3A_490, %xor3A_498 : vector<2x8x1024xi32>
    %shift_left3A_500 = arith.constant 6 : i32
    %shift_left3A_501 = vector.broadcast %shift_left3A_500 : i32 to vector<2x8x1024xi32>
    %shift_left3A_502 = arith.shli %xor3A_498, %shift_left3A_501 : vector<2x8x1024xi32>
    %shift_right_logical3A_503 = arith.constant 26 : i32
    %shift_right_logical3A_504 = vector.broadcast %shift_right_logical3A_503 : i32 to vector<2x8x1024xi32>
    %shift_right_logical3A_505 = arith.shrui %xor3A_498, %shift_right_logical3A_504 : vector<2x8x1024xi32>
    %or3A_506 = arith.ori %shift_left3A_502, %shift_right_logical3A_505 : vector<2x8x1024xi32>
    %xor3A_507 = arith.xori %add3A_499, %or3A_506 : vector<2x8x1024xi32>
    %add3A_508 = arith.addi %add3A_499, %add3A_240 : vector<2x8x1024xi32>
    %add3A_509 = arith.addi %xor3A_507, %xor3A_469 : vector<2x8x1024xi32>
    %add3A_510 = arith.constant 1 : i32
    %add3A_511 = vector.broadcast %add3A_510 : i32 to vector<2x8x1024xi32>
    %add3A_512 = arith.addi %add3A_509, %add3A_511 : vector<2x8x1024xi32>
    %add3A_513 = arith.addi %add3A_508, %add3A_512 : vector<2x8x1024xi32>
    %shift_left3A_514 = arith.constant 17 : i32
    %shift_left3A_515 = vector.broadcast %shift_left3A_514 : i32 to vector<2x8x1024xi32>
    %shift_left3A_516 = arith.shli %add3A_512, %shift_left3A_515 : vector<2x8x1024xi32>
    %shift_right_logical3A_517 = arith.constant 15 : i32
    %shift_right_logical3A_518 = vector.broadcast %shift_right_logical3A_517 : i32 to vector<2x8x1024xi32>
    %shift_right_logical3A_519 = arith.shrui %add3A_512, %shift_right_logical3A_518 : vector<2x8x1024xi32>
    %or3A_520 = arith.ori %shift_left3A_516, %shift_right_logical3A_519 : vector<2x8x1024xi32>
    %xor3A_521 = arith.xori %add3A_513, %or3A_520 : vector<2x8x1024xi32>
    %add3A_522 = arith.addi %add3A_513, %xor3A_521 : vector<2x8x1024xi32>
    %shift_left3A_523 = arith.constant 29 : i32
    %shift_left3A_524 = vector.broadcast %shift_left3A_523 : i32 to vector<2x8x1024xi32>
    %shift_left3A_525 = arith.shli %xor3A_521, %shift_left3A_524 : vector<2x8x1024xi32>
    %shift_right_logical3A_526 = arith.constant 3 : i32
    %shift_right_logical3A_527 = vector.broadcast %shift_right_logical3A_526 : i32 to vector<2x8x1024xi32>
    %shift_right_logical3A_528 = arith.shrui %xor3A_521, %shift_right_logical3A_527 : vector<2x8x1024xi32>
    %or3A_529 = arith.ori %shift_left3A_525, %shift_right_logical3A_528 : vector<2x8x1024xi32>
    %xor3A_530 = arith.xori %add3A_522, %or3A_529 : vector<2x8x1024xi32>
    %add3A_531 = arith.addi %add3A_522, %xor3A_530 : vector<2x8x1024xi32>
    %shift_left3A_532 = arith.constant 16 : i32
    %shift_left3A_533 = vector.broadcast %shift_left3A_532 : i32 to vector<2x8x1024xi32>
    %shift_left3A_534 = arith.shli %xor3A_530, %shift_left3A_533 : vector<2x8x1024xi32>
    %shift_right_logical3A_535 = arith.constant 16 : i32
    %shift_right_logical3A_536 = vector.broadcast %shift_right_logical3A_535 : i32 to vector<2x8x1024xi32>
    %shift_right_logical3A_537 = arith.shrui %xor3A_530, %shift_right_logical3A_536 : vector<2x8x1024xi32>
    %or3A_538 = arith.ori %shift_left3A_534, %shift_right_logical3A_537 : vector<2x8x1024xi32>
    %xor3A_539 = arith.xori %add3A_531, %or3A_538 : vector<2x8x1024xi32>
    %add3A_540 = arith.addi %add3A_531, %xor3A_539 : vector<2x8x1024xi32>
    %shift_left3A_541 = arith.constant 24 : i32
    %shift_left3A_542 = vector.broadcast %shift_left3A_541 : i32 to vector<2x8x1024xi32>
    %shift_left3A_543 = arith.shli %xor3A_539, %shift_left3A_542 : vector<2x8x1024xi32>
    %shift_right_logical3A_544 = arith.constant 8 : i32
    %shift_right_logical3A_545 = vector.broadcast %shift_right_logical3A_544 : i32 to vector<2x8x1024xi32>
    %shift_right_logical3A_546 = arith.shrui %xor3A_539, %shift_right_logical3A_545 : vector<2x8x1024xi32>
    %or3A_547 = arith.ori %shift_left3A_543, %shift_right_logical3A_546 : vector<2x8x1024xi32>
    %xor3A_548 = arith.xori %add3A_540, %or3A_547 : vector<2x8x1024xi32>
    %add3A_549 = arith.addi %add3A_540, %xor3A_469 : vector<2x8x1024xi32>
    %add3A_550 = arith.addi %xor3A_548, %add3A_236 : vector<2x8x1024xi32>
    %add3A_551 = arith.constant 2 : i32
    %add3A_552 = vector.broadcast %add3A_551 : i32 to vector<2x8x1024xi32>
    %add3A_553 = arith.addi %add3A_550, %add3A_552 : vector<2x8x1024xi32>
    %add3A_554 = arith.addi %add3A_549, %add3A_553 : vector<2x8x1024xi32>
    %shift_left3A_555 = arith.constant 13 : i32
    %shift_left3A_556 = vector.broadcast %shift_left3A_555 : i32 to vector<2x8x1024xi32>
    %shift_left3A_557 = arith.shli %add3A_553, %shift_left3A_556 : vector<2x8x1024xi32>
    %shift_right_logical3A_558 = arith.constant 19 : i32
    %shift_right_logical3A_559 = vector.broadcast %shift_right_logical3A_558 : i32 to vector<2x8x1024xi32>
    %shift_right_logical3A_560 = arith.shrui %add3A_553, %shift_right_logical3A_559 : vector<2x8x1024xi32>
    %or3A_561 = arith.ori %shift_left3A_557, %shift_right_logical3A_560 : vector<2x8x1024xi32>
    %xor3A_562 = arith.xori %add3A_554, %or3A_561 : vector<2x8x1024xi32>
    %add3A_563 = arith.addi %add3A_554, %xor3A_562 : vector<2x8x1024xi32>
    %shift_left3A_564 = arith.constant 15 : i32
    %shift_left3A_565 = vector.broadcast %shift_left3A_564 : i32 to vector<2x8x1024xi32>
    %shift_left3A_566 = arith.shli %xor3A_562, %shift_left3A_565 : vector<2x8x1024xi32>
    %shift_right_logical3A_567 = arith.constant 17 : i32
    %shift_right_logical3A_568 = vector.broadcast %shift_right_logical3A_567 : i32 to vector<2x8x1024xi32>
    %shift_right_logical3A_569 = arith.shrui %xor3A_562, %shift_right_logical3A_568 : vector<2x8x1024xi32>
    %or3A_570 = arith.ori %shift_left3A_566, %shift_right_logical3A_569 : vector<2x8x1024xi32>
    %xor3A_571 = arith.xori %add3A_563, %or3A_570 : vector<2x8x1024xi32>
    %add3A_572 = arith.addi %add3A_563, %xor3A_571 : vector<2x8x1024xi32>
    %shift_left3A_573 = arith.constant 26 : i32
    %shift_left3A_574 = vector.broadcast %shift_left3A_573 : i32 to vector<2x8x1024xi32>
    %shift_left3A_575 = arith.shli %xor3A_571, %shift_left3A_574 : vector<2x8x1024xi32>
    %shift_right_logical3A_576 = arith.constant 6 : i32
    %shift_right_logical3A_577 = vector.broadcast %shift_right_logical3A_576 : i32 to vector<2x8x1024xi32>
    %shift_right_logical3A_578 = arith.shrui %xor3A_571, %shift_right_logical3A_577 : vector<2x8x1024xi32>
    %or3A_579 = arith.ori %shift_left3A_575, %shift_right_logical3A_578 : vector<2x8x1024xi32>
    %xor3A_580 = arith.xori %add3A_572, %or3A_579 : vector<2x8x1024xi32>
    %add3A_581 = arith.addi %add3A_572, %xor3A_580 : vector<2x8x1024xi32>
    %shift_left3A_582 = arith.constant 6 : i32
    %shift_left3A_583 = vector.broadcast %shift_left3A_582 : i32 to vector<2x8x1024xi32>
    %shift_left3A_584 = arith.shli %xor3A_580, %shift_left3A_583 : vector<2x8x1024xi32>
    %shift_right_logical3A_585 = arith.constant 26 : i32
    %shift_right_logical3A_586 = vector.broadcast %shift_right_logical3A_585 : i32 to vector<2x8x1024xi32>
    %shift_right_logical3A_587 = arith.shrui %xor3A_580, %shift_right_logical3A_586 : vector<2x8x1024xi32>
    %or3A_588 = arith.ori %shift_left3A_584, %shift_right_logical3A_587 : vector<2x8x1024xi32>
    %xor3A_589 = arith.xori %add3A_581, %or3A_588 : vector<2x8x1024xi32>
    %add3A_590 = arith.addi %add3A_581, %add3A_236 : vector<2x8x1024xi32>
    %add3A_591 = arith.addi %xor3A_589, %add3A_240 : vector<2x8x1024xi32>
    %add3A_592 = arith.constant 3 : i32
    %add3A_593 = vector.broadcast %add3A_592 : i32 to vector<2x8x1024xi32>
    %add3A_594 = arith.addi %add3A_591, %add3A_593 : vector<2x8x1024xi32>
    %add3A_595 = arith.addi %add3A_590, %add3A_594 : vector<2x8x1024xi32>
    %shift_left3A_596 = arith.constant 17 : i32
    %shift_left3A_597 = vector.broadcast %shift_left3A_596 : i32 to vector<2x8x1024xi32>
    %shift_left3A_598 = arith.shli %add3A_594, %shift_left3A_597 : vector<2x8x1024xi32>
    %shift_right_logical3A_599 = arith.constant 15 : i32
    %shift_right_logical3A_600 = vector.broadcast %shift_right_logical3A_599 : i32 to vector<2x8x1024xi32>
    %shift_right_logical3A_601 = arith.shrui %add3A_594, %shift_right_logical3A_600 : vector<2x8x1024xi32>
    %or3A_602 = arith.ori %shift_left3A_598, %shift_right_logical3A_601 : vector<2x8x1024xi32>
    %xor3A_603 = arith.xori %add3A_595, %or3A_602 : vector<2x8x1024xi32>
    %add3A_604 = arith.addi %add3A_595, %xor3A_603 : vector<2x8x1024xi32>
    %shift_left3A_605 = arith.constant 29 : i32
    %shift_left3A_606 = vector.broadcast %shift_left3A_605 : i32 to vector<2x8x1024xi32>
    %shift_left3A_607 = arith.shli %xor3A_603, %shift_left3A_606 : vector<2x8x1024xi32>
    %shift_right_logical3A_608 = arith.constant 3 : i32
    %shift_right_logical3A_609 = vector.broadcast %shift_right_logical3A_608 : i32 to vector<2x8x1024xi32>
    %shift_right_logical3A_610 = arith.shrui %xor3A_603, %shift_right_logical3A_609 : vector<2x8x1024xi32>
    %or3A_611 = arith.ori %shift_left3A_607, %shift_right_logical3A_610 : vector<2x8x1024xi32>
    %xor3A_612 = arith.xori %add3A_604, %or3A_611 : vector<2x8x1024xi32>
    %add3A_613 = arith.addi %add3A_604, %xor3A_612 : vector<2x8x1024xi32>
    %shift_left3A_614 = arith.constant 16 : i32
    %shift_left3A_615 = vector.broadcast %shift_left3A_614 : i32 to vector<2x8x1024xi32>
    %shift_left3A_616 = arith.shli %xor3A_612, %shift_left3A_615 : vector<2x8x1024xi32>
    %shift_right_logical3A_617 = arith.constant 16 : i32
    %shift_right_logical3A_618 = vector.broadcast %shift_right_logical3A_617 : i32 to vector<2x8x1024xi32>
    %shift_right_logical3A_619 = arith.shrui %xor3A_612, %shift_right_logical3A_618 : vector<2x8x1024xi32>
    %or3A_620 = arith.ori %shift_left3A_616, %shift_right_logical3A_619 : vector<2x8x1024xi32>
    %xor3A_621 = arith.xori %add3A_613, %or3A_620 : vector<2x8x1024xi32>
    %add3A_622 = arith.addi %add3A_613, %xor3A_621 : vector<2x8x1024xi32>
    %shift_left3A_623 = arith.constant 24 : i32
    %shift_left3A_624 = vector.broadcast %shift_left3A_623 : i32 to vector<2x8x1024xi32>
    %shift_left3A_625 = arith.shli %xor3A_621, %shift_left3A_624 : vector<2x8x1024xi32>
    %shift_right_logical3A_626 = arith.constant 8 : i32
    %shift_right_logical3A_627 = vector.broadcast %shift_right_logical3A_626 : i32 to vector<2x8x1024xi32>
    %shift_right_logical3A_628 = arith.shrui %xor3A_621, %shift_right_logical3A_627 : vector<2x8x1024xi32>
    %or3A_629 = arith.ori %shift_left3A_625, %shift_right_logical3A_628 : vector<2x8x1024xi32>
    %xor3A_630 = arith.xori %add3A_622, %or3A_629 : vector<2x8x1024xi32>
    %add3A_631 = arith.addi %add3A_622, %add3A_240 : vector<2x8x1024xi32>
    %add3A_632 = arith.addi %xor3A_630, %xor3A_469 : vector<2x8x1024xi32>
    %add3A_633 = arith.constant 4 : i32
    %add3A_634 = vector.broadcast %add3A_633 : i32 to vector<2x8x1024xi32>
    %add3A_635 = arith.addi %add3A_632, %add3A_634 : vector<2x8x1024xi32>
    %add3A_636 = arith.addi %add3A_631, %add3A_635 : vector<2x8x1024xi32>
    %shift_left3A_637 = arith.constant 13 : i32
    %shift_left3A_638 = vector.broadcast %shift_left3A_637 : i32 to vector<2x8x1024xi32>
    %shift_left3A_639 = arith.shli %add3A_635, %shift_left3A_638 : vector<2x8x1024xi32>
    %shift_right_logical3A_640 = arith.constant 19 : i32
    %shift_right_logical3A_641 = vector.broadcast %shift_right_logical3A_640 : i32 to vector<2x8x1024xi32>
    %shift_right_logical3A_642 = arith.shrui %add3A_635, %shift_right_logical3A_641 : vector<2x8x1024xi32>
    %or3A_643 = arith.ori %shift_left3A_639, %shift_right_logical3A_642 : vector<2x8x1024xi32>
    %xor3A_644 = arith.xori %add3A_636, %or3A_643 : vector<2x8x1024xi32>
    %add3A_645 = arith.addi %add3A_636, %xor3A_644 : vector<2x8x1024xi32>
    %shift_left3A_646 = arith.constant 15 : i32
    %shift_left3A_647 = vector.broadcast %shift_left3A_646 : i32 to vector<2x8x1024xi32>
    %shift_left3A_648 = arith.shli %xor3A_644, %shift_left3A_647 : vector<2x8x1024xi32>
    %shift_right_logical3A_649 = arith.constant 17 : i32
    %shift_right_logical3A_650 = vector.broadcast %shift_right_logical3A_649 : i32 to vector<2x8x1024xi32>
    %shift_right_logical3A_651 = arith.shrui %xor3A_644, %shift_right_logical3A_650 : vector<2x8x1024xi32>
    %or3A_652 = arith.ori %shift_left3A_648, %shift_right_logical3A_651 : vector<2x8x1024xi32>
    %xor3A_653 = arith.xori %add3A_645, %or3A_652 : vector<2x8x1024xi32>
    %add3A_654 = arith.addi %add3A_645, %xor3A_653 : vector<2x8x1024xi32>
    %shift_left3A_655 = arith.constant 26 : i32
    %shift_left3A_656 = vector.broadcast %shift_left3A_655 : i32 to vector<2x8x1024xi32>
    %shift_left3A_657 = arith.shli %xor3A_653, %shift_left3A_656 : vector<2x8x1024xi32>
    %shift_right_logical3A_658 = arith.constant 6 : i32
    %shift_right_logical3A_659 = vector.broadcast %shift_right_logical3A_658 : i32 to vector<2x8x1024xi32>
    %shift_right_logical3A_660 = arith.shrui %xor3A_653, %shift_right_logical3A_659 : vector<2x8x1024xi32>
    %or3A_661 = arith.ori %shift_left3A_657, %shift_right_logical3A_660 : vector<2x8x1024xi32>
    %xor3A_662 = arith.xori %add3A_654, %or3A_661 : vector<2x8x1024xi32>
    %add3A_663 = arith.addi %add3A_654, %xor3A_662 : vector<2x8x1024xi32>
    %shift_left3A_664 = arith.constant 6 : i32
    %shift_left3A_665 = vector.broadcast %shift_left3A_664 : i32 to vector<2x8x1024xi32>
    %shift_left3A_666 = arith.shli %xor3A_662, %shift_left3A_665 : vector<2x8x1024xi32>
    %shift_right_logical3A_667 = arith.constant 26 : i32
    %shift_right_logical3A_668 = vector.broadcast %shift_right_logical3A_667 : i32 to vector<2x8x1024xi32>
    %shift_right_logical3A_669 = arith.shrui %xor3A_662, %shift_right_logical3A_668 : vector<2x8x1024xi32>
    %or3A_670 = arith.ori %shift_left3A_666, %shift_right_logical3A_669 : vector<2x8x1024xi32>
    %xor3A_671 = arith.xori %add3A_663, %or3A_670 : vector<2x8x1024xi32>
    %add3A_672 = arith.addi %add3A_663, %xor3A_469 : vector<2x8x1024xi32>
    %add3A_673 = arith.addi %xor3A_671, %add3A_236 : vector<2x8x1024xi32>
    %add3A_674 = arith.constant 5 : i32
    %add3A_675 = vector.broadcast %add3A_674 : i32 to vector<2x8x1024xi32>
    %add3A_676 = arith.addi %add3A_673, %add3A_675 : vector<2x8x1024xi32>
    %broadcast_in_dim3A_677 = arith.constant 1.000000e+00 : f32
    %broadcast_in_dim3A_678 = vector.broadcast %broadcast_in_dim3A_677 : f32 to vector<2x8x1024xf32>
    %broadcast_in_dim3A_679 = arith.constant 1 : i32
    %broadcast_in_dim3A_680 = vector.broadcast %broadcast_in_dim3A_679 : i32 to vector<2x8x1024xi32>
    %while3A:4 = scf.while (%while3A_922 = %add3A_461, %while3A_923 = %add3A_465, %while3A_924 = %broadcast_in_dim3A_678, %while3A_925 = %broadcast_in_dim3A_680) : (vector<2x8x1024xi32>, vector<2x8x1024xi32>, vector<2x8x1024xf32>, vector<2x8x1024xi32>) -> (vector<2x8x1024xi32>, vector<2x8x1024xi32>, vector<2x8x1024xf32>, vector<2x8x1024xi32>) {
      %ne3A = arith.constant 0 : i32
      %ne3A_926 = vector.broadcast %ne3A : i32 to vector<2x8x1024xi32>
      %ne3A_927 = arith.cmpi ne, %while3A_925, %ne3A_926 : vector<2x8x1024xi32>
      %reduce_or3A = arith.constant 1.000000e+00 : f32
      %reduce_or3A_928 = arith.constant 0.000000e+00 : f32
      %reduce_or3A_929 = vector.broadcast %reduce_or3A : f32 to vector<2x8x1024xf32>
      %reduce_or3A_930 = vector.broadcast %reduce_or3A_928 : f32 to vector<2x8x1024xf32>
      %reduce_or3A_931 = arith.select %ne3A_927, %reduce_or3A_929, %reduce_or3A_930 : vector<2x8x1024xi1>, vector<2x8x1024xf32>
      %reduce_or3A_932 = vector.shape_cast %reduce_or3A_931 : vector<2x8x1024xf32> to vector<1x2x8x1024xf32>
      %reduce_or3A_933 = arith.constant dense<0xFF800000> : vector<1xf32>
      %reduce_or3A_934 = vector.multi_reduction <maximumf>, %reduce_or3A_932, %reduce_or3A_933 [1, 2, 3] : vector<1x2x8x1024xf32> to vector<1xf32>
      %reduce_or3A_935 = vector.shape_cast %reduce_or3A_934 : vector<1xf32> to vector<1x1x1x1xf32>
      %reduce_or3A_936 = vector.extract %reduce_or3A_935[0, 0, 0, 0] : f32 from vector<1x1x1x1xf32>
      %reduce_or3A_937 = arith.constant 0.000000e+00 : f32
      %reduce_or3A_938 = arith.cmpf ogt, %reduce_or3A_936, %reduce_or3A_937 : f32
      scf.condition(%reduce_or3A_938) %while3A_922, %while3A_923, %while3A_924, %while3A_925 : vector<2x8x1024xi32>, vector<2x8x1024xi32>, vector<2x8x1024xf32>, vector<2x8x1024xi32>
    } do {
    ^bb0(%while3A_922: vector<2x8x1024xi32>, %while3A_923: vector<2x8x1024xi32>, %while3A_924: vector<2x8x1024xf32>, %while3A_925: vector<2x8x1024xi32>):
      %ne3A = arith.constant 0 : i32
      %ne3A_926 = vector.broadcast %ne3A : i32 to vector<2x8x1024xi32>
      %ne3A_927 = arith.cmpi ne, %while3A_925, %ne3A_926 : vector<2x8x1024xi32>
      %xor3A_928 = arith.xori %while3A_922, %while3A_923 : vector<2x8x1024xi32>
      %xor3A_929 = arith.constant 466688986 : i32
      %xor3A_930 = vector.broadcast %xor3A_929 : i32 to vector<2x8x1024xi32>
      %xor3A_931 = arith.xori %xor3A_928, %xor3A_930 : vector<2x8x1024xi32>
      %add3A_932 = arith.addi %broadcast_in_dim3A_0, %while3A_922 : vector<2x8x1024xi32>
      %add3A_933 = arith.addi %broadcast_in_dim3A_0, %while3A_923 : vector<2x8x1024xi32>
      %add3A_934 = arith.addi %add3A_932, %add3A_933 : vector<2x8x1024xi32>
      %shift_left3A_935 = arith.constant 13 : i32
      %shift_left3A_936 = vector.broadcast %shift_left3A_935 : i32 to vector<2x8x1024xi32>
      %shift_left3A_937 = arith.shli %add3A_933, %shift_left3A_936 : vector<2x8x1024xi32>
      %shift_right_logical3A_938 = arith.constant 19 : i32
      %shift_right_logical3A_939 = vector.broadcast %shift_right_logical3A_938 : i32 to vector<2x8x1024xi32>
      %shift_right_logical3A_940 = arith.shrui %add3A_933, %shift_right_logical3A_939 : vector<2x8x1024xi32>
      %or3A_941 = arith.ori %shift_left3A_937, %shift_right_logical3A_940 : vector<2x8x1024xi32>
      %xor3A_942 = arith.xori %add3A_934, %or3A_941 : vector<2x8x1024xi32>
      %add3A_943 = arith.addi %add3A_934, %xor3A_942 : vector<2x8x1024xi32>
      %shift_left3A_944 = arith.constant 15 : i32
      %shift_left3A_945 = vector.broadcast %shift_left3A_944 : i32 to vector<2x8x1024xi32>
      %shift_left3A_946 = arith.shli %xor3A_942, %shift_left3A_945 : vector<2x8x1024xi32>
      %shift_right_logical3A_947 = arith.constant 17 : i32
      %shift_right_logical3A_948 = vector.broadcast %shift_right_logical3A_947 : i32 to vector<2x8x1024xi32>
      %shift_right_logical3A_949 = arith.shrui %xor3A_942, %shift_right_logical3A_948 : vector<2x8x1024xi32>
      %or3A_950 = arith.ori %shift_left3A_946, %shift_right_logical3A_949 : vector<2x8x1024xi32>
      %xor3A_951 = arith.xori %add3A_943, %or3A_950 : vector<2x8x1024xi32>
      %add3A_952 = arith.addi %add3A_943, %xor3A_951 : vector<2x8x1024xi32>
      %shift_left3A_953 = arith.constant 26 : i32
      %shift_left3A_954 = vector.broadcast %shift_left3A_953 : i32 to vector<2x8x1024xi32>
      %shift_left3A_955 = arith.shli %xor3A_951, %shift_left3A_954 : vector<2x8x1024xi32>
      %shift_right_logical3A_956 = arith.constant 6 : i32
      %shift_right_logical3A_957 = vector.broadcast %shift_right_logical3A_956 : i32 to vector<2x8x1024xi32>
      %shift_right_logical3A_958 = arith.shrui %xor3A_951, %shift_right_logical3A_957 : vector<2x8x1024xi32>
      %or3A_959 = arith.ori %shift_left3A_955, %shift_right_logical3A_958 : vector<2x8x1024xi32>
      %xor3A_960 = arith.xori %add3A_952, %or3A_959 : vector<2x8x1024xi32>
      %add3A_961 = arith.addi %add3A_952, %xor3A_960 : vector<2x8x1024xi32>
      %shift_left3A_962 = arith.constant 6 : i32
      %shift_left3A_963 = vector.broadcast %shift_left3A_962 : i32 to vector<2x8x1024xi32>
      %shift_left3A_964 = arith.shli %xor3A_960, %shift_left3A_963 : vector<2x8x1024xi32>
      %shift_right_logical3A_965 = arith.constant 26 : i32
      %shift_right_logical3A_966 = vector.broadcast %shift_right_logical3A_965 : i32 to vector<2x8x1024xi32>
      %shift_right_logical3A_967 = arith.shrui %xor3A_960, %shift_right_logical3A_966 : vector<2x8x1024xi32>
      %or3A_968 = arith.ori %shift_left3A_964, %shift_right_logical3A_967 : vector<2x8x1024xi32>
      %xor3A_969 = arith.xori %add3A_961, %or3A_968 : vector<2x8x1024xi32>
      %add3A_970 = arith.addi %add3A_961, %while3A_923 : vector<2x8x1024xi32>
      %add3A_971 = arith.addi %xor3A_969, %xor3A_931 : vector<2x8x1024xi32>
      %add3A_972 = arith.constant 1 : i32
      %add3A_973 = vector.broadcast %add3A_972 : i32 to vector<2x8x1024xi32>
      %add3A_974 = arith.addi %add3A_971, %add3A_973 : vector<2x8x1024xi32>
      %add3A_975 = arith.addi %add3A_970, %add3A_974 : vector<2x8x1024xi32>
      %shift_left3A_976 = arith.constant 17 : i32
      %shift_left3A_977 = vector.broadcast %shift_left3A_976 : i32 to vector<2x8x1024xi32>
      %shift_left3A_978 = arith.shli %add3A_974, %shift_left3A_977 : vector<2x8x1024xi32>
      %shift_right_logical3A_979 = arith.constant 15 : i32
      %shift_right_logical3A_980 = vector.broadcast %shift_right_logical3A_979 : i32 to vector<2x8x1024xi32>
      %shift_right_logical3A_981 = arith.shrui %add3A_974, %shift_right_logical3A_980 : vector<2x8x1024xi32>
      %or3A_982 = arith.ori %shift_left3A_978, %shift_right_logical3A_981 : vector<2x8x1024xi32>
      %xor3A_983 = arith.xori %add3A_975, %or3A_982 : vector<2x8x1024xi32>
      %add3A_984 = arith.addi %add3A_975, %xor3A_983 : vector<2x8x1024xi32>
      %shift_left3A_985 = arith.constant 29 : i32
      %shift_left3A_986 = vector.broadcast %shift_left3A_985 : i32 to vector<2x8x1024xi32>
      %shift_left3A_987 = arith.shli %xor3A_983, %shift_left3A_986 : vector<2x8x1024xi32>
      %shift_right_logical3A_988 = arith.constant 3 : i32
      %shift_right_logical3A_989 = vector.broadcast %shift_right_logical3A_988 : i32 to vector<2x8x1024xi32>
      %shift_right_logical3A_990 = arith.shrui %xor3A_983, %shift_right_logical3A_989 : vector<2x8x1024xi32>
      %or3A_991 = arith.ori %shift_left3A_987, %shift_right_logical3A_990 : vector<2x8x1024xi32>
      %xor3A_992 = arith.xori %add3A_984, %or3A_991 : vector<2x8x1024xi32>
      %add3A_993 = arith.addi %add3A_984, %xor3A_992 : vector<2x8x1024xi32>
      %shift_left3A_994 = arith.constant 16 : i32
      %shift_left3A_995 = vector.broadcast %shift_left3A_994 : i32 to vector<2x8x1024xi32>
      %shift_left3A_996 = arith.shli %xor3A_992, %shift_left3A_995 : vector<2x8x1024xi32>
      %shift_right_logical3A_997 = arith.constant 16 : i32
      %shift_right_logical3A_998 = vector.broadcast %shift_right_logical3A_997 : i32 to vector<2x8x1024xi32>
      %shift_right_logical3A_999 = arith.shrui %xor3A_992, %shift_right_logical3A_998 : vector<2x8x1024xi32>
      %or3A_1000 = arith.ori %shift_left3A_996, %shift_right_logical3A_999 : vector<2x8x1024xi32>
      %xor3A_1001 = arith.xori %add3A_993, %or3A_1000 : vector<2x8x1024xi32>
      %add3A_1002 = arith.addi %add3A_993, %xor3A_1001 : vector<2x8x1024xi32>
      %shift_left3A_1003 = arith.constant 24 : i32
      %shift_left3A_1004 = vector.broadcast %shift_left3A_1003 : i32 to vector<2x8x1024xi32>
      %shift_left3A_1005 = arith.shli %xor3A_1001, %shift_left3A_1004 : vector<2x8x1024xi32>
      %shift_right_logical3A_1006 = arith.constant 8 : i32
      %shift_right_logical3A_1007 = vector.broadcast %shift_right_logical3A_1006 : i32 to vector<2x8x1024xi32>
      %shift_right_logical3A_1008 = arith.shrui %xor3A_1001, %shift_right_logical3A_1007 : vector<2x8x1024xi32>
      %or3A_1009 = arith.ori %shift_left3A_1005, %shift_right_logical3A_1008 : vector<2x8x1024xi32>
      %xor3A_1010 = arith.xori %add3A_1002, %or3A_1009 : vector<2x8x1024xi32>
      %add3A_1011 = arith.addi %add3A_1002, %xor3A_931 : vector<2x8x1024xi32>
      %add3A_1012 = arith.addi %xor3A_1010, %while3A_922 : vector<2x8x1024xi32>
      %add3A_1013 = arith.constant 2 : i32
      %add3A_1014 = vector.broadcast %add3A_1013 : i32 to vector<2x8x1024xi32>
      %add3A_1015 = arith.addi %add3A_1012, %add3A_1014 : vector<2x8x1024xi32>
      %add3A_1016 = arith.addi %add3A_1011, %add3A_1015 : vector<2x8x1024xi32>
      %shift_left3A_1017 = arith.constant 13 : i32
      %shift_left3A_1018 = vector.broadcast %shift_left3A_1017 : i32 to vector<2x8x1024xi32>
      %shift_left3A_1019 = arith.shli %add3A_1015, %shift_left3A_1018 : vector<2x8x1024xi32>
      %shift_right_logical3A_1020 = arith.constant 19 : i32
      %shift_right_logical3A_1021 = vector.broadcast %shift_right_logical3A_1020 : i32 to vector<2x8x1024xi32>
      %shift_right_logical3A_1022 = arith.shrui %add3A_1015, %shift_right_logical3A_1021 : vector<2x8x1024xi32>
      %or3A_1023 = arith.ori %shift_left3A_1019, %shift_right_logical3A_1022 : vector<2x8x1024xi32>
      %xor3A_1024 = arith.xori %add3A_1016, %or3A_1023 : vector<2x8x1024xi32>
      %add3A_1025 = arith.addi %add3A_1016, %xor3A_1024 : vector<2x8x1024xi32>
      %shift_left3A_1026 = arith.constant 15 : i32
      %shift_left3A_1027 = vector.broadcast %shift_left3A_1026 : i32 to vector<2x8x1024xi32>
      %shift_left3A_1028 = arith.shli %xor3A_1024, %shift_left3A_1027 : vector<2x8x1024xi32>
      %shift_right_logical3A_1029 = arith.constant 17 : i32
      %shift_right_logical3A_1030 = vector.broadcast %shift_right_logical3A_1029 : i32 to vector<2x8x1024xi32>
      %shift_right_logical3A_1031 = arith.shrui %xor3A_1024, %shift_right_logical3A_1030 : vector<2x8x1024xi32>
      %or3A_1032 = arith.ori %shift_left3A_1028, %shift_right_logical3A_1031 : vector<2x8x1024xi32>
      %xor3A_1033 = arith.xori %add3A_1025, %or3A_1032 : vector<2x8x1024xi32>
      %add3A_1034 = arith.addi %add3A_1025, %xor3A_1033 : vector<2x8x1024xi32>
      %shift_left3A_1035 = arith.constant 26 : i32
      %shift_left3A_1036 = vector.broadcast %shift_left3A_1035 : i32 to vector<2x8x1024xi32>
      %shift_left3A_1037 = arith.shli %xor3A_1033, %shift_left3A_1036 : vector<2x8x1024xi32>
      %shift_right_logical3A_1038 = arith.constant 6 : i32
      %shift_right_logical3A_1039 = vector.broadcast %shift_right_logical3A_1038 : i32 to vector<2x8x1024xi32>
      %shift_right_logical3A_1040 = arith.shrui %xor3A_1033, %shift_right_logical3A_1039 : vector<2x8x1024xi32>
      %or3A_1041 = arith.ori %shift_left3A_1037, %shift_right_logical3A_1040 : vector<2x8x1024xi32>
      %xor3A_1042 = arith.xori %add3A_1034, %or3A_1041 : vector<2x8x1024xi32>
      %add3A_1043 = arith.addi %add3A_1034, %xor3A_1042 : vector<2x8x1024xi32>
      %shift_left3A_1044 = arith.constant 6 : i32
      %shift_left3A_1045 = vector.broadcast %shift_left3A_1044 : i32 to vector<2x8x1024xi32>
      %shift_left3A_1046 = arith.shli %xor3A_1042, %shift_left3A_1045 : vector<2x8x1024xi32>
      %shift_right_logical3A_1047 = arith.constant 26 : i32
      %shift_right_logical3A_1048 = vector.broadcast %shift_right_logical3A_1047 : i32 to vector<2x8x1024xi32>
      %shift_right_logical3A_1049 = arith.shrui %xor3A_1042, %shift_right_logical3A_1048 : vector<2x8x1024xi32>
      %or3A_1050 = arith.ori %shift_left3A_1046, %shift_right_logical3A_1049 : vector<2x8x1024xi32>
      %xor3A_1051 = arith.xori %add3A_1043, %or3A_1050 : vector<2x8x1024xi32>
      %add3A_1052 = arith.addi %add3A_1043, %while3A_922 : vector<2x8x1024xi32>
      %add3A_1053 = arith.addi %xor3A_1051, %while3A_923 : vector<2x8x1024xi32>
      %add3A_1054 = arith.constant 3 : i32
      %add3A_1055 = vector.broadcast %add3A_1054 : i32 to vector<2x8x1024xi32>
      %add3A_1056 = arith.addi %add3A_1053, %add3A_1055 : vector<2x8x1024xi32>
      %add3A_1057 = arith.addi %add3A_1052, %add3A_1056 : vector<2x8x1024xi32>
      %shift_left3A_1058 = arith.constant 17 : i32
      %shift_left3A_1059 = vector.broadcast %shift_left3A_1058 : i32 to vector<2x8x1024xi32>
      %shift_left3A_1060 = arith.shli %add3A_1056, %shift_left3A_1059 : vector<2x8x1024xi32>
      %shift_right_logical3A_1061 = arith.constant 15 : i32
      %shift_right_logical3A_1062 = vector.broadcast %shift_right_logical3A_1061 : i32 to vector<2x8x1024xi32>
      %shift_right_logical3A_1063 = arith.shrui %add3A_1056, %shift_right_logical3A_1062 : vector<2x8x1024xi32>
      %or3A_1064 = arith.ori %shift_left3A_1060, %shift_right_logical3A_1063 : vector<2x8x1024xi32>
      %xor3A_1065 = arith.xori %add3A_1057, %or3A_1064 : vector<2x8x1024xi32>
      %add3A_1066 = arith.addi %add3A_1057, %xor3A_1065 : vector<2x8x1024xi32>
      %shift_left3A_1067 = arith.constant 29 : i32
      %shift_left3A_1068 = vector.broadcast %shift_left3A_1067 : i32 to vector<2x8x1024xi32>
      %shift_left3A_1069 = arith.shli %xor3A_1065, %shift_left3A_1068 : vector<2x8x1024xi32>
      %shift_right_logical3A_1070 = arith.constant 3 : i32
      %shift_right_logical3A_1071 = vector.broadcast %shift_right_logical3A_1070 : i32 to vector<2x8x1024xi32>
      %shift_right_logical3A_1072 = arith.shrui %xor3A_1065, %shift_right_logical3A_1071 : vector<2x8x1024xi32>
      %or3A_1073 = arith.ori %shift_left3A_1069, %shift_right_logical3A_1072 : vector<2x8x1024xi32>
      %xor3A_1074 = arith.xori %add3A_1066, %or3A_1073 : vector<2x8x1024xi32>
      %add3A_1075 = arith.addi %add3A_1066, %xor3A_1074 : vector<2x8x1024xi32>
      %shift_left3A_1076 = arith.constant 16 : i32
      %shift_left3A_1077 = vector.broadcast %shift_left3A_1076 : i32 to vector<2x8x1024xi32>
      %shift_left3A_1078 = arith.shli %xor3A_1074, %shift_left3A_1077 : vector<2x8x1024xi32>
      %shift_right_logical3A_1079 = arith.constant 16 : i32
      %shift_right_logical3A_1080 = vector.broadcast %shift_right_logical3A_1079 : i32 to vector<2x8x1024xi32>
      %shift_right_logical3A_1081 = arith.shrui %xor3A_1074, %shift_right_logical3A_1080 : vector<2x8x1024xi32>
      %or3A_1082 = arith.ori %shift_left3A_1078, %shift_right_logical3A_1081 : vector<2x8x1024xi32>
      %xor3A_1083 = arith.xori %add3A_1075, %or3A_1082 : vector<2x8x1024xi32>
      %add3A_1084 = arith.addi %add3A_1075, %xor3A_1083 : vector<2x8x1024xi32>
      %shift_left3A_1085 = arith.constant 24 : i32
      %shift_left3A_1086 = vector.broadcast %shift_left3A_1085 : i32 to vector<2x8x1024xi32>
      %shift_left3A_1087 = arith.shli %xor3A_1083, %shift_left3A_1086 : vector<2x8x1024xi32>
      %shift_right_logical3A_1088 = arith.constant 8 : i32
      %shift_right_logical3A_1089 = vector.broadcast %shift_right_logical3A_1088 : i32 to vector<2x8x1024xi32>
      %shift_right_logical3A_1090 = arith.shrui %xor3A_1083, %shift_right_logical3A_1089 : vector<2x8x1024xi32>
      %or3A_1091 = arith.ori %shift_left3A_1087, %shift_right_logical3A_1090 : vector<2x8x1024xi32>
      %xor3A_1092 = arith.xori %add3A_1084, %or3A_1091 : vector<2x8x1024xi32>
      %add3A_1093 = arith.addi %add3A_1084, %while3A_923 : vector<2x8x1024xi32>
      %add3A_1094 = arith.addi %xor3A_1092, %xor3A_931 : vector<2x8x1024xi32>
      %add3A_1095 = arith.constant 4 : i32
      %add3A_1096 = vector.broadcast %add3A_1095 : i32 to vector<2x8x1024xi32>
      %add3A_1097 = arith.addi %add3A_1094, %add3A_1096 : vector<2x8x1024xi32>
      %add3A_1098 = arith.addi %add3A_1093, %add3A_1097 : vector<2x8x1024xi32>
      %shift_left3A_1099 = arith.constant 13 : i32
      %shift_left3A_1100 = vector.broadcast %shift_left3A_1099 : i32 to vector<2x8x1024xi32>
      %shift_left3A_1101 = arith.shli %add3A_1097, %shift_left3A_1100 : vector<2x8x1024xi32>
      %shift_right_logical3A_1102 = arith.constant 19 : i32
      %shift_right_logical3A_1103 = vector.broadcast %shift_right_logical3A_1102 : i32 to vector<2x8x1024xi32>
      %shift_right_logical3A_1104 = arith.shrui %add3A_1097, %shift_right_logical3A_1103 : vector<2x8x1024xi32>
      %or3A_1105 = arith.ori %shift_left3A_1101, %shift_right_logical3A_1104 : vector<2x8x1024xi32>
      %xor3A_1106 = arith.xori %add3A_1098, %or3A_1105 : vector<2x8x1024xi32>
      %add3A_1107 = arith.addi %add3A_1098, %xor3A_1106 : vector<2x8x1024xi32>
      %shift_left3A_1108 = arith.constant 15 : i32
      %shift_left3A_1109 = vector.broadcast %shift_left3A_1108 : i32 to vector<2x8x1024xi32>
      %shift_left3A_1110 = arith.shli %xor3A_1106, %shift_left3A_1109 : vector<2x8x1024xi32>
      %shift_right_logical3A_1111 = arith.constant 17 : i32
      %shift_right_logical3A_1112 = vector.broadcast %shift_right_logical3A_1111 : i32 to vector<2x8x1024xi32>
      %shift_right_logical3A_1113 = arith.shrui %xor3A_1106, %shift_right_logical3A_1112 : vector<2x8x1024xi32>
      %or3A_1114 = arith.ori %shift_left3A_1110, %shift_right_logical3A_1113 : vector<2x8x1024xi32>
      %xor3A_1115 = arith.xori %add3A_1107, %or3A_1114 : vector<2x8x1024xi32>
      %add3A_1116 = arith.addi %add3A_1107, %xor3A_1115 : vector<2x8x1024xi32>
      %shift_left3A_1117 = arith.constant 26 : i32
      %shift_left3A_1118 = vector.broadcast %shift_left3A_1117 : i32 to vector<2x8x1024xi32>
      %shift_left3A_1119 = arith.shli %xor3A_1115, %shift_left3A_1118 : vector<2x8x1024xi32>
      %shift_right_logical3A_1120 = arith.constant 6 : i32
      %shift_right_logical3A_1121 = vector.broadcast %shift_right_logical3A_1120 : i32 to vector<2x8x1024xi32>
      %shift_right_logical3A_1122 = arith.shrui %xor3A_1115, %shift_right_logical3A_1121 : vector<2x8x1024xi32>
      %or3A_1123 = arith.ori %shift_left3A_1119, %shift_right_logical3A_1122 : vector<2x8x1024xi32>
      %xor3A_1124 = arith.xori %add3A_1116, %or3A_1123 : vector<2x8x1024xi32>
      %add3A_1125 = arith.addi %add3A_1116, %xor3A_1124 : vector<2x8x1024xi32>
      %shift_left3A_1126 = arith.constant 6 : i32
      %shift_left3A_1127 = vector.broadcast %shift_left3A_1126 : i32 to vector<2x8x1024xi32>
      %shift_left3A_1128 = arith.shli %xor3A_1124, %shift_left3A_1127 : vector<2x8x1024xi32>
      %shift_right_logical3A_1129 = arith.constant 26 : i32
      %shift_right_logical3A_1130 = vector.broadcast %shift_right_logical3A_1129 : i32 to vector<2x8x1024xi32>
      %shift_right_logical3A_1131 = arith.shrui %xor3A_1124, %shift_right_logical3A_1130 : vector<2x8x1024xi32>
      %or3A_1132 = arith.ori %shift_left3A_1128, %shift_right_logical3A_1131 : vector<2x8x1024xi32>
      %xor3A_1133 = arith.xori %add3A_1125, %or3A_1132 : vector<2x8x1024xi32>
      %add3A_1134 = arith.addi %add3A_1125, %xor3A_931 : vector<2x8x1024xi32>
      %add3A_1135 = arith.addi %xor3A_1133, %while3A_922 : vector<2x8x1024xi32>
      %add3A_1136 = arith.constant 5 : i32
      %add3A_1137 = vector.broadcast %add3A_1136 : i32 to vector<2x8x1024xi32>
      %add3A_1138 = arith.addi %add3A_1135, %add3A_1137 : vector<2x8x1024xi32>
      %xor3A_1139 = arith.xori %while3A_922, %while3A_923 : vector<2x8x1024xi32>
      %xor3A_1140 = arith.constant 466688986 : i32
      %xor3A_1141 = vector.broadcast %xor3A_1140 : i32 to vector<2x8x1024xi32>
      %xor3A_1142 = arith.xori %xor3A_1139, %xor3A_1141 : vector<2x8x1024xi32>
      %add3A_1143 = arith.addi %broadcast_in_dim3A_0, %while3A_922 : vector<2x8x1024xi32>
      %add3A_1144 = arith.addi %broadcast_in_dim3A_2, %while3A_923 : vector<2x8x1024xi32>
      %add3A_1145 = arith.addi %add3A_1143, %add3A_1144 : vector<2x8x1024xi32>
      %shift_left3A_1146 = arith.constant 13 : i32
      %shift_left3A_1147 = vector.broadcast %shift_left3A_1146 : i32 to vector<2x8x1024xi32>
      %shift_left3A_1148 = arith.shli %add3A_1144, %shift_left3A_1147 : vector<2x8x1024xi32>
      %shift_right_logical3A_1149 = arith.constant 19 : i32
      %shift_right_logical3A_1150 = vector.broadcast %shift_right_logical3A_1149 : i32 to vector<2x8x1024xi32>
      %shift_right_logical3A_1151 = arith.shrui %add3A_1144, %shift_right_logical3A_1150 : vector<2x8x1024xi32>
      %or3A_1152 = arith.ori %shift_left3A_1148, %shift_right_logical3A_1151 : vector<2x8x1024xi32>
      %xor3A_1153 = arith.xori %add3A_1145, %or3A_1152 : vector<2x8x1024xi32>
      %add3A_1154 = arith.addi %add3A_1145, %xor3A_1153 : vector<2x8x1024xi32>
      %shift_left3A_1155 = arith.constant 15 : i32
      %shift_left3A_1156 = vector.broadcast %shift_left3A_1155 : i32 to vector<2x8x1024xi32>
      %shift_left3A_1157 = arith.shli %xor3A_1153, %shift_left3A_1156 : vector<2x8x1024xi32>
      %shift_right_logical3A_1158 = arith.constant 17 : i32
      %shift_right_logical3A_1159 = vector.broadcast %shift_right_logical3A_1158 : i32 to vector<2x8x1024xi32>
      %shift_right_logical3A_1160 = arith.shrui %xor3A_1153, %shift_right_logical3A_1159 : vector<2x8x1024xi32>
      %or3A_1161 = arith.ori %shift_left3A_1157, %shift_right_logical3A_1160 : vector<2x8x1024xi32>
      %xor3A_1162 = arith.xori %add3A_1154, %or3A_1161 : vector<2x8x1024xi32>
      %add3A_1163 = arith.addi %add3A_1154, %xor3A_1162 : vector<2x8x1024xi32>
      %shift_left3A_1164 = arith.constant 26 : i32
      %shift_left3A_1165 = vector.broadcast %shift_left3A_1164 : i32 to vector<2x8x1024xi32>
      %shift_left3A_1166 = arith.shli %xor3A_1162, %shift_left3A_1165 : vector<2x8x1024xi32>
      %shift_right_logical3A_1167 = arith.constant 6 : i32
      %shift_right_logical3A_1168 = vector.broadcast %shift_right_logical3A_1167 : i32 to vector<2x8x1024xi32>
      %shift_right_logical3A_1169 = arith.shrui %xor3A_1162, %shift_right_logical3A_1168 : vector<2x8x1024xi32>
      %or3A_1170 = arith.ori %shift_left3A_1166, %shift_right_logical3A_1169 : vector<2x8x1024xi32>
      %xor3A_1171 = arith.xori %add3A_1163, %or3A_1170 : vector<2x8x1024xi32>
      %add3A_1172 = arith.addi %add3A_1163, %xor3A_1171 : vector<2x8x1024xi32>
      %shift_left3A_1173 = arith.constant 6 : i32
      %shift_left3A_1174 = vector.broadcast %shift_left3A_1173 : i32 to vector<2x8x1024xi32>
      %shift_left3A_1175 = arith.shli %xor3A_1171, %shift_left3A_1174 : vector<2x8x1024xi32>
      %shift_right_logical3A_1176 = arith.constant 26 : i32
      %shift_right_logical3A_1177 = vector.broadcast %shift_right_logical3A_1176 : i32 to vector<2x8x1024xi32>
      %shift_right_logical3A_1178 = arith.shrui %xor3A_1171, %shift_right_logical3A_1177 : vector<2x8x1024xi32>
      %or3A_1179 = arith.ori %shift_left3A_1175, %shift_right_logical3A_1178 : vector<2x8x1024xi32>
      %xor3A_1180 = arith.xori %add3A_1172, %or3A_1179 : vector<2x8x1024xi32>
      %add3A_1181 = arith.addi %add3A_1172, %while3A_923 : vector<2x8x1024xi32>
      %add3A_1182 = arith.addi %xor3A_1180, %xor3A_1142 : vector<2x8x1024xi32>
      %add3A_1183 = arith.constant 1 : i32
      %add3A_1184 = vector.broadcast %add3A_1183 : i32 to vector<2x8x1024xi32>
      %add3A_1185 = arith.addi %add3A_1182, %add3A_1184 : vector<2x8x1024xi32>
      %add3A_1186 = arith.addi %add3A_1181, %add3A_1185 : vector<2x8x1024xi32>
      %shift_left3A_1187 = arith.constant 17 : i32
      %shift_left3A_1188 = vector.broadcast %shift_left3A_1187 : i32 to vector<2x8x1024xi32>
      %shift_left3A_1189 = arith.shli %add3A_1185, %shift_left3A_1188 : vector<2x8x1024xi32>
      %shift_right_logical3A_1190 = arith.constant 15 : i32
      %shift_right_logical3A_1191 = vector.broadcast %shift_right_logical3A_1190 : i32 to vector<2x8x1024xi32>
      %shift_right_logical3A_1192 = arith.shrui %add3A_1185, %shift_right_logical3A_1191 : vector<2x8x1024xi32>
      %or3A_1193 = arith.ori %shift_left3A_1189, %shift_right_logical3A_1192 : vector<2x8x1024xi32>
      %xor3A_1194 = arith.xori %add3A_1186, %or3A_1193 : vector<2x8x1024xi32>
      %add3A_1195 = arith.addi %add3A_1186, %xor3A_1194 : vector<2x8x1024xi32>
      %shift_left3A_1196 = arith.constant 29 : i32
      %shift_left3A_1197 = vector.broadcast %shift_left3A_1196 : i32 to vector<2x8x1024xi32>
      %shift_left3A_1198 = arith.shli %xor3A_1194, %shift_left3A_1197 : vector<2x8x1024xi32>
      %shift_right_logical3A_1199 = arith.constant 3 : i32
      %shift_right_logical3A_1200 = vector.broadcast %shift_right_logical3A_1199 : i32 to vector<2x8x1024xi32>
      %shift_right_logical3A_1201 = arith.shrui %xor3A_1194, %shift_right_logical3A_1200 : vector<2x8x1024xi32>
      %or3A_1202 = arith.ori %shift_left3A_1198, %shift_right_logical3A_1201 : vector<2x8x1024xi32>
      %xor3A_1203 = arith.xori %add3A_1195, %or3A_1202 : vector<2x8x1024xi32>
      %add3A_1204 = arith.addi %add3A_1195, %xor3A_1203 : vector<2x8x1024xi32>
      %shift_left3A_1205 = arith.constant 16 : i32
      %shift_left3A_1206 = vector.broadcast %shift_left3A_1205 : i32 to vector<2x8x1024xi32>
      %shift_left3A_1207 = arith.shli %xor3A_1203, %shift_left3A_1206 : vector<2x8x1024xi32>
      %shift_right_logical3A_1208 = arith.constant 16 : i32
      %shift_right_logical3A_1209 = vector.broadcast %shift_right_logical3A_1208 : i32 to vector<2x8x1024xi32>
      %shift_right_logical3A_1210 = arith.shrui %xor3A_1203, %shift_right_logical3A_1209 : vector<2x8x1024xi32>
      %or3A_1211 = arith.ori %shift_left3A_1207, %shift_right_logical3A_1210 : vector<2x8x1024xi32>
      %xor3A_1212 = arith.xori %add3A_1204, %or3A_1211 : vector<2x8x1024xi32>
      %add3A_1213 = arith.addi %add3A_1204, %xor3A_1212 : vector<2x8x1024xi32>
      %shift_left3A_1214 = arith.constant 24 : i32
      %shift_left3A_1215 = vector.broadcast %shift_left3A_1214 : i32 to vector<2x8x1024xi32>
      %shift_left3A_1216 = arith.shli %xor3A_1212, %shift_left3A_1215 : vector<2x8x1024xi32>
      %shift_right_logical3A_1217 = arith.constant 8 : i32
      %shift_right_logical3A_1218 = vector.broadcast %shift_right_logical3A_1217 : i32 to vector<2x8x1024xi32>
      %shift_right_logical3A_1219 = arith.shrui %xor3A_1212, %shift_right_logical3A_1218 : vector<2x8x1024xi32>
      %or3A_1220 = arith.ori %shift_left3A_1216, %shift_right_logical3A_1219 : vector<2x8x1024xi32>
      %xor3A_1221 = arith.xori %add3A_1213, %or3A_1220 : vector<2x8x1024xi32>
      %add3A_1222 = arith.addi %add3A_1213, %xor3A_1142 : vector<2x8x1024xi32>
      %add3A_1223 = arith.addi %xor3A_1221, %while3A_922 : vector<2x8x1024xi32>
      %add3A_1224 = arith.constant 2 : i32
      %add3A_1225 = vector.broadcast %add3A_1224 : i32 to vector<2x8x1024xi32>
      %add3A_1226 = arith.addi %add3A_1223, %add3A_1225 : vector<2x8x1024xi32>
      %add3A_1227 = arith.addi %add3A_1222, %add3A_1226 : vector<2x8x1024xi32>
      %shift_left3A_1228 = arith.constant 13 : i32
      %shift_left3A_1229 = vector.broadcast %shift_left3A_1228 : i32 to vector<2x8x1024xi32>
      %shift_left3A_1230 = arith.shli %add3A_1226, %shift_left3A_1229 : vector<2x8x1024xi32>
      %shift_right_logical3A_1231 = arith.constant 19 : i32
      %shift_right_logical3A_1232 = vector.broadcast %shift_right_logical3A_1231 : i32 to vector<2x8x1024xi32>
      %shift_right_logical3A_1233 = arith.shrui %add3A_1226, %shift_right_logical3A_1232 : vector<2x8x1024xi32>
      %or3A_1234 = arith.ori %shift_left3A_1230, %shift_right_logical3A_1233 : vector<2x8x1024xi32>
      %xor3A_1235 = arith.xori %add3A_1227, %or3A_1234 : vector<2x8x1024xi32>
      %add3A_1236 = arith.addi %add3A_1227, %xor3A_1235 : vector<2x8x1024xi32>
      %shift_left3A_1237 = arith.constant 15 : i32
      %shift_left3A_1238 = vector.broadcast %shift_left3A_1237 : i32 to vector<2x8x1024xi32>
      %shift_left3A_1239 = arith.shli %xor3A_1235, %shift_left3A_1238 : vector<2x8x1024xi32>
      %shift_right_logical3A_1240 = arith.constant 17 : i32
      %shift_right_logical3A_1241 = vector.broadcast %shift_right_logical3A_1240 : i32 to vector<2x8x1024xi32>
      %shift_right_logical3A_1242 = arith.shrui %xor3A_1235, %shift_right_logical3A_1241 : vector<2x8x1024xi32>
      %or3A_1243 = arith.ori %shift_left3A_1239, %shift_right_logical3A_1242 : vector<2x8x1024xi32>
      %xor3A_1244 = arith.xori %add3A_1236, %or3A_1243 : vector<2x8x1024xi32>
      %add3A_1245 = arith.addi %add3A_1236, %xor3A_1244 : vector<2x8x1024xi32>
      %shift_left3A_1246 = arith.constant 26 : i32
      %shift_left3A_1247 = vector.broadcast %shift_left3A_1246 : i32 to vector<2x8x1024xi32>
      %shift_left3A_1248 = arith.shli %xor3A_1244, %shift_left3A_1247 : vector<2x8x1024xi32>
      %shift_right_logical3A_1249 = arith.constant 6 : i32
      %shift_right_logical3A_1250 = vector.broadcast %shift_right_logical3A_1249 : i32 to vector<2x8x1024xi32>
      %shift_right_logical3A_1251 = arith.shrui %xor3A_1244, %shift_right_logical3A_1250 : vector<2x8x1024xi32>
      %or3A_1252 = arith.ori %shift_left3A_1248, %shift_right_logical3A_1251 : vector<2x8x1024xi32>
      %xor3A_1253 = arith.xori %add3A_1245, %or3A_1252 : vector<2x8x1024xi32>
      %add3A_1254 = arith.addi %add3A_1245, %xor3A_1253 : vector<2x8x1024xi32>
      %shift_left3A_1255 = arith.constant 6 : i32
      %shift_left3A_1256 = vector.broadcast %shift_left3A_1255 : i32 to vector<2x8x1024xi32>
      %shift_left3A_1257 = arith.shli %xor3A_1253, %shift_left3A_1256 : vector<2x8x1024xi32>
      %shift_right_logical3A_1258 = arith.constant 26 : i32
      %shift_right_logical3A_1259 = vector.broadcast %shift_right_logical3A_1258 : i32 to vector<2x8x1024xi32>
      %shift_right_logical3A_1260 = arith.shrui %xor3A_1253, %shift_right_logical3A_1259 : vector<2x8x1024xi32>
      %or3A_1261 = arith.ori %shift_left3A_1257, %shift_right_logical3A_1260 : vector<2x8x1024xi32>
      %xor3A_1262 = arith.xori %add3A_1254, %or3A_1261 : vector<2x8x1024xi32>
      %add3A_1263 = arith.addi %add3A_1254, %while3A_922 : vector<2x8x1024xi32>
      %add3A_1264 = arith.addi %xor3A_1262, %while3A_923 : vector<2x8x1024xi32>
      %add3A_1265 = arith.constant 3 : i32
      %add3A_1266 = vector.broadcast %add3A_1265 : i32 to vector<2x8x1024xi32>
      %add3A_1267 = arith.addi %add3A_1264, %add3A_1266 : vector<2x8x1024xi32>
      %add3A_1268 = arith.addi %add3A_1263, %add3A_1267 : vector<2x8x1024xi32>
      %shift_left3A_1269 = arith.constant 17 : i32
      %shift_left3A_1270 = vector.broadcast %shift_left3A_1269 : i32 to vector<2x8x1024xi32>
      %shift_left3A_1271 = arith.shli %add3A_1267, %shift_left3A_1270 : vector<2x8x1024xi32>
      %shift_right_logical3A_1272 = arith.constant 15 : i32
      %shift_right_logical3A_1273 = vector.broadcast %shift_right_logical3A_1272 : i32 to vector<2x8x1024xi32>
      %shift_right_logical3A_1274 = arith.shrui %add3A_1267, %shift_right_logical3A_1273 : vector<2x8x1024xi32>
      %or3A_1275 = arith.ori %shift_left3A_1271, %shift_right_logical3A_1274 : vector<2x8x1024xi32>
      %xor3A_1276 = arith.xori %add3A_1268, %or3A_1275 : vector<2x8x1024xi32>
      %add3A_1277 = arith.addi %add3A_1268, %xor3A_1276 : vector<2x8x1024xi32>
      %shift_left3A_1278 = arith.constant 29 : i32
      %shift_left3A_1279 = vector.broadcast %shift_left3A_1278 : i32 to vector<2x8x1024xi32>
      %shift_left3A_1280 = arith.shli %xor3A_1276, %shift_left3A_1279 : vector<2x8x1024xi32>
      %shift_right_logical3A_1281 = arith.constant 3 : i32
      %shift_right_logical3A_1282 = vector.broadcast %shift_right_logical3A_1281 : i32 to vector<2x8x1024xi32>
      %shift_right_logical3A_1283 = arith.shrui %xor3A_1276, %shift_right_logical3A_1282 : vector<2x8x1024xi32>
      %or3A_1284 = arith.ori %shift_left3A_1280, %shift_right_logical3A_1283 : vector<2x8x1024xi32>
      %xor3A_1285 = arith.xori %add3A_1277, %or3A_1284 : vector<2x8x1024xi32>
      %add3A_1286 = arith.addi %add3A_1277, %xor3A_1285 : vector<2x8x1024xi32>
      %shift_left3A_1287 = arith.constant 16 : i32
      %shift_left3A_1288 = vector.broadcast %shift_left3A_1287 : i32 to vector<2x8x1024xi32>
      %shift_left3A_1289 = arith.shli %xor3A_1285, %shift_left3A_1288 : vector<2x8x1024xi32>
      %shift_right_logical3A_1290 = arith.constant 16 : i32
      %shift_right_logical3A_1291 = vector.broadcast %shift_right_logical3A_1290 : i32 to vector<2x8x1024xi32>
      %shift_right_logical3A_1292 = arith.shrui %xor3A_1285, %shift_right_logical3A_1291 : vector<2x8x1024xi32>
      %or3A_1293 = arith.ori %shift_left3A_1289, %shift_right_logical3A_1292 : vector<2x8x1024xi32>
      %xor3A_1294 = arith.xori %add3A_1286, %or3A_1293 : vector<2x8x1024xi32>
      %add3A_1295 = arith.addi %add3A_1286, %xor3A_1294 : vector<2x8x1024xi32>
      %shift_left3A_1296 = arith.constant 24 : i32
      %shift_left3A_1297 = vector.broadcast %shift_left3A_1296 : i32 to vector<2x8x1024xi32>
      %shift_left3A_1298 = arith.shli %xor3A_1294, %shift_left3A_1297 : vector<2x8x1024xi32>
      %shift_right_logical3A_1299 = arith.constant 8 : i32
      %shift_right_logical3A_1300 = vector.broadcast %shift_right_logical3A_1299 : i32 to vector<2x8x1024xi32>
      %shift_right_logical3A_1301 = arith.shrui %xor3A_1294, %shift_right_logical3A_1300 : vector<2x8x1024xi32>
      %or3A_1302 = arith.ori %shift_left3A_1298, %shift_right_logical3A_1301 : vector<2x8x1024xi32>
      %xor3A_1303 = arith.xori %add3A_1295, %or3A_1302 : vector<2x8x1024xi32>
      %add3A_1304 = arith.addi %add3A_1295, %while3A_923 : vector<2x8x1024xi32>
      %add3A_1305 = arith.addi %xor3A_1303, %xor3A_1142 : vector<2x8x1024xi32>
      %add3A_1306 = arith.constant 4 : i32
      %add3A_1307 = vector.broadcast %add3A_1306 : i32 to vector<2x8x1024xi32>
      %add3A_1308 = arith.addi %add3A_1305, %add3A_1307 : vector<2x8x1024xi32>
      %add3A_1309 = arith.addi %add3A_1304, %add3A_1308 : vector<2x8x1024xi32>
      %shift_left3A_1310 = arith.constant 13 : i32
      %shift_left3A_1311 = vector.broadcast %shift_left3A_1310 : i32 to vector<2x8x1024xi32>
      %shift_left3A_1312 = arith.shli %add3A_1308, %shift_left3A_1311 : vector<2x8x1024xi32>
      %shift_right_logical3A_1313 = arith.constant 19 : i32
      %shift_right_logical3A_1314 = vector.broadcast %shift_right_logical3A_1313 : i32 to vector<2x8x1024xi32>
      %shift_right_logical3A_1315 = arith.shrui %add3A_1308, %shift_right_logical3A_1314 : vector<2x8x1024xi32>
      %or3A_1316 = arith.ori %shift_left3A_1312, %shift_right_logical3A_1315 : vector<2x8x1024xi32>
      %xor3A_1317 = arith.xori %add3A_1309, %or3A_1316 : vector<2x8x1024xi32>
      %add3A_1318 = arith.addi %add3A_1309, %xor3A_1317 : vector<2x8x1024xi32>
      %shift_left3A_1319 = arith.constant 15 : i32
      %shift_left3A_1320 = vector.broadcast %shift_left3A_1319 : i32 to vector<2x8x1024xi32>
      %shift_left3A_1321 = arith.shli %xor3A_1317, %shift_left3A_1320 : vector<2x8x1024xi32>
      %shift_right_logical3A_1322 = arith.constant 17 : i32
      %shift_right_logical3A_1323 = vector.broadcast %shift_right_logical3A_1322 : i32 to vector<2x8x1024xi32>
      %shift_right_logical3A_1324 = arith.shrui %xor3A_1317, %shift_right_logical3A_1323 : vector<2x8x1024xi32>
      %or3A_1325 = arith.ori %shift_left3A_1321, %shift_right_logical3A_1324 : vector<2x8x1024xi32>
      %xor3A_1326 = arith.xori %add3A_1318, %or3A_1325 : vector<2x8x1024xi32>
      %add3A_1327 = arith.addi %add3A_1318, %xor3A_1326 : vector<2x8x1024xi32>
      %shift_left3A_1328 = arith.constant 26 : i32
      %shift_left3A_1329 = vector.broadcast %shift_left3A_1328 : i32 to vector<2x8x1024xi32>
      %shift_left3A_1330 = arith.shli %xor3A_1326, %shift_left3A_1329 : vector<2x8x1024xi32>
      %shift_right_logical3A_1331 = arith.constant 6 : i32
      %shift_right_logical3A_1332 = vector.broadcast %shift_right_logical3A_1331 : i32 to vector<2x8x1024xi32>
      %shift_right_logical3A_1333 = arith.shrui %xor3A_1326, %shift_right_logical3A_1332 : vector<2x8x1024xi32>
      %or3A_1334 = arith.ori %shift_left3A_1330, %shift_right_logical3A_1333 : vector<2x8x1024xi32>
      %xor3A_1335 = arith.xori %add3A_1327, %or3A_1334 : vector<2x8x1024xi32>
      %add3A_1336 = arith.addi %add3A_1327, %xor3A_1335 : vector<2x8x1024xi32>
      %shift_left3A_1337 = arith.constant 6 : i32
      %shift_left3A_1338 = vector.broadcast %shift_left3A_1337 : i32 to vector<2x8x1024xi32>
      %shift_left3A_1339 = arith.shli %xor3A_1335, %shift_left3A_1338 : vector<2x8x1024xi32>
      %shift_right_logical3A_1340 = arith.constant 26 : i32
      %shift_right_logical3A_1341 = vector.broadcast %shift_right_logical3A_1340 : i32 to vector<2x8x1024xi32>
      %shift_right_logical3A_1342 = arith.shrui %xor3A_1335, %shift_right_logical3A_1341 : vector<2x8x1024xi32>
      %or3A_1343 = arith.ori %shift_left3A_1339, %shift_right_logical3A_1342 : vector<2x8x1024xi32>
      %xor3A_1344 = arith.xori %add3A_1336, %or3A_1343 : vector<2x8x1024xi32>
      %add3A_1345 = arith.addi %add3A_1336, %xor3A_1142 : vector<2x8x1024xi32>
      %add3A_1346 = arith.addi %xor3A_1344, %while3A_922 : vector<2x8x1024xi32>
      %add3A_1347 = arith.constant 5 : i32
      %add3A_1348 = vector.broadcast %add3A_1347 : i32 to vector<2x8x1024xi32>
      %add3A_1349 = arith.addi %add3A_1346, %add3A_1348 : vector<2x8x1024xi32>
      %xor3A_1350 = arith.xori %while3A_922, %while3A_923 : vector<2x8x1024xi32>
      %xor3A_1351 = arith.constant 466688986 : i32
      %xor3A_1352 = vector.broadcast %xor3A_1351 : i32 to vector<2x8x1024xi32>
      %xor3A_1353 = arith.xori %xor3A_1350, %xor3A_1352 : vector<2x8x1024xi32>
      %add3A_1354 = arith.addi %broadcast_in_dim3A_0, %while3A_922 : vector<2x8x1024xi32>
      %add3A_1355 = arith.addi %broadcast_in_dim3A_4, %while3A_923 : vector<2x8x1024xi32>
      %add3A_1356 = arith.addi %add3A_1354, %add3A_1355 : vector<2x8x1024xi32>
      %shift_left3A_1357 = arith.constant 13 : i32
      %shift_left3A_1358 = vector.broadcast %shift_left3A_1357 : i32 to vector<2x8x1024xi32>
      %shift_left3A_1359 = arith.shli %add3A_1355, %shift_left3A_1358 : vector<2x8x1024xi32>
      %shift_right_logical3A_1360 = arith.constant 19 : i32
      %shift_right_logical3A_1361 = vector.broadcast %shift_right_logical3A_1360 : i32 to vector<2x8x1024xi32>
      %shift_right_logical3A_1362 = arith.shrui %add3A_1355, %shift_right_logical3A_1361 : vector<2x8x1024xi32>
      %or3A_1363 = arith.ori %shift_left3A_1359, %shift_right_logical3A_1362 : vector<2x8x1024xi32>
      %xor3A_1364 = arith.xori %add3A_1356, %or3A_1363 : vector<2x8x1024xi32>
      %add3A_1365 = arith.addi %add3A_1356, %xor3A_1364 : vector<2x8x1024xi32>
      %shift_left3A_1366 = arith.constant 15 : i32
      %shift_left3A_1367 = vector.broadcast %shift_left3A_1366 : i32 to vector<2x8x1024xi32>
      %shift_left3A_1368 = arith.shli %xor3A_1364, %shift_left3A_1367 : vector<2x8x1024xi32>
      %shift_right_logical3A_1369 = arith.constant 17 : i32
      %shift_right_logical3A_1370 = vector.broadcast %shift_right_logical3A_1369 : i32 to vector<2x8x1024xi32>
      %shift_right_logical3A_1371 = arith.shrui %xor3A_1364, %shift_right_logical3A_1370 : vector<2x8x1024xi32>
      %or3A_1372 = arith.ori %shift_left3A_1368, %shift_right_logical3A_1371 : vector<2x8x1024xi32>
      %xor3A_1373 = arith.xori %add3A_1365, %or3A_1372 : vector<2x8x1024xi32>
      %add3A_1374 = arith.addi %add3A_1365, %xor3A_1373 : vector<2x8x1024xi32>
      %shift_left3A_1375 = arith.constant 26 : i32
      %shift_left3A_1376 = vector.broadcast %shift_left3A_1375 : i32 to vector<2x8x1024xi32>
      %shift_left3A_1377 = arith.shli %xor3A_1373, %shift_left3A_1376 : vector<2x8x1024xi32>
      %shift_right_logical3A_1378 = arith.constant 6 : i32
      %shift_right_logical3A_1379 = vector.broadcast %shift_right_logical3A_1378 : i32 to vector<2x8x1024xi32>
      %shift_right_logical3A_1380 = arith.shrui %xor3A_1373, %shift_right_logical3A_1379 : vector<2x8x1024xi32>
      %or3A_1381 = arith.ori %shift_left3A_1377, %shift_right_logical3A_1380 : vector<2x8x1024xi32>
      %xor3A_1382 = arith.xori %add3A_1374, %or3A_1381 : vector<2x8x1024xi32>
      %add3A_1383 = arith.addi %add3A_1374, %xor3A_1382 : vector<2x8x1024xi32>
      %shift_left3A_1384 = arith.constant 6 : i32
      %shift_left3A_1385 = vector.broadcast %shift_left3A_1384 : i32 to vector<2x8x1024xi32>
      %shift_left3A_1386 = arith.shli %xor3A_1382, %shift_left3A_1385 : vector<2x8x1024xi32>
      %shift_right_logical3A_1387 = arith.constant 26 : i32
      %shift_right_logical3A_1388 = vector.broadcast %shift_right_logical3A_1387 : i32 to vector<2x8x1024xi32>
      %shift_right_logical3A_1389 = arith.shrui %xor3A_1382, %shift_right_logical3A_1388 : vector<2x8x1024xi32>
      %or3A_1390 = arith.ori %shift_left3A_1386, %shift_right_logical3A_1389 : vector<2x8x1024xi32>
      %xor3A_1391 = arith.xori %add3A_1383, %or3A_1390 : vector<2x8x1024xi32>
      %add3A_1392 = arith.addi %add3A_1383, %while3A_923 : vector<2x8x1024xi32>
      %add3A_1393 = arith.addi %xor3A_1391, %xor3A_1353 : vector<2x8x1024xi32>
      %add3A_1394 = arith.constant 1 : i32
      %add3A_1395 = vector.broadcast %add3A_1394 : i32 to vector<2x8x1024xi32>
      %add3A_1396 = arith.addi %add3A_1393, %add3A_1395 : vector<2x8x1024xi32>
      %add3A_1397 = arith.addi %add3A_1392, %add3A_1396 : vector<2x8x1024xi32>
      %shift_left3A_1398 = arith.constant 17 : i32
      %shift_left3A_1399 = vector.broadcast %shift_left3A_1398 : i32 to vector<2x8x1024xi32>
      %shift_left3A_1400 = arith.shli %add3A_1396, %shift_left3A_1399 : vector<2x8x1024xi32>
      %shift_right_logical3A_1401 = arith.constant 15 : i32
      %shift_right_logical3A_1402 = vector.broadcast %shift_right_logical3A_1401 : i32 to vector<2x8x1024xi32>
      %shift_right_logical3A_1403 = arith.shrui %add3A_1396, %shift_right_logical3A_1402 : vector<2x8x1024xi32>
      %or3A_1404 = arith.ori %shift_left3A_1400, %shift_right_logical3A_1403 : vector<2x8x1024xi32>
      %xor3A_1405 = arith.xori %add3A_1397, %or3A_1404 : vector<2x8x1024xi32>
      %add3A_1406 = arith.addi %add3A_1397, %xor3A_1405 : vector<2x8x1024xi32>
      %shift_left3A_1407 = arith.constant 29 : i32
      %shift_left3A_1408 = vector.broadcast %shift_left3A_1407 : i32 to vector<2x8x1024xi32>
      %shift_left3A_1409 = arith.shli %xor3A_1405, %shift_left3A_1408 : vector<2x8x1024xi32>
      %shift_right_logical3A_1410 = arith.constant 3 : i32
      %shift_right_logical3A_1411 = vector.broadcast %shift_right_logical3A_1410 : i32 to vector<2x8x1024xi32>
      %shift_right_logical3A_1412 = arith.shrui %xor3A_1405, %shift_right_logical3A_1411 : vector<2x8x1024xi32>
      %or3A_1413 = arith.ori %shift_left3A_1409, %shift_right_logical3A_1412 : vector<2x8x1024xi32>
      %xor3A_1414 = arith.xori %add3A_1406, %or3A_1413 : vector<2x8x1024xi32>
      %add3A_1415 = arith.addi %add3A_1406, %xor3A_1414 : vector<2x8x1024xi32>
      %shift_left3A_1416 = arith.constant 16 : i32
      %shift_left3A_1417 = vector.broadcast %shift_left3A_1416 : i32 to vector<2x8x1024xi32>
      %shift_left3A_1418 = arith.shli %xor3A_1414, %shift_left3A_1417 : vector<2x8x1024xi32>
      %shift_right_logical3A_1419 = arith.constant 16 : i32
      %shift_right_logical3A_1420 = vector.broadcast %shift_right_logical3A_1419 : i32 to vector<2x8x1024xi32>
      %shift_right_logical3A_1421 = arith.shrui %xor3A_1414, %shift_right_logical3A_1420 : vector<2x8x1024xi32>
      %or3A_1422 = arith.ori %shift_left3A_1418, %shift_right_logical3A_1421 : vector<2x8x1024xi32>
      %xor3A_1423 = arith.xori %add3A_1415, %or3A_1422 : vector<2x8x1024xi32>
      %add3A_1424 = arith.addi %add3A_1415, %xor3A_1423 : vector<2x8x1024xi32>
      %shift_left3A_1425 = arith.constant 24 : i32
      %shift_left3A_1426 = vector.broadcast %shift_left3A_1425 : i32 to vector<2x8x1024xi32>
      %shift_left3A_1427 = arith.shli %xor3A_1423, %shift_left3A_1426 : vector<2x8x1024xi32>
      %shift_right_logical3A_1428 = arith.constant 8 : i32
      %shift_right_logical3A_1429 = vector.broadcast %shift_right_logical3A_1428 : i32 to vector<2x8x1024xi32>
      %shift_right_logical3A_1430 = arith.shrui %xor3A_1423, %shift_right_logical3A_1429 : vector<2x8x1024xi32>
      %or3A_1431 = arith.ori %shift_left3A_1427, %shift_right_logical3A_1430 : vector<2x8x1024xi32>
      %xor3A_1432 = arith.xori %add3A_1424, %or3A_1431 : vector<2x8x1024xi32>
      %add3A_1433 = arith.addi %add3A_1424, %xor3A_1353 : vector<2x8x1024xi32>
      %add3A_1434 = arith.addi %xor3A_1432, %while3A_922 : vector<2x8x1024xi32>
      %add3A_1435 = arith.constant 2 : i32
      %add3A_1436 = vector.broadcast %add3A_1435 : i32 to vector<2x8x1024xi32>
      %add3A_1437 = arith.addi %add3A_1434, %add3A_1436 : vector<2x8x1024xi32>
      %add3A_1438 = arith.addi %add3A_1433, %add3A_1437 : vector<2x8x1024xi32>
      %shift_left3A_1439 = arith.constant 13 : i32
      %shift_left3A_1440 = vector.broadcast %shift_left3A_1439 : i32 to vector<2x8x1024xi32>
      %shift_left3A_1441 = arith.shli %add3A_1437, %shift_left3A_1440 : vector<2x8x1024xi32>
      %shift_right_logical3A_1442 = arith.constant 19 : i32
      %shift_right_logical3A_1443 = vector.broadcast %shift_right_logical3A_1442 : i32 to vector<2x8x1024xi32>
      %shift_right_logical3A_1444 = arith.shrui %add3A_1437, %shift_right_logical3A_1443 : vector<2x8x1024xi32>
      %or3A_1445 = arith.ori %shift_left3A_1441, %shift_right_logical3A_1444 : vector<2x8x1024xi32>
      %xor3A_1446 = arith.xori %add3A_1438, %or3A_1445 : vector<2x8x1024xi32>
      %add3A_1447 = arith.addi %add3A_1438, %xor3A_1446 : vector<2x8x1024xi32>
      %shift_left3A_1448 = arith.constant 15 : i32
      %shift_left3A_1449 = vector.broadcast %shift_left3A_1448 : i32 to vector<2x8x1024xi32>
      %shift_left3A_1450 = arith.shli %xor3A_1446, %shift_left3A_1449 : vector<2x8x1024xi32>
      %shift_right_logical3A_1451 = arith.constant 17 : i32
      %shift_right_logical3A_1452 = vector.broadcast %shift_right_logical3A_1451 : i32 to vector<2x8x1024xi32>
      %shift_right_logical3A_1453 = arith.shrui %xor3A_1446, %shift_right_logical3A_1452 : vector<2x8x1024xi32>
      %or3A_1454 = arith.ori %shift_left3A_1450, %shift_right_logical3A_1453 : vector<2x8x1024xi32>
      %xor3A_1455 = arith.xori %add3A_1447, %or3A_1454 : vector<2x8x1024xi32>
      %add3A_1456 = arith.addi %add3A_1447, %xor3A_1455 : vector<2x8x1024xi32>
      %shift_left3A_1457 = arith.constant 26 : i32
      %shift_left3A_1458 = vector.broadcast %shift_left3A_1457 : i32 to vector<2x8x1024xi32>
      %shift_left3A_1459 = arith.shli %xor3A_1455, %shift_left3A_1458 : vector<2x8x1024xi32>
      %shift_right_logical3A_1460 = arith.constant 6 : i32
      %shift_right_logical3A_1461 = vector.broadcast %shift_right_logical3A_1460 : i32 to vector<2x8x1024xi32>
      %shift_right_logical3A_1462 = arith.shrui %xor3A_1455, %shift_right_logical3A_1461 : vector<2x8x1024xi32>
      %or3A_1463 = arith.ori %shift_left3A_1459, %shift_right_logical3A_1462 : vector<2x8x1024xi32>
      %xor3A_1464 = arith.xori %add3A_1456, %or3A_1463 : vector<2x8x1024xi32>
      %add3A_1465 = arith.addi %add3A_1456, %xor3A_1464 : vector<2x8x1024xi32>
      %shift_left3A_1466 = arith.constant 6 : i32
      %shift_left3A_1467 = vector.broadcast %shift_left3A_1466 : i32 to vector<2x8x1024xi32>
      %shift_left3A_1468 = arith.shli %xor3A_1464, %shift_left3A_1467 : vector<2x8x1024xi32>
      %shift_right_logical3A_1469 = arith.constant 26 : i32
      %shift_right_logical3A_1470 = vector.broadcast %shift_right_logical3A_1469 : i32 to vector<2x8x1024xi32>
      %shift_right_logical3A_1471 = arith.shrui %xor3A_1464, %shift_right_logical3A_1470 : vector<2x8x1024xi32>
      %or3A_1472 = arith.ori %shift_left3A_1468, %shift_right_logical3A_1471 : vector<2x8x1024xi32>
      %xor3A_1473 = arith.xori %add3A_1465, %or3A_1472 : vector<2x8x1024xi32>
      %add3A_1474 = arith.addi %add3A_1465, %while3A_922 : vector<2x8x1024xi32>
      %add3A_1475 = arith.addi %xor3A_1473, %while3A_923 : vector<2x8x1024xi32>
      %add3A_1476 = arith.constant 3 : i32
      %add3A_1477 = vector.broadcast %add3A_1476 : i32 to vector<2x8x1024xi32>
      %add3A_1478 = arith.addi %add3A_1475, %add3A_1477 : vector<2x8x1024xi32>
      %add3A_1479 = arith.addi %add3A_1474, %add3A_1478 : vector<2x8x1024xi32>
      %shift_left3A_1480 = arith.constant 17 : i32
      %shift_left3A_1481 = vector.broadcast %shift_left3A_1480 : i32 to vector<2x8x1024xi32>
      %shift_left3A_1482 = arith.shli %add3A_1478, %shift_left3A_1481 : vector<2x8x1024xi32>
      %shift_right_logical3A_1483 = arith.constant 15 : i32
      %shift_right_logical3A_1484 = vector.broadcast %shift_right_logical3A_1483 : i32 to vector<2x8x1024xi32>
      %shift_right_logical3A_1485 = arith.shrui %add3A_1478, %shift_right_logical3A_1484 : vector<2x8x1024xi32>
      %or3A_1486 = arith.ori %shift_left3A_1482, %shift_right_logical3A_1485 : vector<2x8x1024xi32>
      %xor3A_1487 = arith.xori %add3A_1479, %or3A_1486 : vector<2x8x1024xi32>
      %add3A_1488 = arith.addi %add3A_1479, %xor3A_1487 : vector<2x8x1024xi32>
      %shift_left3A_1489 = arith.constant 29 : i32
      %shift_left3A_1490 = vector.broadcast %shift_left3A_1489 : i32 to vector<2x8x1024xi32>
      %shift_left3A_1491 = arith.shli %xor3A_1487, %shift_left3A_1490 : vector<2x8x1024xi32>
      %shift_right_logical3A_1492 = arith.constant 3 : i32
      %shift_right_logical3A_1493 = vector.broadcast %shift_right_logical3A_1492 : i32 to vector<2x8x1024xi32>
      %shift_right_logical3A_1494 = arith.shrui %xor3A_1487, %shift_right_logical3A_1493 : vector<2x8x1024xi32>
      %or3A_1495 = arith.ori %shift_left3A_1491, %shift_right_logical3A_1494 : vector<2x8x1024xi32>
      %xor3A_1496 = arith.xori %add3A_1488, %or3A_1495 : vector<2x8x1024xi32>
      %add3A_1497 = arith.addi %add3A_1488, %xor3A_1496 : vector<2x8x1024xi32>
      %shift_left3A_1498 = arith.constant 16 : i32
      %shift_left3A_1499 = vector.broadcast %shift_left3A_1498 : i32 to vector<2x8x1024xi32>
      %shift_left3A_1500 = arith.shli %xor3A_1496, %shift_left3A_1499 : vector<2x8x1024xi32>
      %shift_right_logical3A_1501 = arith.constant 16 : i32
      %shift_right_logical3A_1502 = vector.broadcast %shift_right_logical3A_1501 : i32 to vector<2x8x1024xi32>
      %shift_right_logical3A_1503 = arith.shrui %xor3A_1496, %shift_right_logical3A_1502 : vector<2x8x1024xi32>
      %or3A_1504 = arith.ori %shift_left3A_1500, %shift_right_logical3A_1503 : vector<2x8x1024xi32>
      %xor3A_1505 = arith.xori %add3A_1497, %or3A_1504 : vector<2x8x1024xi32>
      %add3A_1506 = arith.addi %add3A_1497, %xor3A_1505 : vector<2x8x1024xi32>
      %shift_left3A_1507 = arith.constant 24 : i32
      %shift_left3A_1508 = vector.broadcast %shift_left3A_1507 : i32 to vector<2x8x1024xi32>
      %shift_left3A_1509 = arith.shli %xor3A_1505, %shift_left3A_1508 : vector<2x8x1024xi32>
      %shift_right_logical3A_1510 = arith.constant 8 : i32
      %shift_right_logical3A_1511 = vector.broadcast %shift_right_logical3A_1510 : i32 to vector<2x8x1024xi32>
      %shift_right_logical3A_1512 = arith.shrui %xor3A_1505, %shift_right_logical3A_1511 : vector<2x8x1024xi32>
      %or3A_1513 = arith.ori %shift_left3A_1509, %shift_right_logical3A_1512 : vector<2x8x1024xi32>
      %xor3A_1514 = arith.xori %add3A_1506, %or3A_1513 : vector<2x8x1024xi32>
      %add3A_1515 = arith.addi %add3A_1506, %while3A_923 : vector<2x8x1024xi32>
      %add3A_1516 = arith.addi %xor3A_1514, %xor3A_1353 : vector<2x8x1024xi32>
      %add3A_1517 = arith.constant 4 : i32
      %add3A_1518 = vector.broadcast %add3A_1517 : i32 to vector<2x8x1024xi32>
      %add3A_1519 = arith.addi %add3A_1516, %add3A_1518 : vector<2x8x1024xi32>
      %add3A_1520 = arith.addi %add3A_1515, %add3A_1519 : vector<2x8x1024xi32>
      %shift_left3A_1521 = arith.constant 13 : i32
      %shift_left3A_1522 = vector.broadcast %shift_left3A_1521 : i32 to vector<2x8x1024xi32>
      %shift_left3A_1523 = arith.shli %add3A_1519, %shift_left3A_1522 : vector<2x8x1024xi32>
      %shift_right_logical3A_1524 = arith.constant 19 : i32
      %shift_right_logical3A_1525 = vector.broadcast %shift_right_logical3A_1524 : i32 to vector<2x8x1024xi32>
      %shift_right_logical3A_1526 = arith.shrui %add3A_1519, %shift_right_logical3A_1525 : vector<2x8x1024xi32>
      %or3A_1527 = arith.ori %shift_left3A_1523, %shift_right_logical3A_1526 : vector<2x8x1024xi32>
      %xor3A_1528 = arith.xori %add3A_1520, %or3A_1527 : vector<2x8x1024xi32>
      %add3A_1529 = arith.addi %add3A_1520, %xor3A_1528 : vector<2x8x1024xi32>
      %shift_left3A_1530 = arith.constant 15 : i32
      %shift_left3A_1531 = vector.broadcast %shift_left3A_1530 : i32 to vector<2x8x1024xi32>
      %shift_left3A_1532 = arith.shli %xor3A_1528, %shift_left3A_1531 : vector<2x8x1024xi32>
      %shift_right_logical3A_1533 = arith.constant 17 : i32
      %shift_right_logical3A_1534 = vector.broadcast %shift_right_logical3A_1533 : i32 to vector<2x8x1024xi32>
      %shift_right_logical3A_1535 = arith.shrui %xor3A_1528, %shift_right_logical3A_1534 : vector<2x8x1024xi32>
      %or3A_1536 = arith.ori %shift_left3A_1532, %shift_right_logical3A_1535 : vector<2x8x1024xi32>
      %xor3A_1537 = arith.xori %add3A_1529, %or3A_1536 : vector<2x8x1024xi32>
      %add3A_1538 = arith.addi %add3A_1529, %xor3A_1537 : vector<2x8x1024xi32>
      %shift_left3A_1539 = arith.constant 26 : i32
      %shift_left3A_1540 = vector.broadcast %shift_left3A_1539 : i32 to vector<2x8x1024xi32>
      %shift_left3A_1541 = arith.shli %xor3A_1537, %shift_left3A_1540 : vector<2x8x1024xi32>
      %shift_right_logical3A_1542 = arith.constant 6 : i32
      %shift_right_logical3A_1543 = vector.broadcast %shift_right_logical3A_1542 : i32 to vector<2x8x1024xi32>
      %shift_right_logical3A_1544 = arith.shrui %xor3A_1537, %shift_right_logical3A_1543 : vector<2x8x1024xi32>
      %or3A_1545 = arith.ori %shift_left3A_1541, %shift_right_logical3A_1544 : vector<2x8x1024xi32>
      %xor3A_1546 = arith.xori %add3A_1538, %or3A_1545 : vector<2x8x1024xi32>
      %add3A_1547 = arith.addi %add3A_1538, %xor3A_1546 : vector<2x8x1024xi32>
      %shift_left3A_1548 = arith.constant 6 : i32
      %shift_left3A_1549 = vector.broadcast %shift_left3A_1548 : i32 to vector<2x8x1024xi32>
      %shift_left3A_1550 = arith.shli %xor3A_1546, %shift_left3A_1549 : vector<2x8x1024xi32>
      %shift_right_logical3A_1551 = arith.constant 26 : i32
      %shift_right_logical3A_1552 = vector.broadcast %shift_right_logical3A_1551 : i32 to vector<2x8x1024xi32>
      %shift_right_logical3A_1553 = arith.shrui %xor3A_1546, %shift_right_logical3A_1552 : vector<2x8x1024xi32>
      %or3A_1554 = arith.ori %shift_left3A_1550, %shift_right_logical3A_1553 : vector<2x8x1024xi32>
      %xor3A_1555 = arith.xori %add3A_1547, %or3A_1554 : vector<2x8x1024xi32>
      %add3A_1556 = arith.addi %add3A_1547, %xor3A_1353 : vector<2x8x1024xi32>
      %add3A_1557 = arith.addi %xor3A_1555, %while3A_922 : vector<2x8x1024xi32>
      %add3A_1558 = arith.constant 5 : i32
      %add3A_1559 = vector.broadcast %add3A_1558 : i32 to vector<2x8x1024xi32>
      %add3A_1560 = arith.addi %add3A_1557, %add3A_1559 : vector<2x8x1024xi32>
      %broadcast_in_dim3A_1561 = arith.constant 0.000000e+00 : f32
      %broadcast_in_dim3A_1562 = vector.broadcast %broadcast_in_dim3A_1561 : f32 to vector<2x8x1024xf32>
      %broadcast_in_dim3A_1563 = arith.constant -1.000000e+00 : f32
      %broadcast_in_dim3A_1564 = vector.broadcast %broadcast_in_dim3A_1563 : f32 to vector<2x8x1024xf32>
      %while3A_1565:4 = scf.while (%while3A_1822 = %add3A_1345, %while3A_1823 = %add3A_1349, %while3A_1824 = %broadcast_in_dim3A_1562, %while3A_1825 = %broadcast_in_dim3A_1564) : (vector<2x8x1024xi32>, vector<2x8x1024xi32>, vector<2x8x1024xf32>, vector<2x8x1024xf32>) -> (vector<2x8x1024xi32>, vector<2x8x1024xi32>, vector<2x8x1024xf32>, vector<2x8x1024xf32>) {
        %le3A = arith.constant 0.000000e+00 : f32
        %le3A_1826 = vector.broadcast %le3A : f32 to vector<2x8x1024xf32>
        %le3A_1827 = arith.cmpf ole, %while3A_1825, %le3A_1826 : vector<2x8x1024xf32>
        %reduce_or3A = arith.constant 1.000000e+00 : f32
        %reduce_or3A_1828 = arith.constant 0.000000e+00 : f32
        %reduce_or3A_1829 = vector.broadcast %reduce_or3A : f32 to vector<2x8x1024xf32>
        %reduce_or3A_1830 = vector.broadcast %reduce_or3A_1828 : f32 to vector<2x8x1024xf32>
        %reduce_or3A_1831 = arith.select %le3A_1827, %reduce_or3A_1829, %reduce_or3A_1830 : vector<2x8x1024xi1>, vector<2x8x1024xf32>
        %reduce_or3A_1832 = vector.shape_cast %reduce_or3A_1831 : vector<2x8x1024xf32> to vector<1x2x8x1024xf32>
        %reduce_or3A_1833 = arith.constant dense<0xFF800000> : vector<1xf32>
        %reduce_or3A_1834 = vector.multi_reduction <maximumf>, %reduce_or3A_1832, %reduce_or3A_1833 [1, 2, 3] : vector<1x2x8x1024xf32> to vector<1xf32>
        %reduce_or3A_1835 = vector.shape_cast %reduce_or3A_1834 : vector<1xf32> to vector<1x1x1x1xf32>
        %reduce_or3A_1836 = vector.extract %reduce_or3A_1835[0, 0, 0, 0] : f32 from vector<1x1x1x1xf32>
        %reduce_or3A_1837 = arith.constant 0.000000e+00 : f32
        %reduce_or3A_1838 = arith.cmpf ogt, %reduce_or3A_1836, %reduce_or3A_1837 : f32
        scf.condition(%reduce_or3A_1838) %while3A_1822, %while3A_1823, %while3A_1824, %while3A_1825 : vector<2x8x1024xi32>, vector<2x8x1024xi32>, vector<2x8x1024xf32>, vector<2x8x1024xf32>
      } do {
      ^bb0(%while3A_1822: vector<2x8x1024xi32>, %while3A_1823: vector<2x8x1024xi32>, %while3A_1824: vector<2x8x1024xf32>, %while3A_1825: vector<2x8x1024xf32>):
        %le3A = arith.constant 0.000000e+00 : f32
        %le3A_1826 = vector.broadcast %le3A : f32 to vector<2x8x1024xf32>
        %le3A_1827 = arith.cmpf ole, %while3A_1825, %le3A_1826 : vector<2x8x1024xf32>
        %xor3A_1828 = arith.xori %while3A_1822, %while3A_1823 : vector<2x8x1024xi32>
        %xor3A_1829 = arith.constant 466688986 : i32
        %xor3A_1830 = vector.broadcast %xor3A_1829 : i32 to vector<2x8x1024xi32>
        %xor3A_1831 = arith.xori %xor3A_1828, %xor3A_1830 : vector<2x8x1024xi32>
        %add3A_1832 = arith.addi %broadcast_in_dim3A_0, %while3A_1822 : vector<2x8x1024xi32>
        %add3A_1833 = arith.addi %broadcast_in_dim3A_0, %while3A_1823 : vector<2x8x1024xi32>
        %add3A_1834 = arith.addi %add3A_1832, %add3A_1833 : vector<2x8x1024xi32>
        %shift_left3A_1835 = arith.constant 13 : i32
        %shift_left3A_1836 = vector.broadcast %shift_left3A_1835 : i32 to vector<2x8x1024xi32>
        %shift_left3A_1837 = arith.shli %add3A_1833, %shift_left3A_1836 : vector<2x8x1024xi32>
        %shift_right_logical3A_1838 = arith.constant 19 : i32
        %shift_right_logical3A_1839 = vector.broadcast %shift_right_logical3A_1838 : i32 to vector<2x8x1024xi32>
        %shift_right_logical3A_1840 = arith.shrui %add3A_1833, %shift_right_logical3A_1839 : vector<2x8x1024xi32>
        %or3A_1841 = arith.ori %shift_left3A_1837, %shift_right_logical3A_1840 : vector<2x8x1024xi32>
        %xor3A_1842 = arith.xori %add3A_1834, %or3A_1841 : vector<2x8x1024xi32>
        %add3A_1843 = arith.addi %add3A_1834, %xor3A_1842 : vector<2x8x1024xi32>
        %shift_left3A_1844 = arith.constant 15 : i32
        %shift_left3A_1845 = vector.broadcast %shift_left3A_1844 : i32 to vector<2x8x1024xi32>
        %shift_left3A_1846 = arith.shli %xor3A_1842, %shift_left3A_1845 : vector<2x8x1024xi32>
        %shift_right_logical3A_1847 = arith.constant 17 : i32
        %shift_right_logical3A_1848 = vector.broadcast %shift_right_logical3A_1847 : i32 to vector<2x8x1024xi32>
        %shift_right_logical3A_1849 = arith.shrui %xor3A_1842, %shift_right_logical3A_1848 : vector<2x8x1024xi32>
        %or3A_1850 = arith.ori %shift_left3A_1846, %shift_right_logical3A_1849 : vector<2x8x1024xi32>
        %xor3A_1851 = arith.xori %add3A_1843, %or3A_1850 : vector<2x8x1024xi32>
        %add3A_1852 = arith.addi %add3A_1843, %xor3A_1851 : vector<2x8x1024xi32>
        %shift_left3A_1853 = arith.constant 26 : i32
        %shift_left3A_1854 = vector.broadcast %shift_left3A_1853 : i32 to vector<2x8x1024xi32>
        %shift_left3A_1855 = arith.shli %xor3A_1851, %shift_left3A_1854 : vector<2x8x1024xi32>
        %shift_right_logical3A_1856 = arith.constant 6 : i32
        %shift_right_logical3A_1857 = vector.broadcast %shift_right_logical3A_1856 : i32 to vector<2x8x1024xi32>
        %shift_right_logical3A_1858 = arith.shrui %xor3A_1851, %shift_right_logical3A_1857 : vector<2x8x1024xi32>
        %or3A_1859 = arith.ori %shift_left3A_1855, %shift_right_logical3A_1858 : vector<2x8x1024xi32>
        %xor3A_1860 = arith.xori %add3A_1852, %or3A_1859 : vector<2x8x1024xi32>
        %add3A_1861 = arith.addi %add3A_1852, %xor3A_1860 : vector<2x8x1024xi32>
        %shift_left3A_1862 = arith.constant 6 : i32
        %shift_left3A_1863 = vector.broadcast %shift_left3A_1862 : i32 to vector<2x8x1024xi32>
        %shift_left3A_1864 = arith.shli %xor3A_1860, %shift_left3A_1863 : vector<2x8x1024xi32>
        %shift_right_logical3A_1865 = arith.constant 26 : i32
        %shift_right_logical3A_1866 = vector.broadcast %shift_right_logical3A_1865 : i32 to vector<2x8x1024xi32>
        %shift_right_logical3A_1867 = arith.shrui %xor3A_1860, %shift_right_logical3A_1866 : vector<2x8x1024xi32>
        %or3A_1868 = arith.ori %shift_left3A_1864, %shift_right_logical3A_1867 : vector<2x8x1024xi32>
        %xor3A_1869 = arith.xori %add3A_1861, %or3A_1868 : vector<2x8x1024xi32>
        %add3A_1870 = arith.addi %add3A_1861, %while3A_1823 : vector<2x8x1024xi32>
        %add3A_1871 = arith.addi %xor3A_1869, %xor3A_1831 : vector<2x8x1024xi32>
        %add3A_1872 = arith.constant 1 : i32
        %add3A_1873 = vector.broadcast %add3A_1872 : i32 to vector<2x8x1024xi32>
        %add3A_1874 = arith.addi %add3A_1871, %add3A_1873 : vector<2x8x1024xi32>
        %add3A_1875 = arith.addi %add3A_1870, %add3A_1874 : vector<2x8x1024xi32>
        %shift_left3A_1876 = arith.constant 17 : i32
        %shift_left3A_1877 = vector.broadcast %shift_left3A_1876 : i32 to vector<2x8x1024xi32>
        %shift_left3A_1878 = arith.shli %add3A_1874, %shift_left3A_1877 : vector<2x8x1024xi32>
        %shift_right_logical3A_1879 = arith.constant 15 : i32
        %shift_right_logical3A_1880 = vector.broadcast %shift_right_logical3A_1879 : i32 to vector<2x8x1024xi32>
        %shift_right_logical3A_1881 = arith.shrui %add3A_1874, %shift_right_logical3A_1880 : vector<2x8x1024xi32>
        %or3A_1882 = arith.ori %shift_left3A_1878, %shift_right_logical3A_1881 : vector<2x8x1024xi32>
        %xor3A_1883 = arith.xori %add3A_1875, %or3A_1882 : vector<2x8x1024xi32>
        %add3A_1884 = arith.addi %add3A_1875, %xor3A_1883 : vector<2x8x1024xi32>
        %shift_left3A_1885 = arith.constant 29 : i32
        %shift_left3A_1886 = vector.broadcast %shift_left3A_1885 : i32 to vector<2x8x1024xi32>
        %shift_left3A_1887 = arith.shli %xor3A_1883, %shift_left3A_1886 : vector<2x8x1024xi32>
        %shift_right_logical3A_1888 = arith.constant 3 : i32
        %shift_right_logical3A_1889 = vector.broadcast %shift_right_logical3A_1888 : i32 to vector<2x8x1024xi32>
        %shift_right_logical3A_1890 = arith.shrui %xor3A_1883, %shift_right_logical3A_1889 : vector<2x8x1024xi32>
        %or3A_1891 = arith.ori %shift_left3A_1887, %shift_right_logical3A_1890 : vector<2x8x1024xi32>
        %xor3A_1892 = arith.xori %add3A_1884, %or3A_1891 : vector<2x8x1024xi32>
        %add3A_1893 = arith.addi %add3A_1884, %xor3A_1892 : vector<2x8x1024xi32>
        %shift_left3A_1894 = arith.constant 16 : i32
        %shift_left3A_1895 = vector.broadcast %shift_left3A_1894 : i32 to vector<2x8x1024xi32>
        %shift_left3A_1896 = arith.shli %xor3A_1892, %shift_left3A_1895 : vector<2x8x1024xi32>
        %shift_right_logical3A_1897 = arith.constant 16 : i32
        %shift_right_logical3A_1898 = vector.broadcast %shift_right_logical3A_1897 : i32 to vector<2x8x1024xi32>
        %shift_right_logical3A_1899 = arith.shrui %xor3A_1892, %shift_right_logical3A_1898 : vector<2x8x1024xi32>
        %or3A_1900 = arith.ori %shift_left3A_1896, %shift_right_logical3A_1899 : vector<2x8x1024xi32>
        %xor3A_1901 = arith.xori %add3A_1893, %or3A_1900 : vector<2x8x1024xi32>
        %add3A_1902 = arith.addi %add3A_1893, %xor3A_1901 : vector<2x8x1024xi32>
        %shift_left3A_1903 = arith.constant 24 : i32
        %shift_left3A_1904 = vector.broadcast %shift_left3A_1903 : i32 to vector<2x8x1024xi32>
        %shift_left3A_1905 = arith.shli %xor3A_1901, %shift_left3A_1904 : vector<2x8x1024xi32>
        %shift_right_logical3A_1906 = arith.constant 8 : i32
        %shift_right_logical3A_1907 = vector.broadcast %shift_right_logical3A_1906 : i32 to vector<2x8x1024xi32>
        %shift_right_logical3A_1908 = arith.shrui %xor3A_1901, %shift_right_logical3A_1907 : vector<2x8x1024xi32>
        %or3A_1909 = arith.ori %shift_left3A_1905, %shift_right_logical3A_1908 : vector<2x8x1024xi32>
        %xor3A_1910 = arith.xori %add3A_1902, %or3A_1909 : vector<2x8x1024xi32>
        %add3A_1911 = arith.addi %add3A_1902, %xor3A_1831 : vector<2x8x1024xi32>
        %add3A_1912 = arith.addi %xor3A_1910, %while3A_1822 : vector<2x8x1024xi32>
        %add3A_1913 = arith.constant 2 : i32
        %add3A_1914 = vector.broadcast %add3A_1913 : i32 to vector<2x8x1024xi32>
        %add3A_1915 = arith.addi %add3A_1912, %add3A_1914 : vector<2x8x1024xi32>
        %add3A_1916 = arith.addi %add3A_1911, %add3A_1915 : vector<2x8x1024xi32>
        %shift_left3A_1917 = arith.constant 13 : i32
        %shift_left3A_1918 = vector.broadcast %shift_left3A_1917 : i32 to vector<2x8x1024xi32>
        %shift_left3A_1919 = arith.shli %add3A_1915, %shift_left3A_1918 : vector<2x8x1024xi32>
        %shift_right_logical3A_1920 = arith.constant 19 : i32
        %shift_right_logical3A_1921 = vector.broadcast %shift_right_logical3A_1920 : i32 to vector<2x8x1024xi32>
        %shift_right_logical3A_1922 = arith.shrui %add3A_1915, %shift_right_logical3A_1921 : vector<2x8x1024xi32>
        %or3A_1923 = arith.ori %shift_left3A_1919, %shift_right_logical3A_1922 : vector<2x8x1024xi32>
        %xor3A_1924 = arith.xori %add3A_1916, %or3A_1923 : vector<2x8x1024xi32>
        %add3A_1925 = arith.addi %add3A_1916, %xor3A_1924 : vector<2x8x1024xi32>
        %shift_left3A_1926 = arith.constant 15 : i32
        %shift_left3A_1927 = vector.broadcast %shift_left3A_1926 : i32 to vector<2x8x1024xi32>
        %shift_left3A_1928 = arith.shli %xor3A_1924, %shift_left3A_1927 : vector<2x8x1024xi32>
        %shift_right_logical3A_1929 = arith.constant 17 : i32
        %shift_right_logical3A_1930 = vector.broadcast %shift_right_logical3A_1929 : i32 to vector<2x8x1024xi32>
        %shift_right_logical3A_1931 = arith.shrui %xor3A_1924, %shift_right_logical3A_1930 : vector<2x8x1024xi32>
        %or3A_1932 = arith.ori %shift_left3A_1928, %shift_right_logical3A_1931 : vector<2x8x1024xi32>
        %xor3A_1933 = arith.xori %add3A_1925, %or3A_1932 : vector<2x8x1024xi32>
        %add3A_1934 = arith.addi %add3A_1925, %xor3A_1933 : vector<2x8x1024xi32>
        %shift_left3A_1935 = arith.constant 26 : i32
        %shift_left3A_1936 = vector.broadcast %shift_left3A_1935 : i32 to vector<2x8x1024xi32>
        %shift_left3A_1937 = arith.shli %xor3A_1933, %shift_left3A_1936 : vector<2x8x1024xi32>
        %shift_right_logical3A_1938 = arith.constant 6 : i32
        %shift_right_logical3A_1939 = vector.broadcast %shift_right_logical3A_1938 : i32 to vector<2x8x1024xi32>
        %shift_right_logical3A_1940 = arith.shrui %xor3A_1933, %shift_right_logical3A_1939 : vector<2x8x1024xi32>
        %or3A_1941 = arith.ori %shift_left3A_1937, %shift_right_logical3A_1940 : vector<2x8x1024xi32>
        %xor3A_1942 = arith.xori %add3A_1934, %or3A_1941 : vector<2x8x1024xi32>
        %add3A_1943 = arith.addi %add3A_1934, %xor3A_1942 : vector<2x8x1024xi32>
        %shift_left3A_1944 = arith.constant 6 : i32
        %shift_left3A_1945 = vector.broadcast %shift_left3A_1944 : i32 to vector<2x8x1024xi32>
        %shift_left3A_1946 = arith.shli %xor3A_1942, %shift_left3A_1945 : vector<2x8x1024xi32>
        %shift_right_logical3A_1947 = arith.constant 26 : i32
        %shift_right_logical3A_1948 = vector.broadcast %shift_right_logical3A_1947 : i32 to vector<2x8x1024xi32>
        %shift_right_logical3A_1949 = arith.shrui %xor3A_1942, %shift_right_logical3A_1948 : vector<2x8x1024xi32>
        %or3A_1950 = arith.ori %shift_left3A_1946, %shift_right_logical3A_1949 : vector<2x8x1024xi32>
        %xor3A_1951 = arith.xori %add3A_1943, %or3A_1950 : vector<2x8x1024xi32>
        %add3A_1952 = arith.addi %add3A_1943, %while3A_1822 : vector<2x8x1024xi32>
        %add3A_1953 = arith.addi %xor3A_1951, %while3A_1823 : vector<2x8x1024xi32>
        %add3A_1954 = arith.constant 3 : i32
        %add3A_1955 = vector.broadcast %add3A_1954 : i32 to vector<2x8x1024xi32>
        %add3A_1956 = arith.addi %add3A_1953, %add3A_1955 : vector<2x8x1024xi32>
        %add3A_1957 = arith.addi %add3A_1952, %add3A_1956 : vector<2x8x1024xi32>
        %shift_left3A_1958 = arith.constant 17 : i32
        %shift_left3A_1959 = vector.broadcast %shift_left3A_1958 : i32 to vector<2x8x1024xi32>
        %shift_left3A_1960 = arith.shli %add3A_1956, %shift_left3A_1959 : vector<2x8x1024xi32>
        %shift_right_logical3A_1961 = arith.constant 15 : i32
        %shift_right_logical3A_1962 = vector.broadcast %shift_right_logical3A_1961 : i32 to vector<2x8x1024xi32>
        %shift_right_logical3A_1963 = arith.shrui %add3A_1956, %shift_right_logical3A_1962 : vector<2x8x1024xi32>
        %or3A_1964 = arith.ori %shift_left3A_1960, %shift_right_logical3A_1963 : vector<2x8x1024xi32>
        %xor3A_1965 = arith.xori %add3A_1957, %or3A_1964 : vector<2x8x1024xi32>
        %add3A_1966 = arith.addi %add3A_1957, %xor3A_1965 : vector<2x8x1024xi32>
        %shift_left3A_1967 = arith.constant 29 : i32
        %shift_left3A_1968 = vector.broadcast %shift_left3A_1967 : i32 to vector<2x8x1024xi32>
        %shift_left3A_1969 = arith.shli %xor3A_1965, %shift_left3A_1968 : vector<2x8x1024xi32>
        %shift_right_logical3A_1970 = arith.constant 3 : i32
        %shift_right_logical3A_1971 = vector.broadcast %shift_right_logical3A_1970 : i32 to vector<2x8x1024xi32>
        %shift_right_logical3A_1972 = arith.shrui %xor3A_1965, %shift_right_logical3A_1971 : vector<2x8x1024xi32>
        %or3A_1973 = arith.ori %shift_left3A_1969, %shift_right_logical3A_1972 : vector<2x8x1024xi32>
        %xor3A_1974 = arith.xori %add3A_1966, %or3A_1973 : vector<2x8x1024xi32>
        %add3A_1975 = arith.addi %add3A_1966, %xor3A_1974 : vector<2x8x1024xi32>
        %shift_left3A_1976 = arith.constant 16 : i32
        %shift_left3A_1977 = vector.broadcast %shift_left3A_1976 : i32 to vector<2x8x1024xi32>
        %shift_left3A_1978 = arith.shli %xor3A_1974, %shift_left3A_1977 : vector<2x8x1024xi32>
        %shift_right_logical3A_1979 = arith.constant 16 : i32
        %shift_right_logical3A_1980 = vector.broadcast %shift_right_logical3A_1979 : i32 to vector<2x8x1024xi32>
        %shift_right_logical3A_1981 = arith.shrui %xor3A_1974, %shift_right_logical3A_1980 : vector<2x8x1024xi32>
        %or3A_1982 = arith.ori %shift_left3A_1978, %shift_right_logical3A_1981 : vector<2x8x1024xi32>
        %xor3A_1983 = arith.xori %add3A_1975, %or3A_1982 : vector<2x8x1024xi32>
        %add3A_1984 = arith.addi %add3A_1975, %xor3A_1983 : vector<2x8x1024xi32>
        %shift_left3A_1985 = arith.constant 24 : i32
        %shift_left3A_1986 = vector.broadcast %shift_left3A_1985 : i32 to vector<2x8x1024xi32>
        %shift_left3A_1987 = arith.shli %xor3A_1983, %shift_left3A_1986 : vector<2x8x1024xi32>
        %shift_right_logical3A_1988 = arith.constant 8 : i32
        %shift_right_logical3A_1989 = vector.broadcast %shift_right_logical3A_1988 : i32 to vector<2x8x1024xi32>
        %shift_right_logical3A_1990 = arith.shrui %xor3A_1983, %shift_right_logical3A_1989 : vector<2x8x1024xi32>
        %or3A_1991 = arith.ori %shift_left3A_1987, %shift_right_logical3A_1990 : vector<2x8x1024xi32>
        %xor3A_1992 = arith.xori %add3A_1984, %or3A_1991 : vector<2x8x1024xi32>
        %add3A_1993 = arith.addi %add3A_1984, %while3A_1823 : vector<2x8x1024xi32>
        %add3A_1994 = arith.addi %xor3A_1992, %xor3A_1831 : vector<2x8x1024xi32>
        %add3A_1995 = arith.constant 4 : i32
        %add3A_1996 = vector.broadcast %add3A_1995 : i32 to vector<2x8x1024xi32>
        %add3A_1997 = arith.addi %add3A_1994, %add3A_1996 : vector<2x8x1024xi32>
        %add3A_1998 = arith.addi %add3A_1993, %add3A_1997 : vector<2x8x1024xi32>
        %shift_left3A_1999 = arith.constant 13 : i32
        %shift_left3A_2000 = vector.broadcast %shift_left3A_1999 : i32 to vector<2x8x1024xi32>
        %shift_left3A_2001 = arith.shli %add3A_1997, %shift_left3A_2000 : vector<2x8x1024xi32>
        %shift_right_logical3A_2002 = arith.constant 19 : i32
        %shift_right_logical3A_2003 = vector.broadcast %shift_right_logical3A_2002 : i32 to vector<2x8x1024xi32>
        %shift_right_logical3A_2004 = arith.shrui %add3A_1997, %shift_right_logical3A_2003 : vector<2x8x1024xi32>
        %or3A_2005 = arith.ori %shift_left3A_2001, %shift_right_logical3A_2004 : vector<2x8x1024xi32>
        %xor3A_2006 = arith.xori %add3A_1998, %or3A_2005 : vector<2x8x1024xi32>
        %add3A_2007 = arith.addi %add3A_1998, %xor3A_2006 : vector<2x8x1024xi32>
        %shift_left3A_2008 = arith.constant 15 : i32
        %shift_left3A_2009 = vector.broadcast %shift_left3A_2008 : i32 to vector<2x8x1024xi32>
        %shift_left3A_2010 = arith.shli %xor3A_2006, %shift_left3A_2009 : vector<2x8x1024xi32>
        %shift_right_logical3A_2011 = arith.constant 17 : i32
        %shift_right_logical3A_2012 = vector.broadcast %shift_right_logical3A_2011 : i32 to vector<2x8x1024xi32>
        %shift_right_logical3A_2013 = arith.shrui %xor3A_2006, %shift_right_logical3A_2012 : vector<2x8x1024xi32>
        %or3A_2014 = arith.ori %shift_left3A_2010, %shift_right_logical3A_2013 : vector<2x8x1024xi32>
        %xor3A_2015 = arith.xori %add3A_2007, %or3A_2014 : vector<2x8x1024xi32>
        %add3A_2016 = arith.addi %add3A_2007, %xor3A_2015 : vector<2x8x1024xi32>
        %shift_left3A_2017 = arith.constant 26 : i32
        %shift_left3A_2018 = vector.broadcast %shift_left3A_2017 : i32 to vector<2x8x1024xi32>
        %shift_left3A_2019 = arith.shli %xor3A_2015, %shift_left3A_2018 : vector<2x8x1024xi32>
        %shift_right_logical3A_2020 = arith.constant 6 : i32
        %shift_right_logical3A_2021 = vector.broadcast %shift_right_logical3A_2020 : i32 to vector<2x8x1024xi32>
        %shift_right_logical3A_2022 = arith.shrui %xor3A_2015, %shift_right_logical3A_2021 : vector<2x8x1024xi32>
        %or3A_2023 = arith.ori %shift_left3A_2019, %shift_right_logical3A_2022 : vector<2x8x1024xi32>
        %xor3A_2024 = arith.xori %add3A_2016, %or3A_2023 : vector<2x8x1024xi32>
        %add3A_2025 = arith.addi %add3A_2016, %xor3A_2024 : vector<2x8x1024xi32>
        %shift_left3A_2026 = arith.constant 6 : i32
        %shift_left3A_2027 = vector.broadcast %shift_left3A_2026 : i32 to vector<2x8x1024xi32>
        %shift_left3A_2028 = arith.shli %xor3A_2024, %shift_left3A_2027 : vector<2x8x1024xi32>
        %shift_right_logical3A_2029 = arith.constant 26 : i32
        %shift_right_logical3A_2030 = vector.broadcast %shift_right_logical3A_2029 : i32 to vector<2x8x1024xi32>
        %shift_right_logical3A_2031 = arith.shrui %xor3A_2024, %shift_right_logical3A_2030 : vector<2x8x1024xi32>
        %or3A_2032 = arith.ori %shift_left3A_2028, %shift_right_logical3A_2031 : vector<2x8x1024xi32>
        %xor3A_2033 = arith.xori %add3A_2025, %or3A_2032 : vector<2x8x1024xi32>
        %add3A_2034 = arith.addi %add3A_2025, %xor3A_1831 : vector<2x8x1024xi32>
        %add3A_2035 = arith.addi %xor3A_2033, %while3A_1822 : vector<2x8x1024xi32>
        %add3A_2036 = arith.constant 5 : i32
        %add3A_2037 = vector.broadcast %add3A_2036 : i32 to vector<2x8x1024xi32>
        %add3A_2038 = arith.addi %add3A_2035, %add3A_2037 : vector<2x8x1024xi32>
        %xor3A_2039 = arith.xori %while3A_1822, %while3A_1823 : vector<2x8x1024xi32>
        %xor3A_2040 = arith.constant 466688986 : i32
        %xor3A_2041 = vector.broadcast %xor3A_2040 : i32 to vector<2x8x1024xi32>
        %xor3A_2042 = arith.xori %xor3A_2039, %xor3A_2041 : vector<2x8x1024xi32>
        %add3A_2043 = arith.addi %broadcast_in_dim3A_0, %while3A_1822 : vector<2x8x1024xi32>
        %add3A_2044 = arith.addi %broadcast_in_dim3A_2, %while3A_1823 : vector<2x8x1024xi32>
        %add3A_2045 = arith.addi %add3A_2043, %add3A_2044 : vector<2x8x1024xi32>
        %shift_left3A_2046 = arith.constant 13 : i32
        %shift_left3A_2047 = vector.broadcast %shift_left3A_2046 : i32 to vector<2x8x1024xi32>
        %shift_left3A_2048 = arith.shli %add3A_2044, %shift_left3A_2047 : vector<2x8x1024xi32>
        %shift_right_logical3A_2049 = arith.constant 19 : i32
        %shift_right_logical3A_2050 = vector.broadcast %shift_right_logical3A_2049 : i32 to vector<2x8x1024xi32>
        %shift_right_logical3A_2051 = arith.shrui %add3A_2044, %shift_right_logical3A_2050 : vector<2x8x1024xi32>
        %or3A_2052 = arith.ori %shift_left3A_2048, %shift_right_logical3A_2051 : vector<2x8x1024xi32>
        %xor3A_2053 = arith.xori %add3A_2045, %or3A_2052 : vector<2x8x1024xi32>
        %add3A_2054 = arith.addi %add3A_2045, %xor3A_2053 : vector<2x8x1024xi32>
        %shift_left3A_2055 = arith.constant 15 : i32
        %shift_left3A_2056 = vector.broadcast %shift_left3A_2055 : i32 to vector<2x8x1024xi32>
        %shift_left3A_2057 = arith.shli %xor3A_2053, %shift_left3A_2056 : vector<2x8x1024xi32>
        %shift_right_logical3A_2058 = arith.constant 17 : i32
        %shift_right_logical3A_2059 = vector.broadcast %shift_right_logical3A_2058 : i32 to vector<2x8x1024xi32>
        %shift_right_logical3A_2060 = arith.shrui %xor3A_2053, %shift_right_logical3A_2059 : vector<2x8x1024xi32>
        %or3A_2061 = arith.ori %shift_left3A_2057, %shift_right_logical3A_2060 : vector<2x8x1024xi32>
        %xor3A_2062 = arith.xori %add3A_2054, %or3A_2061 : vector<2x8x1024xi32>
        %add3A_2063 = arith.addi %add3A_2054, %xor3A_2062 : vector<2x8x1024xi32>
        %shift_left3A_2064 = arith.constant 26 : i32
        %shift_left3A_2065 = vector.broadcast %shift_left3A_2064 : i32 to vector<2x8x1024xi32>
        %shift_left3A_2066 = arith.shli %xor3A_2062, %shift_left3A_2065 : vector<2x8x1024xi32>
        %shift_right_logical3A_2067 = arith.constant 6 : i32
        %shift_right_logical3A_2068 = vector.broadcast %shift_right_logical3A_2067 : i32 to vector<2x8x1024xi32>
        %shift_right_logical3A_2069 = arith.shrui %xor3A_2062, %shift_right_logical3A_2068 : vector<2x8x1024xi32>
        %or3A_2070 = arith.ori %shift_left3A_2066, %shift_right_logical3A_2069 : vector<2x8x1024xi32>
        %xor3A_2071 = arith.xori %add3A_2063, %or3A_2070 : vector<2x8x1024xi32>
        %add3A_2072 = arith.addi %add3A_2063, %xor3A_2071 : vector<2x8x1024xi32>
        %shift_left3A_2073 = arith.constant 6 : i32
        %shift_left3A_2074 = vector.broadcast %shift_left3A_2073 : i32 to vector<2x8x1024xi32>
        %shift_left3A_2075 = arith.shli %xor3A_2071, %shift_left3A_2074 : vector<2x8x1024xi32>
        %shift_right_logical3A_2076 = arith.constant 26 : i32
        %shift_right_logical3A_2077 = vector.broadcast %shift_right_logical3A_2076 : i32 to vector<2x8x1024xi32>
        %shift_right_logical3A_2078 = arith.shrui %xor3A_2071, %shift_right_logical3A_2077 : vector<2x8x1024xi32>
        %or3A_2079 = arith.ori %shift_left3A_2075, %shift_right_logical3A_2078 : vector<2x8x1024xi32>
        %xor3A_2080 = arith.xori %add3A_2072, %or3A_2079 : vector<2x8x1024xi32>
        %add3A_2081 = arith.addi %add3A_2072, %while3A_1823 : vector<2x8x1024xi32>
        %add3A_2082 = arith.addi %xor3A_2080, %xor3A_2042 : vector<2x8x1024xi32>
        %add3A_2083 = arith.constant 1 : i32
        %add3A_2084 = vector.broadcast %add3A_2083 : i32 to vector<2x8x1024xi32>
        %add3A_2085 = arith.addi %add3A_2082, %add3A_2084 : vector<2x8x1024xi32>
        %add3A_2086 = arith.addi %add3A_2081, %add3A_2085 : vector<2x8x1024xi32>
        %shift_left3A_2087 = arith.constant 17 : i32
        %shift_left3A_2088 = vector.broadcast %shift_left3A_2087 : i32 to vector<2x8x1024xi32>
        %shift_left3A_2089 = arith.shli %add3A_2085, %shift_left3A_2088 : vector<2x8x1024xi32>
        %shift_right_logical3A_2090 = arith.constant 15 : i32
        %shift_right_logical3A_2091 = vector.broadcast %shift_right_logical3A_2090 : i32 to vector<2x8x1024xi32>
        %shift_right_logical3A_2092 = arith.shrui %add3A_2085, %shift_right_logical3A_2091 : vector<2x8x1024xi32>
        %or3A_2093 = arith.ori %shift_left3A_2089, %shift_right_logical3A_2092 : vector<2x8x1024xi32>
        %xor3A_2094 = arith.xori %add3A_2086, %or3A_2093 : vector<2x8x1024xi32>
        %add3A_2095 = arith.addi %add3A_2086, %xor3A_2094 : vector<2x8x1024xi32>
        %shift_left3A_2096 = arith.constant 29 : i32
        %shift_left3A_2097 = vector.broadcast %shift_left3A_2096 : i32 to vector<2x8x1024xi32>
        %shift_left3A_2098 = arith.shli %xor3A_2094, %shift_left3A_2097 : vector<2x8x1024xi32>
        %shift_right_logical3A_2099 = arith.constant 3 : i32
        %shift_right_logical3A_2100 = vector.broadcast %shift_right_logical3A_2099 : i32 to vector<2x8x1024xi32>
        %shift_right_logical3A_2101 = arith.shrui %xor3A_2094, %shift_right_logical3A_2100 : vector<2x8x1024xi32>
        %or3A_2102 = arith.ori %shift_left3A_2098, %shift_right_logical3A_2101 : vector<2x8x1024xi32>
        %xor3A_2103 = arith.xori %add3A_2095, %or3A_2102 : vector<2x8x1024xi32>
        %add3A_2104 = arith.addi %add3A_2095, %xor3A_2103 : vector<2x8x1024xi32>
        %shift_left3A_2105 = arith.constant 16 : i32
        %shift_left3A_2106 = vector.broadcast %shift_left3A_2105 : i32 to vector<2x8x1024xi32>
        %shift_left3A_2107 = arith.shli %xor3A_2103, %shift_left3A_2106 : vector<2x8x1024xi32>
        %shift_right_logical3A_2108 = arith.constant 16 : i32
        %shift_right_logical3A_2109 = vector.broadcast %shift_right_logical3A_2108 : i32 to vector<2x8x1024xi32>
        %shift_right_logical3A_2110 = arith.shrui %xor3A_2103, %shift_right_logical3A_2109 : vector<2x8x1024xi32>
        %or3A_2111 = arith.ori %shift_left3A_2107, %shift_right_logical3A_2110 : vector<2x8x1024xi32>
        %xor3A_2112 = arith.xori %add3A_2104, %or3A_2111 : vector<2x8x1024xi32>
        %add3A_2113 = arith.addi %add3A_2104, %xor3A_2112 : vector<2x8x1024xi32>
        %shift_left3A_2114 = arith.constant 24 : i32
        %shift_left3A_2115 = vector.broadcast %shift_left3A_2114 : i32 to vector<2x8x1024xi32>
        %shift_left3A_2116 = arith.shli %xor3A_2112, %shift_left3A_2115 : vector<2x8x1024xi32>
        %shift_right_logical3A_2117 = arith.constant 8 : i32
        %shift_right_logical3A_2118 = vector.broadcast %shift_right_logical3A_2117 : i32 to vector<2x8x1024xi32>
        %shift_right_logical3A_2119 = arith.shrui %xor3A_2112, %shift_right_logical3A_2118 : vector<2x8x1024xi32>
        %or3A_2120 = arith.ori %shift_left3A_2116, %shift_right_logical3A_2119 : vector<2x8x1024xi32>
        %xor3A_2121 = arith.xori %add3A_2113, %or3A_2120 : vector<2x8x1024xi32>
        %add3A_2122 = arith.addi %add3A_2113, %xor3A_2042 : vector<2x8x1024xi32>
        %add3A_2123 = arith.addi %xor3A_2121, %while3A_1822 : vector<2x8x1024xi32>
        %add3A_2124 = arith.constant 2 : i32
        %add3A_2125 = vector.broadcast %add3A_2124 : i32 to vector<2x8x1024xi32>
        %add3A_2126 = arith.addi %add3A_2123, %add3A_2125 : vector<2x8x1024xi32>
        %add3A_2127 = arith.addi %add3A_2122, %add3A_2126 : vector<2x8x1024xi32>
        %shift_left3A_2128 = arith.constant 13 : i32
        %shift_left3A_2129 = vector.broadcast %shift_left3A_2128 : i32 to vector<2x8x1024xi32>
        %shift_left3A_2130 = arith.shli %add3A_2126, %shift_left3A_2129 : vector<2x8x1024xi32>
        %shift_right_logical3A_2131 = arith.constant 19 : i32
        %shift_right_logical3A_2132 = vector.broadcast %shift_right_logical3A_2131 : i32 to vector<2x8x1024xi32>
        %shift_right_logical3A_2133 = arith.shrui %add3A_2126, %shift_right_logical3A_2132 : vector<2x8x1024xi32>
        %or3A_2134 = arith.ori %shift_left3A_2130, %shift_right_logical3A_2133 : vector<2x8x1024xi32>
        %xor3A_2135 = arith.xori %add3A_2127, %or3A_2134 : vector<2x8x1024xi32>
        %add3A_2136 = arith.addi %add3A_2127, %xor3A_2135 : vector<2x8x1024xi32>
        %shift_left3A_2137 = arith.constant 15 : i32
        %shift_left3A_2138 = vector.broadcast %shift_left3A_2137 : i32 to vector<2x8x1024xi32>
        %shift_left3A_2139 = arith.shli %xor3A_2135, %shift_left3A_2138 : vector<2x8x1024xi32>
        %shift_right_logical3A_2140 = arith.constant 17 : i32
        %shift_right_logical3A_2141 = vector.broadcast %shift_right_logical3A_2140 : i32 to vector<2x8x1024xi32>
        %shift_right_logical3A_2142 = arith.shrui %xor3A_2135, %shift_right_logical3A_2141 : vector<2x8x1024xi32>
        %or3A_2143 = arith.ori %shift_left3A_2139, %shift_right_logical3A_2142 : vector<2x8x1024xi32>
        %xor3A_2144 = arith.xori %add3A_2136, %or3A_2143 : vector<2x8x1024xi32>
        %add3A_2145 = arith.addi %add3A_2136, %xor3A_2144 : vector<2x8x1024xi32>
        %shift_left3A_2146 = arith.constant 26 : i32
        %shift_left3A_2147 = vector.broadcast %shift_left3A_2146 : i32 to vector<2x8x1024xi32>
        %shift_left3A_2148 = arith.shli %xor3A_2144, %shift_left3A_2147 : vector<2x8x1024xi32>
        %shift_right_logical3A_2149 = arith.constant 6 : i32
        %shift_right_logical3A_2150 = vector.broadcast %shift_right_logical3A_2149 : i32 to vector<2x8x1024xi32>
        %shift_right_logical3A_2151 = arith.shrui %xor3A_2144, %shift_right_logical3A_2150 : vector<2x8x1024xi32>
        %or3A_2152 = arith.ori %shift_left3A_2148, %shift_right_logical3A_2151 : vector<2x8x1024xi32>
        %xor3A_2153 = arith.xori %add3A_2145, %or3A_2152 : vector<2x8x1024xi32>
        %add3A_2154 = arith.addi %add3A_2145, %xor3A_2153 : vector<2x8x1024xi32>
        %shift_left3A_2155 = arith.constant 6 : i32
        %shift_left3A_2156 = vector.broadcast %shift_left3A_2155 : i32 to vector<2x8x1024xi32>
        %shift_left3A_2157 = arith.shli %xor3A_2153, %shift_left3A_2156 : vector<2x8x1024xi32>
        %shift_right_logical3A_2158 = arith.constant 26 : i32
        %shift_right_logical3A_2159 = vector.broadcast %shift_right_logical3A_2158 : i32 to vector<2x8x1024xi32>
        %shift_right_logical3A_2160 = arith.shrui %xor3A_2153, %shift_right_logical3A_2159 : vector<2x8x1024xi32>
        %or3A_2161 = arith.ori %shift_left3A_2157, %shift_right_logical3A_2160 : vector<2x8x1024xi32>
        %xor3A_2162 = arith.xori %add3A_2154, %or3A_2161 : vector<2x8x1024xi32>
        %add3A_2163 = arith.addi %add3A_2154, %while3A_1822 : vector<2x8x1024xi32>
        %add3A_2164 = arith.addi %xor3A_2162, %while3A_1823 : vector<2x8x1024xi32>
        %add3A_2165 = arith.constant 3 : i32
        %add3A_2166 = vector.broadcast %add3A_2165 : i32 to vector<2x8x1024xi32>
        %add3A_2167 = arith.addi %add3A_2164, %add3A_2166 : vector<2x8x1024xi32>
        %add3A_2168 = arith.addi %add3A_2163, %add3A_2167 : vector<2x8x1024xi32>
        %shift_left3A_2169 = arith.constant 17 : i32
        %shift_left3A_2170 = vector.broadcast %shift_left3A_2169 : i32 to vector<2x8x1024xi32>
        %shift_left3A_2171 = arith.shli %add3A_2167, %shift_left3A_2170 : vector<2x8x1024xi32>
        %shift_right_logical3A_2172 = arith.constant 15 : i32
        %shift_right_logical3A_2173 = vector.broadcast %shift_right_logical3A_2172 : i32 to vector<2x8x1024xi32>
        %shift_right_logical3A_2174 = arith.shrui %add3A_2167, %shift_right_logical3A_2173 : vector<2x8x1024xi32>
        %or3A_2175 = arith.ori %shift_left3A_2171, %shift_right_logical3A_2174 : vector<2x8x1024xi32>
        %xor3A_2176 = arith.xori %add3A_2168, %or3A_2175 : vector<2x8x1024xi32>
        %add3A_2177 = arith.addi %add3A_2168, %xor3A_2176 : vector<2x8x1024xi32>
        %shift_left3A_2178 = arith.constant 29 : i32
        %shift_left3A_2179 = vector.broadcast %shift_left3A_2178 : i32 to vector<2x8x1024xi32>
        %shift_left3A_2180 = arith.shli %xor3A_2176, %shift_left3A_2179 : vector<2x8x1024xi32>
        %shift_right_logical3A_2181 = arith.constant 3 : i32
        %shift_right_logical3A_2182 = vector.broadcast %shift_right_logical3A_2181 : i32 to vector<2x8x1024xi32>
        %shift_right_logical3A_2183 = arith.shrui %xor3A_2176, %shift_right_logical3A_2182 : vector<2x8x1024xi32>
        %or3A_2184 = arith.ori %shift_left3A_2180, %shift_right_logical3A_2183 : vector<2x8x1024xi32>
        %xor3A_2185 = arith.xori %add3A_2177, %or3A_2184 : vector<2x8x1024xi32>
        %add3A_2186 = arith.addi %add3A_2177, %xor3A_2185 : vector<2x8x1024xi32>
        %shift_left3A_2187 = arith.constant 16 : i32
        %shift_left3A_2188 = vector.broadcast %shift_left3A_2187 : i32 to vector<2x8x1024xi32>
        %shift_left3A_2189 = arith.shli %xor3A_2185, %shift_left3A_2188 : vector<2x8x1024xi32>
        %shift_right_logical3A_2190 = arith.constant 16 : i32
        %shift_right_logical3A_2191 = vector.broadcast %shift_right_logical3A_2190 : i32 to vector<2x8x1024xi32>
        %shift_right_logical3A_2192 = arith.shrui %xor3A_2185, %shift_right_logical3A_2191 : vector<2x8x1024xi32>
        %or3A_2193 = arith.ori %shift_left3A_2189, %shift_right_logical3A_2192 : vector<2x8x1024xi32>
        %xor3A_2194 = arith.xori %add3A_2186, %or3A_2193 : vector<2x8x1024xi32>
        %add3A_2195 = arith.addi %add3A_2186, %xor3A_2194 : vector<2x8x1024xi32>
        %shift_left3A_2196 = arith.constant 24 : i32
        %shift_left3A_2197 = vector.broadcast %shift_left3A_2196 : i32 to vector<2x8x1024xi32>
        %shift_left3A_2198 = arith.shli %xor3A_2194, %shift_left3A_2197 : vector<2x8x1024xi32>
        %shift_right_logical3A_2199 = arith.constant 8 : i32
        %shift_right_logical3A_2200 = vector.broadcast %shift_right_logical3A_2199 : i32 to vector<2x8x1024xi32>
        %shift_right_logical3A_2201 = arith.shrui %xor3A_2194, %shift_right_logical3A_2200 : vector<2x8x1024xi32>
        %or3A_2202 = arith.ori %shift_left3A_2198, %shift_right_logical3A_2201 : vector<2x8x1024xi32>
        %xor3A_2203 = arith.xori %add3A_2195, %or3A_2202 : vector<2x8x1024xi32>
        %add3A_2204 = arith.addi %add3A_2195, %while3A_1823 : vector<2x8x1024xi32>
        %add3A_2205 = arith.addi %xor3A_2203, %xor3A_2042 : vector<2x8x1024xi32>
        %add3A_2206 = arith.constant 4 : i32
        %add3A_2207 = vector.broadcast %add3A_2206 : i32 to vector<2x8x1024xi32>
        %add3A_2208 = arith.addi %add3A_2205, %add3A_2207 : vector<2x8x1024xi32>
        %add3A_2209 = arith.addi %add3A_2204, %add3A_2208 : vector<2x8x1024xi32>
        %shift_left3A_2210 = arith.constant 13 : i32
        %shift_left3A_2211 = vector.broadcast %shift_left3A_2210 : i32 to vector<2x8x1024xi32>
        %shift_left3A_2212 = arith.shli %add3A_2208, %shift_left3A_2211 : vector<2x8x1024xi32>
        %shift_right_logical3A_2213 = arith.constant 19 : i32
        %shift_right_logical3A_2214 = vector.broadcast %shift_right_logical3A_2213 : i32 to vector<2x8x1024xi32>
        %shift_right_logical3A_2215 = arith.shrui %add3A_2208, %shift_right_logical3A_2214 : vector<2x8x1024xi32>
        %or3A_2216 = arith.ori %shift_left3A_2212, %shift_right_logical3A_2215 : vector<2x8x1024xi32>
        %xor3A_2217 = arith.xori %add3A_2209, %or3A_2216 : vector<2x8x1024xi32>
        %add3A_2218 = arith.addi %add3A_2209, %xor3A_2217 : vector<2x8x1024xi32>
        %shift_left3A_2219 = arith.constant 15 : i32
        %shift_left3A_2220 = vector.broadcast %shift_left3A_2219 : i32 to vector<2x8x1024xi32>
        %shift_left3A_2221 = arith.shli %xor3A_2217, %shift_left3A_2220 : vector<2x8x1024xi32>
        %shift_right_logical3A_2222 = arith.constant 17 : i32
        %shift_right_logical3A_2223 = vector.broadcast %shift_right_logical3A_2222 : i32 to vector<2x8x1024xi32>
        %shift_right_logical3A_2224 = arith.shrui %xor3A_2217, %shift_right_logical3A_2223 : vector<2x8x1024xi32>
        %or3A_2225 = arith.ori %shift_left3A_2221, %shift_right_logical3A_2224 : vector<2x8x1024xi32>
        %xor3A_2226 = arith.xori %add3A_2218, %or3A_2225 : vector<2x8x1024xi32>
        %add3A_2227 = arith.addi %add3A_2218, %xor3A_2226 : vector<2x8x1024xi32>
        %shift_left3A_2228 = arith.constant 26 : i32
        %shift_left3A_2229 = vector.broadcast %shift_left3A_2228 : i32 to vector<2x8x1024xi32>
        %shift_left3A_2230 = arith.shli %xor3A_2226, %shift_left3A_2229 : vector<2x8x1024xi32>
        %shift_right_logical3A_2231 = arith.constant 6 : i32
        %shift_right_logical3A_2232 = vector.broadcast %shift_right_logical3A_2231 : i32 to vector<2x8x1024xi32>
        %shift_right_logical3A_2233 = arith.shrui %xor3A_2226, %shift_right_logical3A_2232 : vector<2x8x1024xi32>
        %or3A_2234 = arith.ori %shift_left3A_2230, %shift_right_logical3A_2233 : vector<2x8x1024xi32>
        %xor3A_2235 = arith.xori %add3A_2227, %or3A_2234 : vector<2x8x1024xi32>
        %add3A_2236 = arith.addi %add3A_2227, %xor3A_2235 : vector<2x8x1024xi32>
        %shift_left3A_2237 = arith.constant 6 : i32
        %shift_left3A_2238 = vector.broadcast %shift_left3A_2237 : i32 to vector<2x8x1024xi32>
        %shift_left3A_2239 = arith.shli %xor3A_2235, %shift_left3A_2238 : vector<2x8x1024xi32>
        %shift_right_logical3A_2240 = arith.constant 26 : i32
        %shift_right_logical3A_2241 = vector.broadcast %shift_right_logical3A_2240 : i32 to vector<2x8x1024xi32>
        %shift_right_logical3A_2242 = arith.shrui %xor3A_2235, %shift_right_logical3A_2241 : vector<2x8x1024xi32>
        %or3A_2243 = arith.ori %shift_left3A_2239, %shift_right_logical3A_2242 : vector<2x8x1024xi32>
        %xor3A_2244 = arith.xori %add3A_2236, %or3A_2243 : vector<2x8x1024xi32>
        %add3A_2245 = arith.addi %add3A_2236, %xor3A_2042 : vector<2x8x1024xi32>
        %add3A_2246 = arith.addi %xor3A_2244, %while3A_1822 : vector<2x8x1024xi32>
        %add3A_2247 = arith.constant 5 : i32
        %add3A_2248 = vector.broadcast %add3A_2247 : i32 to vector<2x8x1024xi32>
        %add3A_2249 = arith.addi %add3A_2246, %add3A_2248 : vector<2x8x1024xi32>
        %xor3A_2250 = arith.xori %add3A_2245, %add3A_2249 : vector<2x8x1024xi32>
        %xor3A_2251 = arith.constant 466688986 : i32
        %xor3A_2252 = vector.broadcast %xor3A_2251 : i32 to vector<2x8x1024xi32>
        %xor3A_2253 = arith.xori %xor3A_2250, %xor3A_2252 : vector<2x8x1024xi32>
        %add3A_2254 = arith.addi %broadcast_in_dim3A_0, %add3A_2245 : vector<2x8x1024xi32>
        %add3A_2255 = arith.addi %broadcast_in_dim3A_0, %add3A_2249 : vector<2x8x1024xi32>
        %add3A_2256 = arith.addi %add3A_2254, %add3A_2255 : vector<2x8x1024xi32>
        %shift_left3A_2257 = arith.constant 13 : i32
        %shift_left3A_2258 = vector.broadcast %shift_left3A_2257 : i32 to vector<2x8x1024xi32>
        %shift_left3A_2259 = arith.shli %add3A_2255, %shift_left3A_2258 : vector<2x8x1024xi32>
        %shift_right_logical3A_2260 = arith.constant 19 : i32
        %shift_right_logical3A_2261 = vector.broadcast %shift_right_logical3A_2260 : i32 to vector<2x8x1024xi32>
        %shift_right_logical3A_2262 = arith.shrui %add3A_2255, %shift_right_logical3A_2261 : vector<2x8x1024xi32>
        %or3A_2263 = arith.ori %shift_left3A_2259, %shift_right_logical3A_2262 : vector<2x8x1024xi32>
        %xor3A_2264 = arith.xori %add3A_2256, %or3A_2263 : vector<2x8x1024xi32>
        %add3A_2265 = arith.addi %add3A_2256, %xor3A_2264 : vector<2x8x1024xi32>
        %shift_left3A_2266 = arith.constant 15 : i32
        %shift_left3A_2267 = vector.broadcast %shift_left3A_2266 : i32 to vector<2x8x1024xi32>
        %shift_left3A_2268 = arith.shli %xor3A_2264, %shift_left3A_2267 : vector<2x8x1024xi32>
        %shift_right_logical3A_2269 = arith.constant 17 : i32
        %shift_right_logical3A_2270 = vector.broadcast %shift_right_logical3A_2269 : i32 to vector<2x8x1024xi32>
        %shift_right_logical3A_2271 = arith.shrui %xor3A_2264, %shift_right_logical3A_2270 : vector<2x8x1024xi32>
        %or3A_2272 = arith.ori %shift_left3A_2268, %shift_right_logical3A_2271 : vector<2x8x1024xi32>
        %xor3A_2273 = arith.xori %add3A_2265, %or3A_2272 : vector<2x8x1024xi32>
        %add3A_2274 = arith.addi %add3A_2265, %xor3A_2273 : vector<2x8x1024xi32>
        %shift_left3A_2275 = arith.constant 26 : i32
        %shift_left3A_2276 = vector.broadcast %shift_left3A_2275 : i32 to vector<2x8x1024xi32>
        %shift_left3A_2277 = arith.shli %xor3A_2273, %shift_left3A_2276 : vector<2x8x1024xi32>
        %shift_right_logical3A_2278 = arith.constant 6 : i32
        %shift_right_logical3A_2279 = vector.broadcast %shift_right_logical3A_2278 : i32 to vector<2x8x1024xi32>
        %shift_right_logical3A_2280 = arith.shrui %xor3A_2273, %shift_right_logical3A_2279 : vector<2x8x1024xi32>
        %or3A_2281 = arith.ori %shift_left3A_2277, %shift_right_logical3A_2280 : vector<2x8x1024xi32>
        %xor3A_2282 = arith.xori %add3A_2274, %or3A_2281 : vector<2x8x1024xi32>
        %add3A_2283 = arith.addi %add3A_2274, %xor3A_2282 : vector<2x8x1024xi32>
        %shift_left3A_2284 = arith.constant 6 : i32
        %shift_left3A_2285 = vector.broadcast %shift_left3A_2284 : i32 to vector<2x8x1024xi32>
        %shift_left3A_2286 = arith.shli %xor3A_2282, %shift_left3A_2285 : vector<2x8x1024xi32>
        %shift_right_logical3A_2287 = arith.constant 26 : i32
        %shift_right_logical3A_2288 = vector.broadcast %shift_right_logical3A_2287 : i32 to vector<2x8x1024xi32>
        %shift_right_logical3A_2289 = arith.shrui %xor3A_2282, %shift_right_logical3A_2288 : vector<2x8x1024xi32>
        %or3A_2290 = arith.ori %shift_left3A_2286, %shift_right_logical3A_2289 : vector<2x8x1024xi32>
        %xor3A_2291 = arith.xori %add3A_2283, %or3A_2290 : vector<2x8x1024xi32>
        %add3A_2292 = arith.addi %add3A_2283, %add3A_2249 : vector<2x8x1024xi32>
        %add3A_2293 = arith.addi %xor3A_2291, %xor3A_2253 : vector<2x8x1024xi32>
        %add3A_2294 = arith.constant 1 : i32
        %add3A_2295 = vector.broadcast %add3A_2294 : i32 to vector<2x8x1024xi32>
        %add3A_2296 = arith.addi %add3A_2293, %add3A_2295 : vector<2x8x1024xi32>
        %add3A_2297 = arith.addi %add3A_2292, %add3A_2296 : vector<2x8x1024xi32>
        %shift_left3A_2298 = arith.constant 17 : i32
        %shift_left3A_2299 = vector.broadcast %shift_left3A_2298 : i32 to vector<2x8x1024xi32>
        %shift_left3A_2300 = arith.shli %add3A_2296, %shift_left3A_2299 : vector<2x8x1024xi32>
        %shift_right_logical3A_2301 = arith.constant 15 : i32
        %shift_right_logical3A_2302 = vector.broadcast %shift_right_logical3A_2301 : i32 to vector<2x8x1024xi32>
        %shift_right_logical3A_2303 = arith.shrui %add3A_2296, %shift_right_logical3A_2302 : vector<2x8x1024xi32>
        %or3A_2304 = arith.ori %shift_left3A_2300, %shift_right_logical3A_2303 : vector<2x8x1024xi32>
        %xor3A_2305 = arith.xori %add3A_2297, %or3A_2304 : vector<2x8x1024xi32>
        %add3A_2306 = arith.addi %add3A_2297, %xor3A_2305 : vector<2x8x1024xi32>
        %shift_left3A_2307 = arith.constant 29 : i32
        %shift_left3A_2308 = vector.broadcast %shift_left3A_2307 : i32 to vector<2x8x1024xi32>
        %shift_left3A_2309 = arith.shli %xor3A_2305, %shift_left3A_2308 : vector<2x8x1024xi32>
        %shift_right_logical3A_2310 = arith.constant 3 : i32
        %shift_right_logical3A_2311 = vector.broadcast %shift_right_logical3A_2310 : i32 to vector<2x8x1024xi32>
        %shift_right_logical3A_2312 = arith.shrui %xor3A_2305, %shift_right_logical3A_2311 : vector<2x8x1024xi32>
        %or3A_2313 = arith.ori %shift_left3A_2309, %shift_right_logical3A_2312 : vector<2x8x1024xi32>
        %xor3A_2314 = arith.xori %add3A_2306, %or3A_2313 : vector<2x8x1024xi32>
        %add3A_2315 = arith.addi %add3A_2306, %xor3A_2314 : vector<2x8x1024xi32>
        %shift_left3A_2316 = arith.constant 16 : i32
        %shift_left3A_2317 = vector.broadcast %shift_left3A_2316 : i32 to vector<2x8x1024xi32>
        %shift_left3A_2318 = arith.shli %xor3A_2314, %shift_left3A_2317 : vector<2x8x1024xi32>
        %shift_right_logical3A_2319 = arith.constant 16 : i32
        %shift_right_logical3A_2320 = vector.broadcast %shift_right_logical3A_2319 : i32 to vector<2x8x1024xi32>
        %shift_right_logical3A_2321 = arith.shrui %xor3A_2314, %shift_right_logical3A_2320 : vector<2x8x1024xi32>
        %or3A_2322 = arith.ori %shift_left3A_2318, %shift_right_logical3A_2321 : vector<2x8x1024xi32>
        %xor3A_2323 = arith.xori %add3A_2315, %or3A_2322 : vector<2x8x1024xi32>
        %add3A_2324 = arith.addi %add3A_2315, %xor3A_2323 : vector<2x8x1024xi32>
        %shift_left3A_2325 = arith.constant 24 : i32
        %shift_left3A_2326 = vector.broadcast %shift_left3A_2325 : i32 to vector<2x8x1024xi32>
        %shift_left3A_2327 = arith.shli %xor3A_2323, %shift_left3A_2326 : vector<2x8x1024xi32>
        %shift_right_logical3A_2328 = arith.constant 8 : i32
        %shift_right_logical3A_2329 = vector.broadcast %shift_right_logical3A_2328 : i32 to vector<2x8x1024xi32>
        %shift_right_logical3A_2330 = arith.shrui %xor3A_2323, %shift_right_logical3A_2329 : vector<2x8x1024xi32>
        %or3A_2331 = arith.ori %shift_left3A_2327, %shift_right_logical3A_2330 : vector<2x8x1024xi32>
        %xor3A_2332 = arith.xori %add3A_2324, %or3A_2331 : vector<2x8x1024xi32>
        %add3A_2333 = arith.addi %add3A_2324, %xor3A_2253 : vector<2x8x1024xi32>
        %add3A_2334 = arith.addi %xor3A_2332, %add3A_2245 : vector<2x8x1024xi32>
        %add3A_2335 = arith.constant 2 : i32
        %add3A_2336 = vector.broadcast %add3A_2335 : i32 to vector<2x8x1024xi32>
        %add3A_2337 = arith.addi %add3A_2334, %add3A_2336 : vector<2x8x1024xi32>
        %add3A_2338 = arith.addi %add3A_2333, %add3A_2337 : vector<2x8x1024xi32>
        %shift_left3A_2339 = arith.constant 13 : i32
        %shift_left3A_2340 = vector.broadcast %shift_left3A_2339 : i32 to vector<2x8x1024xi32>
        %shift_left3A_2341 = arith.shli %add3A_2337, %shift_left3A_2340 : vector<2x8x1024xi32>
        %shift_right_logical3A_2342 = arith.constant 19 : i32
        %shift_right_logical3A_2343 = vector.broadcast %shift_right_logical3A_2342 : i32 to vector<2x8x1024xi32>
        %shift_right_logical3A_2344 = arith.shrui %add3A_2337, %shift_right_logical3A_2343 : vector<2x8x1024xi32>
        %or3A_2345 = arith.ori %shift_left3A_2341, %shift_right_logical3A_2344 : vector<2x8x1024xi32>
        %xor3A_2346 = arith.xori %add3A_2338, %or3A_2345 : vector<2x8x1024xi32>
        %add3A_2347 = arith.addi %add3A_2338, %xor3A_2346 : vector<2x8x1024xi32>
        %shift_left3A_2348 = arith.constant 15 : i32
        %shift_left3A_2349 = vector.broadcast %shift_left3A_2348 : i32 to vector<2x8x1024xi32>
        %shift_left3A_2350 = arith.shli %xor3A_2346, %shift_left3A_2349 : vector<2x8x1024xi32>
        %shift_right_logical3A_2351 = arith.constant 17 : i32
        %shift_right_logical3A_2352 = vector.broadcast %shift_right_logical3A_2351 : i32 to vector<2x8x1024xi32>
        %shift_right_logical3A_2353 = arith.shrui %xor3A_2346, %shift_right_logical3A_2352 : vector<2x8x1024xi32>
        %or3A_2354 = arith.ori %shift_left3A_2350, %shift_right_logical3A_2353 : vector<2x8x1024xi32>
        %xor3A_2355 = arith.xori %add3A_2347, %or3A_2354 : vector<2x8x1024xi32>
        %add3A_2356 = arith.addi %add3A_2347, %xor3A_2355 : vector<2x8x1024xi32>
        %shift_left3A_2357 = arith.constant 26 : i32
        %shift_left3A_2358 = vector.broadcast %shift_left3A_2357 : i32 to vector<2x8x1024xi32>
        %shift_left3A_2359 = arith.shli %xor3A_2355, %shift_left3A_2358 : vector<2x8x1024xi32>
        %shift_right_logical3A_2360 = arith.constant 6 : i32
        %shift_right_logical3A_2361 = vector.broadcast %shift_right_logical3A_2360 : i32 to vector<2x8x1024xi32>
        %shift_right_logical3A_2362 = arith.shrui %xor3A_2355, %shift_right_logical3A_2361 : vector<2x8x1024xi32>
        %or3A_2363 = arith.ori %shift_left3A_2359, %shift_right_logical3A_2362 : vector<2x8x1024xi32>
        %xor3A_2364 = arith.xori %add3A_2356, %or3A_2363 : vector<2x8x1024xi32>
        %add3A_2365 = arith.addi %add3A_2356, %xor3A_2364 : vector<2x8x1024xi32>
        %shift_left3A_2366 = arith.constant 6 : i32
        %shift_left3A_2367 = vector.broadcast %shift_left3A_2366 : i32 to vector<2x8x1024xi32>
        %shift_left3A_2368 = arith.shli %xor3A_2364, %shift_left3A_2367 : vector<2x8x1024xi32>
        %shift_right_logical3A_2369 = arith.constant 26 : i32
        %shift_right_logical3A_2370 = vector.broadcast %shift_right_logical3A_2369 : i32 to vector<2x8x1024xi32>
        %shift_right_logical3A_2371 = arith.shrui %xor3A_2364, %shift_right_logical3A_2370 : vector<2x8x1024xi32>
        %or3A_2372 = arith.ori %shift_left3A_2368, %shift_right_logical3A_2371 : vector<2x8x1024xi32>
        %xor3A_2373 = arith.xori %add3A_2365, %or3A_2372 : vector<2x8x1024xi32>
        %add3A_2374 = arith.addi %add3A_2365, %add3A_2245 : vector<2x8x1024xi32>
        %add3A_2375 = arith.addi %xor3A_2373, %add3A_2249 : vector<2x8x1024xi32>
        %add3A_2376 = arith.constant 3 : i32
        %add3A_2377 = vector.broadcast %add3A_2376 : i32 to vector<2x8x1024xi32>
        %add3A_2378 = arith.addi %add3A_2375, %add3A_2377 : vector<2x8x1024xi32>
        %add3A_2379 = arith.addi %add3A_2374, %add3A_2378 : vector<2x8x1024xi32>
        %shift_left3A_2380 = arith.constant 17 : i32
        %shift_left3A_2381 = vector.broadcast %shift_left3A_2380 : i32 to vector<2x8x1024xi32>
        %shift_left3A_2382 = arith.shli %add3A_2378, %shift_left3A_2381 : vector<2x8x1024xi32>
        %shift_right_logical3A_2383 = arith.constant 15 : i32
        %shift_right_logical3A_2384 = vector.broadcast %shift_right_logical3A_2383 : i32 to vector<2x8x1024xi32>
        %shift_right_logical3A_2385 = arith.shrui %add3A_2378, %shift_right_logical3A_2384 : vector<2x8x1024xi32>
        %or3A_2386 = arith.ori %shift_left3A_2382, %shift_right_logical3A_2385 : vector<2x8x1024xi32>
        %xor3A_2387 = arith.xori %add3A_2379, %or3A_2386 : vector<2x8x1024xi32>
        %add3A_2388 = arith.addi %add3A_2379, %xor3A_2387 : vector<2x8x1024xi32>
        %shift_left3A_2389 = arith.constant 29 : i32
        %shift_left3A_2390 = vector.broadcast %shift_left3A_2389 : i32 to vector<2x8x1024xi32>
        %shift_left3A_2391 = arith.shli %xor3A_2387, %shift_left3A_2390 : vector<2x8x1024xi32>
        %shift_right_logical3A_2392 = arith.constant 3 : i32
        %shift_right_logical3A_2393 = vector.broadcast %shift_right_logical3A_2392 : i32 to vector<2x8x1024xi32>
        %shift_right_logical3A_2394 = arith.shrui %xor3A_2387, %shift_right_logical3A_2393 : vector<2x8x1024xi32>
        %or3A_2395 = arith.ori %shift_left3A_2391, %shift_right_logical3A_2394 : vector<2x8x1024xi32>
        %xor3A_2396 = arith.xori %add3A_2388, %or3A_2395 : vector<2x8x1024xi32>
        %add3A_2397 = arith.addi %add3A_2388, %xor3A_2396 : vector<2x8x1024xi32>
        %shift_left3A_2398 = arith.constant 16 : i32
        %shift_left3A_2399 = vector.broadcast %shift_left3A_2398 : i32 to vector<2x8x1024xi32>
        %shift_left3A_2400 = arith.shli %xor3A_2396, %shift_left3A_2399 : vector<2x8x1024xi32>
        %shift_right_logical3A_2401 = arith.constant 16 : i32
        %shift_right_logical3A_2402 = vector.broadcast %shift_right_logical3A_2401 : i32 to vector<2x8x1024xi32>
        %shift_right_logical3A_2403 = arith.shrui %xor3A_2396, %shift_right_logical3A_2402 : vector<2x8x1024xi32>
        %or3A_2404 = arith.ori %shift_left3A_2400, %shift_right_logical3A_2403 : vector<2x8x1024xi32>
        %xor3A_2405 = arith.xori %add3A_2397, %or3A_2404 : vector<2x8x1024xi32>
        %add3A_2406 = arith.addi %add3A_2397, %xor3A_2405 : vector<2x8x1024xi32>
        %shift_left3A_2407 = arith.constant 24 : i32
        %shift_left3A_2408 = vector.broadcast %shift_left3A_2407 : i32 to vector<2x8x1024xi32>
        %shift_left3A_2409 = arith.shli %xor3A_2405, %shift_left3A_2408 : vector<2x8x1024xi32>
        %shift_right_logical3A_2410 = arith.constant 8 : i32
        %shift_right_logical3A_2411 = vector.broadcast %shift_right_logical3A_2410 : i32 to vector<2x8x1024xi32>
        %shift_right_logical3A_2412 = arith.shrui %xor3A_2405, %shift_right_logical3A_2411 : vector<2x8x1024xi32>
        %or3A_2413 = arith.ori %shift_left3A_2409, %shift_right_logical3A_2412 : vector<2x8x1024xi32>
        %xor3A_2414 = arith.xori %add3A_2406, %or3A_2413 : vector<2x8x1024xi32>
        %add3A_2415 = arith.addi %add3A_2406, %add3A_2249 : vector<2x8x1024xi32>
        %add3A_2416 = arith.addi %xor3A_2414, %xor3A_2253 : vector<2x8x1024xi32>
        %add3A_2417 = arith.constant 4 : i32
        %add3A_2418 = vector.broadcast %add3A_2417 : i32 to vector<2x8x1024xi32>
        %add3A_2419 = arith.addi %add3A_2416, %add3A_2418 : vector<2x8x1024xi32>
        %add3A_2420 = arith.addi %add3A_2415, %add3A_2419 : vector<2x8x1024xi32>
        %shift_left3A_2421 = arith.constant 13 : i32
        %shift_left3A_2422 = vector.broadcast %shift_left3A_2421 : i32 to vector<2x8x1024xi32>
        %shift_left3A_2423 = arith.shli %add3A_2419, %shift_left3A_2422 : vector<2x8x1024xi32>
        %shift_right_logical3A_2424 = arith.constant 19 : i32
        %shift_right_logical3A_2425 = vector.broadcast %shift_right_logical3A_2424 : i32 to vector<2x8x1024xi32>
        %shift_right_logical3A_2426 = arith.shrui %add3A_2419, %shift_right_logical3A_2425 : vector<2x8x1024xi32>
        %or3A_2427 = arith.ori %shift_left3A_2423, %shift_right_logical3A_2426 : vector<2x8x1024xi32>
        %xor3A_2428 = arith.xori %add3A_2420, %or3A_2427 : vector<2x8x1024xi32>
        %add3A_2429 = arith.addi %add3A_2420, %xor3A_2428 : vector<2x8x1024xi32>
        %shift_left3A_2430 = arith.constant 15 : i32
        %shift_left3A_2431 = vector.broadcast %shift_left3A_2430 : i32 to vector<2x8x1024xi32>
        %shift_left3A_2432 = arith.shli %xor3A_2428, %shift_left3A_2431 : vector<2x8x1024xi32>
        %shift_right_logical3A_2433 = arith.constant 17 : i32
        %shift_right_logical3A_2434 = vector.broadcast %shift_right_logical3A_2433 : i32 to vector<2x8x1024xi32>
        %shift_right_logical3A_2435 = arith.shrui %xor3A_2428, %shift_right_logical3A_2434 : vector<2x8x1024xi32>
        %or3A_2436 = arith.ori %shift_left3A_2432, %shift_right_logical3A_2435 : vector<2x8x1024xi32>
        %xor3A_2437 = arith.xori %add3A_2429, %or3A_2436 : vector<2x8x1024xi32>
        %add3A_2438 = arith.addi %add3A_2429, %xor3A_2437 : vector<2x8x1024xi32>
        %shift_left3A_2439 = arith.constant 26 : i32
        %shift_left3A_2440 = vector.broadcast %shift_left3A_2439 : i32 to vector<2x8x1024xi32>
        %shift_left3A_2441 = arith.shli %xor3A_2437, %shift_left3A_2440 : vector<2x8x1024xi32>
        %shift_right_logical3A_2442 = arith.constant 6 : i32
        %shift_right_logical3A_2443 = vector.broadcast %shift_right_logical3A_2442 : i32 to vector<2x8x1024xi32>
        %shift_right_logical3A_2444 = arith.shrui %xor3A_2437, %shift_right_logical3A_2443 : vector<2x8x1024xi32>
        %or3A_2445 = arith.ori %shift_left3A_2441, %shift_right_logical3A_2444 : vector<2x8x1024xi32>
        %xor3A_2446 = arith.xori %add3A_2438, %or3A_2445 : vector<2x8x1024xi32>
        %add3A_2447 = arith.addi %add3A_2438, %xor3A_2446 : vector<2x8x1024xi32>
        %shift_left3A_2448 = arith.constant 6 : i32
        %shift_left3A_2449 = vector.broadcast %shift_left3A_2448 : i32 to vector<2x8x1024xi32>
        %shift_left3A_2450 = arith.shli %xor3A_2446, %shift_left3A_2449 : vector<2x8x1024xi32>
        %shift_right_logical3A_2451 = arith.constant 26 : i32
        %shift_right_logical3A_2452 = vector.broadcast %shift_right_logical3A_2451 : i32 to vector<2x8x1024xi32>
        %shift_right_logical3A_2453 = arith.shrui %xor3A_2446, %shift_right_logical3A_2452 : vector<2x8x1024xi32>
        %or3A_2454 = arith.ori %shift_left3A_2450, %shift_right_logical3A_2453 : vector<2x8x1024xi32>
        %xor3A_2455 = arith.xori %add3A_2447, %or3A_2454 : vector<2x8x1024xi32>
        %add3A_2456 = arith.addi %add3A_2447, %xor3A_2253 : vector<2x8x1024xi32>
        %add3A_2457 = arith.addi %xor3A_2455, %add3A_2245 : vector<2x8x1024xi32>
        %add3A_2458 = arith.constant 5 : i32
        %add3A_2459 = vector.broadcast %add3A_2458 : i32 to vector<2x8x1024xi32>
        %add3A_2460 = arith.addi %add3A_2457, %add3A_2459 : vector<2x8x1024xi32>
        %xor3A_2461 = arith.xori %add3A_2456, %add3A_2460 : vector<2x8x1024xi32>
        %shift_right_logical3A_2462 = arith.constant 9 : i32
        %shift_right_logical3A_2463 = vector.broadcast %shift_right_logical3A_2462 : i32 to vector<2x8x1024xi32>
        %shift_right_logical3A_2464 = arith.shrui %xor3A_2461, %shift_right_logical3A_2463 : vector<2x8x1024xi32>
        %or3A_2465 = arith.constant 1065353216 : i32
        %or3A_2466 = vector.broadcast %or3A_2465 : i32 to vector<2x8x1024xi32>
        %or3A_2467 = arith.ori %shift_right_logical3A_2464, %or3A_2466 : vector<2x8x1024xi32>
        %bitcast_convert_type3A_2468 = tpu.bitcast %or3A_2467 : vector<2x8x1024xi32> -> vector<2x8x1024xf32>
        %sub3A_2469 = arith.constant 1.000000e+00 : f32
        %sub3A_2470 = vector.broadcast %sub3A_2469 : f32 to vector<2x8x1024xf32>
        %sub3A_2471 = arith.subf %bitcast_convert_type3A_2468, %sub3A_2470 : vector<2x8x1024xf32>
        %mul3A_2472 = arith.constant 2.000000e+00 : f32
        %mul3A_2473 = vector.broadcast %mul3A_2472 : f32 to vector<2x8x1024xf32>
        %mul3A_2474 = arith.mulf %sub3A_2471, %mul3A_2473 : vector<2x8x1024xf32>
        %add3A_2475 = arith.constant -0.99999994 : f32
        %add3A_2476 = vector.broadcast %add3A_2475 : f32 to vector<2x8x1024xf32>
        %add3A_2477 = arith.addf %mul3A_2474, %add3A_2476 : vector<2x8x1024xf32>
        %max3A_2478 = arith.constant -0.99999994 : f32
        %max3A_2479 = vector.broadcast %max3A_2478 : f32 to vector<2x8x1024xf32>
        %max3A_2480 = arith.maximumf %max3A_2479, %add3A_2477 : vector<2x8x1024xf32>
        %erf_inv3A = arith.constant 0.000000e+00 : f32
        %erf_inv3A_2481 = vector.broadcast %erf_inv3A : f32 to vector<2x8x1024xf32>
        %erf_inv3A_2482 = arith.subf %erf_inv3A_2481, %max3A_2480 : vector<2x8x1024xf32>
        %erf_inv3A_2483 = arith.mulf %max3A_2480, %erf_inv3A_2482 : vector<2x8x1024xf32>
        %erf_inv3A_2484 = math.log1p %erf_inv3A_2483 : vector<2x8x1024xf32>
        %erf_inv3A_2485 = arith.constant 0.000000e+00 : f32
        %erf_inv3A_2486 = vector.broadcast %erf_inv3A_2485 : f32 to vector<2x8x1024xf32>
        %erf_inv3A_2487 = arith.subf %erf_inv3A_2486, %erf_inv3A_2484 : vector<2x8x1024xf32>
        %erf_inv3A_2488 = arith.constant 5.000000e+00 : f32
        %erf_inv3A_2489 = vector.broadcast %erf_inv3A_2488 : f32 to vector<2x8x1024xf32>
        %erf_inv3A_2490 = arith.cmpf olt, %erf_inv3A_2487, %erf_inv3A_2489 : vector<2x8x1024xf32>
        %erf_inv3A_2491 = arith.constant 2.500000e+00 : f32
        %erf_inv3A_2492 = vector.broadcast %erf_inv3A_2491 : f32 to vector<2x8x1024xf32>
        %erf_inv3A_2493 = arith.subf %erf_inv3A_2487, %erf_inv3A_2492 : vector<2x8x1024xf32>
        %erf_inv3A_2494 = math.sqrt %erf_inv3A_2487 : vector<2x8x1024xf32>
        %erf_inv3A_2495 = arith.constant 3.000000e+00 : f32
        %erf_inv3A_2496 = vector.broadcast %erf_inv3A_2495 : f32 to vector<2x8x1024xf32>
        %erf_inv3A_2497 = arith.subf %erf_inv3A_2494, %erf_inv3A_2496 : vector<2x8x1024xf32>
        %erf_inv3A_2498 = arith.select %erf_inv3A_2490, %erf_inv3A_2493, %erf_inv3A_2497 : vector<2x8x1024xi1>, vector<2x8x1024xf32>
        %erf_inv3A_2499 = arith.constant 2.81022636E-8 : f32
        %erf_inv3A_2500 = arith.constant -2.00214257E-4 : f32
        %erf_inv3A_2501 = vector.broadcast %erf_inv3A_2499 : f32 to vector<2x8x1024xf32>
        %erf_inv3A_2502 = vector.broadcast %erf_inv3A_2500 : f32 to vector<2x8x1024xf32>
        %erf_inv3A_2503 = arith.select %erf_inv3A_2490, %erf_inv3A_2501, %erf_inv3A_2502 : vector<2x8x1024xi1>, vector<2x8x1024xf32>
        %erf_inv3A_2504 = arith.constant 3.43273939E-7 : f32
        %erf_inv3A_2505 = arith.constant 1.00950558E-4 : f32
        %erf_inv3A_2506 = vector.broadcast %erf_inv3A_2504 : f32 to vector<2x8x1024xf32>
        %erf_inv3A_2507 = vector.broadcast %erf_inv3A_2505 : f32 to vector<2x8x1024xf32>
        %erf_inv3A_2508 = arith.select %erf_inv3A_2490, %erf_inv3A_2506, %erf_inv3A_2507 : vector<2x8x1024xi1>, vector<2x8x1024xf32>
        %erf_inv3A_2509 = arith.mulf %erf_inv3A_2503, %erf_inv3A_2498 : vector<2x8x1024xf32>
        %erf_inv3A_2510 = arith.addf %erf_inv3A_2508, %erf_inv3A_2509 : vector<2x8x1024xf32>
        %erf_inv3A_2511 = arith.constant -3.5233877E-6 : f32
        %erf_inv3A_2512 = arith.constant 0.00134934322 : f32
        %erf_inv3A_2513 = vector.broadcast %erf_inv3A_2511 : f32 to vector<2x8x1024xf32>
        %erf_inv3A_2514 = vector.broadcast %erf_inv3A_2512 : f32 to vector<2x8x1024xf32>
        %erf_inv3A_2515 = arith.select %erf_inv3A_2490, %erf_inv3A_2513, %erf_inv3A_2514 : vector<2x8x1024xi1>, vector<2x8x1024xf32>
        %erf_inv3A_2516 = arith.mulf %erf_inv3A_2510, %erf_inv3A_2498 : vector<2x8x1024xf32>
        %erf_inv3A_2517 = arith.addf %erf_inv3A_2515, %erf_inv3A_2516 : vector<2x8x1024xf32>
        %erf_inv3A_2518 = arith.constant -4.39150654E-6 : f32
        %erf_inv3A_2519 = arith.constant -0.00367342844 : f32
        %erf_inv3A_2520 = vector.broadcast %erf_inv3A_2518 : f32 to vector<2x8x1024xf32>
        %erf_inv3A_2521 = vector.broadcast %erf_inv3A_2519 : f32 to vector<2x8x1024xf32>
        %erf_inv3A_2522 = arith.select %erf_inv3A_2490, %erf_inv3A_2520, %erf_inv3A_2521 : vector<2x8x1024xi1>, vector<2x8x1024xf32>
        %erf_inv3A_2523 = arith.mulf %erf_inv3A_2517, %erf_inv3A_2498 : vector<2x8x1024xf32>
        %erf_inv3A_2524 = arith.addf %erf_inv3A_2522, %erf_inv3A_2523 : vector<2x8x1024xf32>
        %erf_inv3A_2525 = arith.constant 2.1858087E-4 : f32
        %erf_inv3A_2526 = arith.constant 0.00573950773 : f32
        %erf_inv3A_2527 = vector.broadcast %erf_inv3A_2525 : f32 to vector<2x8x1024xf32>
        %erf_inv3A_2528 = vector.broadcast %erf_inv3A_2526 : f32 to vector<2x8x1024xf32>
        %erf_inv3A_2529 = arith.select %erf_inv3A_2490, %erf_inv3A_2527, %erf_inv3A_2528 : vector<2x8x1024xi1>, vector<2x8x1024xf32>
        %erf_inv3A_2530 = arith.mulf %erf_inv3A_2524, %erf_inv3A_2498 : vector<2x8x1024xf32>
        %erf_inv3A_2531 = arith.addf %erf_inv3A_2529, %erf_inv3A_2530 : vector<2x8x1024xf32>
        %erf_inv3A_2532 = arith.constant -0.00125372503 : f32
        %erf_inv3A_2533 = arith.constant -0.0076224613 : f32
        %erf_inv3A_2534 = vector.broadcast %erf_inv3A_2532 : f32 to vector<2x8x1024xf32>
        %erf_inv3A_2535 = vector.broadcast %erf_inv3A_2533 : f32 to vector<2x8x1024xf32>
        %erf_inv3A_2536 = arith.select %erf_inv3A_2490, %erf_inv3A_2534, %erf_inv3A_2535 : vector<2x8x1024xi1>, vector<2x8x1024xf32>
        %erf_inv3A_2537 = arith.mulf %erf_inv3A_2531, %erf_inv3A_2498 : vector<2x8x1024xf32>
        %erf_inv3A_2538 = arith.addf %erf_inv3A_2536, %erf_inv3A_2537 : vector<2x8x1024xf32>
        %erf_inv3A_2539 = arith.constant -0.00417768164 : f32
        %erf_inv3A_2540 = arith.constant 0.00943887047 : f32
        %erf_inv3A_2541 = vector.broadcast %erf_inv3A_2539 : f32 to vector<2x8x1024xf32>
        %erf_inv3A_2542 = vector.broadcast %erf_inv3A_2540 : f32 to vector<2x8x1024xf32>
        %erf_inv3A_2543 = arith.select %erf_inv3A_2490, %erf_inv3A_2541, %erf_inv3A_2542 : vector<2x8x1024xi1>, vector<2x8x1024xf32>
        %erf_inv3A_2544 = arith.mulf %erf_inv3A_2538, %erf_inv3A_2498 : vector<2x8x1024xf32>
        %erf_inv3A_2545 = arith.addf %erf_inv3A_2543, %erf_inv3A_2544 : vector<2x8x1024xf32>
        %erf_inv3A_2546 = arith.constant 0.246640727 : f32
        %erf_inv3A_2547 = arith.constant 1.00167406 : f32
        %erf_inv3A_2548 = vector.broadcast %erf_inv3A_2546 : f32 to vector<2x8x1024xf32>
        %erf_inv3A_2549 = vector.broadcast %erf_inv3A_2547 : f32 to vector<2x8x1024xf32>
        %erf_inv3A_2550 = arith.select %erf_inv3A_2490, %erf_inv3A_2548, %erf_inv3A_2549 : vector<2x8x1024xi1>, vector<2x8x1024xf32>
        %erf_inv3A_2551 = arith.mulf %erf_inv3A_2545, %erf_inv3A_2498 : vector<2x8x1024xf32>
        %erf_inv3A_2552 = arith.addf %erf_inv3A_2550, %erf_inv3A_2551 : vector<2x8x1024xf32>
        %erf_inv3A_2553 = arith.constant 1.50140941 : f32
        %erf_inv3A_2554 = arith.constant 2.83297682 : f32
        %erf_inv3A_2555 = vector.broadcast %erf_inv3A_2553 : f32 to vector<2x8x1024xf32>
        %erf_inv3A_2556 = vector.broadcast %erf_inv3A_2554 : f32 to vector<2x8x1024xf32>
        %erf_inv3A_2557 = arith.select %erf_inv3A_2490, %erf_inv3A_2555, %erf_inv3A_2556 : vector<2x8x1024xi1>, vector<2x8x1024xf32>
        %erf_inv3A_2558 = arith.mulf %erf_inv3A_2552, %erf_inv3A_2498 : vector<2x8x1024xf32>
        %erf_inv3A_2559 = arith.addf %erf_inv3A_2557, %erf_inv3A_2558 : vector<2x8x1024xf32>
        %erf_inv3A_2560 = math.absf %max3A_2480 : vector<2x8x1024xf32>
        %erf_inv3A_2561 = arith.constant 1.000000e+00 : f32
        %erf_inv3A_2562 = vector.broadcast %erf_inv3A_2561 : f32 to vector<2x8x1024xf32>
        %erf_inv3A_2563 = arith.cmpf oeq, %erf_inv3A_2560, %erf_inv3A_2562 : vector<2x8x1024xf32>
        %erf_inv3A_2564 = arith.constant 0x7F800000 : f32
        %erf_inv3A_2565 = vector.broadcast %erf_inv3A_2564 : f32 to vector<2x8x1024xf32>
        %erf_inv3A_2566 = arith.mulf %erf_inv3A_2565, %max3A_2480 : vector<2x8x1024xf32>
        %erf_inv3A_2567 = arith.mulf %erf_inv3A_2559, %max3A_2480 : vector<2x8x1024xf32>
        %erf_inv3A_2568 = arith.select %erf_inv3A_2563, %erf_inv3A_2566, %erf_inv3A_2567 : vector<2x8x1024xi1>, vector<2x8x1024xf32>
        %mul3A_2569 = arith.constant 1.41421354 : f32
        %mul3A_2570 = vector.broadcast %mul3A_2569 : f32 to vector<2x8x1024xf32>
        %mul3A_2571 = arith.mulf %mul3A_2570, %erf_inv3A_2568 : vector<2x8x1024xf32>
        %mul3A_2572 = arith.mulf %mul3A_2571, %div3A_254 : vector<2x8x1024xf32>
        %add3A_2573 = arith.constant 1.000000e+00 : f32
        %add3A_2574 = vector.broadcast %add3A_2573 : f32 to vector<2x8x1024xf32>
        %add3A_2575 = arith.addf %add3A_2574, %mul3A_2572 : vector<2x8x1024xf32>
        %select_n3A_2576 = arith.select %le3A_1827, %add3A_2034, %while3A_1822 : vector<2x8x1024xi1>, vector<2x8x1024xi32>
        %select_n3A_2577 = arith.select %le3A_1827, %add3A_2038, %while3A_1823 : vector<2x8x1024xi1>, vector<2x8x1024xi32>
        %select_n3A_2578 = arith.select %le3A_1827, %mul3A_2571, %while3A_1824 : vector<2x8x1024xi1>, vector<2x8x1024xf32>
        %select_n3A_2579 = arith.select %le3A_1827, %add3A_2575, %while3A_1825 : vector<2x8x1024xi1>, vector<2x8x1024xf32>
        scf.yield %select_n3A_2576, %select_n3A_2577, %select_n3A_2578, %select_n3A_2579 : vector<2x8x1024xi32>, vector<2x8x1024xi32>, vector<2x8x1024xf32>, vector<2x8x1024xf32>
      }
      %mul3A_1566 = arith.mulf %while3A_1565#2, %while3A_1565#2 : vector<2x8x1024xf32>
      %mul3A_1567 = arith.mulf %while3A_1565#3, %while3A_1565#3 : vector<2x8x1024xf32>
      %mul3A_1568 = arith.mulf %mul3A_1567, %while3A_1565#3 : vector<2x8x1024xf32>
      %xor3A_1569 = arith.xori %add3A_1556, %add3A_1560 : vector<2x8x1024xi32>
      %xor3A_1570 = arith.constant 466688986 : i32
      %xor3A_1571 = vector.broadcast %xor3A_1570 : i32 to vector<2x8x1024xi32>
      %xor3A_1572 = arith.xori %xor3A_1569, %xor3A_1571 : vector<2x8x1024xi32>
      %add3A_1573 = arith.addi %broadcast_in_dim3A_0, %add3A_1556 : vector<2x8x1024xi32>
      %add3A_1574 = arith.addi %broadcast_in_dim3A_0, %add3A_1560 : vector<2x8x1024xi32>
      %add3A_1575 = arith.addi %add3A_1573, %add3A_1574 : vector<2x8x1024xi32>
      %shift_left3A_1576 = arith.constant 13 : i32
      %shift_left3A_1577 = vector.broadcast %shift_left3A_1576 : i32 to vector<2x8x1024xi32>
      %shift_left3A_1578 = arith.shli %add3A_1574, %shift_left3A_1577 : vector<2x8x1024xi32>
      %shift_right_logical3A_1579 = arith.constant 19 : i32
      %shift_right_logical3A_1580 = vector.broadcast %shift_right_logical3A_1579 : i32 to vector<2x8x1024xi32>
      %shift_right_logical3A_1581 = arith.shrui %add3A_1574, %shift_right_logical3A_1580 : vector<2x8x1024xi32>
      %or3A_1582 = arith.ori %shift_left3A_1578, %shift_right_logical3A_1581 : vector<2x8x1024xi32>
      %xor3A_1583 = arith.xori %add3A_1575, %or3A_1582 : vector<2x8x1024xi32>
      %add3A_1584 = arith.addi %add3A_1575, %xor3A_1583 : vector<2x8x1024xi32>
      %shift_left3A_1585 = arith.constant 15 : i32
      %shift_left3A_1586 = vector.broadcast %shift_left3A_1585 : i32 to vector<2x8x1024xi32>
      %shift_left3A_1587 = arith.shli %xor3A_1583, %shift_left3A_1586 : vector<2x8x1024xi32>
      %shift_right_logical3A_1588 = arith.constant 17 : i32
      %shift_right_logical3A_1589 = vector.broadcast %shift_right_logical3A_1588 : i32 to vector<2x8x1024xi32>
      %shift_right_logical3A_1590 = arith.shrui %xor3A_1583, %shift_right_logical3A_1589 : vector<2x8x1024xi32>
      %or3A_1591 = arith.ori %shift_left3A_1587, %shift_right_logical3A_1590 : vector<2x8x1024xi32>
      %xor3A_1592 = arith.xori %add3A_1584, %or3A_1591 : vector<2x8x1024xi32>
      %add3A_1593 = arith.addi %add3A_1584, %xor3A_1592 : vector<2x8x1024xi32>
      %shift_left3A_1594 = arith.constant 26 : i32
      %shift_left3A_1595 = vector.broadcast %shift_left3A_1594 : i32 to vector<2x8x1024xi32>
      %shift_left3A_1596 = arith.shli %xor3A_1592, %shift_left3A_1595 : vector<2x8x1024xi32>
      %shift_right_logical3A_1597 = arith.constant 6 : i32
      %shift_right_logical3A_1598 = vector.broadcast %shift_right_logical3A_1597 : i32 to vector<2x8x1024xi32>
      %shift_right_logical3A_1599 = arith.shrui %xor3A_1592, %shift_right_logical3A_1598 : vector<2x8x1024xi32>
      %or3A_1600 = arith.ori %shift_left3A_1596, %shift_right_logical3A_1599 : vector<2x8x1024xi32>
      %xor3A_1601 = arith.xori %add3A_1593, %or3A_1600 : vector<2x8x1024xi32>
      %add3A_1602 = arith.addi %add3A_1593, %xor3A_1601 : vector<2x8x1024xi32>
      %shift_left3A_1603 = arith.constant 6 : i32
      %shift_left3A_1604 = vector.broadcast %shift_left3A_1603 : i32 to vector<2x8x1024xi32>
      %shift_left3A_1605 = arith.shli %xor3A_1601, %shift_left3A_1604 : vector<2x8x1024xi32>
      %shift_right_logical3A_1606 = arith.constant 26 : i32
      %shift_right_logical3A_1607 = vector.broadcast %shift_right_logical3A_1606 : i32 to vector<2x8x1024xi32>
      %shift_right_logical3A_1608 = arith.shrui %xor3A_1601, %shift_right_logical3A_1607 : vector<2x8x1024xi32>
      %or3A_1609 = arith.ori %shift_left3A_1605, %shift_right_logical3A_1608 : vector<2x8x1024xi32>
      %xor3A_1610 = arith.xori %add3A_1602, %or3A_1609 : vector<2x8x1024xi32>
      %add3A_1611 = arith.addi %add3A_1602, %add3A_1560 : vector<2x8x1024xi32>
      %add3A_1612 = arith.addi %xor3A_1610, %xor3A_1572 : vector<2x8x1024xi32>
      %add3A_1613 = arith.constant 1 : i32
      %add3A_1614 = vector.broadcast %add3A_1613 : i32 to vector<2x8x1024xi32>
      %add3A_1615 = arith.addi %add3A_1612, %add3A_1614 : vector<2x8x1024xi32>
      %add3A_1616 = arith.addi %add3A_1611, %add3A_1615 : vector<2x8x1024xi32>
      %shift_left3A_1617 = arith.constant 17 : i32
      %shift_left3A_1618 = vector.broadcast %shift_left3A_1617 : i32 to vector<2x8x1024xi32>
      %shift_left3A_1619 = arith.shli %add3A_1615, %shift_left3A_1618 : vector<2x8x1024xi32>
      %shift_right_logical3A_1620 = arith.constant 15 : i32
      %shift_right_logical3A_1621 = vector.broadcast %shift_right_logical3A_1620 : i32 to vector<2x8x1024xi32>
      %shift_right_logical3A_1622 = arith.shrui %add3A_1615, %shift_right_logical3A_1621 : vector<2x8x1024xi32>
      %or3A_1623 = arith.ori %shift_left3A_1619, %shift_right_logical3A_1622 : vector<2x8x1024xi32>
      %xor3A_1624 = arith.xori %add3A_1616, %or3A_1623 : vector<2x8x1024xi32>
      %add3A_1625 = arith.addi %add3A_1616, %xor3A_1624 : vector<2x8x1024xi32>
      %shift_left3A_1626 = arith.constant 29 : i32
      %shift_left3A_1627 = vector.broadcast %shift_left3A_1626 : i32 to vector<2x8x1024xi32>
      %shift_left3A_1628 = arith.shli %xor3A_1624, %shift_left3A_1627 : vector<2x8x1024xi32>
      %shift_right_logical3A_1629 = arith.constant 3 : i32
      %shift_right_logical3A_1630 = vector.broadcast %shift_right_logical3A_1629 : i32 to vector<2x8x1024xi32>
      %shift_right_logical3A_1631 = arith.shrui %xor3A_1624, %shift_right_logical3A_1630 : vector<2x8x1024xi32>
      %or3A_1632 = arith.ori %shift_left3A_1628, %shift_right_logical3A_1631 : vector<2x8x1024xi32>
      %xor3A_1633 = arith.xori %add3A_1625, %or3A_1632 : vector<2x8x1024xi32>
      %add3A_1634 = arith.addi %add3A_1625, %xor3A_1633 : vector<2x8x1024xi32>
      %shift_left3A_1635 = arith.constant 16 : i32
      %shift_left3A_1636 = vector.broadcast %shift_left3A_1635 : i32 to vector<2x8x1024xi32>
      %shift_left3A_1637 = arith.shli %xor3A_1633, %shift_left3A_1636 : vector<2x8x1024xi32>
      %shift_right_logical3A_1638 = arith.constant 16 : i32
      %shift_right_logical3A_1639 = vector.broadcast %shift_right_logical3A_1638 : i32 to vector<2x8x1024xi32>
      %shift_right_logical3A_1640 = arith.shrui %xor3A_1633, %shift_right_logical3A_1639 : vector<2x8x1024xi32>
      %or3A_1641 = arith.ori %shift_left3A_1637, %shift_right_logical3A_1640 : vector<2x8x1024xi32>
      %xor3A_1642 = arith.xori %add3A_1634, %or3A_1641 : vector<2x8x1024xi32>
      %add3A_1643 = arith.addi %add3A_1634, %xor3A_1642 : vector<2x8x1024xi32>
      %shift_left3A_1644 = arith.constant 24 : i32
      %shift_left3A_1645 = vector.broadcast %shift_left3A_1644 : i32 to vector<2x8x1024xi32>
      %shift_left3A_1646 = arith.shli %xor3A_1642, %shift_left3A_1645 : vector<2x8x1024xi32>
      %shift_right_logical3A_1647 = arith.constant 8 : i32
      %shift_right_logical3A_1648 = vector.broadcast %shift_right_logical3A_1647 : i32 to vector<2x8x1024xi32>
      %shift_right_logical3A_1649 = arith.shrui %xor3A_1642, %shift_right_logical3A_1648 : vector<2x8x1024xi32>
      %or3A_1650 = arith.ori %shift_left3A_1646, %shift_right_logical3A_1649 : vector<2x8x1024xi32>
      %xor3A_1651 = arith.xori %add3A_1643, %or3A_1650 : vector<2x8x1024xi32>
      %add3A_1652 = arith.addi %add3A_1643, %xor3A_1572 : vector<2x8x1024xi32>
      %add3A_1653 = arith.addi %xor3A_1651, %add3A_1556 : vector<2x8x1024xi32>
      %add3A_1654 = arith.constant 2 : i32
      %add3A_1655 = vector.broadcast %add3A_1654 : i32 to vector<2x8x1024xi32>
      %add3A_1656 = arith.addi %add3A_1653, %add3A_1655 : vector<2x8x1024xi32>
      %add3A_1657 = arith.addi %add3A_1652, %add3A_1656 : vector<2x8x1024xi32>
      %shift_left3A_1658 = arith.constant 13 : i32
      %shift_left3A_1659 = vector.broadcast %shift_left3A_1658 : i32 to vector<2x8x1024xi32>
      %shift_left3A_1660 = arith.shli %add3A_1656, %shift_left3A_1659 : vector<2x8x1024xi32>
      %shift_right_logical3A_1661 = arith.constant 19 : i32
      %shift_right_logical3A_1662 = vector.broadcast %shift_right_logical3A_1661 : i32 to vector<2x8x1024xi32>
      %shift_right_logical3A_1663 = arith.shrui %add3A_1656, %shift_right_logical3A_1662 : vector<2x8x1024xi32>
      %or3A_1664 = arith.ori %shift_left3A_1660, %shift_right_logical3A_1663 : vector<2x8x1024xi32>
      %xor3A_1665 = arith.xori %add3A_1657, %or3A_1664 : vector<2x8x1024xi32>
      %add3A_1666 = arith.addi %add3A_1657, %xor3A_1665 : vector<2x8x1024xi32>
      %shift_left3A_1667 = arith.constant 15 : i32
      %shift_left3A_1668 = vector.broadcast %shift_left3A_1667 : i32 to vector<2x8x1024xi32>
      %shift_left3A_1669 = arith.shli %xor3A_1665, %shift_left3A_1668 : vector<2x8x1024xi32>
      %shift_right_logical3A_1670 = arith.constant 17 : i32
      %shift_right_logical3A_1671 = vector.broadcast %shift_right_logical3A_1670 : i32 to vector<2x8x1024xi32>
      %shift_right_logical3A_1672 = arith.shrui %xor3A_1665, %shift_right_logical3A_1671 : vector<2x8x1024xi32>
      %or3A_1673 = arith.ori %shift_left3A_1669, %shift_right_logical3A_1672 : vector<2x8x1024xi32>
      %xor3A_1674 = arith.xori %add3A_1666, %or3A_1673 : vector<2x8x1024xi32>
      %add3A_1675 = arith.addi %add3A_1666, %xor3A_1674 : vector<2x8x1024xi32>
      %shift_left3A_1676 = arith.constant 26 : i32
      %shift_left3A_1677 = vector.broadcast %shift_left3A_1676 : i32 to vector<2x8x1024xi32>
      %shift_left3A_1678 = arith.shli %xor3A_1674, %shift_left3A_1677 : vector<2x8x1024xi32>
      %shift_right_logical3A_1679 = arith.constant 6 : i32
      %shift_right_logical3A_1680 = vector.broadcast %shift_right_logical3A_1679 : i32 to vector<2x8x1024xi32>
      %shift_right_logical3A_1681 = arith.shrui %xor3A_1674, %shift_right_logical3A_1680 : vector<2x8x1024xi32>
      %or3A_1682 = arith.ori %shift_left3A_1678, %shift_right_logical3A_1681 : vector<2x8x1024xi32>
      %xor3A_1683 = arith.xori %add3A_1675, %or3A_1682 : vector<2x8x1024xi32>
      %add3A_1684 = arith.addi %add3A_1675, %xor3A_1683 : vector<2x8x1024xi32>
      %shift_left3A_1685 = arith.constant 6 : i32
      %shift_left3A_1686 = vector.broadcast %shift_left3A_1685 : i32 to vector<2x8x1024xi32>
      %shift_left3A_1687 = arith.shli %xor3A_1683, %shift_left3A_1686 : vector<2x8x1024xi32>
      %shift_right_logical3A_1688 = arith.constant 26 : i32
      %shift_right_logical3A_1689 = vector.broadcast %shift_right_logical3A_1688 : i32 to vector<2x8x1024xi32>
      %shift_right_logical3A_1690 = arith.shrui %xor3A_1683, %shift_right_logical3A_1689 : vector<2x8x1024xi32>
      %or3A_1691 = arith.ori %shift_left3A_1687, %shift_right_logical3A_1690 : vector<2x8x1024xi32>
      %xor3A_1692 = arith.xori %add3A_1684, %or3A_1691 : vector<2x8x1024xi32>
      %add3A_1693 = arith.addi %add3A_1684, %add3A_1556 : vector<2x8x1024xi32>
      %add3A_1694 = arith.addi %xor3A_1692, %add3A_1560 : vector<2x8x1024xi32>
      %add3A_1695 = arith.constant 3 : i32
      %add3A_1696 = vector.broadcast %add3A_1695 : i32 to vector<2x8x1024xi32>
      %add3A_1697 = arith.addi %add3A_1694, %add3A_1696 : vector<2x8x1024xi32>
      %add3A_1698 = arith.addi %add3A_1693, %add3A_1697 : vector<2x8x1024xi32>
      %shift_left3A_1699 = arith.constant 17 : i32
      %shift_left3A_1700 = vector.broadcast %shift_left3A_1699 : i32 to vector<2x8x1024xi32>
      %shift_left3A_1701 = arith.shli %add3A_1697, %shift_left3A_1700 : vector<2x8x1024xi32>
      %shift_right_logical3A_1702 = arith.constant 15 : i32
      %shift_right_logical3A_1703 = vector.broadcast %shift_right_logical3A_1702 : i32 to vector<2x8x1024xi32>
      %shift_right_logical3A_1704 = arith.shrui %add3A_1697, %shift_right_logical3A_1703 : vector<2x8x1024xi32>
      %or3A_1705 = arith.ori %shift_left3A_1701, %shift_right_logical3A_1704 : vector<2x8x1024xi32>
      %xor3A_1706 = arith.xori %add3A_1698, %or3A_1705 : vector<2x8x1024xi32>
      %add3A_1707 = arith.addi %add3A_1698, %xor3A_1706 : vector<2x8x1024xi32>
      %shift_left3A_1708 = arith.constant 29 : i32
      %shift_left3A_1709 = vector.broadcast %shift_left3A_1708 : i32 to vector<2x8x1024xi32>
      %shift_left3A_1710 = arith.shli %xor3A_1706, %shift_left3A_1709 : vector<2x8x1024xi32>
      %shift_right_logical3A_1711 = arith.constant 3 : i32
      %shift_right_logical3A_1712 = vector.broadcast %shift_right_logical3A_1711 : i32 to vector<2x8x1024xi32>
      %shift_right_logical3A_1713 = arith.shrui %xor3A_1706, %shift_right_logical3A_1712 : vector<2x8x1024xi32>
      %or3A_1714 = arith.ori %shift_left3A_1710, %shift_right_logical3A_1713 : vector<2x8x1024xi32>
      %xor3A_1715 = arith.xori %add3A_1707, %or3A_1714 : vector<2x8x1024xi32>
      %add3A_1716 = arith.addi %add3A_1707, %xor3A_1715 : vector<2x8x1024xi32>
      %shift_left3A_1717 = arith.constant 16 : i32
      %shift_left3A_1718 = vector.broadcast %shift_left3A_1717 : i32 to vector<2x8x1024xi32>
      %shift_left3A_1719 = arith.shli %xor3A_1715, %shift_left3A_1718 : vector<2x8x1024xi32>
      %shift_right_logical3A_1720 = arith.constant 16 : i32
      %shift_right_logical3A_1721 = vector.broadcast %shift_right_logical3A_1720 : i32 to vector<2x8x1024xi32>
      %shift_right_logical3A_1722 = arith.shrui %xor3A_1715, %shift_right_logical3A_1721 : vector<2x8x1024xi32>
      %or3A_1723 = arith.ori %shift_left3A_1719, %shift_right_logical3A_1722 : vector<2x8x1024xi32>
      %xor3A_1724 = arith.xori %add3A_1716, %or3A_1723 : vector<2x8x1024xi32>
      %add3A_1725 = arith.addi %add3A_1716, %xor3A_1724 : vector<2x8x1024xi32>
      %shift_left3A_1726 = arith.constant 24 : i32
      %shift_left3A_1727 = vector.broadcast %shift_left3A_1726 : i32 to vector<2x8x1024xi32>
      %shift_left3A_1728 = arith.shli %xor3A_1724, %shift_left3A_1727 : vector<2x8x1024xi32>
      %shift_right_logical3A_1729 = arith.constant 8 : i32
      %shift_right_logical3A_1730 = vector.broadcast %shift_right_logical3A_1729 : i32 to vector<2x8x1024xi32>
      %shift_right_logical3A_1731 = arith.shrui %xor3A_1724, %shift_right_logical3A_1730 : vector<2x8x1024xi32>
      %or3A_1732 = arith.ori %shift_left3A_1728, %shift_right_logical3A_1731 : vector<2x8x1024xi32>
      %xor3A_1733 = arith.xori %add3A_1725, %or3A_1732 : vector<2x8x1024xi32>
      %add3A_1734 = arith.addi %add3A_1725, %add3A_1560 : vector<2x8x1024xi32>
      %add3A_1735 = arith.addi %xor3A_1733, %xor3A_1572 : vector<2x8x1024xi32>
      %add3A_1736 = arith.constant 4 : i32
      %add3A_1737 = vector.broadcast %add3A_1736 : i32 to vector<2x8x1024xi32>
      %add3A_1738 = arith.addi %add3A_1735, %add3A_1737 : vector<2x8x1024xi32>
      %add3A_1739 = arith.addi %add3A_1734, %add3A_1738 : vector<2x8x1024xi32>
      %shift_left3A_1740 = arith.constant 13 : i32
      %shift_left3A_1741 = vector.broadcast %shift_left3A_1740 : i32 to vector<2x8x1024xi32>
      %shift_left3A_1742 = arith.shli %add3A_1738, %shift_left3A_1741 : vector<2x8x1024xi32>
      %shift_right_logical3A_1743 = arith.constant 19 : i32
      %shift_right_logical3A_1744 = vector.broadcast %shift_right_logical3A_1743 : i32 to vector<2x8x1024xi32>
      %shift_right_logical3A_1745 = arith.shrui %add3A_1738, %shift_right_logical3A_1744 : vector<2x8x1024xi32>
      %or3A_1746 = arith.ori %shift_left3A_1742, %shift_right_logical3A_1745 : vector<2x8x1024xi32>
      %xor3A_1747 = arith.xori %add3A_1739, %or3A_1746 : vector<2x8x1024xi32>
      %add3A_1748 = arith.addi %add3A_1739, %xor3A_1747 : vector<2x8x1024xi32>
      %shift_left3A_1749 = arith.constant 15 : i32
      %shift_left3A_1750 = vector.broadcast %shift_left3A_1749 : i32 to vector<2x8x1024xi32>
      %shift_left3A_1751 = arith.shli %xor3A_1747, %shift_left3A_1750 : vector<2x8x1024xi32>
      %shift_right_logical3A_1752 = arith.constant 17 : i32
      %shift_right_logical3A_1753 = vector.broadcast %shift_right_logical3A_1752 : i32 to vector<2x8x1024xi32>
      %shift_right_logical3A_1754 = arith.shrui %xor3A_1747, %shift_right_logical3A_1753 : vector<2x8x1024xi32>
      %or3A_1755 = arith.ori %shift_left3A_1751, %shift_right_logical3A_1754 : vector<2x8x1024xi32>
      %xor3A_1756 = arith.xori %add3A_1748, %or3A_1755 : vector<2x8x1024xi32>
      %add3A_1757 = arith.addi %add3A_1748, %xor3A_1756 : vector<2x8x1024xi32>
      %shift_left3A_1758 = arith.constant 26 : i32
      %shift_left3A_1759 = vector.broadcast %shift_left3A_1758 : i32 to vector<2x8x1024xi32>
      %shift_left3A_1760 = arith.shli %xor3A_1756, %shift_left3A_1759 : vector<2x8x1024xi32>
      %shift_right_logical3A_1761 = arith.constant 6 : i32
      %shift_right_logical3A_1762 = vector.broadcast %shift_right_logical3A_1761 : i32 to vector<2x8x1024xi32>
      %shift_right_logical3A_1763 = arith.shrui %xor3A_1756, %shift_right_logical3A_1762 : vector<2x8x1024xi32>
      %or3A_1764 = arith.ori %shift_left3A_1760, %shift_right_logical3A_1763 : vector<2x8x1024xi32>
      %xor3A_1765 = arith.xori %add3A_1757, %or3A_1764 : vector<2x8x1024xi32>
      %add3A_1766 = arith.addi %add3A_1757, %xor3A_1765 : vector<2x8x1024xi32>
      %shift_left3A_1767 = arith.constant 6 : i32
      %shift_left3A_1768 = vector.broadcast %shift_left3A_1767 : i32 to vector<2x8x1024xi32>
      %shift_left3A_1769 = arith.shli %xor3A_1765, %shift_left3A_1768 : vector<2x8x1024xi32>
      %shift_right_logical3A_1770 = arith.constant 26 : i32
      %shift_right_logical3A_1771 = vector.broadcast %shift_right_logical3A_1770 : i32 to vector<2x8x1024xi32>
      %shift_right_logical3A_1772 = arith.shrui %xor3A_1765, %shift_right_logical3A_1771 : vector<2x8x1024xi32>
      %or3A_1773 = arith.ori %shift_left3A_1769, %shift_right_logical3A_1772 : vector<2x8x1024xi32>
      %xor3A_1774 = arith.xori %add3A_1766, %or3A_1773 : vector<2x8x1024xi32>
      %add3A_1775 = arith.addi %add3A_1766, %xor3A_1572 : vector<2x8x1024xi32>
      %add3A_1776 = arith.addi %xor3A_1774, %add3A_1556 : vector<2x8x1024xi32>
      %add3A_1777 = arith.constant 5 : i32
      %add3A_1778 = vector.broadcast %add3A_1777 : i32 to vector<2x8x1024xi32>
      %add3A_1779 = arith.addi %add3A_1776, %add3A_1778 : vector<2x8x1024xi32>
      %xor3A_1780 = arith.xori %add3A_1775, %add3A_1779 : vector<2x8x1024xi32>
      %shift_right_logical3A_1781 = arith.constant 9 : i32
      %shift_right_logical3A_1782 = vector.broadcast %shift_right_logical3A_1781 : i32 to vector<2x8x1024xi32>
      %shift_right_logical3A_1783 = arith.shrui %xor3A_1780, %shift_right_logical3A_1782 : vector<2x8x1024xi32>
      %or3A_1784 = arith.constant 1065353216 : i32
      %or3A_1785 = vector.broadcast %or3A_1784 : i32 to vector<2x8x1024xi32>
      %or3A_1786 = arith.ori %shift_right_logical3A_1783, %or3A_1785 : vector<2x8x1024xi32>
      %bitcast_convert_type3A_1787 = tpu.bitcast %or3A_1786 : vector<2x8x1024xi32> -> vector<2x8x1024xf32>
      %sub3A_1788 = arith.constant 1.000000e+00 : f32
      %sub3A_1789 = vector.broadcast %sub3A_1788 : f32 to vector<2x8x1024xf32>
      %sub3A_1790 = arith.subf %bitcast_convert_type3A_1787, %sub3A_1789 : vector<2x8x1024xf32>
      %max3A_1791 = arith.constant 0.000000e+00 : f32
      %max3A_1792 = vector.broadcast %max3A_1791 : f32 to vector<2x8x1024xf32>
      %max3A_1793 = arith.maximumf %max3A_1792, %sub3A_1790 : vector<2x8x1024xf32>
      %mul3A_1794 = arith.mulf %mul3A_1566, %mul3A_1566 : vector<2x8x1024xf32>
      %mul3A_1795 = arith.constant 3.310000e-02 : f32
      %mul3A_1796 = vector.broadcast %mul3A_1795 : f32 to vector<2x8x1024xf32>
      %mul3A_1797 = arith.mulf %mul3A_1796, %mul3A_1794 : vector<2x8x1024xf32>
      %sub3A_1798 = arith.constant 1.000000e+00 : f32
      %sub3A_1799 = vector.broadcast %sub3A_1798 : f32 to vector<2x8x1024xf32>
      %sub3A_1800 = arith.subf %sub3A_1799, %mul3A_1797 : vector<2x8x1024xf32>
      %ge3A_1801 = arith.cmpf oge, %max3A_1793, %sub3A_1800 : vector<2x8x1024xf32>
      %log3A = math.log %max3A_1793 : vector<2x8x1024xf32>
      %mul3A_1802 = arith.constant 5.000000e-01 : f32
      %mul3A_1803 = vector.broadcast %mul3A_1802 : f32 to vector<2x8x1024xf32>
      %mul3A_1804 = arith.mulf %mul3A_1566, %mul3A_1803 : vector<2x8x1024xf32>
      %sub3A_1805 = arith.constant 1.000000e+00 : f32
      %sub3A_1806 = vector.broadcast %sub3A_1805 : f32 to vector<2x8x1024xf32>
      %sub3A_1807 = arith.subf %sub3A_1806, %mul3A_1568 : vector<2x8x1024xf32>
      %log3A_1808 = math.log %mul3A_1568 : vector<2x8x1024xf32>
      %add3A_1809 = arith.addf %sub3A_1807, %log3A_1808 : vector<2x8x1024xf32>
      %mul3A_1810 = arith.mulf %sub3A_252, %add3A_1809 : vector<2x8x1024xf32>
      %add3A_1811 = arith.addf %mul3A_1804, %mul3A_1810 : vector<2x8x1024xf32>
      %ge3A_1812 = arith.cmpf oge, %log3A, %add3A_1811 : vector<2x8x1024xf32>
      %and3A = arith.andi %ge3A_1801, %ge3A_1812 : vector<2x8x1024xi1>
      %select_n3A_1813 = arith.select %ne3A_927, %add3A_1134, %while3A_922 : vector<2x8x1024xi1>, vector<2x8x1024xi32>
      %select_n3A_1814 = arith.select %ne3A_927, %add3A_1138, %while3A_923 : vector<2x8x1024xi1>, vector<2x8x1024xi32>
      %select_n3A_1815 = arith.select %ne3A_927, %mul3A_1568, %while3A_924 : vector<2x8x1024xi1>, vector<2x8x1024xf32>
      %and3A_1816 = arith.andi %ne3A_927, %and3A : vector<2x8x1024xi1>
      %jit3A_1817 = arith.constant 1 : i32
      %jit3A_1818 = arith.constant 0 : i32
      %broadcast_in_dim3A_1819 = vector.broadcast %jit3A_1817 : i32 to vector<2x8x1024xi32>
      %broadcast_in_dim3A_1820 = vector.broadcast %jit3A_1818 : i32 to vector<2x8x1024xi32>
      %select_n3A_1821 = arith.select %and3A_1816, %broadcast_in_dim3A_1819, %broadcast_in_dim3A_1820 : vector<2x8x1024xi1>, vector<2x8x1024xi32>
      scf.yield %select_n3A_1813, %select_n3A_1814, %select_n3A_1815, %select_n3A_1821 : vector<2x8x1024xi32>, vector<2x8x1024xi32>, vector<2x8x1024xf32>, vector<2x8x1024xi32>
    }
    %xor3A_681 = arith.xori %add3A_672, %add3A_676 : vector<2x8x1024xi32>
    %xor3A_682 = arith.constant 466688986 : i32
    %xor3A_683 = vector.broadcast %xor3A_682 : i32 to vector<2x8x1024xi32>
    %xor3A_684 = arith.xori %xor3A_681, %xor3A_683 : vector<2x8x1024xi32>
    %add3A_685 = arith.addi %broadcast_in_dim3A_0, %add3A_672 : vector<2x8x1024xi32>
    %add3A_686 = arith.addi %broadcast_in_dim3A_0, %add3A_676 : vector<2x8x1024xi32>
    %add3A_687 = arith.addi %add3A_685, %add3A_686 : vector<2x8x1024xi32>
    %shift_left3A_688 = arith.constant 13 : i32
    %shift_left3A_689 = vector.broadcast %shift_left3A_688 : i32 to vector<2x8x1024xi32>
    %shift_left3A_690 = arith.shli %add3A_686, %shift_left3A_689 : vector<2x8x1024xi32>
    %shift_right_logical3A_691 = arith.constant 19 : i32
    %shift_right_logical3A_692 = vector.broadcast %shift_right_logical3A_691 : i32 to vector<2x8x1024xi32>
    %shift_right_logical3A_693 = arith.shrui %add3A_686, %shift_right_logical3A_692 : vector<2x8x1024xi32>
    %or3A_694 = arith.ori %shift_left3A_690, %shift_right_logical3A_693 : vector<2x8x1024xi32>
    %xor3A_695 = arith.xori %add3A_687, %or3A_694 : vector<2x8x1024xi32>
    %add3A_696 = arith.addi %add3A_687, %xor3A_695 : vector<2x8x1024xi32>
    %shift_left3A_697 = arith.constant 15 : i32
    %shift_left3A_698 = vector.broadcast %shift_left3A_697 : i32 to vector<2x8x1024xi32>
    %shift_left3A_699 = arith.shli %xor3A_695, %shift_left3A_698 : vector<2x8x1024xi32>
    %shift_right_logical3A_700 = arith.constant 17 : i32
    %shift_right_logical3A_701 = vector.broadcast %shift_right_logical3A_700 : i32 to vector<2x8x1024xi32>
    %shift_right_logical3A_702 = arith.shrui %xor3A_695, %shift_right_logical3A_701 : vector<2x8x1024xi32>
    %or3A_703 = arith.ori %shift_left3A_699, %shift_right_logical3A_702 : vector<2x8x1024xi32>
    %xor3A_704 = arith.xori %add3A_696, %or3A_703 : vector<2x8x1024xi32>
    %add3A_705 = arith.addi %add3A_696, %xor3A_704 : vector<2x8x1024xi32>
    %shift_left3A_706 = arith.constant 26 : i32
    %shift_left3A_707 = vector.broadcast %shift_left3A_706 : i32 to vector<2x8x1024xi32>
    %shift_left3A_708 = arith.shli %xor3A_704, %shift_left3A_707 : vector<2x8x1024xi32>
    %shift_right_logical3A_709 = arith.constant 6 : i32
    %shift_right_logical3A_710 = vector.broadcast %shift_right_logical3A_709 : i32 to vector<2x8x1024xi32>
    %shift_right_logical3A_711 = arith.shrui %xor3A_704, %shift_right_logical3A_710 : vector<2x8x1024xi32>
    %or3A_712 = arith.ori %shift_left3A_708, %shift_right_logical3A_711 : vector<2x8x1024xi32>
    %xor3A_713 = arith.xori %add3A_705, %or3A_712 : vector<2x8x1024xi32>
    %add3A_714 = arith.addi %add3A_705, %xor3A_713 : vector<2x8x1024xi32>
    %shift_left3A_715 = arith.constant 6 : i32
    %shift_left3A_716 = vector.broadcast %shift_left3A_715 : i32 to vector<2x8x1024xi32>
    %shift_left3A_717 = arith.shli %xor3A_713, %shift_left3A_716 : vector<2x8x1024xi32>
    %shift_right_logical3A_718 = arith.constant 26 : i32
    %shift_right_logical3A_719 = vector.broadcast %shift_right_logical3A_718 : i32 to vector<2x8x1024xi32>
    %shift_right_logical3A_720 = arith.shrui %xor3A_713, %shift_right_logical3A_719 : vector<2x8x1024xi32>
    %or3A_721 = arith.ori %shift_left3A_717, %shift_right_logical3A_720 : vector<2x8x1024xi32>
    %xor3A_722 = arith.xori %add3A_714, %or3A_721 : vector<2x8x1024xi32>
    %add3A_723 = arith.addi %add3A_714, %add3A_676 : vector<2x8x1024xi32>
    %add3A_724 = arith.addi %xor3A_722, %xor3A_684 : vector<2x8x1024xi32>
    %add3A_725 = arith.constant 1 : i32
    %add3A_726 = vector.broadcast %add3A_725 : i32 to vector<2x8x1024xi32>
    %add3A_727 = arith.addi %add3A_724, %add3A_726 : vector<2x8x1024xi32>
    %add3A_728 = arith.addi %add3A_723, %add3A_727 : vector<2x8x1024xi32>
    %shift_left3A_729 = arith.constant 17 : i32
    %shift_left3A_730 = vector.broadcast %shift_left3A_729 : i32 to vector<2x8x1024xi32>
    %shift_left3A_731 = arith.shli %add3A_727, %shift_left3A_730 : vector<2x8x1024xi32>
    %shift_right_logical3A_732 = arith.constant 15 : i32
    %shift_right_logical3A_733 = vector.broadcast %shift_right_logical3A_732 : i32 to vector<2x8x1024xi32>
    %shift_right_logical3A_734 = arith.shrui %add3A_727, %shift_right_logical3A_733 : vector<2x8x1024xi32>
    %or3A_735 = arith.ori %shift_left3A_731, %shift_right_logical3A_734 : vector<2x8x1024xi32>
    %xor3A_736 = arith.xori %add3A_728, %or3A_735 : vector<2x8x1024xi32>
    %add3A_737 = arith.addi %add3A_728, %xor3A_736 : vector<2x8x1024xi32>
    %shift_left3A_738 = arith.constant 29 : i32
    %shift_left3A_739 = vector.broadcast %shift_left3A_738 : i32 to vector<2x8x1024xi32>
    %shift_left3A_740 = arith.shli %xor3A_736, %shift_left3A_739 : vector<2x8x1024xi32>
    %shift_right_logical3A_741 = arith.constant 3 : i32
    %shift_right_logical3A_742 = vector.broadcast %shift_right_logical3A_741 : i32 to vector<2x8x1024xi32>
    %shift_right_logical3A_743 = arith.shrui %xor3A_736, %shift_right_logical3A_742 : vector<2x8x1024xi32>
    %or3A_744 = arith.ori %shift_left3A_740, %shift_right_logical3A_743 : vector<2x8x1024xi32>
    %xor3A_745 = arith.xori %add3A_737, %or3A_744 : vector<2x8x1024xi32>
    %add3A_746 = arith.addi %add3A_737, %xor3A_745 : vector<2x8x1024xi32>
    %shift_left3A_747 = arith.constant 16 : i32
    %shift_left3A_748 = vector.broadcast %shift_left3A_747 : i32 to vector<2x8x1024xi32>
    %shift_left3A_749 = arith.shli %xor3A_745, %shift_left3A_748 : vector<2x8x1024xi32>
    %shift_right_logical3A_750 = arith.constant 16 : i32
    %shift_right_logical3A_751 = vector.broadcast %shift_right_logical3A_750 : i32 to vector<2x8x1024xi32>
    %shift_right_logical3A_752 = arith.shrui %xor3A_745, %shift_right_logical3A_751 : vector<2x8x1024xi32>
    %or3A_753 = arith.ori %shift_left3A_749, %shift_right_logical3A_752 : vector<2x8x1024xi32>
    %xor3A_754 = arith.xori %add3A_746, %or3A_753 : vector<2x8x1024xi32>
    %add3A_755 = arith.addi %add3A_746, %xor3A_754 : vector<2x8x1024xi32>
    %shift_left3A_756 = arith.constant 24 : i32
    %shift_left3A_757 = vector.broadcast %shift_left3A_756 : i32 to vector<2x8x1024xi32>
    %shift_left3A_758 = arith.shli %xor3A_754, %shift_left3A_757 : vector<2x8x1024xi32>
    %shift_right_logical3A_759 = arith.constant 8 : i32
    %shift_right_logical3A_760 = vector.broadcast %shift_right_logical3A_759 : i32 to vector<2x8x1024xi32>
    %shift_right_logical3A_761 = arith.shrui %xor3A_754, %shift_right_logical3A_760 : vector<2x8x1024xi32>
    %or3A_762 = arith.ori %shift_left3A_758, %shift_right_logical3A_761 : vector<2x8x1024xi32>
    %xor3A_763 = arith.xori %add3A_755, %or3A_762 : vector<2x8x1024xi32>
    %add3A_764 = arith.addi %add3A_755, %xor3A_684 : vector<2x8x1024xi32>
    %add3A_765 = arith.addi %xor3A_763, %add3A_672 : vector<2x8x1024xi32>
    %add3A_766 = arith.constant 2 : i32
    %add3A_767 = vector.broadcast %add3A_766 : i32 to vector<2x8x1024xi32>
    %add3A_768 = arith.addi %add3A_765, %add3A_767 : vector<2x8x1024xi32>
    %add3A_769 = arith.addi %add3A_764, %add3A_768 : vector<2x8x1024xi32>
    %shift_left3A_770 = arith.constant 13 : i32
    %shift_left3A_771 = vector.broadcast %shift_left3A_770 : i32 to vector<2x8x1024xi32>
    %shift_left3A_772 = arith.shli %add3A_768, %shift_left3A_771 : vector<2x8x1024xi32>
    %shift_right_logical3A_773 = arith.constant 19 : i32
    %shift_right_logical3A_774 = vector.broadcast %shift_right_logical3A_773 : i32 to vector<2x8x1024xi32>
    %shift_right_logical3A_775 = arith.shrui %add3A_768, %shift_right_logical3A_774 : vector<2x8x1024xi32>
    %or3A_776 = arith.ori %shift_left3A_772, %shift_right_logical3A_775 : vector<2x8x1024xi32>
    %xor3A_777 = arith.xori %add3A_769, %or3A_776 : vector<2x8x1024xi32>
    %add3A_778 = arith.addi %add3A_769, %xor3A_777 : vector<2x8x1024xi32>
    %shift_left3A_779 = arith.constant 15 : i32
    %shift_left3A_780 = vector.broadcast %shift_left3A_779 : i32 to vector<2x8x1024xi32>
    %shift_left3A_781 = arith.shli %xor3A_777, %shift_left3A_780 : vector<2x8x1024xi32>
    %shift_right_logical3A_782 = arith.constant 17 : i32
    %shift_right_logical3A_783 = vector.broadcast %shift_right_logical3A_782 : i32 to vector<2x8x1024xi32>
    %shift_right_logical3A_784 = arith.shrui %xor3A_777, %shift_right_logical3A_783 : vector<2x8x1024xi32>
    %or3A_785 = arith.ori %shift_left3A_781, %shift_right_logical3A_784 : vector<2x8x1024xi32>
    %xor3A_786 = arith.xori %add3A_778, %or3A_785 : vector<2x8x1024xi32>
    %add3A_787 = arith.addi %add3A_778, %xor3A_786 : vector<2x8x1024xi32>
    %shift_left3A_788 = arith.constant 26 : i32
    %shift_left3A_789 = vector.broadcast %shift_left3A_788 : i32 to vector<2x8x1024xi32>
    %shift_left3A_790 = arith.shli %xor3A_786, %shift_left3A_789 : vector<2x8x1024xi32>
    %shift_right_logical3A_791 = arith.constant 6 : i32
    %shift_right_logical3A_792 = vector.broadcast %shift_right_logical3A_791 : i32 to vector<2x8x1024xi32>
    %shift_right_logical3A_793 = arith.shrui %xor3A_786, %shift_right_logical3A_792 : vector<2x8x1024xi32>
    %or3A_794 = arith.ori %shift_left3A_790, %shift_right_logical3A_793 : vector<2x8x1024xi32>
    %xor3A_795 = arith.xori %add3A_787, %or3A_794 : vector<2x8x1024xi32>
    %add3A_796 = arith.addi %add3A_787, %xor3A_795 : vector<2x8x1024xi32>
    %shift_left3A_797 = arith.constant 6 : i32
    %shift_left3A_798 = vector.broadcast %shift_left3A_797 : i32 to vector<2x8x1024xi32>
    %shift_left3A_799 = arith.shli %xor3A_795, %shift_left3A_798 : vector<2x8x1024xi32>
    %shift_right_logical3A_800 = arith.constant 26 : i32
    %shift_right_logical3A_801 = vector.broadcast %shift_right_logical3A_800 : i32 to vector<2x8x1024xi32>
    %shift_right_logical3A_802 = arith.shrui %xor3A_795, %shift_right_logical3A_801 : vector<2x8x1024xi32>
    %or3A_803 = arith.ori %shift_left3A_799, %shift_right_logical3A_802 : vector<2x8x1024xi32>
    %xor3A_804 = arith.xori %add3A_796, %or3A_803 : vector<2x8x1024xi32>
    %add3A_805 = arith.addi %add3A_796, %add3A_672 : vector<2x8x1024xi32>
    %add3A_806 = arith.addi %xor3A_804, %add3A_676 : vector<2x8x1024xi32>
    %add3A_807 = arith.constant 3 : i32
    %add3A_808 = vector.broadcast %add3A_807 : i32 to vector<2x8x1024xi32>
    %add3A_809 = arith.addi %add3A_806, %add3A_808 : vector<2x8x1024xi32>
    %add3A_810 = arith.addi %add3A_805, %add3A_809 : vector<2x8x1024xi32>
    %shift_left3A_811 = arith.constant 17 : i32
    %shift_left3A_812 = vector.broadcast %shift_left3A_811 : i32 to vector<2x8x1024xi32>
    %shift_left3A_813 = arith.shli %add3A_809, %shift_left3A_812 : vector<2x8x1024xi32>
    %shift_right_logical3A_814 = arith.constant 15 : i32
    %shift_right_logical3A_815 = vector.broadcast %shift_right_logical3A_814 : i32 to vector<2x8x1024xi32>
    %shift_right_logical3A_816 = arith.shrui %add3A_809, %shift_right_logical3A_815 : vector<2x8x1024xi32>
    %or3A_817 = arith.ori %shift_left3A_813, %shift_right_logical3A_816 : vector<2x8x1024xi32>
    %xor3A_818 = arith.xori %add3A_810, %or3A_817 : vector<2x8x1024xi32>
    %add3A_819 = arith.addi %add3A_810, %xor3A_818 : vector<2x8x1024xi32>
    %shift_left3A_820 = arith.constant 29 : i32
    %shift_left3A_821 = vector.broadcast %shift_left3A_820 : i32 to vector<2x8x1024xi32>
    %shift_left3A_822 = arith.shli %xor3A_818, %shift_left3A_821 : vector<2x8x1024xi32>
    %shift_right_logical3A_823 = arith.constant 3 : i32
    %shift_right_logical3A_824 = vector.broadcast %shift_right_logical3A_823 : i32 to vector<2x8x1024xi32>
    %shift_right_logical3A_825 = arith.shrui %xor3A_818, %shift_right_logical3A_824 : vector<2x8x1024xi32>
    %or3A_826 = arith.ori %shift_left3A_822, %shift_right_logical3A_825 : vector<2x8x1024xi32>
    %xor3A_827 = arith.xori %add3A_819, %or3A_826 : vector<2x8x1024xi32>
    %add3A_828 = arith.addi %add3A_819, %xor3A_827 : vector<2x8x1024xi32>
    %shift_left3A_829 = arith.constant 16 : i32
    %shift_left3A_830 = vector.broadcast %shift_left3A_829 : i32 to vector<2x8x1024xi32>
    %shift_left3A_831 = arith.shli %xor3A_827, %shift_left3A_830 : vector<2x8x1024xi32>
    %shift_right_logical3A_832 = arith.constant 16 : i32
    %shift_right_logical3A_833 = vector.broadcast %shift_right_logical3A_832 : i32 to vector<2x8x1024xi32>
    %shift_right_logical3A_834 = arith.shrui %xor3A_827, %shift_right_logical3A_833 : vector<2x8x1024xi32>
    %or3A_835 = arith.ori %shift_left3A_831, %shift_right_logical3A_834 : vector<2x8x1024xi32>
    %xor3A_836 = arith.xori %add3A_828, %or3A_835 : vector<2x8x1024xi32>
    %add3A_837 = arith.addi %add3A_828, %xor3A_836 : vector<2x8x1024xi32>
    %shift_left3A_838 = arith.constant 24 : i32
    %shift_left3A_839 = vector.broadcast %shift_left3A_838 : i32 to vector<2x8x1024xi32>
    %shift_left3A_840 = arith.shli %xor3A_836, %shift_left3A_839 : vector<2x8x1024xi32>
    %shift_right_logical3A_841 = arith.constant 8 : i32
    %shift_right_logical3A_842 = vector.broadcast %shift_right_logical3A_841 : i32 to vector<2x8x1024xi32>
    %shift_right_logical3A_843 = arith.shrui %xor3A_836, %shift_right_logical3A_842 : vector<2x8x1024xi32>
    %or3A_844 = arith.ori %shift_left3A_840, %shift_right_logical3A_843 : vector<2x8x1024xi32>
    %xor3A_845 = arith.xori %add3A_837, %or3A_844 : vector<2x8x1024xi32>
    %add3A_846 = arith.addi %add3A_837, %add3A_676 : vector<2x8x1024xi32>
    %add3A_847 = arith.addi %xor3A_845, %xor3A_684 : vector<2x8x1024xi32>
    %add3A_848 = arith.constant 4 : i32
    %add3A_849 = vector.broadcast %add3A_848 : i32 to vector<2x8x1024xi32>
    %add3A_850 = arith.addi %add3A_847, %add3A_849 : vector<2x8x1024xi32>
    %add3A_851 = arith.addi %add3A_846, %add3A_850 : vector<2x8x1024xi32>
    %shift_left3A_852 = arith.constant 13 : i32
    %shift_left3A_853 = vector.broadcast %shift_left3A_852 : i32 to vector<2x8x1024xi32>
    %shift_left3A_854 = arith.shli %add3A_850, %shift_left3A_853 : vector<2x8x1024xi32>
    %shift_right_logical3A_855 = arith.constant 19 : i32
    %shift_right_logical3A_856 = vector.broadcast %shift_right_logical3A_855 : i32 to vector<2x8x1024xi32>
    %shift_right_logical3A_857 = arith.shrui %add3A_850, %shift_right_logical3A_856 : vector<2x8x1024xi32>
    %or3A_858 = arith.ori %shift_left3A_854, %shift_right_logical3A_857 : vector<2x8x1024xi32>
    %xor3A_859 = arith.xori %add3A_851, %or3A_858 : vector<2x8x1024xi32>
    %add3A_860 = arith.addi %add3A_851, %xor3A_859 : vector<2x8x1024xi32>
    %shift_left3A_861 = arith.constant 15 : i32
    %shift_left3A_862 = vector.broadcast %shift_left3A_861 : i32 to vector<2x8x1024xi32>
    %shift_left3A_863 = arith.shli %xor3A_859, %shift_left3A_862 : vector<2x8x1024xi32>
    %shift_right_logical3A_864 = arith.constant 17 : i32
    %shift_right_logical3A_865 = vector.broadcast %shift_right_logical3A_864 : i32 to vector<2x8x1024xi32>
    %shift_right_logical3A_866 = arith.shrui %xor3A_859, %shift_right_logical3A_865 : vector<2x8x1024xi32>
    %or3A_867 = arith.ori %shift_left3A_863, %shift_right_logical3A_866 : vector<2x8x1024xi32>
    %xor3A_868 = arith.xori %add3A_860, %or3A_867 : vector<2x8x1024xi32>
    %add3A_869 = arith.addi %add3A_860, %xor3A_868 : vector<2x8x1024xi32>
    %shift_left3A_870 = arith.constant 26 : i32
    %shift_left3A_871 = vector.broadcast %shift_left3A_870 : i32 to vector<2x8x1024xi32>
    %shift_left3A_872 = arith.shli %xor3A_868, %shift_left3A_871 : vector<2x8x1024xi32>
    %shift_right_logical3A_873 = arith.constant 6 : i32
    %shift_right_logical3A_874 = vector.broadcast %shift_right_logical3A_873 : i32 to vector<2x8x1024xi32>
    %shift_right_logical3A_875 = arith.shrui %xor3A_868, %shift_right_logical3A_874 : vector<2x8x1024xi32>
    %or3A_876 = arith.ori %shift_left3A_872, %shift_right_logical3A_875 : vector<2x8x1024xi32>
    %xor3A_877 = arith.xori %add3A_869, %or3A_876 : vector<2x8x1024xi32>
    %add3A_878 = arith.addi %add3A_869, %xor3A_877 : vector<2x8x1024xi32>
    %shift_left3A_879 = arith.constant 6 : i32
    %shift_left3A_880 = vector.broadcast %shift_left3A_879 : i32 to vector<2x8x1024xi32>
    %shift_left3A_881 = arith.shli %xor3A_877, %shift_left3A_880 : vector<2x8x1024xi32>
    %shift_right_logical3A_882 = arith.constant 26 : i32
    %shift_right_logical3A_883 = vector.broadcast %shift_right_logical3A_882 : i32 to vector<2x8x1024xi32>
    %shift_right_logical3A_884 = arith.shrui %xor3A_877, %shift_right_logical3A_883 : vector<2x8x1024xi32>
    %or3A_885 = arith.ori %shift_left3A_881, %shift_right_logical3A_884 : vector<2x8x1024xi32>
    %xor3A_886 = arith.xori %add3A_878, %or3A_885 : vector<2x8x1024xi32>
    %add3A_887 = arith.addi %add3A_878, %xor3A_684 : vector<2x8x1024xi32>
    %add3A_888 = arith.addi %xor3A_886, %add3A_672 : vector<2x8x1024xi32>
    %add3A_889 = arith.constant 5 : i32
    %add3A_890 = vector.broadcast %add3A_889 : i32 to vector<2x8x1024xi32>
    %add3A_891 = arith.addi %add3A_888, %add3A_890 : vector<2x8x1024xi32>
    %xor3A_892 = arith.xori %add3A_887, %add3A_891 : vector<2x8x1024xi32>
    %shift_right_logical3A_893 = arith.constant 9 : i32
    %shift_right_logical3A_894 = vector.broadcast %shift_right_logical3A_893 : i32 to vector<2x8x1024xi32>
    %shift_right_logical3A_895 = arith.shrui %xor3A_892, %shift_right_logical3A_894 : vector<2x8x1024xi32>
    %or3A_896 = arith.constant 1065353216 : i32
    %or3A_897 = vector.broadcast %or3A_896 : i32 to vector<2x8x1024xi32>
    %or3A_898 = arith.ori %shift_right_logical3A_895, %or3A_897 : vector<2x8x1024xi32>
    %bitcast_convert_type3A = tpu.bitcast %or3A_898 : vector<2x8x1024xi32> -> vector<2x8x1024xf32>
    %sub3A_899 = arith.constant 1.000000e+00 : f32
    %sub3A_900 = vector.broadcast %sub3A_899 : f32 to vector<2x8x1024xf32>
    %sub3A_901 = arith.subf %bitcast_convert_type3A, %sub3A_900 : vector<2x8x1024xf32>
    %max3A = arith.constant 0.000000e+00 : f32
    %max3A_902 = vector.broadcast %max3A : f32 to vector<2x8x1024xf32>
    %max3A_903 = arith.maximumf %max3A_902, %sub3A_901 : vector<2x8x1024xf32>
    %sub3A_904 = arith.constant 1.000000e+00 : f32
    %sub3A_905 = vector.broadcast %sub3A_904 : f32 to vector<2x8x1024xf32>
    %sub3A_906 = arith.subf %sub3A_905, %max3A_903 : vector<2x8x1024xf32>
    %div3A_907 = arith.constant 1.000000e+00 : f32
    %div3A_908 = vector.broadcast %div3A_907 : f32 to vector<2x8x1024xf32>
    %div3A_909 = arith.divf %div3A_908, %get3A_244 : vector<2x8x1024xf32>
    %pow3A = math.powf %sub3A_906, %div3A_909 : vector<2x8x1024xf32>
    %jit3A = arith.constant 1.000000e+00 : f32
    %broadcast_in_dim3A_910 = vector.broadcast %jit3A : f32 to vector<2x8x1024xf32>
    %select_n3A_911 = arith.select %ge3A_246, %broadcast_in_dim3A_910, %pow3A : vector<2x8x1024xi1>, vector<2x8x1024xf32>
    %mul3A_912 = arith.mulf %sub3A_252, %while3A#2 : vector<2x8x1024xf32>
    %mul3A_913 = arith.mulf %mul3A_912, %select_n3A_911 : vector<2x8x1024xf32>
    %slice3A = vector.extract_strided_slice %mul3A_913 {offsets = [0, 0, 0], sizes = [1, 8, 1024], strides = [1, 1, 1]} : vector<2x8x1024xf32> to vector<1x8x1024xf32>
    %squeeze3A = vector.shape_cast %slice3A : vector<1x8x1024xf32> to vector<8x1024xf32>
    %slice3A_914 = vector.extract_strided_slice %mul3A_913 {offsets = [0, 0, 0], sizes = [1, 8, 1024], strides = [1, 1, 1]} : vector<2x8x1024xf32> to vector<1x8x1024xf32>
    %squeeze3A_915 = vector.shape_cast %slice3A_914 : vector<1x8x1024xf32> to vector<8x1024xf32>
    %slice3A_916 = vector.extract_strided_slice %mul3A_913 {offsets = [1, 0, 0], sizes = [1, 8, 1024], strides = [1, 1, 1]} : vector<2x8x1024xf32> to vector<1x8x1024xf32>
    %squeeze3A_917 = vector.shape_cast %slice3A_916 : vector<1x8x1024xf32> to vector<8x1024xf32>
    %add3A_918 = arith.addf %squeeze3A_915, %squeeze3A_917 : vector<8x1024xf32>
    %div3A_919 = arith.divf %squeeze3A, %add3A_918 : vector<8x1024xf32>
    %swap3A = arith.constant 0 : index
    %swap3A_920 = arith.constant 0 : index
    %swap3A_921 = vector.load %arg3[%swap3A, %swap3A_920] : memref<8x1024xf32, #tpu.memory_space<vmem>>, vector<8x1024xf32>
    tpu.vector_store %arg3[%swap3A, %swap3A_920], %div3A_919 {strides = array<i32>} : memref<8x1024xf32, #tpu.memory_space<vmem>>, vector<8x1024xf32>,
    return
  }
  func.func @transform_0(%arg0: i32) -> (i32, i32) {
    %c0_i32 = arith.constant 0 : i32
    %c0_i32_0 = arith.constant 0 : i32
    %c0_i32_1 = arith.constant 0 : i32
    return %c0_i32, %c0_i32_0 : i32, i32
  }
  func.func @transform_1(%arg0: i32) -> (i32, i32, i32) {
    %c0_i32 = arith.constant 0 : i32
    %c0_i32_0 = arith.constant 0 : i32
    %c0_i32_1 = arith.constant 0 : i32
    return %c0_i32, %arg0, %c0_i32_0 : i32, i32, i32
  }
  func.func @transform_2(%arg0: i32) -> (i32, i32) {
    %c0_i32 = arith.constant 0 : i32
    %c0_i32_0 = arith.constant 0 : i32
    return %arg0, %c0_i32 : i32, i32
  }
}

</mosaic_0001>

<sc_bundles>
// kernel: kernel.4.cloned.1.call-start
scs
__scs_entry_jumppad:
0x0: {  	(pc) =	sbr.rel $0x88, $3  }
0x1: {  	(tag) =	ssettag $0x0;
	lr =	simm.s32 $0x1  }
0x2: {  	[smem:$0x3F9D] =	sst lr;
	_ =	strace $0xD0000000  }
0x3: {  	_ = 	snop  }
0x4: {  	_ = 	snop  }
0x5: {  	_ = 	snop  }
0x6: {  	_ = 	snop  }
0x7: {  	_ = 	snop  }
__scs_overlays_trampoline_lowered:
0x8: {  	[smem:$0x3FAC] =	sst s0  }
0x9: {  	[smem:$0x3FAD] =	sst s1  }
0xa: {  	[smem:$0x3FAE] =	sst s2  }
0xb: {  	[smem:$0x3FAF] =	sst s3  }
0xc: {  	[smem:$0x3FB0] =	sst s4  }
0xd: {  	[smem:$0x3FB1] =	sst s5  }
0xe: {  	[smem:$0x3FB2] =	sst s6  }
0xf: {  	[smem:$0x3FB3] =	sst s7  }
0x10: {  	[smem:$0x3FB4] =	sst s8  }
0x11: {  	[smem:$0x3FB5] =	sst s9;
	s0 =	simm.s32 @!p0 $0x0  }
0x12: {  	s1 =	sld [smem:$0x3F9B];
	s0 =	simm.s32 @p0 $0x1  }
0x13: {  	[smem:$0x3FB6] =	sst s0;
	s0 =	simm.s32 @!p1 $0x0  }
0x14: {  	s2 =	sld [smem:$0x3F9A];
	s0 =	simm.s32 @p1 $0x1  }
0x15: {  	[smem:$0x3FB7] =	sst s0;
	s0 =	simm.s32 @!p2 $0x0  }
0x16: {  	s3 =	sld [smem:$0x3FDB];
	s0 =	simm.s32 @p2 $0x1  }
0x17: {  	s4 =	simm.s32 $0x1BF5;
	[smem:$0x3FB9] =	sst s0  }
0x18: {  	s0 =	sld [smem:$0x3F9C];
	_ =	swait.ge [sflag:s4], $0x0  }
0x19: {  	s7 =	sld [smem:$0x3F9D]  }
0x1a: {  	s8 =	sadd.s32 $0xFFFFE003, lr  }
0x1b: {  	s9 =	sadd.s32 $0xFFFFFEF7, lr;
	s5 =	simm.s32 $0xFFFFFFFF;
	p2 =	slt.u32 s8, $0xFFFFF086  }
0x1c: {  	p1 =	slt.u32 s9, $0xF7A;
	s5 =	simm.s32 @!p2 $0x0  }
0x1d: {  	s5 =	simm.s32 @p1 $0x1;
	p0 =	seq.s32 s7, s2  }
0x1e: {  	s7 =	smul.u32 @!p0 $0xF7A, s2;
	p2 =	seq.s32 @!p0 s5, $0x0  }
0x1f: {  	s9 =	smul.u32 $0xF7A, s1;
	s8 =	simm.s32 @!p0 $0x1BF5;
	p2 =	por !p2, p0  }
0x20: {  	[sflag:s8] =	ssyncset.s32 @!p0 $0xFFFFF086;
	s6 =	sadd.s32 @!p0 s3, s7;
	s7 =	simm.s32 @!p0 $0x108  }
0x21: {  	s3 =	sadd.s32 s3, s9;
	s6 =	sadd.s32 @!p0 $0x88, s6;
	s7 =	simm.s32 @p2 $0x1082  }
0x22: {  	[simem:s7], [sflag:s8] =	dma.local @!p0 [hbm:s6], $0xF7A  }
0x23: {  	s9 =	sor.u32 $0xD0000000, s2;
	s6 =	simm.s32 $0x108;
	_ =	swait.ge @!p0 [sflag:s8], $0x0  }
0x24: {  	s3 =	sadd.s32 $0x88, s3;
	s6 =	simm.s32 @!p1 $0x1082;
	[sflag:s4] =	ssyncset.s32 $0xFFFFF086  }
0x25: {  	[simem:s6], [sflag:s4] =	dma.local [hbm:s3], $0xF7A  }
0x26: {  	[smem:$0x3F9D] =	sst s1;
	(tag) =	ssettag s2;
	_ =	strace s9  }
0x27: {  	s1 =	sld [smem:$0x3FAD]  }
0x28: {  	s2 =	sld [smem:$0x3FAE]  }
0x29: {  	s4 =	sld [smem:$0x3FB0]  }
0x2a: {  	p0 =	seq.s32 s5, $0x0;
	s5 =	sld [smem:$0x3FB1]  }
0x2b: {  	s6 =	sld [smem:$0x3FB2]  }
0x2c: {  	s7 =	sld [smem:$0x3FB3]  }
0x2d: {  	s3 =	simm.s32 $0x108;
	s8 =	sld [smem:$0x3FB4]  }
0x2e: {  	s3 =	simm.s32 @!p0 $0x1082;
	s9 =	sld [smem:$0x3FB5]  }
0x2f: {  	lr =	sadd.s32 s0, s3;
	s0 =	sld [smem:$0x3FAC]  }
0x30: {  	s3 =	sld [smem:$0x3FAF]  }
0x31: {  	[smem:$0x3FB8] =	sst s10  }
0x32: {  	s10 =	sld [smem:$0x3FB6];
	_ =	sdelay $0x3  }
0x33: {  	p0 =	seq.s32 s10, $0x1;
	s10 =	sld [smem:$0x3FB8];
	_ =	sdelay $0x3  }
0x34: {  	[smem:$0x3FB8] =	sst s10  }
0x35: {  	s10 =	sld [smem:$0x3FB7];
	_ =	sdelay $0x3  }
0x36: {  	p1 =	seq.s32 s10, $0x1;
	s10 =	sld [smem:$0x3FB8];
	_ =	sdelay $0x3  }
0x37: {  	[smem:$0x3FB8] =	sst s10  }
0x38: {  	s10 =	sld [smem:$0x3FB9]  }
0x39: {  	_ = 	snop;
	(pc) =	sbr.ind lr, $3  }
0x3a: {  	_ = 	snop  }
0x3b: {  	_ = 	snop  }
0x3c: {  	p2 =	seq.s32 s10, $0x1;
	s10 =	sld [smem:$0x3FB8]  }
0x3d: {  	_ =	shalt  }
0x3e: {  	_ =	shalt  }
0x3f: {  	_ =	shalt  }
0x40: {  	_ =	shalt  }
0x41: {  	_ =	shalt  }
0x42: {  	_ =	shalt  }
0x43: {  	_ =	shalt  }
0x44: {  	_ =	shalt  }
0x45: {  	_ =	shalt  }
0x46: {  	_ =	shalt  }
0x47: {  	_ =	shalt  }
0x48: {  	_ =	shalt  }
0x49: {  	_ =	shalt  }
0x4a: {  	_ =	shalt  }
0x4b: {  	_ =	shalt  }
0x4c: {  	_ =	shalt  }
0x4d: {  	_ =	shalt  }
0x4e: {  	_ =	shalt  }
0x4f: {  	_ =	shalt  }
0x50: {  	_ =	shalt  }
0x51: {  	_ =	shalt  }
0x52: {  	_ =	shalt  }
0x53: {  	_ =	shalt  }
0x54: {  	_ =	shalt  }
0x55: {  	_ =	shalt  }
0x56: {  	_ =	shalt  }
0x57: {  	_ =	shalt  }
0x58: {  	_ =	shalt  }
0x59: {  	_ =	shalt  }
0x5a: {  	_ =	shalt  }
0x5b: {  	_ =	shalt  }
0x5c: {  	_ =	shalt  }
0x5d: {  	_ =	shalt  }
0x5e: {  	_ =	shalt  }
0x5f: {  	_ =	shalt  }
0x60: {  	_ =	shalt  }
0x61: {  	_ =	shalt  }
0x62: {  	_ =	shalt  }
0x63: {  	_ =	shalt  }
0x64: {  	_ =	shalt  }
0x65: {  	_ =	shalt  }
0x66: {  	_ =	shalt  }
0x67: {  	_ =	shalt  }
0x68: {  	_ =	shalt  }
0x69: {  	_ =	shalt  }
0x6a: {  	_ =	shalt  }
0x6b: {  	_ =	shalt  }
0x6c: {  	_ =	shalt  }
0x6d: {  	_ =	shalt  }
0x6e: {  	_ =	shalt  }
0x6f: {  	_ =	shalt  }
0x70: {  	_ =	shalt  }
0x71: {  	_ =	shalt  }
0x72: {  	_ =	shalt  }
0x73: {  	_ =	shalt  }
0x74: {  	_ =	shalt  }
0x75: {  	_ =	shalt  }
0x76: {  	_ =	shalt  }
0x77: {  	_ =	shalt  }
0x78: {  	_ =	shalt  }
0x79: {  	_ =	shalt  }
0x7a: {  	_ =	shalt  }
0x7b: {  	_ =	shalt  }
0x7c: {  	_ =	shalt  }
0x7d: {  	_ =	shalt  }
0x7e: {  	_ =	shalt  }
0x7f: {  	_ =	shalt  }
0x80: {  	_ =	shalt  }
0x81: {  	_ =	shalt  }
0x82: {  	_ =	shalt  }
0x83: {  	_ =	shalt  }
0x84: {  	_ =	shalt  }
0x85: {  	_ =	shalt  }
0x86: {  	_ =	shalt  }
0x87: {  	_ =	shalt  }
.Lfunc_end0:
.L_simem_size_0:
called_computation.1_lowered:
.L_overlay_start_0:
0x88: {  	s2 =	sld [smem:$0x3FD9]  }
0x89: {  	s3 =	sld [smem:$0x3FFE];
	_ =	sdelay $0x1  }
0x8a: {  	s1 =	srdreg.scid  }
0x8b: {  	s0 =	sand.u32 $0x1, s1  }
0x8c: {  	s17 =	sshll.u32 s0, $0xA;
	s2 =	sadd.s32 s3, s2  }
0x8d: {  	s2 =	sadd.s32 s2, s17  }
0x8e: {  	[smem:$0x3FC4] =	sst s2  }
0x8f: {  	_ = 	snop  }
0x90: {  	s2 =	sld [smem:$0x3FD0];
	(tm) =	ssettm $0x1  }
0x91: {  	s18 =	sld [smem:$0x3FFB];
	_ =	sdelay $0x3  }
0x92: {  	_ =	strace s18  }
0x93: {  	s3 =	sld [smem:$0x3FFC];
	_ =	sdelay $0x3  }
0x94: {  	_ =	strace s3  }
0x95: {  	s3 =	sld [smem:$0x3FFD];
	_ =	sdelay $0x3  }
0x96: {  	_ =	strace s3  }
0x97: {  	_ =	strace $0x8FFFFFFF  }
0x98: {  	s19 =	sld [smem:$0x3FDB];
	_ =	sdelay $0x1  }
0x99: {  	s4 =	simm.s32 $_scs_section_size  }
0x9a: {  	s5 =	simm.s32 $_size__tile_overlayer_lowered;
	s6 =	simm.s32 $_tile_overlayer_lowered  }
0x9b: {  	s22 =	simm.s32 $0x1BFF;
	s21 =	sshll.u32 s6, $0x1;
	s3 =	sadd.s32 s4, s19  }
0x9c: {  	s7 =	simm.s32 $0x0;
	s20 =	sshll.u32 s5, $0x1;
	s5 =	sadd.s32 s21, s3  }
0x9d: {  	[timem:s7], [sflag:s22] =	dma.local [hbm:s5], s20  }
0x9e: {  	_ =	swait.ge [sflag:s22], s20  }
0x9f: {  	s4 =	ssub.s32 $0x0, s20;
	[sflag:s22] =	ssyncset.done $0x0  }
0xa0: {  	[sflag:s22] =	ssyncadd.s32 s4;
	_ =	sdelay $0x1  }
0xa1: {  	s23 =	simm.s32 $0x1B8B  }
0xa2: {  	_ =	swait.ge [sflag:s23], $0x1  }
0xa3: {  	[sflag:s23] =	ssyncset.done $0x0  }
0xa4: {  	s25 =	simm.s32 $0x1B8E;
	s24 =	sld [smem:$0x3FFE];
	[sflag:s23] =	ssyncadd.s32 $0xFFFFFFFF  }
0xa5: {  	s26 =	simm.s32 $execute0_lowered;
	[smem:$0x3FD2] =	sst s25  }
0xa6: {  	s5 =	sshll.u32 s26, $0x1;
	_ =	strace $0x80000046;
	[dreg:$0x1] =	wrdreg $0xFFFFFFFF  }
0xa7: {  	s28 =	simm.s32 $_size_execute0_lowered;
	s3 =	sadd.s32 s3, s5;
	[dreg:$0x0] =	wrdreg $0x0  }
0xa8: {  	s5 =	sshll.u32 s28, $0x1;
	[dreg:$0x2] =	wrdreg s3  }
0xa9: {  	[dreg:$0x3] =	wrdreg s5  }
0xaa: {  	[dreg:$0x4] =	wrdreg $0xC0  }
0xab: {  	_ =	task [dreg:s7], $0x5FFFF  }
0xac: {  	[dreg:$0x1] =	wrdreg $0xFFFFFFFF  }
0xad: {  	[dreg:$0x0] =	wrdreg $0x60  }
0xae: {  	[dreg:$0x2] =	wrdreg s24  }
0xaf: {  	[dreg:$0x3] =	wrdreg s2  }
0xb0: {  	[dreg:$0x4] =	wrdreg $0x9  }
0xb1: {  	_ =	task.clear_ibuf [dreg:s7], $0x5FFFF;
	_ =	strace $0x90000046  }
0xb2: {  	s29 =	simm.s32 $0x9;
	_ =	strace $0x80000048  }
0xb3: {  	_ =	swait.ge [sflag:s29], $0x1  }
0xb4: {  	[sflag:s29] =	ssyncadd.s32 $0xFFFFFFFF  }
0xb5: {  	_ =	strace $0x90000048  }
0xb6: {  	_ =	sfence  }
0xb7: {  	s30 =	sld [smem:$0x0];
	_ =	sdelay $0x2  }
0xb8: {  	s31 =	sshll.u32 s1, $0xD;
	s1 =	sshrl.u32 s1, $0x2  }
0xb9: {  	s3 =	sand.u32 $0x4000, s31;
	s1 =	sadd.s32 s1, s30  }
0xba: {  	s0 =	sor.u32 s3, s0;
	s1 =	sshll.u32 s1, $0x11  }
0xbb: {  	s0 =	sor.u32 s1, s0  }
0xbc: {  	s0 =	sadd.s32 $0x8F2B, s0  }
0xbd: {  	[sflag:s0] =	ssyncadd.remote.s32 $0x1  }
0xbe: {  	_ =	sfence.sel $0xFFFF  }
0xbf: {  	[dreg:$0x0] =	wrdreg $0xFFFFFFFF;
	(pc) =	sbr.abs _section_cstart, $3  }
0xc0: {  	[dreg:$0x1] =	wrdreg $0xFFFFFFFF  }
0xc1: {  	_ =	task.clear_ibuf [dreg:s7], $0x2FFFF;
	_ =	strace $0x9FFFFFFF  }
0xc2: {  	(tm) =	ssettm $0x7FFFFFFF  }
0xc3: {  	_ =	shalt  }
tec
execute0_lowered:
.L_overlay_start_1:
0x0: {  	(tag) =	ssettag $0x1  }
0x1: {  	s0 =	rddreg [dreg:$0x0]  }
0x2: {  	s1 =	rddreg [dreg:$0x1];
	s3 =	srdreg.scid  }
0x3: {  	s2 =	simm.s32 $0x0;
	s9 =	stileid.u32;
	s11 =	simm.s32 $0x80  }
0x4: {  	s13 =	simm.s32 $0x48;
	s28 =	simm.s32 $0xB880;
	s29 =	simm.s32 $0x8  }
0x5: {  	s30 =	simm.s32 $0x7;
	s31 =	simm.s32 $0x6;
	s4 =	sand.u32 $0x1, s3  }
0x6: {  	[smem:$0x7FF] =	sst s2;
	s5 =	sshll.u32 s9, $0x6;
	s3 =	sadd.s32 $0xF43A00, s0  }
0x7: {  	s9 =	smul.u32 $0x19000, s9;
	s6 =	sshll.u32 s4, $0x5;
	_ =	strace $0x80000047  }
0x8: {  	s7 =	ssub.s32 $0x2, s4;
	s25 =	smul.u32 $0xC800, s4;
	s5 =	sor.u32 s6, s5  }
0x9: {  	s8 =	sshrl.u32 s7, $0x1;
	s26 =	sadd.s32 s9, s1;
	s9 =	simm.s32 $0x9  }
0xa: {  	s1 =	simm.s32 $0x0;
	s6 =	sshll.u32 s5, $0x5;
	s5 =	smul.u32 $0x28, s5  }
0xb: {  	s7 =	ssub.s32 s7, s8;
	s19 =	sadd.s32 s25, s26;
	s6 =	sadd.s32 s6, s0  }
0xc: {  	s8 =	simm.s32 $0x19500;
	s0 =	sadd.s32 s5, s0;
	s4 =	sadd.s32 $0x1600, s6  }
0xd: {  	s6 =	smax.u32 s7, $0x1;
	s5 =	sadd.s32 $0x9600, s0;
	s0 =	simm.s32 $0x5  }
.LBB2_1:
0xe: {  	[tilespmem:s8], [sflag:$0x9] =	stream.linear.gather [hbm4b:s4+s2], $0x2000, $0x38;
	[tilespmem:$0x1DD00] =	vst v63  }
0xf: {  	_ =	swait.ge [sflag:s9], $0x2000  }
0x10: {  	[sflag:s9] =	ssyncset.done $0x0  }
0x11: {  	s7 =	simm.s32 $0x1B500;
	[sflag:s9] =	ssyncadd.s32 $0xFFFFE000  }
0x12: {  	[tilespmem:s7], [sflag:$0x9] =	stream.linear.gather [hbm4b:s5+s2], $0x2800, $0x38;
	[tilespmem:$0x1DD00] =	vst v63  }
0x13: {  	_ =	swait.ge [sflag:s9], $0x2800  }
0x14: {  	[sflag:s9] =	ssyncset.done $0x0  }
0x15: {  	s25 =	simm.s32 $0x140;
	s26 =	simm.s32 $0x19580;
	[sflag:s9] =	ssyncadd.s32 $0xFFFFD800  }
0x16: {  	[tilespmem:s25], [sflag:$0x1] =	stream.indirect.gather [hbm4b:s3+s11], $0x40, s8, s11, $0xb8;
	[tilespmem:$0x1DD00] =	vst v63  }
0x17: {  	s10 =	simm.s32 $0x2140;
	s12 =	simm.s32 $0x3340;
	s14 =	simm.s32 $0x19680  }
0x18: {  	[tilespmem:s10], [sflag:$0x1] =	stream.indirect.gather [hbm4b:s3+s13], $0x40, s26, s13, $0xb8;
	[tilespmem:$0x1DD00] =	vst v63  }
0x19: {  	s15 =	simm.s32 $0x5340;
	p0 =	por $0x0, $0x0;
	s10 =	simm.s32 $0x19600  }
0x1a: {  	[tilespmem:s12], [sflag:$0x1] =	stream.indirect.gather [hbm4b:s3+s11], $0x40, s10, s11, $0xb8;
	[tilespmem:$0x1DD00] =	vst v63  }
0x1b: {  	s16 =	simm.s32 $0x19700;
	s17 =	simm.s32 $0x6680;
	p1 =	por @!p0 $0x1, $0x1  }
0x1c: {  	[tilespmem:s15], [sflag:$0x1] =	stream.indirect.gather [hbm4b:s3+s13], $0x40, s14, s13, $0xb8;
	[tilespmem:$0x1DD00] =	vst v63  }
0x1d: {  	s18 =	simm.s32 $0x19780;
	p2 =	por p1, p0;
	s7 =	simm.s32 $0x2  }
0x1e: {  	[tilespmem:s17], [sflag:$0x2] =	stream.indirect.gather [hbm4b:s3+s11], $0x40, s16, s11, $0xb8;
	[tilespmem:$0x1DD00] =	vst v63  }
0x1f: {  	s20 =	simm.s32 $0x8680;
	p1 =	por !p1, p0;
	s10 =	sand.u32 @!p2 $0x3, s7  }
0x20: {  	[tilespmem:s20], [sflag:$0x2] =	stream.indirect.gather [hbm4b:s3+s13], $0x40, s18, s13, $0xb8;
	[tilespmem:$0x1DD00] =	vst v63  }
0x21: {  	s21 =	simm.s32 $0x19800;
	s22 =	simm.s32 $0x9880;
	s7 =	smov.u32 @p1 s10  }
0x22: {  	[tilespmem:s22], [sflag:$0x2] =	stream.indirect.gather [hbm4b:s3+s11], $0x40, s21, s11, $0xb8;
	[tilespmem:$0x1DD00] =	vst v63  }
0x23: {  	s23 =	simm.s32 $0x19880;
	s10 =	sadd.s32 @!p2 $0x5, s10;
	s12 =	smul.u32 @!p0 $0x19500, s7  }
0x24: {  	[tilespmem:s28], [sflag:$0x2] =	stream.indirect.gather [hbm4b:s3+s13], $0x40, s23, s13, $0xb8;
	[tilespmem:$0x1DD00] =	vst v63  }
0x25: {  	s14 =	simm.s32 @!p0 $0x19900;
	_ =	swait.ge @!p2 [sflag:s10], $0x6400  }
0x26: {  	s15 =	simm.s32 @!p0 $0x80;
	s12 =	sshra.s32 @!p0 s12, $0x2;
	[sflag:s10] =	ssyncset.done @!p2 $0x0  }
0x27: {  	s7 =	sadd.s32 @!p0 $0x1, s7;
	s16 =	sadd.s32 @!p0 $0x140, s12;
	[sflag:s10] =	ssyncadd.s32 @!p2 $0xFFFF9C00  }
0x28: {  	[tilespmem:s16], [sflag:s7] =	stream.indirect.gather @!p0 [hbm4b:s3+s15], $0x40, s14, s15, $0xb8;
	[tilespmem:$0x1DD00] =	vst v63  }
0x29: {  	s10 =	simm.s32 @!p0 $0x19980;
	s14 =	sadd.s32 @!p0 $0x2140, s12;
	s16 =	simm.s32 @!p0 $0x48  }
0x2a: {  	[tilespmem:s14], [sflag:s7] =	stream.indirect.gather @!p0 [hbm4b:s3+s16], $0x40, s10, s16, $0xb8;
	[tilespmem:$0x1DD00] =	vst v63  }
0x2b: {  	s10 =	simm.s32 @!p0 $0x19A00;
	s14 =	sadd.s32 @!p0 $0x3340, s12  }
0x2c: {  	[tilespmem:s14], [sflag:s7] =	stream.indirect.gather @!p0 [hbm4b:s3+s15], $0x40, s10, s15, $0xb8;
	[tilespmem:$0x1DD00] =	vst v63  }
0x2d: {  	s14 =	sand.u32 $0x3, s2  }
0x2e: {  	s12 =	sadd.s32 @!p0 $0x5340, s12;
	s10 =	simm.s32 @!p0 $0x19A80;
	s24 =	sadd.s32 $0x1, s14  }
0x2f: {  	[tilespmem:s12], [sflag:s7] =	stream.indirect.gather @!p0 [hbm4b:s3+s16], $0x40, s10, s16, $0xb8;
	[tilespmem:$0x1DD00] =	vst v63  }
0x30: {  	_ =	swait.ge [sflag:s24], $0x2000  }
0x31: {  	[sflag:s24] =	ssyncset.done $0x0  }
0x32: {  	[sflag:s24] =	ssyncadd.s32 $0xFFFFE000  }
0x33: {  	_ =	swait.ge [sflag:s24], $0x1200  }
0x34: {  	[sflag:s24] =	ssyncset.done $0x0  }
0x35: {  	[sflag:s24] =	ssyncadd.s32 $0xFFFFEE00  }
0x36: {  	_ =	swait.ge [sflag:s24], $0x2000  }
0x37: {  	[sflag:s24] =	ssyncset.done $0x0  }
0x38: {  	[sflag:s24] =	ssyncadd.s32 $0xFFFFE000  }
0x39: {  	_ =	swait.ge [sflag:s24], $0x1200  }
0x3a: {  	[sflag:s24] =	ssyncset.done $0x0  }
0x3b: {  	s25 =	simm.s32 $0x1B640;
	[sflag:s24] =	ssyncadd.s32 $0xFFFFEE00  }
0x3c: {  	v0 =	vld [tilespmem:s25+$0xFFFFFEC0];
	_ =	sdelay $0x1  }
0x3d: {  	s26 =	smul.u32 $0x19500, s14;
	_ =	sdelay $0x1  }
0x3e: {  	s15 =	sshrl.u32 s26, $0x2  }
0x3f: {  	[tilespmem:s15+$0x0] =	vst v0  }
0x40: {  	v0 =	vld [tilespmem:s25+$0xFFFFFED0];
	_ =	sdelay $0x4  }
0x41: {  	[tilespmem:s15+$0x10] =	vst v0  }
0x42: {  	v0 =	vld [tilespmem:s25+$0xFFFFFEE0];
	_ =	sdelay $0x4  }
0x43: {  	[tilespmem:s15+$0x20] =	vst v0  }
0x44: {  	v0 =	vld [tilespmem:s25+$0xFFFFFEF0];
	_ =	sdelay $0x4  }
0x45: {  	[tilespmem:s15+$0x30] =	vst v0  }
0x46: {  	v0 =	vld [tilespmem:s25+$0xFFFFFF00];
	_ =	sdelay $0x4  }
0x47: {  	[tilespmem:s15+$0x40] =	vst v0  }
0x48: {  	v0 =	vld [tilespmem:s25+$0xFFFFFF10];
	_ =	sdelay $0x4  }
0x49: {  	[tilespmem:s15+$0x50] =	vst v0  }
0x4a: {  	v0 =	vld [tilespmem:s25+$0xFFFFFF20];
	_ =	sdelay $0x4  }
0x4b: {  	[tilespmem:s15+$0x60] =	vst v0  }
0x4c: {  	v0 =	vld [tilespmem:s25+$0xFFFFFF30];
	_ =	sdelay $0x4  }
0x4d: {  	[tilespmem:s15+$0x70] =	vst v0  }
0x4e: {  	v0 =	vld [tilespmem:s25+$0xFFFFFF40];
	_ =	sdelay $0x4  }
0x4f: {  	[tilespmem:s15+$0x80] =	vst v0  }
0x50: {  	v0 =	vld [tilespmem:s25+$0xFFFFFF50];
	_ =	sdelay $0x4  }
0x51: {  	[tilespmem:s15+$0x90] =	vst v0  }
0x52: {  	v0 =	vld [tilespmem:s25+$0xFFFFFF60];
	_ =	sdelay $0x4  }
0x53: {  	[tilespmem:s15+$0xA0] =	vst v0  }
0x54: {  	v0 =	vld [tilespmem:s25+$0xFFFFFF70];
	_ =	sdelay $0x4  }
0x55: {  	[tilespmem:s15+$0xB0] =	vst v0  }
0x56: {  	v0 =	vld [tilespmem:s25+$0xFFFFFF80];
	_ =	sdelay $0x4  }
0x57: {  	[tilespmem:s15+$0xC0] =	vst v0  }
0x58: {  	v0 =	vld [tilespmem:s25+$0xFFFFFF90];
	_ =	sdelay $0x4  }
0x59: {  	[tilespmem:s15+$0xD0] =	vst v0  }
0x5a: {  	v0 =	vld [tilespmem:s25+$0xFFFFFFA0];
	_ =	sdelay $0x4  }
0x5b: {  	[tilespmem:s15+$0xE0] =	vst v0  }
0x5c: {  	v0 =	vld [tilespmem:s25+$0xFFFFFFB0];
	_ =	sdelay $0x4  }
0x5d: {  	[tilespmem:s15+$0xF0] =	vst v0  }
0x5e: {  	v0 =	vld [tilespmem:s25+$0xFFFFFFC0];
	_ =	sdelay $0x4  }
0x5f: {  	[tilespmem:s15+$0x100] =	vst v0  }
0x60: {  	v0 =	vld [tilespmem:s25+$0xFFFFFFD0];
	_ =	sdelay $0x4  }
0x61: {  	[tilespmem:s15+$0x110] =	vst v0  }
0x62: {  	v0 =	vld [tilespmem:s25+$0xFFFFFFE0];
	_ =	sdelay $0x4  }
0x63: {  	[tilespmem:s15+$0x120] =	vst v0  }
0x64: {  	v0 =	vld [tilespmem:s25+$0xFFFFFFF0];
	_ =	sdelay $0x4  }
0x65: {  	[tilespmem:s15+$0x130] =	vst v0  }
0x66: {  	v0 =	vld [tilespmem:s25+$0x0];
	_ =	sdelay $0x4  }
0x67: {  	[tilespmem:s15+$0x3200] =	vst v0  }
0x68: {  	v0 =	vld [tilespmem:s25+$0x10];
	_ =	sdelay $0x4  }
0x69: {  	[tilespmem:s15+$0x3210] =	vst v0  }
0x6a: {  	v0 =	vld [tilespmem:s25+$0x20];
	_ =	sdelay $0x4  }
0x6b: {  	[tilespmem:s15+$0x3220] =	vst v0  }
0x6c: {  	v0 =	vld [tilespmem:s25+$0x30];
	_ =	sdelay $0x4  }
0x6d: {  	[tilespmem:s15+$0x3230] =	vst v0  }
0x6e: {  	v0 =	vld [tilespmem:s25+$0x40];
	_ =	sdelay $0x4  }
0x6f: {  	[tilespmem:s15+$0x3240] =	vst v0  }
0x70: {  	v0 =	vld [tilespmem:s25+$0x50];
	_ =	sdelay $0x4  }
0x71: {  	[tilespmem:s15+$0x3250] =	vst v0  }
0x72: {  	v0 =	vld [tilespmem:s25+$0x60];
	_ =	sdelay $0x4  }
0x73: {  	[tilespmem:s15+$0x3260] =	vst v0  }
0x74: {  	v0 =	vld [tilespmem:s25+$0x70];
	_ =	sdelay $0x4  }
0x75: {  	[tilespmem:s15+$0x3270] =	vst v0  }
0x76: {  	v0 =	vld [tilespmem:s25+$0x80];
	_ =	sdelay $0x4  }
0x77: {  	[tilespmem:s15+$0x3280] =	vst v0  }
0x78: {  	v0 =	vld [tilespmem:s25+$0x90];
	_ =	sdelay $0x4  }
0x79: {  	[tilespmem:s15+$0x3290] =	vst v0  }
0x7a: {  	v0 =	vld [tilespmem:s25+$0xA0];
	_ =	sdelay $0x4  }
0x7b: {  	[tilespmem:s15+$0x32A0] =	vst v0  }
0x7c: {  	v0 =	vld [tilespmem:s25+$0xB0];
	_ =	sdelay $0x4  }
0x7d: {  	[tilespmem:s15+$0x32B0] =	vst v0  }
0x7e: {  	v0 =	vld [tilespmem:s25+$0xC0];
	_ =	sdelay $0x4  }
0x7f: {  	[tilespmem:s15+$0x32C0] =	vst v0  }
0x80: {  	v0 =	vld [tilespmem:s25+$0xD0];
	_ =	sdelay $0x4  }
0x81: {  	[tilespmem:s15+$0x32D0] =	vst v0  }
0x82: {  	v0 =	vld [tilespmem:s25+$0xE0];
	_ =	sdelay $0x4  }
0x83: {  	[tilespmem:s15+$0x32E0] =	vst v0  }
0x84: {  	v0 =	vld [tilespmem:s25+$0xF0];
	_ =	sdelay $0x4  }
0x85: {  	[tilespmem:s15+$0x32F0] =	vst v0  }
0x86: {  	v0 =	vld [tilespmem:s25+$0x100];
	_ =	sdelay $0x4  }
0x87: {  	[tilespmem:s15+$0x3300] =	vst v0  }
0x88: {  	v0 =	vld [tilespmem:s25+$0x110];
	_ =	sdelay $0x4  }
0x89: {  	[tilespmem:s15+$0x3310] =	vst v0  }
0x8a: {  	v0 =	vld [tilespmem:s25+$0x120];
	_ =	sdelay $0x3  }
0x8b: {  	p1 =	por $0x0, $0x0;
	s17 =	simm.s32 $0x1000;
	s20 =	simm.s32 $0x3  }
0x8c: {  	s18 =	simm.s32 @!p1 $0x200;
	s22 =	simm.s32 @!p1 $0x19B80;
	s21 =	simm.s32 @!p1 $0x19C00;
	[tilespmem:s15+$0x3320] =	vst v0  }
0x8d: {  	s23 =	simm.s32 @!p1 $0x19B00;
	s16 =	simm.s32 $0x1;
	p0 =	por @!p1 $0x1, $0x1;
	v0 =	vld [tilespmem:s25+$0x130]  }
0x8e: {  	s10 =	sadd.s32 $0xC80, s19;
	s12 =	simm.s32 $0x1B8C0;
	p2 =	por p0, p1  }
0x8f: {  	s7 =	smov.u32 s19;
	p3 =	por !p0, p1;
	s24 =	sand.u32 @!p2 $0x3, s20  }
.LBB2_2:
0x90: {  	s20 =	smov.u32 @p3 s24  }
0x91: {  	s25 =	sadd.s32 @!p1 $0x19A80, s18;
	s18 =	smov.u32 s17;
	s17 =	sadd.s32 $0x800, s17  }
0x92: {  	s24 =	sadd.s32 @!p2 $0x5, s24;
	s14 =	sadd.s32 $0x5, s14;
	s26 =	smul.u32 @!p1 $0x19500, s20;
	[tilespmem:s15+$0x3330] =	vst v0  }
0x93: {  	[hbm4b:s7+s2] =	stream.linear.scatter [tilespmem:s15], [sflag:s14], $0x6400, $0x38;
	[tilespmem:$0x1DD00] =	vst v63  }
0x94: {  	s14 =	simm.s32 @!p1 $0x80;
	_ =	swait.ge @!p2 [sflag:s24], $0x6400;
	s7 =	sshra.s32 @!p1 s26, $0x2  }
0x95: {  	[sflag:s24] =	ssyncset.done @!p2 $0x0;
	s15 =	sadd.s32 @!p1 $0x140, s7;
	s26 =	sadd.s32 @!p1 $0x2140, s7  }
0x96: {  	s20 =	sadd.s32 @!p1 $0x1, s20;
	[sflag:s24] =	ssyncadd.s32 @!p2 $0xFFFF9C00;
	s24 =	sadd.s32 @!p1 $0x3340, s7  }
0x97: {  	[tilespmem:s15], [sflag:s20] =	stream.indirect.gather @!p1 [hbm4b:s3+s14], $0x40, s23, s14, $0xb8;
	[tilespmem:$0x1DD00] =	vst v63  }
0x98: {  	p0 =	sne.s32 s17, $0x8000;
	s15 =	simm.s32 @!p1 $0x48;
	s23 =	sadd.s32 @!p1 $0x5340, s7  }
0x99: {  	[tilespmem:s26], [sflag:s20] =	stream.indirect.gather @!p1 [hbm4b:s3+s15], $0x40, s22, s15, $0xb8;
	[tilespmem:$0x1DD00] =	vst v63  }
0x9a: {  	s7 =	smov.u32 s10  }
0x9b: {  	[tilespmem:s24], [sflag:s20] =	stream.indirect.gather @!p1 [hbm4b:s3+s14], $0x40, s21, s14, $0xb8;
	[tilespmem:$0x1DD00] =	vst v63  }
0x9c: {  	s14 =	sand.u32 $0x3, s16  }
0x9d: {  	[tilespmem:s23], [sflag:s20] =	stream.indirect.gather @!p1 [hbm4b:s3+s15], $0x40, s25, s15, $0xb8;
	[tilespmem:$0x1DD00] =	vst v63  }
0x9e: {  	s15 =	sadd.s32 $0x1, s14;
	s20 =	smul.u32 $0x19500, s14  }
0x9f: {  	_ =	swait.ge [sflag:s15], $0x2000  }
0xa0: {  	[sflag:s15] =	ssyncset.done $0x0  }
0xa1: {  	[sflag:s15] =	ssyncadd.s32 $0xFFFFE000  }
0xa2: {  	_ =	swait.ge [sflag:s15], $0x1200  }
0xa3: {  	[sflag:s15] =	ssyncset.done $0x0  }
0xa4: {  	[sflag:s15] =	ssyncadd.s32 $0xFFFFEE00  }
0xa5: {  	_ =	swait.ge [sflag:s15], $0x2000  }
0xa6: {  	[sflag:s15] =	ssyncset.done $0x0  }
0xa7: {  	[sflag:s15] =	ssyncadd.s32 $0xFFFFE000  }
0xa8: {  	_ =	swait.ge [sflag:s15], $0x1200  }
0xa9: {  	[sflag:s15] =	ssyncset.done $0x0  }
0xaa: {  	[sflag:s15] =	ssyncadd.s32 $0xFFFFEE00  }
0xab: {  	v0 =	vld [tilespmem:s12+$0xFFFFFEC0];
	_ =	sdelay $0x3  }
0xac: {  	s15 =	sshrl.u32 s20, $0x2  }
0xad: {  	[tilespmem:s15+$0x0] =	vst v0  }
0xae: {  	v0 =	vld [tilespmem:s12+$0xFFFFFED0];
	_ =	sdelay $0x4  }
0xaf: {  	[tilespmem:s15+$0x10] =	vst v0  }
0xb0: {  	v0 =	vld [tilespmem:s12+$0xFFFFFEE0];
	_ =	sdelay $0x4  }
0xb1: {  	[tilespmem:s15+$0x20] =	vst v0  }
0xb2: {  	v0 =	vld [tilespmem:s12+$0xFFFFFEF0];
	_ =	sdelay $0x4  }
0xb3: {  	[tilespmem:s15+$0x30] =	vst v0  }
0xb4: {  	v0 =	vld [tilespmem:s12+$0xFFFFFF00];
	_ =	sdelay $0x4  }
0xb5: {  	[tilespmem:s15+$0x40] =	vst v0  }
0xb6: {  	v0 =	vld [tilespmem:s12+$0xFFFFFF10];
	_ =	sdelay $0x4  }
0xb7: {  	[tilespmem:s15+$0x50] =	vst v0  }
0xb8: {  	v0 =	vld [tilespmem:s12+$0xFFFFFF20];
	_ =	sdelay $0x4  }
0xb9: {  	[tilespmem:s15+$0x60] =	vst v0  }
0xba: {  	v0 =	vld [tilespmem:s12+$0xFFFFFF30];
	_ =	sdelay $0x4  }
0xbb: {  	[tilespmem:s15+$0x70] =	vst v0  }
0xbc: {  	v0 =	vld [tilespmem:s12+$0xFFFFFF40];
	_ =	sdelay $0x4  }
0xbd: {  	[tilespmem:s15+$0x80] =	vst v0  }
0xbe: {  	v0 =	vld [tilespmem:s12+$0xFFFFFF50];
	_ =	sdelay $0x4  }
0xbf: {  	[tilespmem:s15+$0x90] =	vst v0  }
0xc0: {  	v0 =	vld [tilespmem:s12+$0xFFFFFF60];
	_ =	sdelay $0x4  }
0xc1: {  	[tilespmem:s15+$0xA0] =	vst v0  }
0xc2: {  	v0 =	vld [tilespmem:s12+$0xFFFFFF70];
	_ =	sdelay $0x4  }
0xc3: {  	[tilespmem:s15+$0xB0] =	vst v0  }
0xc4: {  	v0 =	vld [tilespmem:s12+$0xFFFFFF80];
	_ =	sdelay $0x4  }
0xc5: {  	[tilespmem:s15+$0xC0] =	vst v0  }
0xc6: {  	v0 =	vld [tilespmem:s12+$0xFFFFFF90];
	_ =	sdelay $0x4  }
0xc7: {  	[tilespmem:s15+$0xD0] =	vst v0  }
0xc8: {  	v0 =	vld [tilespmem:s12+$0xFFFFFFA0];
	_ =	sdelay $0x4  }
0xc9: {  	[tilespmem:s15+$0xE0] =	vst v0  }
0xca: {  	v0 =	vld [tilespmem:s12+$0xFFFFFFB0];
	_ =	sdelay $0x4  }
0xcb: {  	[tilespmem:s15+$0xF0] =	vst v0  }
0xcc: {  	v0 =	vld [tilespmem:s12+$0xFFFFFFC0];
	_ =	sdelay $0x4  }
0xcd: {  	[tilespmem:s15+$0x100] =	vst v0  }
0xce: {  	v0 =	vld [tilespmem:s12+$0xFFFFFFD0];
	_ =	sdelay $0x4  }
0xcf: {  	[tilespmem:s15+$0x110] =	vst v0  }
0xd0: {  	v0 =	vld [tilespmem:s12+$0xFFFFFFE0];
	_ =	sdelay $0x4  }
0xd1: {  	[tilespmem:s15+$0x120] =	vst v0  }
0xd2: {  	v0 =	vld [tilespmem:s12+$0xFFFFFFF0];
	_ =	sdelay $0x4  }
0xd3: {  	[tilespmem:s15+$0x130] =	vst v0  }
0xd4: {  	v0 =	vld [tilespmem:s12+$0x0];
	_ =	sdelay $0x4  }
0xd5: {  	[tilespmem:s15+$0x3200] =	vst v0  }
0xd6: {  	v0 =	vld [tilespmem:s12+$0x10];
	_ =	sdelay $0x4  }
0xd7: {  	[tilespmem:s15+$0x3210] =	vst v0  }
0xd8: {  	v0 =	vld [tilespmem:s12+$0x20];
	_ =	sdelay $0x4  }
0xd9: {  	[tilespmem:s15+$0x3220] =	vst v0  }
0xda: {  	v0 =	vld [tilespmem:s12+$0x30];
	_ =	sdelay $0x4  }
0xdb: {  	[tilespmem:s15+$0x3230] =	vst v0  }
0xdc: {  	v0 =	vld [tilespmem:s12+$0x40];
	_ =	sdelay $0x4  }
0xdd: {  	[tilespmem:s15+$0x3240] =	vst v0  }
0xde: {  	v0 =	vld [tilespmem:s12+$0x50];
	_ =	sdelay $0x4  }
0xdf: {  	[tilespmem:s15+$0x3250] =	vst v0  }
0xe0: {  	v0 =	vld [tilespmem:s12+$0x60];
	_ =	sdelay $0x4  }
0xe1: {  	[tilespmem:s15+$0x3260] =	vst v0  }
0xe2: {  	v0 =	vld [tilespmem:s12+$0x70];
	_ =	sdelay $0x4  }
0xe3: {  	[tilespmem:s15+$0x3270] =	vst v0  }
0xe4: {  	v0 =	vld [tilespmem:s12+$0x80];
	_ =	sdelay $0x4  }
0xe5: {  	[tilespmem:s15+$0x3280] =	vst v0  }
0xe6: {  	v0 =	vld [tilespmem:s12+$0x90];
	_ =	sdelay $0x4  }
0xe7: {  	[tilespmem:s15+$0x3290] =	vst v0  }
0xe8: {  	v0 =	vld [tilespmem:s12+$0xA0];
	_ =	sdelay $0x4  }
0xe9: {  	[tilespmem:s15+$0x32A0] =	vst v0  }
0xea: {  	v0 =	vld [tilespmem:s12+$0xB0];
	_ =	sdelay $0x4  }
0xeb: {  	[tilespmem:s15+$0x32B0] =	vst v0  }
0xec: {  	v0 =	vld [tilespmem:s12+$0xC0];
	_ =	sdelay $0x4  }
0xed: {  	[tilespmem:s15+$0x32C0] =	vst v0  }
0xee: {  	v0 =	vld [tilespmem:s12+$0xD0];
	_ =	sdelay $0x4  }
0xef: {  	[tilespmem:s15+$0x32D0] =	vst v0  }
0xf0: {  	v0 =	vld [tilespmem:s12+$0xE0];
	_ =	sdelay $0x4  }
0xf1: {  	[tilespmem:s15+$0x32E0] =	vst v0  }
0xf2: {  	v0 =	vld [tilespmem:s12+$0xF0];
	_ =	sdelay $0x4  }
0xf3: {  	[tilespmem:s15+$0x32F0] =	vst v0  }
0xf4: {  	v0 =	vld [tilespmem:s12+$0x100];
	_ =	sdelay $0x4  }
0xf5: {  	[tilespmem:s15+$0x3300] =	vst v0  }
0xf6: {  	v0 =	vld [tilespmem:s12+$0x110];
	_ =	sdelay $0x4  }
0xf7: {  	[tilespmem:s15+$0x3310] =	vst v0  }
0xf8: {  	v0 =	vld [tilespmem:s12+$0x120];
	_ =	sdelay $0x4  }
.Ltmp0:
0xf9: {  	s16 =	sadd.s32 $0x1, s16;
	[tilespmem:s15+$0x3320] =	vst v0;
	(pc) =	sbr.rel @p0 .LBB2_2-.Ltmp0, $4  }
0xfa: {  	s10 =	sadd.s32 $0xC80, s10;
	p1 =	sgt.u32 s16, $0xD;
	v0 =	vld [tilespmem:s12+$0x130];
	s12 =	sadd.s32 $0x280, s12  }
0xfb: {  	p3 =	slt.u32 @!p1 s16, $0x2;
	s18 =	sshra.s32 @!p1 s18, $0x2;
	s20 =	sadd.s32 $0x2, s16  }
0xfc: {  	p2 =	por p3, p1;
	p3 =	por !p3, p1;
	s23 =	sadd.s32 @!p1 $0x19900, s18  }
0xfd: {  	s22 =	sadd.s32 @!p1 $0x19980, s18;
	s21 =	sadd.s32 @!p1 $0x19A00, s18;
	s24 =	sand.u32 @!p2 $0x3, s20  }
0xfe: {  	s20 =	smov.u32 @p3 s24  }
0xff: {  	s17 =	sadd.s32 @!p2 $0x5, s24;
	s14 =	sadd.s32 $0x5, s14;
	s24 =	smul.u32 @!p1 $0x19500, s20;
	[tilespmem:s15+$0x3330] =	vst v0  }
0x100: {  	[hbm4b:s7+s2] =	stream.linear.scatter [tilespmem:s15], [sflag:s14], $0x6400, $0x38;
	[tilespmem:$0x1DD00] =	vst v63  }
0x101: {  	_ =	swait.ge @!p2 [sflag:s17], $0x6400  }
0x102: {  	s14 =	simm.s32 @!p1 $0x80;
	s7 =	sshra.s32 @!p1 s24, $0x2;
	[sflag:s17] =	ssyncset.done @!p2 $0x0  }
0x103: {  	s15 =	sadd.s32 @!p1 $0x140, s7;
	[sflag:s17] =	ssyncadd.s32 @!p2 $0xFFFF9C00;
	s17 =	sadd.s32 @!p1 $0x1, s20  }
0x104: {  	[tilespmem:s15], [sflag:s17] =	stream.indirect.gather @!p1 [hbm4b:s3+s14], $0x40, s23, s14, $0xb8;
	[tilespmem:$0x1DD00] =	vst v63  }
0x105: {  	s20 =	simm.s32 @!p1 $0x48;
	s15 =	sadd.s32 @!p1 $0x2140, s7  }
0x106: {  	[tilespmem:s15], [sflag:s17] =	stream.indirect.gather @!p1 [hbm4b:s3+s20], $0x40, s22, s20, $0xb8;
	[tilespmem:$0x1DD00] =	vst v63  }
0x107: {  	s24 =	sand.u32 $0x3, s16;
	s15 =	sadd.s32 @!p1 $0x3340, s7  }
0x108: {  	[tilespmem:s15], [sflag:s17] =	stream.indirect.gather @!p1 [hbm4b:s3+s14], $0x40, s21, s14, $0xb8;
	[tilespmem:$0x1DD00] =	vst v63  }
0x109: {  	s25 =	sadd.s32 $0x1, s24;
	s14 =	sadd.s32 @!p1 $0x19A80, s18;
	s15 =	sadd.s32 @!p1 $0x5340, s7  }
0x10a: {  	[tilespmem:s15], [sflag:s17] =	stream.indirect.gather @!p1 [hbm4b:s3+s20], $0x40, s14, s20, $0xb8;
	[tilespmem:$0x1DD00] =	vst v63  }
0x10b: {  	_ =	swait.ge [sflag:s25], $0x2000  }
0x10c: {  	[sflag:s25] =	ssyncset.done $0x0  }
0x10d: {  	[sflag:s25] =	ssyncadd.s32 $0xFFFFE000  }
0x10e: {  	_ =	swait.ge [sflag:s25], $0x1200  }
0x10f: {  	[sflag:s25] =	ssyncset.done $0x0  }
0x110: {  	[sflag:s25] =	ssyncadd.s32 $0xFFFFEE00  }
0x111: {  	_ =	swait.ge [sflag:s25], $0x2000  }
0x112: {  	[sflag:s25] =	ssyncset.done $0x0  }
0x113: {  	[sflag:s25] =	ssyncadd.s32 $0xFFFFE000  }
0x114: {  	_ =	swait.ge [sflag:s25], $0x1200  }
0x115: {  	[sflag:s25] =	ssyncset.done $0x0  }
0x116: {  	[sflag:s25] =	ssyncadd.s32 $0xFFFFEE00  }
0x117: {  	v63 =	vld [tilespmem:s12+$0xFFFFFEC0];
	_ =	sdelay $0x1  }
0x118: {  	s26 =	smul.u32 $0x19500, s24;
	_ =	sdelay $0x1  }
0x119: {  	s14 =	sshrl.u32 s26, $0x2  }
0x11a: {  	[tilespmem:s14+$0x0] =	vst v63  }
0x11b: {  	v0 =	vld [tilespmem:s12+$0xFFFFFED0];
	_ =	sdelay $0x4  }
0x11c: {  	[tilespmem:s14+$0x10] =	vst v0  }
0x11d: {  	v0 =	vld [tilespmem:s12+$0xFFFFFEE0];
	_ =	sdelay $0x4  }
0x11e: {  	[tilespmem:s14+$0x20] =	vst v0  }
0x11f: {  	v0 =	vld [tilespmem:s12+$0xFFFFFEF0];
	_ =	sdelay $0x4  }
0x120: {  	[tilespmem:s14+$0x30] =	vst v0  }
0x121: {  	v0 =	vld [tilespmem:s12+$0xFFFFFF00];
	_ =	sdelay $0x4  }
0x122: {  	[tilespmem:s14+$0x40] =	vst v0  }
0x123: {  	v0 =	vld [tilespmem:s12+$0xFFFFFF10];
	_ =	sdelay $0x4  }
0x124: {  	[tilespmem:s14+$0x50] =	vst v0  }
0x125: {  	v0 =	vld [tilespmem:s12+$0xFFFFFF20];
	_ =	sdelay $0x4  }
0x126: {  	[tilespmem:s14+$0x60] =	vst v0  }
0x127: {  	v0 =	vld [tilespmem:s12+$0xFFFFFF30];
	_ =	sdelay $0x4  }
0x128: {  	[tilespmem:s14+$0x70] =	vst v0  }
0x129: {  	v0 =	vld [tilespmem:s12+$0xFFFFFF40];
	_ =	sdelay $0x4  }
0x12a: {  	[tilespmem:s14+$0x80] =	vst v0  }
0x12b: {  	v0 =	vld [tilespmem:s12+$0xFFFFFF50];
	_ =	sdelay $0x4  }
0x12c: {  	[tilespmem:s14+$0x90] =	vst v0  }
0x12d: {  	v0 =	vld [tilespmem:s12+$0xFFFFFF60];
	_ =	sdelay $0x4  }
0x12e: {  	[tilespmem:s14+$0xA0] =	vst v0  }
0x12f: {  	v0 =	vld [tilespmem:s12+$0xFFFFFF70];
	_ =	sdelay $0x4  }
0x130: {  	[tilespmem:s14+$0xB0] =	vst v0  }
0x131: {  	v0 =	vld [tilespmem:s12+$0xFFFFFF80];
	_ =	sdelay $0x4  }
0x132: {  	[tilespmem:s14+$0xC0] =	vst v0  }
0x133: {  	v0 =	vld [tilespmem:s12+$0xFFFFFF90];
	_ =	sdelay $0x4  }
0x134: {  	[tilespmem:s14+$0xD0] =	vst v0  }
0x135: {  	v0 =	vld [tilespmem:s12+$0xFFFFFFA0];
	_ =	sdelay $0x4  }
0x136: {  	[tilespmem:s14+$0xE0] =	vst v0  }
0x137: {  	v0 =	vld [tilespmem:s12+$0xFFFFFFB0];
	_ =	sdelay $0x4  }
0x138: {  	[tilespmem:s14+$0xF0] =	vst v0  }
0x139: {  	v0 =	vld [tilespmem:s12+$0xFFFFFFC0];
	_ =	sdelay $0x4  }
0x13a: {  	[tilespmem:s14+$0x100] =	vst v0  }
0x13b: {  	v0 =	vld [tilespmem:s12+$0xFFFFFFD0];
	_ =	sdelay $0x4  }
0x13c: {  	[tilespmem:s14+$0x110] =	vst v0  }
0x13d: {  	v0 =	vld [tilespmem:s12+$0xFFFFFFE0];
	_ =	sdelay $0x4  }
0x13e: {  	[tilespmem:s14+$0x120] =	vst v0  }
0x13f: {  	v0 =	vld [tilespmem:s12+$0xFFFFFFF0];
	_ =	sdelay $0x4  }
0x140: {  	[tilespmem:s14+$0x130] =	vst v0  }
0x141: {  	v0 =	vld [tilespmem:s12+$0x0];
	_ =	sdelay $0x4  }
0x142: {  	[tilespmem:s14+$0x3200] =	vst v0  }
0x143: {  	v0 =	vld [tilespmem:s12+$0x10];
	_ =	sdelay $0x4  }
0x144: {  	[tilespmem:s14+$0x3210] =	vst v0  }
0x145: {  	v0 =	vld [tilespmem:s12+$0x20];
	_ =	sdelay $0x4  }
0x146: {  	[tilespmem:s14+$0x3220] =	vst v0  }
0x147: {  	v0 =	vld [tilespmem:s12+$0x30];
	_ =	sdelay $0x4  }
0x148: {  	[tilespmem:s14+$0x3230] =	vst v0  }
0x149: {  	v0 =	vld [tilespmem:s12+$0x40];
	_ =	sdelay $0x4  }
0x14a: {  	[tilespmem:s14+$0x3240] =	vst v0  }
0x14b: {  	v0 =	vld [tilespmem:s12+$0x50];
	_ =	sdelay $0x4  }
0x14c: {  	[tilespmem:s14+$0x3250] =	vst v0  }
0x14d: {  	v0 =	vld [tilespmem:s12+$0x60];
	_ =	sdelay $0x4  }
0x14e: {  	[tilespmem:s14+$0x3260] =	vst v0  }
0x14f: {  	v0 =	vld [tilespmem:s12+$0x70];
	_ =	sdelay $0x4  }
0x150: {  	[tilespmem:s14+$0x3270] =	vst v0  }
0x151: {  	v0 =	vld [tilespmem:s12+$0x80];
	_ =	sdelay $0x4  }
0x152: {  	[tilespmem:s14+$0x3280] =	vst v0  }
0x153: {  	v0 =	vld [tilespmem:s12+$0x90];
	_ =	sdelay $0x4  }
0x154: {  	[tilespmem:s14+$0x3290] =	vst v0  }
0x155: {  	v0 =	vld [tilespmem:s12+$0xA0];
	_ =	sdelay $0x4  }
0x156: {  	[tilespmem:s14+$0x32A0] =	vst v0  }
0x157: {  	v0 =	vld [tilespmem:s12+$0xB0];
	_ =	sdelay $0x4  }
0x158: {  	[tilespmem:s14+$0x32B0] =	vst v0  }
0x159: {  	v0 =	vld [tilespmem:s12+$0xC0];
	_ =	sdelay $0x4  }
0x15a: {  	[tilespmem:s14+$0x32C0] =	vst v0  }
0x15b: {  	v0 =	vld [tilespmem:s12+$0xD0];
	_ =	sdelay $0x4  }
0x15c: {  	[tilespmem:s14+$0x32D0] =	vst v0  }
0x15d: {  	v0 =	vld [tilespmem:s12+$0xE0];
	_ =	sdelay $0x4  }
0x15e: {  	[tilespmem:s14+$0x32E0] =	vst v0  }
0x15f: {  	v0 =	vld [tilespmem:s12+$0xF0];
	_ =	sdelay $0x4  }
0x160: {  	[tilespmem:s14+$0x32F0] =	vst v0  }
0x161: {  	v0 =	vld [tilespmem:s12+$0x100];
	_ =	sdelay $0x4  }
0x162: {  	[tilespmem:s14+$0x3300] =	vst v0  }
0x163: {  	v0 =	vld [tilespmem:s12+$0x110];
	_ =	sdelay $0x4  }
0x164: {  	[tilespmem:s14+$0x3310] =	vst v0  }
0x165: {  	v0 =	vld [tilespmem:s12+$0x120];
	_ =	sdelay $0x4  }
0x166: {  	[tilespmem:s14+$0x3320] =	vst v0  }
0x167: {  	v0 =	vld [tilespmem:s12+$0x130];
	_ =	sdelay $0x4  }
0x168: {  	s7 =	sadd.s32 $0x5, s24;
	[tilespmem:s14+$0x3330] =	vst v0  }
0x169: {  	[hbm4b:s10+s2] =	stream.linear.scatter [tilespmem:s14], [sflag:s7], $0x6400, $0x38;
	[tilespmem:$0x1DD00] =	vst v63  }
0x16a: {  	_ =	swait.ge [sflag:s29], $0x6400  }
0x16b: {  	[sflag:s29] =	ssyncset.done $0x0  }
0x16c: {  	[sflag:s29] =	ssyncadd.s32 $0xFFFF9C00  }
0x16d: {  	_ =	swait.ge [sflag:s30], $0x6400  }
0x16e: {  	[sflag:s30] =	ssyncset.done $0x0  }
0x16f: {  	s1 =	sadd.s32 $0x1, s1;
	[sflag:s30] =	ssyncadd.s32 $0xFFFF9C00  }
0x170: {  	p0 =	sne.s32 s1, s6;
	_ =	swait.ge [sflag:s31], $0x6400  }
.Ltmp1:
0x171: {  	[sflag:s31] =	ssyncset.done $0x0;
	(pc) =	sbr.rel @p0 .LBB2_1-.Ltmp1, $4  }
0x172: {  	[sflag:s31] =	ssyncadd.s32 $0xFFFF9C00  }
0x173: {  	_ =	swait.ge [sflag:s0], $0x6400  }
0x174: {  	[sflag:s0] =	ssyncset.done $0x0  }
0x175: {  	[sflag:s0] =	ssyncadd.s32 $0xFFFF9C00  }
0x176: {  	_ =	sfence.sel $0x180000  }
0x177: {  	[bflag:$0x0] =	sbarrier.arrive $0xFFFF  }
0x178: {  	_ =	strace $0x90000047  }
0x179: {  	s0 =	stileid.u32;
	[bflag:$0x2] =	sbarrier.arrive $0xFFFF  }
0x17a: {  	p0 =	sne.s32 s0, $0x0;
	s0 =	rddreg [dreg:$0x2]  }
0x17b: {  	s0 =	sadd.s32 @!p0 $0x100000, s0  }
0x17c: {  	[sflag:s0] =	ssyncadd.tile.s32 @!p0 $0x1;
	_ =	shalt  }
.Lfunc_end2:
_tile_overlayer_lowered:
.L_overlay_start_2:
0x17d: {  	(tag) =	ssettag $0x2  }
0x17e: {  	s0 =	rddreg [dreg:$0x0];
	s2 =	stileid.u32  }
0x17f: {  	s1 =	rddreg [dreg:$0x1];
	p0 =	sne.s32 s2, $0x0  }
0x180: {  	s3 =	rddreg [dreg:$0x2];
	[bflag:$0x3] =	sbarrier.arrive $0xFFFF;
	s2 =	simm.s32 @!p0 $0x1C09  }
0x181: {  	[timem:s3], [sflag:s2] =	dma.local @!p0 [hbm:s0], s1  }
0x182: {  	s0 =	simm.s32 @!p0 $0x9  }
0x183: {  	_ =	swait.ge @!p0 [sflag:s0], s1  }
0x184: {  	s1 =	ssub.s32 @!p0 $0x0, s1;
	[sflag:s0] =	ssyncset.done @!p0 $0x0  }
0x185: {  	[sflag:s0] =	ssyncadd.s32 @!p0 s1  }
0x186: {  	[bflag:$0x3] =	sbarrier.arrive $0xFFFF  }
0x187: {  	_ =	shalt  }

// kernel: sparse-core-data-format-call.cloned.1.call-start
scs
called_computation_lowered:
.L_overlay_start_0:
0x0: {  	s2 =	sld [smem:$0x3FD9]  }
0x1: {  	s3 =	sld [smem:$0x3FFE];
	_ =	sdelay $0x1  }
0x2: {  	s1 =	srdreg.scid  }
0x3: {  	s0 =	sand.u32 $0x1, s1  }
0x4: {  	s18 =	sshll.u32 s0, $0xA;
	s2 =	sadd.s32 s3, s2  }
0x5: {  	s2 =	sadd.s32 s2, s18  }
0x6: {  	[smem:$0x3FC4] =	sst s2  }
0x7: {  	_ = 	snop  }
0x8: {  	s2 =	sld [smem:$0x3FD0];
	(tm) =	ssettm $0x1  }
0x9: {  	s19 =	sld [smem:$0x3FFB];
	_ =	sdelay $0x3  }
0xa: {  	_ =	strace s19  }
0xb: {  	s3 =	sld [smem:$0x3FFC];
	_ =	sdelay $0x3  }
0xc: {  	_ =	strace s3  }
0xd: {  	s3 =	sld [smem:$0x3FFD];
	_ =	sdelay $0x3  }
0xe: {  	_ =	strace s3  }
0xf: {  	_ =	strace $0x8FFFFFFF  }
0x10: {  	s20 =	sld [smem:$0x3FDB];
	_ =	sdelay $0x1  }
0x11: {  	s4 =	simm.s32 $_scs_section_size  }
0x12: {  	s5 =	simm.s32 $_size__tile_overlayer_lowered;
	s6 =	simm.s32 $_tile_overlayer_lowered  }
0x13: {  	s23 =	simm.s32 $0x1BFF;
	s22 =	sshll.u32 s6, $0x1;
	s3 =	sadd.s32 s4, s20  }
0x14: {  	s7 =	simm.s32 $0x0;
	s21 =	sshll.u32 s5, $0x1;
	s5 =	sadd.s32 s22, s3  }
0x15: {  	[timem:s7], [sflag:s23] =	dma.local [hbm:s5], s21  }
0x16: {  	_ =	swait.ge [sflag:s23], s21  }
0x17: {  	s4 =	ssub.s32 $0x0, s21;
	[sflag:s23] =	ssyncset.done $0x0  }
0x18: {  	[sflag:s23] =	ssyncadd.s32 s4;
	_ =	sdelay $0x1  }
0x19: {  	s24 =	simm.s32 $0x1B8B  }
0x1a: {  	_ =	swait.ge [sflag:s24], $0x1  }
0x1b: {  	[sflag:s24] =	ssyncset.done $0x0  }
0x1c: {  	s26 =	simm.s32 $0x1B8E;
	s25 =	sld [smem:$0x3FFE];
	[sflag:s24] =	ssyncadd.s32 $0xFFFFFFFF  }
0x1d: {  	s27 =	simm.s32 $execute0_lowered;
	[smem:$0x3FD2] =	sst s26  }
0x1e: {  	s5 =	sshll.u32 s27, $0x1;
	_ =	strace $0x80000049;
	[dreg:$0x1] =	wrdreg $0xFFFFFFFF  }
0x1f: {  	s28 =	simm.s32 $_size_execute0_lowered;
	s3 =	sadd.s32 s3, s5;
	[dreg:$0x0] =	wrdreg $0x0  }
0x20: {  	s5 =	sshll.u32 s28, $0x1;
	[dreg:$0x2] =	wrdreg s3  }
0x21: {  	[dreg:$0x3] =	wrdreg s5  }
0x22: {  	[dreg:$0x4] =	wrdreg $0xC0  }
0x23: {  	_ =	task [dreg:s7], $0x5FFFF  }
0x24: {  	[dreg:$0x1] =	wrdreg $0xFFFFFFFF  }
0x25: {  	[dreg:$0x0] =	wrdreg $0x60  }
0x26: {  	[dreg:$0x2] =	wrdreg s25  }
0x27: {  	[dreg:$0x3] =	wrdreg s2  }
0x28: {  	[dreg:$0x4] =	wrdreg $0x9  }
0x29: {  	_ =	task.clear_ibuf [dreg:s7], $0x5FFFF;
	_ =	strace $0x90000049  }
0x2a: {  	s29 =	simm.s32 $0x9;
	_ =	strace $0x8000004B  }
0x2b: {  	_ =	swait.ge [sflag:s29], $0x1  }
0x2c: {  	[sflag:s29] =	ssyncadd.s32 $0xFFFFFFFF  }
0x2d: {  	_ =	strace $0x9000004B  }
0x2e: {  	_ =	sfence  }
0x2f: {  	s30 =	sld [smem:$0x0];
	_ =	sdelay $0x2  }
0x30: {  	s31 =	sshll.u32 s1, $0xD;
	s1 =	sshrl.u32 s1, $0x2  }
0x31: {  	s3 =	sand.u32 $0x4000, s31;
	s1 =	sadd.s32 s1, s30  }
0x32: {  	s0 =	sor.u32 s3, s0;
	s1 =	sshll.u32 s1, $0x11  }
0x33: {  	s0 =	sor.u32 s1, s0  }
0x34: {  	s0 =	sadd.s32 $0x8F2B, s0  }
0x35: {  	[sflag:s0] =	ssyncadd.remote.s32 $0x1  }
0x36: {  	_ =	sfence.sel $0xFFFF  }
0x37: {  	[dreg:$0x0] =	wrdreg $0xFFFFFFFF;
	(pc) =	sbr.abs _section_cstart, $3  }
0x38: {  	[dreg:$0x1] =	wrdreg $0xFFFFFFFF  }
0x39: {  	_ =	task.clear_ibuf [dreg:s7], $0x2FFFF;
	_ =	strace $0x9FFFFFFF  }
0x3a: {  	(tm) =	ssettm $0x7FFFFFFF  }
0x3b: {  	_ =	shalt  }
tec
execute0_lowered:
.L_overlay_start_1:
0x0: {  	(tag) =	ssettag $0x1  }
0x1: {  	s0 =	stileid.u32;
	s6 =	rddreg [dreg:$0x0]  }
0x2: {  	s2 =	rddreg [dreg:$0x1];
	s5 =	srdreg.scid  }
0x3: {  	s31 =	simm.s32 $0x2;
	s13 =	simm.s32 $0x0;
	s1 =	sshll.u32 s0, $0x7  }
0x4: {  	s14 =	simm.s32 $0x0;
	s12 =	simm.s32 $0x0;
	s3 =	sand.u32 $0x380, s1  }
0x5: {  	s5 =	sshll.u32 s5, $0x4;
	s6 =	sadd.s32 $0x1400, s6;
	s4 =	ssub.s32 $0x400, s3  }
0x6: {  	s1 =	rddreg [dreg:$0x2];
	_ =	strace $0x8000004A;
	s7 =	sand.u32 $0x380, s4  }
0x7: {  	s5 =	sand.u32 $0x10, s5;
	p0 =	sne.s32 s7, $0x0;
	s7 =	simm.s32 $0x1  }
.Ltmp0:
0x8: {  	s8 =	sshrl.u32 s4, $0xA;
	s7 =	simm.s32 @!p0 $0x0;
	(pc) =	sbr.rel .LBB1_1-.Ltmp0, $4  }
0x9: {  	s9 =	sor.u32 s0, s5;
	s4 =	simm.s32 $0x1;
	s30 =	sadd.s32 s7, s8  }
0xa: {  	s11 =	smov.u32 s3;
	[sflag:s4] =	ssyncpa.u1 $0x0;
	s5 =	smul.u32 $0x32, s30  }
0xb: {  	[sflag:s31] =	ssyncpa.u1 $0x0;
	p0 =	por $0x0, $0x0;
	s7 =	sshrl.u32 s9, $0x3  }
0xc: {  	s9 =	simm.s32 $0x2000;
	s10 =	smov.u32 s7;
	s8 =	sor.u32 $0x1, s5  }
.LBB1_4:
0xd: {  	s17 =	sand.u32 $0x1F80, s14;
	s13 =	sshll.u32 s13, $0xD  }
0xe: {  	[tilespmem:s16+$0x810 ss:$0x81] =	vst.msk $0xffff, v2;
	s18 =	sshrl.u32 s14, $0x3;
	s31 =	sand.u32 $0x7, s14;
	s17 =	sadd.s32 s2, s17  }
0xf: {  	[tilespmem:s16+$0x1020 ss:$0x81] =	vst.msk $0xffff, v0;
	s18 =	sand.u32 $0xF, s18;
	s14 =	sshll.u32 s31, $0x12;
	s13 =	sadd.s32 s13, s17  }
0x10: {  	[tilespmem:s16+$0x0 ss:$0x81] =	vst.msk $0xffff, v1;
	s14 =	sor.u32 $0x400, s14;
	s13 =	sadd.s32 s18, s13  }
0x11: {  	[hbm4b:s13+s14] =	stream.strided.scatter [tilespmem:s15], [sflag:$0x2], $0x2000, s9, s14, $0x20;
	[tilespmem:$0x8080] =	vst v63  }
.LBB1_5:
0x12: {  	s15 =	sadd.s32 $0x4, s10  }
0x13: {  	s13 =	sadd.s32 $0x400, s11;
	s17 =	smov.u32 s11;
	p2 =	sgt.s32 s15, $0xC7  }
0x14: {  	s17 =	smov.u32 @p2 s13  }
0x15: {  	s15 =	smov.u32 @p2 s7;
	p2 =	sgt.s32 s17, $0x3FF  }
0x16: {  	s17 =	smov.u32 @p2 s3;
	p2 =	sne.s32 s12, s8  }
.Ltmp1:
0x17: {  	p1 =	slt.u32 s12, $0x2;
	(pc) =	sbr.rel @!p2 .LBB1_6-.Ltmp1, $4  }
0x18: {  	s16 =	simm.s32 @!p1 $0x2  }
0x19: {  	s14 =	smov.u32 s11;
	p0 =	por !p0, !p0;
	_ =	swait.ge @!p1 [sflag:s16], $0x2000  }
0x1a: {  	s13 =	smov.u32 s10;
	[sflag:s16] =	ssyncset.done @!p1 $0x0;
	s10 =	smov.u32 s15  }
0x1b: {  	s12 =	sadd.s32 $0x1, s12;
	[sflag:s16] =	ssyncadd.s32 @!p1 $0xFFFFE000;
	s11 =	smov.u32 s17  }
.LBB1_1:
0x1c: {  	p1 =	sge.u32 s12, s5  }
0x1d: {  	s15 =	sand.u32 @!p1 $0x1FFFFFF, s10  }
0x1e: {  	s16 =	smulhi.u32 @!p1 $0x147AE15, s15;
	_ =	sdelay $0x1  }
0x1f: {  	s16 =	smul.u32 @!p1 $0xC8, s16  }
0x20: {  	s17 =	sxor.u32 @!p1 $0xFFFFFFFF, s12;
	s18 =	smul.u32 @!p1 $0xC80, s11  }
0x21: {  	s31 =	sadd.s32 $0xFFFFFFFF, s12;
	s17 =	sshll.u32 @!p1 s17, $0xD;
	s15 =	ssub.s32 @!p1 s15, s16  }
0x22: {  	s16 =	sand.u32 @!p1 $0x2000, s17;
	s17 =	sadd.s32 @!p1 s6, s18;
	s15 =	sshll.u32 @!p1 s15, $0x4  }
0x23: {  	s18 =	simm.s32 @!p1 $0x6400;
	s15 =	sadd.s32 @!p1 s15, s17;
	s17 =	simm.s32 @!p1 $0x40  }
0x24: {  	[tilespmem:s16], [sflag:$0x1] =	stream.strided.gather @!p1 [hbm4b:s15+s17], $0x2000, s18, s17, $0x38;
	[tilespmem:$0x8080] =	vst v63  }
0x25: {  	p1 =	sge.u32 s31, s5  }
.Ltmp2:
0x26: {  	_ = 	snop;
	(pc) =	sbr.rel @p1 .LBB1_5-.Ltmp2, $1  }
0x27: {  	_ =	sdelay $0x3  }
0x28: {  	s15 =	simm.s32 $0x1  }
0x29: {  	_ =	swait.ge [sflag:s4], $0x2000;
	s15 =	simm.s32 @!p0 $0x0  }
0x2a: {  	[sflag:s4] =	ssyncset.done $0x0;
	s16 =	sshll.u32 s15, $0xD  }
0x2b: {  	[sflag:s4] =	ssyncadd.s32 $0xFFFFE000;
	s19 =	sor.u32 $0x20, s16  }
0x2c: {  	s15 =	smul.u32 $0x8100, s15;
	v3 =	vld [tilespmem:s19+$0x10]  }
0x2d: {  	s30 =	sand.u32 $0x1, s12;
	v2 =	vld [tilespmem:s19+$0xFFFFFFF0]  }
0x2e: {  	s16 =	smul.u32 $0x8100, s30;
	s15 =	sshrl.u32 s15, $0x2;
	v0 =	vld [tilespmem:s19+$0x0]  }
0x2f: {  	v1 =	vld [tilespmem:s19+$0xFFFFFFE0];
	s17 =	sor.u32 $0x4000, s15  }
0x30: {  	s31 =	sshrl.u32 s16, $0x2;
	s16 =	sadd.s32 $0x0, s17  }
0x31: {  	s18 =	simm.s32 $0x4;
	s19 =	sadd.s32 $0x40, s19;
	s15 =	sor.u32 $0x4000, s31;
	[tilespmem:s16+$0x1830 ss:$0x81] =	vst.msk $0xffff, v3  }
.LBB1_3:
0x32: {  	v3 =	vld [tilespmem:s19+$0x10];
	p1 =	sne.s32 s18, $0x1FC;
	[tilespmem:s16+$0x810 ss:$0x81] =	vst.msk $0xffff, v2;
	s20 =	smov.u32 s18;
	s18 =	sadd.s32 $0x4, s18  }
.Ltmp3:
0x33: {  	v2 =	vld [tilespmem:s19+$0xFFFFFFF0];
	[tilespmem:s16+$0x1020 ss:$0x81] =	vst.msk $0xffff, v0;
	(pc) =	sbr.rel @p1 .LBB1_3-.Ltmp3, $4  }
0x34: {  	v0 =	vld [tilespmem:s19+$0x0];
	[tilespmem:s16+$0x0 ss:$0x81] =	vst.msk $0xffff, v1  }
0x35: {  	s16 =	sshra.s32 s20, $0x2;
	v1 =	vld [tilespmem:s19+$0xFFFFFFE0]  }
0x36: {  	s16 =	sadd.s32 s16, s17  }
0x37: {  	s19 =	sadd.s32 $0x40, s19;
	[tilespmem:s16+$0x1830 ss:$0x81] =	vst.msk $0xffff, v3  }
.Ltmp4:
0x38: {  	_ = 	snop;
	(pc) =	sbr.rel .LBB1_4-.Ltmp4, $1  }
0x39: {  	_ =	sdelay $0x3  }
.LBB1_6:
0x3a: {  	_ =	sfence.sel $0x180000  }
0x3b: {  	s2 =	simm.s32 $0x1;
	[bflag:$0x0] =	sbarrier.arrive $0xFFFF  }
0x3c: {  	s31 =	simm.s32 $0x2;
	[sflag:s2] =	ssyncpa.u1 $0x1  }
0x3d: {  	[sflag:s31] =	ssyncpa.u1 $0x1  }
0x3e: {  	p0 =	sne.s32 s0, $0x0;
	_ =	strace $0x9000004A  }
0x3f: {  	s0 =	sadd.s32 @!p0 $0x100000, s1;
	[bflag:$0x2] =	sbarrier.arrive $0xFFFF  }
0x40: {  	[sflag:s0] =	ssyncadd.tile.s32 @!p0 $0x1;
	_ =	shalt  }
.Lfunc_end1:
_tile_overlayer_lowered:
.L_overlay_start_2:
0x41: {  	(tag) =	ssettag $0x2  }
0x42: {  	s0 =	rddreg [dreg:$0x0];
	s2 =	stileid.u32  }
0x43: {  	s1 =	rddreg [dreg:$0x1];
	p0 =	sne.s32 s2, $0x0  }
0x44: {  	s3 =	rddreg [dreg:$0x2];
	[bflag:$0x3] =	sbarrier.arrive $0xFFFF;
	s2 =	simm.s32 @!p0 $0x1C01  }
0x45: {  	[timem:s3], [sflag:s2] =	dma.local @!p0 [hbm:s0], s1  }
0x46: {  	s0 =	simm.s32 @!p0 $0x1  }
0x47: {  	_ =	swait.ge @!p0 [sflag:s0], s1  }
0x48: {  	s1 =	ssub.s32 @!p0 $0x0, s1;
	[sflag:s0] =	ssyncset.done @!p0 $0x0  }
0x49: {  	[sflag:s0] =	ssyncadd.s32 @!p0 s1  }
0x4a: {  	[bflag:$0x3] =	sbarrier.arrive $0xFFFF  }
0x4b: {  	_ =	shalt  }

</sc_bundles>
